<compile_context>
chip_gen: v7x
topology: tpu7x:2x2x1
jax: 0.10.2.dev20260603
libtpu: 0.0.44.dev20260713+nightly
codegen_flags: <defaults>
</compile_context>

<pallas_src>
import functools

import jax
import jax.numpy as jnp
from jax import lax
from jax.experimental import pallas as pl
from jax.experimental.pallas import tpu as pltpu
from jax.experimental.pallas import tpu_sc as plsc

B = 4096
N_SPARSE = 26
N_DENSE = 13
N_COLS = N_SPARSE + N_DENSE
VOCAB = 100000


@functools.cache
def _build():
    info = plsc.get_sparse_core_info()
    NC, NS, L = info.num_cores, info.num_subcores, info.num_lanes
    NW = NC * NS
    RPW = B // NW
    NG = RPW // L
    mesh = plsc.VectorSubcoreMesh(core_axis_name="c", subcore_axis_name="s")

    @functools.partial(
        pl.kernel,
        mesh=mesh,
        compiler_params=pltpu.CompilerParams(needs_layout_passes=False),
        out_type=jax.ShapeDtypeStruct((B,), jnp.float32),
        scratch_types=[
            pltpu.VMEM((N_COLS, RPW), jnp.float32),
            pltpu.VMEM((N_SPARSE * RPW // 2,), jnp.int32),
            pltpu.VMEM((N_SPARSE * RPW // 2,), jnp.int32),
            pltpu.VMEM((N_SPARSE * RPW // 2,), jnp.float32),
            pltpu.VMEM((N_SPARSE * RPW // 2,), jnp.float32),
            pltpu.VMEM((RPW,), jnp.float32),
            pltpu.VMEM((N_DENSE,), jnp.float32),
            pltpu.VMEM((1,), jnp.float32),
            pltpu.SemaphoreType.DMA,
            pltpu.SemaphoreType.DMA,
        ],
    )
    def k(x_hbm, table_hbm, w_hbm, b_hbm, out_hbm,
          x_v, idx_a, idx_b, emb_a, emb_b, acc_v, w_v, b_v, sem_a, sem_b):
        wid = lax.axis_index("s") * NC + lax.axis_index("c")
        base = wid * RPW
        HF = N_SPARSE // 2
        cx1 = pltpu.async_copy(
            x_hbm.at[pl.ds(0, 16), pl.ds(base, RPW)], x_v.at[pl.ds(0, 16), :],
            sem_a)
        cx2 = pltpu.async_copy(
            x_hbm.at[pl.ds(16, 16), pl.ds(base, RPW)], x_v.at[pl.ds(16, 16), :],
            sem_b)
        cx3 = pltpu.async_copy(
            x_hbm.at[pl.ds(32, N_COLS - 32), pl.ds(base, RPW)],
            x_v.at[pl.ds(32, N_COLS - 32), :], sem_b)
        cw = pltpu.async_copy(w_hbm, w_v, sem_b)
        cb = pltpu.async_copy(b_hbm, b_v, sem_b)
        lanes = lax.iota(jnp.int32, L)

        gathers = []
        cx1.wait()
        for h, idx_v, emb_v, sem in ((0, idx_a, emb_a, sem_a),
                                     (1, idx_b, emb_b, sem_b)):
            if h == 1:
                cx2.wait()
                cx3.wait()
                cw.wait()
                cb.wait()
            for jj in range(HF):
                j = h * HF + jj
                for g in range(NG):
                    xf = x_v[j, pl.ds(g * L, L)]
                    idx_v[pl.ds(jj * RPW + g * L, L)] = (
                        xf.astype(jnp.int32) + j * VOCAB
                    )
            gathers.append(
                pltpu.async_copy(table_hbm.at[0].at[idx_v], emb_v, sem)
            )

        wv = plsc.load_gather(w_v, [jnp.minimum(lanes, N_DENSE - 1)])
        bias_vec = plsc.load_gather(b_v, [jnp.zeros((L,), jnp.int32)])
        for g in range(NG):
            acc = bias_vec
            for d in range(N_DENSE):
                acc = acc + x_v[N_SPARSE + d, pl.ds(g * L, L)] * wv[d]
            acc_v[pl.ds(g * L, L)] = acc

        for h, emb_v in ((0, emb_a), (1, emb_b)):
            gathers[h].wait()
            for g in range(NG):
                s = acc_v[pl.ds(g * L, L)]
                for jj in range(HF):
                    s = s + emb_v[pl.ds(jj * RPW + g * L, L)]
                acc_v[pl.ds(g * L, L)] = s

        pltpu.sync_copy(acc_v, out_hbm.at[pl.ds(base, RPW)])

    return k


def kernel(X, table, W, bias):
    out = _build()(X.T, table.reshape(1, -1), W.reshape(-1), bias)
    return out.reshape(B, 1)

# --- scband reference (transcript-rebuilt; emitter-appended) ---
"""Pipeline reference for scband-linear-73761768341861 (READ-ONLY COPY).

The authoritative reference and input builder live on the scoring server;
editing this copy changes nothing except your own understanding.
"""

import jax, jax.numpy as jnp
import numpy as np

B = 4096
N_SPARSE = 26
N_DENSE = 13
VOCAB = 100000

def setup_inputs(seed: int = 0) -> dict:
    key = jax.random.key(seed)
    k1, k2, k3, k4 = jax.random.split(key, 4)
    # X: first 26 columns are sparse feature indices (stored as float), last 13 are dense values
    sparse_part = jax.random.randint(k1, (B, N_SPARSE), 0, VOCAB).astype(jnp.float32)
    dense_part = jax.random.uniform(k2, (B, N_DENSE), dtype=jnp.float32)
    X = jnp.concatenate([sparse_part, dense_part], axis=1)
    # One linear (embed_dim=1) embedding table per sparse field, fused into a single table
    table = jax.random.normal(k3, (N_SPARSE * VOCAB, 1), dtype=jnp.float32) * 0.01
    # Dense weights [13, 1] (xavier-ish) and float bias
    W = jax.random.normal(k4, (N_DENSE, 1), dtype=jnp.float32) * (6.0 / (N_DENSE + 1)) ** 0.5
    bias = jnp.zeros((1,), dtype=jnp.float32)
    return {"X": X, "table": table, "W": W, "bias": bias}

def reference(X, table, W, bias):
    # sparse first-order logit: per-field embedding lookup (embed_dim=1), concat, sum
    idx = X[:, :N_SPARSE].astype(jnp.int32)  # [B, 26]
    offsets = (jnp.arange(N_SPARSE, dtype=jnp.int32) * VOCAB)[None, :]
    emb = jnp.take(table, idx + offsets, axis=0)[..., 0]  # [B, 26] gather
    sparse_logit = jnp.sum(emb, axis=-1, keepdims=True)  # [B, 1]
    # dense first-order logit
    dense = X[:, N_SPARSE:]  # [B, 13]
    dense_logit = dense @ W + bias  # [B, 1]
    linear_logit = (sparse_logit + dense_logit).reshape(-1, 1)
    return linear_logit

if __name__ == "__main__":
    import jax
    _d = setup_inputs()
    print(jax.jit(kernel)(*tuple(_d.values())))

</pallas_src>

<mosaic_0001>
#map = affine_map<(d0, d1) -> (0, 0)>
#map1 = affine_map<(d0, d1) -> (0)>
module attributes {stable_mosaic.version = 14 : i64} {
  func.func @k(%arg0: i32, %arg1: i32, %arg2: memref<39x4096xf32, #tpu.memory_space<hbm>>, %arg3: memref<1x2600000xf32, #tpu.memory_space<hbm>>, %arg4: memref<13xf32, #tpu.memory_space<hbm>>, %arg5: memref<1xf32, #tpu.memory_space<hbm>>, %arg6: memref<4096xf32, #tpu.memory_space<hbm>>, %arg7: memref<39x128xf32, #tpu.memory_space<vmem>>, %arg8: memref<1664xi32, #tpu.memory_space<vmem>>, %arg9: memref<1664xi32, #tpu.memory_space<vmem>>, %arg10: memref<1664xf32, #tpu.memory_space<vmem>>, %arg11: memref<1664xf32, #tpu.memory_space<vmem>>, %arg12: memref<128xf32, #tpu.memory_space<vmem>>, %arg13: memref<13xf32, #tpu.memory_space<vmem>>, %arg14: memref<1xf32, #tpu.memory_space<vmem>>, %arg15: memref<!tpu.dma_semaphore, #tpu.memory_space<semaphore_mem>>, %arg16: memref<!tpu.dma_semaphore, #tpu.memory_space<semaphore_mem>>) attributes {dimension_semantics = [#tpu.dimension_semantics<core_parallel>, #tpu.dimension_semantics<subcore_parallel>], iteration_bounds = array<i64: 2, 16>, scalar_prefetch = 0 : i64, scratch_operands = 10 : i64, tpu.core_type = #tpu.core_type<sc_vector_subcore>, window_params = [{transform_indices = #map}, {transform_indices = #map}, {transform_indices = #map1}, {transform_indices = #map1}, {transform_indices = #map1}]} {
    %mul3A = arith.constant 2 : i32
    %mul3A_0 = arith.muli %arg1, %mul3A : i32
    %add3A = arith.addi %mul3A_0, %arg0 : i32
    %mul3A_1 = arith.constant 128 : i32
    %mul3A_2 = arith.muli %add3A, %mul3A_1 : i32
    %dma_start3A = arith.constant 0 : i32
    %dma_start3A_3 = arith.constant 0 : i32
    %dma_start3A_4 = tpu.memref_slice %arg7[%dma_start3A, %dma_start3A_3] : memref<39x128xf32, #tpu.memory_space<vmem>> -> memref<16x128xf32, #tpu.memory_space<vmem>>
    %dma_start3A_5 = arith.constant 0 : i32
    %dma_start3A_6 = tpu.memref_slice %arg2[%dma_start3A_5, %mul3A_2] : memref<39x4096xf32, #tpu.memory_space<hbm>> -> memref<16x128xf32, #tpu.memory_space<hbm>>
    %dma_start3A_7 = arith.constant 0 : i32
    %dma_start3A_8 = arith.constant 0 : i32
    %dma_start3A_9 = tpu.memref_slice %arg7[%dma_start3A_7, %dma_start3A_8] : memref<39x128xf32, #tpu.memory_space<vmem>> -> memref<16x128xf32, #tpu.memory_space<vmem>>
    %dma_start3A_10 = arith.constant 0 : i32
    %dma_start3A_11 = tpu.memref_slice %arg2[%dma_start3A_10, %mul3A_2] : memref<39x4096xf32, #tpu.memory_space<hbm>> -> memref<16x128xf32, #tpu.memory_space<hbm>>
    tpu.enqueue_dma source(%dma_start3A_11 : memref<16x128xf32, #tpu.memory_space<hbm>>) target(%dma_start3A_9 : memref<16x128xf32, #tpu.memory_space<vmem>>) target_semaphore(%arg15 : memref<!tpu.dma_semaphore, #tpu.memory_space<semaphore_mem>>)
    %dma_start3A_12 = arith.constant 16 : i32
    %dma_start3A_13 = arith.constant 0 : i32
    %dma_start3A_14 = tpu.memref_slice %arg7[%dma_start3A_12, %dma_start3A_13] : memref<39x128xf32, #tpu.memory_space<vmem>> -> memref<16x128xf32, #tpu.memory_space<vmem>>
    %dma_start3A_15 = arith.constant 16 : i32
    %dma_start3A_16 = tpu.memref_slice %arg2[%dma_start3A_15, %mul3A_2] : memref<39x4096xf32, #tpu.memory_space<hbm>> -> memref<16x128xf32, #tpu.memory_space<hbm>>
    %dma_start3A_17 = arith.constant 16 : i32
    %dma_start3A_18 = arith.constant 0 : i32
    %dma_start3A_19 = tpu.memref_slice %arg7[%dma_start3A_17, %dma_start3A_18] : memref<39x128xf32, #tpu.memory_space<vmem>> -> memref<16x128xf32, #tpu.memory_space<vmem>>
    %dma_start3A_20 = arith.constant 16 : i32
    %dma_start3A_21 = tpu.memref_slice %arg2[%dma_start3A_20, %mul3A_2] : memref<39x4096xf32, #tpu.memory_space<hbm>> -> memref<16x128xf32, #tpu.memory_space<hbm>>
    tpu.enqueue_dma source(%dma_start3A_21 : memref<16x128xf32, #tpu.memory_space<hbm>>) target(%dma_start3A_19 : memref<16x128xf32, #tpu.memory_space<vmem>>) target_semaphore(%arg16 : memref<!tpu.dma_semaphore, #tpu.memory_space<semaphore_mem>>)
    %dma_start3A_22 = arith.constant 32 : i32
    %dma_start3A_23 = arith.constant 0 : i32
    %dma_start3A_24 = tpu.memref_slice %arg7[%dma_start3A_22, %dma_start3A_23] : memref<39x128xf32, #tpu.memory_space<vmem>> -> memref<7x128xf32, #tpu.memory_space<vmem>>
    %dma_start3A_25 = arith.constant 32 : i32
    %dma_start3A_26 = tpu.memref_slice %arg2[%dma_start3A_25, %mul3A_2] : memref<39x4096xf32, #tpu.memory_space<hbm>> -> memref<7x128xf32, #tpu.memory_space<hbm>>
    %dma_start3A_27 = arith.constant 32 : i32
    %dma_start3A_28 = arith.constant 0 : i32
    %dma_start3A_29 = tpu.memref_slice %arg7[%dma_start3A_27, %dma_start3A_28] : memref<39x128xf32, #tpu.memory_space<vmem>> -> memref<7x128xf32, #tpu.memory_space<vmem>>
    %dma_start3A_30 = arith.constant 32 : i32
    %dma_start3A_31 = tpu.memref_slice %arg2[%dma_start3A_30, %mul3A_2] : memref<39x4096xf32, #tpu.memory_space<hbm>> -> memref<7x128xf32, #tpu.memory_space<hbm>>
    tpu.enqueue_dma source(%dma_start3A_31 : memref<7x128xf32, #tpu.memory_space<hbm>>) target(%dma_start3A_29 : memref<7x128xf32, #tpu.memory_space<vmem>>) target_semaphore(%arg16 : memref<!tpu.dma_semaphore, #tpu.memory_space<semaphore_mem>>)
    tpu.enqueue_dma source(%arg4 : memref<13xf32, #tpu.memory_space<hbm>>) target(%arg13 : memref<13xf32, #tpu.memory_space<vmem>>) target_semaphore(%arg16 : memref<!tpu.dma_semaphore, #tpu.memory_space<semaphore_mem>>)
    tpu.enqueue_dma source(%arg5 : memref<1xf32, #tpu.memory_space<hbm>>) target(%arg14 : memref<1xf32, #tpu.memory_space<vmem>>) target_semaphore(%arg16 : memref<!tpu.dma_semaphore, #tpu.memory_space<semaphore_mem>>)
    %iota3A = tpu.iota {dimensions = array<i32: 0>} : vector<16xi32>
    %dma_wait3A = arith.constant 0 : i32
    %dma_wait3A_32 = arith.constant 0 : i32
    %dma_wait3A_33 = tpu.memref_slice %arg7[%dma_wait3A, %dma_wait3A_32] : memref<39x128xf32, #tpu.memory_space<vmem>> -> memref<16x128xf32, #tpu.memory_space<vmem>>
    %dma_wait3A_34 = arith.constant 0 : i32
    %dma_wait3A_35 = tpu.memref_slice %arg2[%dma_wait3A_34, %mul3A_2] : memref<39x4096xf32, #tpu.memory_space<hbm>> -> memref<16x128xf32, #tpu.memory_space<hbm>>
    %dma_wait3A_36 = arith.constant 0 : i32
    %dma_wait3A_37 = arith.constant 0 : i32
    %dma_wait3A_38 = tpu.memref_slice %arg7[%dma_wait3A_36, %dma_wait3A_37] : memref<39x128xf32, #tpu.memory_space<vmem>> -> memref<16x128xf32, #tpu.memory_space<vmem>>
    %dma_wait3A_39 = arith.constant 0 : i32
    %dma_wait3A_40 = tpu.memref_slice %arg2[%dma_wait3A_39, %mul3A_2] : memref<39x4096xf32, #tpu.memory_space<hbm>> -> memref<16x128xf32, #tpu.memory_space<hbm>>
    tpu.wait_dma2 semaphore(%arg15 : memref<!tpu.dma_semaphore, #tpu.memory_space<semaphore_mem>>) src(%dma_wait3A_40 : memref<16x128xf32, #tpu.memory_space<hbm>>) dst(%dma_wait3A_38 : memref<16x128xf32, #tpu.memory_space<vmem>>)
    %get3A = arith.constant 0 : i32
    %get3A_41 = arith.index_cast %get3A : i32 to index
    %get3A_42 = arith.constant 0 : index
    %get3A_43 = tpu.vector_load %arg7[%get3A_41, %get3A_42] {strides = array<i32>} : memref<39x128xf32, #tpu.memory_space<vmem>>, vector<16xf32>,
    %convert_element_type3A = arith.fptosi %get3A_43 : vector<16xf32> to vector<16xi32>
    %add3A_44 = arith.constant 0 : i32
    %add3A_45 = vector.broadcast %add3A_44 : i32 to vector<16xi32>
    %add3A_46 = arith.addi %convert_element_type3A, %add3A_45 : vector<16xi32>
    %swap3A = arith.constant 0 : index
    %swap3A_47 = tpu.vector_load %arg8[%swap3A] {strides = array<i32>} : memref<1664xi32, #tpu.memory_space<vmem>>, vector<16xi32>,
    tpu.vector_store %arg8[%swap3A], %add3A_46 {strides = array<i32>} : memref<1664xi32, #tpu.memory_space<vmem>>, vector<16xi32>,
    %get3A_48 = arith.constant 0 : i32
    %get3A_49 = arith.index_cast %get3A_48 : i32 to index
    %get3A_50 = arith.constant 16 : index
    %get3A_51 = tpu.vector_load %arg7[%get3A_49, %get3A_50] {strides = array<i32>} : memref<39x128xf32, #tpu.memory_space<vmem>>, vector<16xf32>,
    %convert_element_type3A_52 = arith.fptosi %get3A_51 : vector<16xf32> to vector<16xi32>
    %add3A_53 = arith.constant 0 : i32
    %add3A_54 = vector.broadcast %add3A_53 : i32 to vector<16xi32>
    %add3A_55 = arith.addi %convert_element_type3A_52, %add3A_54 : vector<16xi32>
    %swap3A_56 = arith.constant 16 : index
    %swap3A_57 = tpu.vector_load %arg8[%swap3A_56] {strides = array<i32>} : memref<1664xi32, #tpu.memory_space<vmem>>, vector<16xi32>,
    tpu.vector_store %arg8[%swap3A_56], %add3A_55 {strides = array<i32>} : memref<1664xi32, #tpu.memory_space<vmem>>, vector<16xi32>,
    %get3A_58 = arith.constant 0 : i32
    %get3A_59 = arith.index_cast %get3A_58 : i32 to index
    %get3A_60 = arith.constant 32 : index
    %get3A_61 = tpu.vector_load %arg7[%get3A_59, %get3A_60] {strides = array<i32>} : memref<39x128xf32, #tpu.memory_space<vmem>>, vector<16xf32>,
    %convert_element_type3A_62 = arith.fptosi %get3A_61 : vector<16xf32> to vector<16xi32>
    %add3A_63 = arith.constant 0 : i32
    %add3A_64 = vector.broadcast %add3A_63 : i32 to vector<16xi32>
    %add3A_65 = arith.addi %convert_element_type3A_62, %add3A_64 : vector<16xi32>
    %swap3A_66 = arith.constant 32 : index
    %swap3A_67 = tpu.vector_load %arg8[%swap3A_66] {strides = array<i32>} : memref<1664xi32, #tpu.memory_space<vmem>>, vector<16xi32>,
    tpu.vector_store %arg8[%swap3A_66], %add3A_65 {strides = array<i32>} : memref<1664xi32, #tpu.memory_space<vmem>>, vector<16xi32>,
    %get3A_68 = arith.constant 0 : i32
    %get3A_69 = arith.index_cast %get3A_68 : i32 to index
    %get3A_70 = arith.constant 48 : index
    %get3A_71 = tpu.vector_load %arg7[%get3A_69, %get3A_70] {strides = array<i32>} : memref<39x128xf32, #tpu.memory_space<vmem>>, vector<16xf32>,
    %convert_element_type3A_72 = arith.fptosi %get3A_71 : vector<16xf32> to vector<16xi32>
    %add3A_73 = arith.constant 0 : i32
    %add3A_74 = vector.broadcast %add3A_73 : i32 to vector<16xi32>
    %add3A_75 = arith.addi %convert_element_type3A_72, %add3A_74 : vector<16xi32>
    %swap3A_76 = arith.constant 48 : index
    %swap3A_77 = tpu.vector_load %arg8[%swap3A_76] {strides = array<i32>} : memref<1664xi32, #tpu.memory_space<vmem>>, vector<16xi32>,
    tpu.vector_store %arg8[%swap3A_76], %add3A_75 {strides = array<i32>} : memref<1664xi32, #tpu.memory_space<vmem>>, vector<16xi32>,
    %get3A_78 = arith.constant 0 : i32
    %get3A_79 = arith.index_cast %get3A_78 : i32 to index
    %get3A_80 = arith.constant 64 : index
    %get3A_81 = tpu.vector_load %arg7[%get3A_79, %get3A_80] {strides = array<i32>} : memref<39x128xf32, #tpu.memory_space<vmem>>, vector<16xf32>,
    %convert_element_type3A_82 = arith.fptosi %get3A_81 : vector<16xf32> to vector<16xi32>
    %add3A_83 = arith.constant 0 : i32
    %add3A_84 = vector.broadcast %add3A_83 : i32 to vector<16xi32>
    %add3A_85 = arith.addi %convert_element_type3A_82, %add3A_84 : vector<16xi32>
    %swap3A_86 = arith.constant 64 : index
    %swap3A_87 = tpu.vector_load %arg8[%swap3A_86] {strides = array<i32>} : memref<1664xi32, #tpu.memory_space<vmem>>, vector<16xi32>,
    tpu.vector_store %arg8[%swap3A_86], %add3A_85 {strides = array<i32>} : memref<1664xi32, #tpu.memory_space<vmem>>, vector<16xi32>,
    %get3A_88 = arith.constant 0 : i32
    %get3A_89 = arith.index_cast %get3A_88 : i32 to index
    %get3A_90 = arith.constant 80 : index
    %get3A_91 = tpu.vector_load %arg7[%get3A_89, %get3A_90] {strides = array<i32>} : memref<39x128xf32, #tpu.memory_space<vmem>>, vector<16xf32>,
    %convert_element_type3A_92 = arith.fptosi %get3A_91 : vector<16xf32> to vector<16xi32>
    %add3A_93 = arith.constant 0 : i32
    %add3A_94 = vector.broadcast %add3A_93 : i32 to vector<16xi32>
    %add3A_95 = arith.addi %convert_element_type3A_92, %add3A_94 : vector<16xi32>
    %swap3A_96 = arith.constant 80 : index
    %swap3A_97 = tpu.vector_load %arg8[%swap3A_96] {strides = array<i32>} : memref<1664xi32, #tpu.memory_space<vmem>>, vector<16xi32>,
    tpu.vector_store %arg8[%swap3A_96], %add3A_95 {strides = array<i32>} : memref<1664xi32, #tpu.memory_space<vmem>>, vector<16xi32>,
    %get3A_98 = arith.constant 0 : i32
    %get3A_99 = arith.index_cast %get3A_98 : i32 to index
    %get3A_100 = arith.constant 96 : index
    %get3A_101 = tpu.vector_load %arg7[%get3A_99, %get3A_100] {strides = array<i32>} : memref<39x128xf32, #tpu.memory_space<vmem>>, vector<16xf32>,
    %convert_element_type3A_102 = arith.fptosi %get3A_101 : vector<16xf32> to vector<16xi32>
    %add3A_103 = arith.constant 0 : i32
    %add3A_104 = vector.broadcast %add3A_103 : i32 to vector<16xi32>
    %add3A_105 = arith.addi %convert_element_type3A_102, %add3A_104 : vector<16xi32>
    %swap3A_106 = arith.constant 96 : index
    %swap3A_107 = tpu.vector_load %arg8[%swap3A_106] {strides = array<i32>} : memref<1664xi32, #tpu.memory_space<vmem>>, vector<16xi32>,
    tpu.vector_store %arg8[%swap3A_106], %add3A_105 {strides = array<i32>} : memref<1664xi32, #tpu.memory_space<vmem>>, vector<16xi32>,
    %get3A_108 = arith.constant 0 : i32
    %get3A_109 = arith.index_cast %get3A_108 : i32 to index
    %get3A_110 = arith.constant 112 : index
    %get3A_111 = tpu.vector_load %arg7[%get3A_109, %get3A_110] {strides = array<i32>} : memref<39x128xf32, #tpu.memory_space<vmem>>, vector<16xf32>,
    %convert_element_type3A_112 = arith.fptosi %get3A_111 : vector<16xf32> to vector<16xi32>
    %add3A_113 = arith.constant 0 : i32
    %add3A_114 = vector.broadcast %add3A_113 : i32 to vector<16xi32>
    %add3A_115 = arith.addi %convert_element_type3A_112, %add3A_114 : vector<16xi32>
    %swap3A_116 = arith.constant 112 : index
    %swap3A_117 = tpu.vector_load %arg8[%swap3A_116] {strides = array<i32>} : memref<1664xi32, #tpu.memory_space<vmem>>, vector<16xi32>,
    tpu.vector_store %arg8[%swap3A_116], %add3A_115 {strides = array<i32>} : memref<1664xi32, #tpu.memory_space<vmem>>, vector<16xi32>,
    %get3A_118 = arith.constant 1 : i32
    %get3A_119 = arith.index_cast %get3A_118 : i32 to index
    %get3A_120 = arith.constant 0 : index
    %get3A_121 = tpu.vector_load %arg7[%get3A_119, %get3A_120] {strides = array<i32>} : memref<39x128xf32, #tpu.memory_space<vmem>>, vector<16xf32>,
    %convert_element_type3A_122 = arith.fptosi %get3A_121 : vector<16xf32> to vector<16xi32>
    %add3A_123 = arith.constant 100000 : i32
    %add3A_124 = vector.broadcast %add3A_123 : i32 to vector<16xi32>
    %add3A_125 = arith.addi %convert_element_type3A_122, %add3A_124 : vector<16xi32>
    %swap3A_126 = arith.constant 128 : index
    %swap3A_127 = tpu.vector_load %arg8[%swap3A_126] {strides = array<i32>} : memref<1664xi32, #tpu.memory_space<vmem>>, vector<16xi32>,
    tpu.vector_store %arg8[%swap3A_126], %add3A_125 {strides = array<i32>} : memref<1664xi32, #tpu.memory_space<vmem>>, vector<16xi32>,
    %get3A_128 = arith.constant 1 : i32
    %get3A_129 = arith.index_cast %get3A_128 : i32 to index
    %get3A_130 = arith.constant 16 : index
    %get3A_131 = tpu.vector_load %arg7[%get3A_129, %get3A_130] {strides = array<i32>} : memref<39x128xf32, #tpu.memory_space<vmem>>, vector<16xf32>,
    %convert_element_type3A_132 = arith.fptosi %get3A_131 : vector<16xf32> to vector<16xi32>
    %add3A_133 = arith.constant 100000 : i32
    %add3A_134 = vector.broadcast %add3A_133 : i32 to vector<16xi32>
    %add3A_135 = arith.addi %convert_element_type3A_132, %add3A_134 : vector<16xi32>
    %swap3A_136 = arith.constant 144 : index
    %swap3A_137 = tpu.vector_load %arg8[%swap3A_136] {strides = array<i32>} : memref<1664xi32, #tpu.memory_space<vmem>>, vector<16xi32>,
    tpu.vector_store %arg8[%swap3A_136], %add3A_135 {strides = array<i32>} : memref<1664xi32, #tpu.memory_space<vmem>>, vector<16xi32>,
    %get3A_138 = arith.constant 1 : i32
    %get3A_139 = arith.index_cast %get3A_138 : i32 to index
    %get3A_140 = arith.constant 32 : index
    %get3A_141 = tpu.vector_load %arg7[%get3A_139, %get3A_140] {strides = array<i32>} : memref<39x128xf32, #tpu.memory_space<vmem>>, vector<16xf32>,
    %convert_element_type3A_142 = arith.fptosi %get3A_141 : vector<16xf32> to vector<16xi32>
    %add3A_143 = arith.constant 100000 : i32
    %add3A_144 = vector.broadcast %add3A_143 : i32 to vector<16xi32>
    %add3A_145 = arith.addi %convert_element_type3A_142, %add3A_144 : vector<16xi32>
    %swap3A_146 = arith.constant 160 : index
    %swap3A_147 = tpu.vector_load %arg8[%swap3A_146] {strides = array<i32>} : memref<1664xi32, #tpu.memory_space<vmem>>, vector<16xi32>,
    tpu.vector_store %arg8[%swap3A_146], %add3A_145 {strides = array<i32>} : memref<1664xi32, #tpu.memory_space<vmem>>, vector<16xi32>,
    %get3A_148 = arith.constant 1 : i32
    %get3A_149 = arith.index_cast %get3A_148 : i32 to index
    %get3A_150 = arith.constant 48 : index
    %get3A_151 = tpu.vector_load %arg7[%get3A_149, %get3A_150] {strides = array<i32>} : memref<39x128xf32, #tpu.memory_space<vmem>>, vector<16xf32>,
    %convert_element_type3A_152 = arith.fptosi %get3A_151 : vector<16xf32> to vector<16xi32>
    %add3A_153 = arith.constant 100000 : i32
    %add3A_154 = vector.broadcast %add3A_153 : i32 to vector<16xi32>
    %add3A_155 = arith.addi %convert_element_type3A_152, %add3A_154 : vector<16xi32>
    %swap3A_156 = arith.constant 176 : index
    %swap3A_157 = tpu.vector_load %arg8[%swap3A_156] {strides = array<i32>} : memref<1664xi32, #tpu.memory_space<vmem>>, vector<16xi32>,
    tpu.vector_store %arg8[%swap3A_156], %add3A_155 {strides = array<i32>} : memref<1664xi32, #tpu.memory_space<vmem>>, vector<16xi32>,
    %get3A_158 = arith.constant 1 : i32
    %get3A_159 = arith.index_cast %get3A_158 : i32 to index
    %get3A_160 = arith.constant 64 : index
    %get3A_161 = tpu.vector_load %arg7[%get3A_159, %get3A_160] {strides = array<i32>} : memref<39x128xf32, #tpu.memory_space<vmem>>, vector<16xf32>,
    %convert_element_type3A_162 = arith.fptosi %get3A_161 : vector<16xf32> to vector<16xi32>
    %add3A_163 = arith.constant 100000 : i32
    %add3A_164 = vector.broadcast %add3A_163 : i32 to vector<16xi32>
    %add3A_165 = arith.addi %convert_element_type3A_162, %add3A_164 : vector<16xi32>
    %swap3A_166 = arith.constant 192 : index
    %swap3A_167 = tpu.vector_load %arg8[%swap3A_166] {strides = array<i32>} : memref<1664xi32, #tpu.memory_space<vmem>>, vector<16xi32>,
    tpu.vector_store %arg8[%swap3A_166], %add3A_165 {strides = array<i32>} : memref<1664xi32, #tpu.memory_space<vmem>>, vector<16xi32>,
    %get3A_168 = arith.constant 1 : i32
    %get3A_169 = arith.index_cast %get3A_168 : i32 to index
    %get3A_170 = arith.constant 80 : index
    %get3A_171 = tpu.vector_load %arg7[%get3A_169, %get3A_170] {strides = array<i32>} : memref<39x128xf32, #tpu.memory_space<vmem>>, vector<16xf32>,
    %convert_element_type3A_172 = arith.fptosi %get3A_171 : vector<16xf32> to vector<16xi32>
    %add3A_173 = arith.constant 100000 : i32
    %add3A_174 = vector.broadcast %add3A_173 : i32 to vector<16xi32>
    %add3A_175 = arith.addi %convert_element_type3A_172, %add3A_174 : vector<16xi32>
    %swap3A_176 = arith.constant 208 : index
    %swap3A_177 = tpu.vector_load %arg8[%swap3A_176] {strides = array<i32>} : memref<1664xi32, #tpu.memory_space<vmem>>, vector<16xi32>,
    tpu.vector_store %arg8[%swap3A_176], %add3A_175 {strides = array<i32>} : memref<1664xi32, #tpu.memory_space<vmem>>, vector<16xi32>,
    %get3A_178 = arith.constant 1 : i32
    %get3A_179 = arith.index_cast %get3A_178 : i32 to index
    %get3A_180 = arith.constant 96 : index
    %get3A_181 = tpu.vector_load %arg7[%get3A_179, %get3A_180] {strides = array<i32>} : memref<39x128xf32, #tpu.memory_space<vmem>>, vector<16xf32>,
    %convert_element_type3A_182 = arith.fptosi %get3A_181 : vector<16xf32> to vector<16xi32>
    %add3A_183 = arith.constant 100000 : i32
    %add3A_184 = vector.broadcast %add3A_183 : i32 to vector<16xi32>
    %add3A_185 = arith.addi %convert_element_type3A_182, %add3A_184 : vector<16xi32>
    %swap3A_186 = arith.constant 224 : index
    %swap3A_187 = tpu.vector_load %arg8[%swap3A_186] {strides = array<i32>} : memref<1664xi32, #tpu.memory_space<vmem>>, vector<16xi32>,
    tpu.vector_store %arg8[%swap3A_186], %add3A_185 {strides = array<i32>} : memref<1664xi32, #tpu.memory_space<vmem>>, vector<16xi32>,
    %get3A_188 = arith.constant 1 : i32
    %get3A_189 = arith.index_cast %get3A_188 : i32 to index
    %get3A_190 = arith.constant 112 : index
    %get3A_191 = tpu.vector_load %arg7[%get3A_189, %get3A_190] {strides = array<i32>} : memref<39x128xf32, #tpu.memory_space<vmem>>, vector<16xf32>,
    %convert_element_type3A_192 = arith.fptosi %get3A_191 : vector<16xf32> to vector<16xi32>
    %add3A_193 = arith.constant 100000 : i32
    %add3A_194 = vector.broadcast %add3A_193 : i32 to vector<16xi32>
    %add3A_195 = arith.addi %convert_element_type3A_192, %add3A_194 : vector<16xi32>
    %swap3A_196 = arith.constant 240 : index
    %swap3A_197 = tpu.vector_load %arg8[%swap3A_196] {strides = array<i32>} : memref<1664xi32, #tpu.memory_space<vmem>>, vector<16xi32>,
    tpu.vector_store %arg8[%swap3A_196], %add3A_195 {strides = array<i32>} : memref<1664xi32, #tpu.memory_space<vmem>>, vector<16xi32>,
    %get3A_198 = arith.constant 2 : i32
    %get3A_199 = arith.index_cast %get3A_198 : i32 to index
    %get3A_200 = arith.constant 0 : index
    %get3A_201 = tpu.vector_load %arg7[%get3A_199, %get3A_200] {strides = array<i32>} : memref<39x128xf32, #tpu.memory_space<vmem>>, vector<16xf32>,
    %convert_element_type3A_202 = arith.fptosi %get3A_201 : vector<16xf32> to vector<16xi32>
    %add3A_203 = arith.constant 200000 : i32
    %add3A_204 = vector.broadcast %add3A_203 : i32 to vector<16xi32>
    %add3A_205 = arith.addi %convert_element_type3A_202, %add3A_204 : vector<16xi32>
    %swap3A_206 = arith.constant 256 : index
    %swap3A_207 = tpu.vector_load %arg8[%swap3A_206] {strides = array<i32>} : memref<1664xi32, #tpu.memory_space<vmem>>, vector<16xi32>,
    tpu.vector_store %arg8[%swap3A_206], %add3A_205 {strides = array<i32>} : memref<1664xi32, #tpu.memory_space<vmem>>, vector<16xi32>,
    %get3A_208 = arith.constant 2 : i32
    %get3A_209 = arith.index_cast %get3A_208 : i32 to index
    %get3A_210 = arith.constant 16 : index
    %get3A_211 = tpu.vector_load %arg7[%get3A_209, %get3A_210] {strides = array<i32>} : memref<39x128xf32, #tpu.memory_space<vmem>>, vector<16xf32>,
    %convert_element_type3A_212 = arith.fptosi %get3A_211 : vector<16xf32> to vector<16xi32>
    %add3A_213 = arith.constant 200000 : i32
    %add3A_214 = vector.broadcast %add3A_213 : i32 to vector<16xi32>
    %add3A_215 = arith.addi %convert_element_type3A_212, %add3A_214 : vector<16xi32>
    %swap3A_216 = arith.constant 272 : index
    %swap3A_217 = tpu.vector_load %arg8[%swap3A_216] {strides = array<i32>} : memref<1664xi32, #tpu.memory_space<vmem>>, vector<16xi32>,
    tpu.vector_store %arg8[%swap3A_216], %add3A_215 {strides = array<i32>} : memref<1664xi32, #tpu.memory_space<vmem>>, vector<16xi32>,
    %get3A_218 = arith.constant 2 : i32
    %get3A_219 = arith.index_cast %get3A_218 : i32 to index
    %get3A_220 = arith.constant 32 : index
    %get3A_221 = tpu.vector_load %arg7[%get3A_219, %get3A_220] {strides = array<i32>} : memref<39x128xf32, #tpu.memory_space<vmem>>, vector<16xf32>,
    %convert_element_type3A_222 = arith.fptosi %get3A_221 : vector<16xf32> to vector<16xi32>
    %add3A_223 = arith.constant 200000 : i32
    %add3A_224 = vector.broadcast %add3A_223 : i32 to vector<16xi32>
    %add3A_225 = arith.addi %convert_element_type3A_222, %add3A_224 : vector<16xi32>
    %swap3A_226 = arith.constant 288 : index
    %swap3A_227 = tpu.vector_load %arg8[%swap3A_226] {strides = array<i32>} : memref<1664xi32, #tpu.memory_space<vmem>>, vector<16xi32>,
    tpu.vector_store %arg8[%swap3A_226], %add3A_225 {strides = array<i32>} : memref<1664xi32, #tpu.memory_space<vmem>>, vector<16xi32>,
    %get3A_228 = arith.constant 2 : i32
    %get3A_229 = arith.index_cast %get3A_228 : i32 to index
    %get3A_230 = arith.constant 48 : index
    %get3A_231 = tpu.vector_load %arg7[%get3A_229, %get3A_230] {strides = array<i32>} : memref<39x128xf32, #tpu.memory_space<vmem>>, vector<16xf32>,
    %convert_element_type3A_232 = arith.fptosi %get3A_231 : vector<16xf32> to vector<16xi32>
    %add3A_233 = arith.constant 200000 : i32
    %add3A_234 = vector.broadcast %add3A_233 : i32 to vector<16xi32>
    %add3A_235 = arith.addi %convert_element_type3A_232, %add3A_234 : vector<16xi32>
    %swap3A_236 = arith.constant 304 : index
    %swap3A_237 = tpu.vector_load %arg8[%swap3A_236] {strides = array<i32>} : memref<1664xi32, #tpu.memory_space<vmem>>, vector<16xi32>,
    tpu.vector_store %arg8[%swap3A_236], %add3A_235 {strides = array<i32>} : memref<1664xi32, #tpu.memory_space<vmem>>, vector<16xi32>,
    %get3A_238 = arith.constant 2 : i32
    %get3A_239 = arith.index_cast %get3A_238 : i32 to index
    %get3A_240 = arith.constant 64 : index
    %get3A_241 = tpu.vector_load %arg7[%get3A_239, %get3A_240] {strides = array<i32>} : memref<39x128xf32, #tpu.memory_space<vmem>>, vector<16xf32>,
    %convert_element_type3A_242 = arith.fptosi %get3A_241 : vector<16xf32> to vector<16xi32>
    %add3A_243 = arith.constant 200000 : i32
    %add3A_244 = vector.broadcast %add3A_243 : i32 to vector<16xi32>
    %add3A_245 = arith.addi %convert_element_type3A_242, %add3A_244 : vector<16xi32>
    %swap3A_246 = arith.constant 320 : index
    %swap3A_247 = tpu.vector_load %arg8[%swap3A_246] {strides = array<i32>} : memref<1664xi32, #tpu.memory_space<vmem>>, vector<16xi32>,
    tpu.vector_store %arg8[%swap3A_246], %add3A_245 {strides = array<i32>} : memref<1664xi32, #tpu.memory_space<vmem>>, vector<16xi32>,
    %get3A_248 = arith.constant 2 : i32
    %get3A_249 = arith.index_cast %get3A_248 : i32 to index
    %get3A_250 = arith.constant 80 : index
    %get3A_251 = tpu.vector_load %arg7[%get3A_249, %get3A_250] {strides = array<i32>} : memref<39x128xf32, #tpu.memory_space<vmem>>, vector<16xf32>,
    %convert_element_type3A_252 = arith.fptosi %get3A_251 : vector<16xf32> to vector<16xi32>
    %add3A_253 = arith.constant 200000 : i32
    %add3A_254 = vector.broadcast %add3A_253 : i32 to vector<16xi32>
    %add3A_255 = arith.addi %convert_element_type3A_252, %add3A_254 : vector<16xi32>
    %swap3A_256 = arith.constant 336 : index
    %swap3A_257 = tpu.vector_load %arg8[%swap3A_256] {strides = array<i32>} : memref<1664xi32, #tpu.memory_space<vmem>>, vector<16xi32>,
    tpu.vector_store %arg8[%swap3A_256], %add3A_255 {strides = array<i32>} : memref<1664xi32, #tpu.memory_space<vmem>>, vector<16xi32>,
    %get3A_258 = arith.constant 2 : i32
    %get3A_259 = arith.index_cast %get3A_258 : i32 to index
    %get3A_260 = arith.constant 96 : index
    %get3A_261 = tpu.vector_load %arg7[%get3A_259, %get3A_260] {strides = array<i32>} : memref<39x128xf32, #tpu.memory_space<vmem>>, vector<16xf32>,
    %convert_element_type3A_262 = arith.fptosi %get3A_261 : vector<16xf32> to vector<16xi32>
    %add3A_263 = arith.constant 200000 : i32
    %add3A_264 = vector.broadcast %add3A_263 : i32 to vector<16xi32>
    %add3A_265 = arith.addi %convert_element_type3A_262, %add3A_264 : vector<16xi32>
    %swap3A_266 = arith.constant 352 : index
    %swap3A_267 = tpu.vector_load %arg8[%swap3A_266] {strides = array<i32>} : memref<1664xi32, #tpu.memory_space<vmem>>, vector<16xi32>,
    tpu.vector_store %arg8[%swap3A_266], %add3A_265 {strides = array<i32>} : memref<1664xi32, #tpu.memory_space<vmem>>, vector<16xi32>,
    %get3A_268 = arith.constant 2 : i32
    %get3A_269 = arith.index_cast %get3A_268 : i32 to index
    %get3A_270 = arith.constant 112 : index
    %get3A_271 = tpu.vector_load %arg7[%get3A_269, %get3A_270] {strides = array<i32>} : memref<39x128xf32, #tpu.memory_space<vmem>>, vector<16xf32>,
    %convert_element_type3A_272 = arith.fptosi %get3A_271 : vector<16xf32> to vector<16xi32>
    %add3A_273 = arith.constant 200000 : i32
    %add3A_274 = vector.broadcast %add3A_273 : i32 to vector<16xi32>
    %add3A_275 = arith.addi %convert_element_type3A_272, %add3A_274 : vector<16xi32>
    %swap3A_276 = arith.constant 368 : index
    %swap3A_277 = tpu.vector_load %arg8[%swap3A_276] {strides = array<i32>} : memref<1664xi32, #tpu.memory_space<vmem>>, vector<16xi32>,
    tpu.vector_store %arg8[%swap3A_276], %add3A_275 {strides = array<i32>} : memref<1664xi32, #tpu.memory_space<vmem>>, vector<16xi32>,
    %get3A_278 = arith.constant 3 : i32
    %get3A_279 = arith.index_cast %get3A_278 : i32 to index
    %get3A_280 = arith.constant 0 : index
    %get3A_281 = tpu.vector_load %arg7[%get3A_279, %get3A_280] {strides = array<i32>} : memref<39x128xf32, #tpu.memory_space<vmem>>, vector<16xf32>,
    %convert_element_type3A_282 = arith.fptosi %get3A_281 : vector<16xf32> to vector<16xi32>
    %add3A_283 = arith.constant 300000 : i32
    %add3A_284 = vector.broadcast %add3A_283 : i32 to vector<16xi32>
    %add3A_285 = arith.addi %convert_element_type3A_282, %add3A_284 : vector<16xi32>
    %swap3A_286 = arith.constant 384 : index
    %swap3A_287 = tpu.vector_load %arg8[%swap3A_286] {strides = array<i32>} : memref<1664xi32, #tpu.memory_space<vmem>>, vector<16xi32>,
    tpu.vector_store %arg8[%swap3A_286], %add3A_285 {strides = array<i32>} : memref<1664xi32, #tpu.memory_space<vmem>>, vector<16xi32>,
    %get3A_288 = arith.constant 3 : i32
    %get3A_289 = arith.index_cast %get3A_288 : i32 to index
    %get3A_290 = arith.constant 16 : index
    %get3A_291 = tpu.vector_load %arg7[%get3A_289, %get3A_290] {strides = array<i32>} : memref<39x128xf32, #tpu.memory_space<vmem>>, vector<16xf32>,
    %convert_element_type3A_292 = arith.fptosi %get3A_291 : vector<16xf32> to vector<16xi32>
    %add3A_293 = arith.constant 300000 : i32
    %add3A_294 = vector.broadcast %add3A_293 : i32 to vector<16xi32>
    %add3A_295 = arith.addi %convert_element_type3A_292, %add3A_294 : vector<16xi32>
    %swap3A_296 = arith.constant 400 : index
    %swap3A_297 = tpu.vector_load %arg8[%swap3A_296] {strides = array<i32>} : memref<1664xi32, #tpu.memory_space<vmem>>, vector<16xi32>,
    tpu.vector_store %arg8[%swap3A_296], %add3A_295 {strides = array<i32>} : memref<1664xi32, #tpu.memory_space<vmem>>, vector<16xi32>,
    %get3A_298 = arith.constant 3 : i32
    %get3A_299 = arith.index_cast %get3A_298 : i32 to index
    %get3A_300 = arith.constant 32 : index
    %get3A_301 = tpu.vector_load %arg7[%get3A_299, %get3A_300] {strides = array<i32>} : memref<39x128xf32, #tpu.memory_space<vmem>>, vector<16xf32>,
    %convert_element_type3A_302 = arith.fptosi %get3A_301 : vector<16xf32> to vector<16xi32>
    %add3A_303 = arith.constant 300000 : i32
    %add3A_304 = vector.broadcast %add3A_303 : i32 to vector<16xi32>
    %add3A_305 = arith.addi %convert_element_type3A_302, %add3A_304 : vector<16xi32>
    %swap3A_306 = arith.constant 416 : index
    %swap3A_307 = tpu.vector_load %arg8[%swap3A_306] {strides = array<i32>} : memref<1664xi32, #tpu.memory_space<vmem>>, vector<16xi32>,
    tpu.vector_store %arg8[%swap3A_306], %add3A_305 {strides = array<i32>} : memref<1664xi32, #tpu.memory_space<vmem>>, vector<16xi32>,
    %get3A_308 = arith.constant 3 : i32
    %get3A_309 = arith.index_cast %get3A_308 : i32 to index
    %get3A_310 = arith.constant 48 : index
    %get3A_311 = tpu.vector_load %arg7[%get3A_309, %get3A_310] {strides = array<i32>} : memref<39x128xf32, #tpu.memory_space<vmem>>, vector<16xf32>,
    %convert_element_type3A_312 = arith.fptosi %get3A_311 : vector<16xf32> to vector<16xi32>
    %add3A_313 = arith.constant 300000 : i32
    %add3A_314 = vector.broadcast %add3A_313 : i32 to vector<16xi32>
    %add3A_315 = arith.addi %convert_element_type3A_312, %add3A_314 : vector<16xi32>
    %swap3A_316 = arith.constant 432 : index
    %swap3A_317 = tpu.vector_load %arg8[%swap3A_316] {strides = array<i32>} : memref<1664xi32, #tpu.memory_space<vmem>>, vector<16xi32>,
    tpu.vector_store %arg8[%swap3A_316], %add3A_315 {strides = array<i32>} : memref<1664xi32, #tpu.memory_space<vmem>>, vector<16xi32>,
    %get3A_318 = arith.constant 3 : i32
    %get3A_319 = arith.index_cast %get3A_318 : i32 to index
    %get3A_320 = arith.constant 64 : index
    %get3A_321 = tpu.vector_load %arg7[%get3A_319, %get3A_320] {strides = array<i32>} : memref<39x128xf32, #tpu.memory_space<vmem>>, vector<16xf32>,
    %convert_element_type3A_322 = arith.fptosi %get3A_321 : vector<16xf32> to vector<16xi32>
    %add3A_323 = arith.constant 300000 : i32
    %add3A_324 = vector.broadcast %add3A_323 : i32 to vector<16xi32>
    %add3A_325 = arith.addi %convert_element_type3A_322, %add3A_324 : vector<16xi32>
    %swap3A_326 = arith.constant 448 : index
    %swap3A_327 = tpu.vector_load %arg8[%swap3A_326] {strides = array<i32>} : memref<1664xi32, #tpu.memory_space<vmem>>, vector<16xi32>,
    tpu.vector_store %arg8[%swap3A_326], %add3A_325 {strides = array<i32>} : memref<1664xi32, #tpu.memory_space<vmem>>, vector<16xi32>,
    %get3A_328 = arith.constant 3 : i32
    %get3A_329 = arith.index_cast %get3A_328 : i32 to index
    %get3A_330 = arith.constant 80 : index
    %get3A_331 = tpu.vector_load %arg7[%get3A_329, %get3A_330] {strides = array<i32>} : memref<39x128xf32, #tpu.memory_space<vmem>>, vector<16xf32>,
    %convert_element_type3A_332 = arith.fptosi %get3A_331 : vector<16xf32> to vector<16xi32>
    %add3A_333 = arith.constant 300000 : i32
    %add3A_334 = vector.broadcast %add3A_333 : i32 to vector<16xi32>
    %add3A_335 = arith.addi %convert_element_type3A_332, %add3A_334 : vector<16xi32>
    %swap3A_336 = arith.constant 464 : index
    %swap3A_337 = tpu.vector_load %arg8[%swap3A_336] {strides = array<i32>} : memref<1664xi32, #tpu.memory_space<vmem>>, vector<16xi32>,
    tpu.vector_store %arg8[%swap3A_336], %add3A_335 {strides = array<i32>} : memref<1664xi32, #tpu.memory_space<vmem>>, vector<16xi32>,
    %get3A_338 = arith.constant 3 : i32
    %get3A_339 = arith.index_cast %get3A_338 : i32 to index
    %get3A_340 = arith.constant 96 : index
    %get3A_341 = tpu.vector_load %arg7[%get3A_339, %get3A_340] {strides = array<i32>} : memref<39x128xf32, #tpu.memory_space<vmem>>, vector<16xf32>,
    %convert_element_type3A_342 = arith.fptosi %get3A_341 : vector<16xf32> to vector<16xi32>
    %add3A_343 = arith.constant 300000 : i32
    %add3A_344 = vector.broadcast %add3A_343 : i32 to vector<16xi32>
    %add3A_345 = arith.addi %convert_element_type3A_342, %add3A_344 : vector<16xi32>
    %swap3A_346 = arith.constant 480 : index
    %swap3A_347 = tpu.vector_load %arg8[%swap3A_346] {strides = array<i32>} : memref<1664xi32, #tpu.memory_space<vmem>>, vector<16xi32>,
    tpu.vector_store %arg8[%swap3A_346], %add3A_345 {strides = array<i32>} : memref<1664xi32, #tpu.memory_space<vmem>>, vector<16xi32>,
    %get3A_348 = arith.constant 3 : i32
    %get3A_349 = arith.index_cast %get3A_348 : i32 to index
    %get3A_350 = arith.constant 112 : index
    %get3A_351 = tpu.vector_load %arg7[%get3A_349, %get3A_350] {strides = array<i32>} : memref<39x128xf32, #tpu.memory_space<vmem>>, vector<16xf32>,
    %convert_element_type3A_352 = arith.fptosi %get3A_351 : vector<16xf32> to vector<16xi32>
    %add3A_353 = arith.constant 300000 : i32
    %add3A_354 = vector.broadcast %add3A_353 : i32 to vector<16xi32>
    %add3A_355 = arith.addi %convert_element_type3A_352, %add3A_354 : vector<16xi32>
    %swap3A_356 = arith.constant 496 : index
    %swap3A_357 = tpu.vector_load %arg8[%swap3A_356] {strides = array<i32>} : memref<1664xi32, #tpu.memory_space<vmem>>, vector<16xi32>,
    tpu.vector_store %arg8[%swap3A_356], %add3A_355 {strides = array<i32>} : memref<1664xi32, #tpu.memory_space<vmem>>, vector<16xi32>,
    %get3A_358 = arith.constant 4 : i32
    %get3A_359 = arith.index_cast %get3A_358 : i32 to index
    %get3A_360 = arith.constant 0 : index
    %get3A_361 = tpu.vector_load %arg7[%get3A_359, %get3A_360] {strides = array<i32>} : memref<39x128xf32, #tpu.memory_space<vmem>>, vector<16xf32>,
    %convert_element_type3A_362 = arith.fptosi %get3A_361 : vector<16xf32> to vector<16xi32>
    %add3A_363 = arith.constant 400000 : i32
    %add3A_364 = vector.broadcast %add3A_363 : i32 to vector<16xi32>
    %add3A_365 = arith.addi %convert_element_type3A_362, %add3A_364 : vector<16xi32>
    %swap3A_366 = arith.constant 512 : index
    %swap3A_367 = tpu.vector_load %arg8[%swap3A_366] {strides = array<i32>} : memref<1664xi32, #tpu.memory_space<vmem>>, vector<16xi32>,
    tpu.vector_store %arg8[%swap3A_366], %add3A_365 {strides = array<i32>} : memref<1664xi32, #tpu.memory_space<vmem>>, vector<16xi32>,
    %get3A_368 = arith.constant 4 : i32
    %get3A_369 = arith.index_cast %get3A_368 : i32 to index
    %get3A_370 = arith.constant 16 : index
    %get3A_371 = tpu.vector_load %arg7[%get3A_369, %get3A_370] {strides = array<i32>} : memref<39x128xf32, #tpu.memory_space<vmem>>, vector<16xf32>,
    %convert_element_type3A_372 = arith.fptosi %get3A_371 : vector<16xf32> to vector<16xi32>
    %add3A_373 = arith.constant 400000 : i32
    %add3A_374 = vector.broadcast %add3A_373 : i32 to vector<16xi32>
    %add3A_375 = arith.addi %convert_element_type3A_372, %add3A_374 : vector<16xi32>
    %swap3A_376 = arith.constant 528 : index
    %swap3A_377 = tpu.vector_load %arg8[%swap3A_376] {strides = array<i32>} : memref<1664xi32, #tpu.memory_space<vmem>>, vector<16xi32>,
    tpu.vector_store %arg8[%swap3A_376], %add3A_375 {strides = array<i32>} : memref<1664xi32, #tpu.memory_space<vmem>>, vector<16xi32>,
    %get3A_378 = arith.constant 4 : i32
    %get3A_379 = arith.index_cast %get3A_378 : i32 to index
    %get3A_380 = arith.constant 32 : index
    %get3A_381 = tpu.vector_load %arg7[%get3A_379, %get3A_380] {strides = array<i32>} : memref<39x128xf32, #tpu.memory_space<vmem>>, vector<16xf32>,
    %convert_element_type3A_382 = arith.fptosi %get3A_381 : vector<16xf32> to vector<16xi32>
    %add3A_383 = arith.constant 400000 : i32
    %add3A_384 = vector.broadcast %add3A_383 : i32 to vector<16xi32>
    %add3A_385 = arith.addi %convert_element_type3A_382, %add3A_384 : vector<16xi32>
    %swap3A_386 = arith.constant 544 : index
    %swap3A_387 = tpu.vector_load %arg8[%swap3A_386] {strides = array<i32>} : memref<1664xi32, #tpu.memory_space<vmem>>, vector<16xi32>,
    tpu.vector_store %arg8[%swap3A_386], %add3A_385 {strides = array<i32>} : memref<1664xi32, #tpu.memory_space<vmem>>, vector<16xi32>,
    %get3A_388 = arith.constant 4 : i32
    %get3A_389 = arith.index_cast %get3A_388 : i32 to index
    %get3A_390 = arith.constant 48 : index
    %get3A_391 = tpu.vector_load %arg7[%get3A_389, %get3A_390] {strides = array<i32>} : memref<39x128xf32, #tpu.memory_space<vmem>>, vector<16xf32>,
    %convert_element_type3A_392 = arith.fptosi %get3A_391 : vector<16xf32> to vector<16xi32>
    %add3A_393 = arith.constant 400000 : i32
    %add3A_394 = vector.broadcast %add3A_393 : i32 to vector<16xi32>
    %add3A_395 = arith.addi %convert_element_type3A_392, %add3A_394 : vector<16xi32>
    %swap3A_396 = arith.constant 560 : index
    %swap3A_397 = tpu.vector_load %arg8[%swap3A_396] {strides = array<i32>} : memref<1664xi32, #tpu.memory_space<vmem>>, vector<16xi32>,
    tpu.vector_store %arg8[%swap3A_396], %add3A_395 {strides = array<i32>} : memref<1664xi32, #tpu.memory_space<vmem>>, vector<16xi32>,
    %get3A_398 = arith.constant 4 : i32
    %get3A_399 = arith.index_cast %get3A_398 : i32 to index
    %get3A_400 = arith.constant 64 : index
    %get3A_401 = tpu.vector_load %arg7[%get3A_399, %get3A_400] {strides = array<i32>} : memref<39x128xf32, #tpu.memory_space<vmem>>, vector<16xf32>,
    %convert_element_type3A_402 = arith.fptosi %get3A_401 : vector<16xf32> to vector<16xi32>
    %add3A_403 = arith.constant 400000 : i32
    %add3A_404 = vector.broadcast %add3A_403 : i32 to vector<16xi32>
    %add3A_405 = arith.addi %convert_element_type3A_402, %add3A_404 : vector<16xi32>
    %swap3A_406 = arith.constant 576 : index
    %swap3A_407 = tpu.vector_load %arg8[%swap3A_406] {strides = array<i32>} : memref<1664xi32, #tpu.memory_space<vmem>>, vector<16xi32>,
    tpu.vector_store %arg8[%swap3A_406], %add3A_405 {strides = array<i32>} : memref<1664xi32, #tpu.memory_space<vmem>>, vector<16xi32>,
    %get3A_408 = arith.constant 4 : i32
    %get3A_409 = arith.index_cast %get3A_408 : i32 to index
    %get3A_410 = arith.constant 80 : index
    %get3A_411 = tpu.vector_load %arg7[%get3A_409, %get3A_410] {strides = array<i32>} : memref<39x128xf32, #tpu.memory_space<vmem>>, vector<16xf32>,
    %convert_element_type3A_412 = arith.fptosi %get3A_411 : vector<16xf32> to vector<16xi32>
    %add3A_413 = arith.constant 400000 : i32
    %add3A_414 = vector.broadcast %add3A_413 : i32 to vector<16xi32>
    %add3A_415 = arith.addi %convert_element_type3A_412, %add3A_414 : vector<16xi32>
    %swap3A_416 = arith.constant 592 : index
    %swap3A_417 = tpu.vector_load %arg8[%swap3A_416] {strides = array<i32>} : memref<1664xi32, #tpu.memory_space<vmem>>, vector<16xi32>,
    tpu.vector_store %arg8[%swap3A_416], %add3A_415 {strides = array<i32>} : memref<1664xi32, #tpu.memory_space<vmem>>, vector<16xi32>,
    %get3A_418 = arith.constant 4 : i32
    %get3A_419 = arith.index_cast %get3A_418 : i32 to index
    %get3A_420 = arith.constant 96 : index
    %get3A_421 = tpu.vector_load %arg7[%get3A_419, %get3A_420] {strides = array<i32>} : memref<39x128xf32, #tpu.memory_space<vmem>>, vector<16xf32>,
    %convert_element_type3A_422 = arith.fptosi %get3A_421 : vector<16xf32> to vector<16xi32>
    %add3A_423 = arith.constant 400000 : i32
    %add3A_424 = vector.broadcast %add3A_423 : i32 to vector<16xi32>
    %add3A_425 = arith.addi %convert_element_type3A_422, %add3A_424 : vector<16xi32>
    %swap3A_426 = arith.constant 608 : index
    %swap3A_427 = tpu.vector_load %arg8[%swap3A_426] {strides = array<i32>} : memref<1664xi32, #tpu.memory_space<vmem>>, vector<16xi32>,
    tpu.vector_store %arg8[%swap3A_426], %add3A_425 {strides = array<i32>} : memref<1664xi32, #tpu.memory_space<vmem>>, vector<16xi32>,
    %get3A_428 = arith.constant 4 : i32
    %get3A_429 = arith.index_cast %get3A_428 : i32 to index
    %get3A_430 = arith.constant 112 : index
    %get3A_431 = tpu.vector_load %arg7[%get3A_429, %get3A_430] {strides = array<i32>} : memref<39x128xf32, #tpu.memory_space<vmem>>, vector<16xf32>,
    %convert_element_type3A_432 = arith.fptosi %get3A_431 : vector<16xf32> to vector<16xi32>
    %add3A_433 = arith.constant 400000 : i32
    %add3A_434 = vector.broadcast %add3A_433 : i32 to vector<16xi32>
    %add3A_435 = arith.addi %convert_element_type3A_432, %add3A_434 : vector<16xi32>
    %swap3A_436 = arith.constant 624 : index
    %swap3A_437 = tpu.vector_load %arg8[%swap3A_436] {strides = array<i32>} : memref<1664xi32, #tpu.memory_space<vmem>>, vector<16xi32>,
    tpu.vector_store %arg8[%swap3A_436], %add3A_435 {strides = array<i32>} : memref<1664xi32, #tpu.memory_space<vmem>>, vector<16xi32>,
    %get3A_438 = arith.constant 5 : i32
    %get3A_439 = arith.index_cast %get3A_438 : i32 to index
    %get3A_440 = arith.constant 0 : index
    %get3A_441 = tpu.vector_load %arg7[%get3A_439, %get3A_440] {strides = array<i32>} : memref<39x128xf32, #tpu.memory_space<vmem>>, vector<16xf32>,
    %convert_element_type3A_442 = arith.fptosi %get3A_441 : vector<16xf32> to vector<16xi32>
    %add3A_443 = arith.constant 500000 : i32
    %add3A_444 = vector.broadcast %add3A_443 : i32 to vector<16xi32>
    %add3A_445 = arith.addi %convert_element_type3A_442, %add3A_444 : vector<16xi32>
    %swap3A_446 = arith.constant 640 : index
    %swap3A_447 = tpu.vector_load %arg8[%swap3A_446] {strides = array<i32>} : memref<1664xi32, #tpu.memory_space<vmem>>, vector<16xi32>,
    tpu.vector_store %arg8[%swap3A_446], %add3A_445 {strides = array<i32>} : memref<1664xi32, #tpu.memory_space<vmem>>, vector<16xi32>,
    %get3A_448 = arith.constant 5 : i32
    %get3A_449 = arith.index_cast %get3A_448 : i32 to index
    %get3A_450 = arith.constant 16 : index
    %get3A_451 = tpu.vector_load %arg7[%get3A_449, %get3A_450] {strides = array<i32>} : memref<39x128xf32, #tpu.memory_space<vmem>>, vector<16xf32>,
    %convert_element_type3A_452 = arith.fptosi %get3A_451 : vector<16xf32> to vector<16xi32>
    %add3A_453 = arith.constant 500000 : i32
    %add3A_454 = vector.broadcast %add3A_453 : i32 to vector<16xi32>
    %add3A_455 = arith.addi %convert_element_type3A_452, %add3A_454 : vector<16xi32>
    %swap3A_456 = arith.constant 656 : index
    %swap3A_457 = tpu.vector_load %arg8[%swap3A_456] {strides = array<i32>} : memref<1664xi32, #tpu.memory_space<vmem>>, vector<16xi32>,
    tpu.vector_store %arg8[%swap3A_456], %add3A_455 {strides = array<i32>} : memref<1664xi32, #tpu.memory_space<vmem>>, vector<16xi32>,
    %get3A_458 = arith.constant 5 : i32
    %get3A_459 = arith.index_cast %get3A_458 : i32 to index
    %get3A_460 = arith.constant 32 : index
    %get3A_461 = tpu.vector_load %arg7[%get3A_459, %get3A_460] {strides = array<i32>} : memref<39x128xf32, #tpu.memory_space<vmem>>, vector<16xf32>,
    %convert_element_type3A_462 = arith.fptosi %get3A_461 : vector<16xf32> to vector<16xi32>
    %add3A_463 = arith.constant 500000 : i32
    %add3A_464 = vector.broadcast %add3A_463 : i32 to vector<16xi32>
    %add3A_465 = arith.addi %convert_element_type3A_462, %add3A_464 : vector<16xi32>
    %swap3A_466 = arith.constant 672 : index
    %swap3A_467 = tpu.vector_load %arg8[%swap3A_466] {strides = array<i32>} : memref<1664xi32, #tpu.memory_space<vmem>>, vector<16xi32>,
    tpu.vector_store %arg8[%swap3A_466], %add3A_465 {strides = array<i32>} : memref<1664xi32, #tpu.memory_space<vmem>>, vector<16xi32>,
    %get3A_468 = arith.constant 5 : i32
    %get3A_469 = arith.index_cast %get3A_468 : i32 to index
    %get3A_470 = arith.constant 48 : index
    %get3A_471 = tpu.vector_load %arg7[%get3A_469, %get3A_470] {strides = array<i32>} : memref<39x128xf32, #tpu.memory_space<vmem>>, vector<16xf32>,
    %convert_element_type3A_472 = arith.fptosi %get3A_471 : vector<16xf32> to vector<16xi32>
    %add3A_473 = arith.constant 500000 : i32
    %add3A_474 = vector.broadcast %add3A_473 : i32 to vector<16xi32>
    %add3A_475 = arith.addi %convert_element_type3A_472, %add3A_474 : vector<16xi32>
    %swap3A_476 = arith.constant 688 : index
    %swap3A_477 = tpu.vector_load %arg8[%swap3A_476] {strides = array<i32>} : memref<1664xi32, #tpu.memory_space<vmem>>, vector<16xi32>,
    tpu.vector_store %arg8[%swap3A_476], %add3A_475 {strides = array<i32>} : memref<1664xi32, #tpu.memory_space<vmem>>, vector<16xi32>,
    %get3A_478 = arith.constant 5 : i32
    %get3A_479 = arith.index_cast %get3A_478 : i32 to index
    %get3A_480 = arith.constant 64 : index
    %get3A_481 = tpu.vector_load %arg7[%get3A_479, %get3A_480] {strides = array<i32>} : memref<39x128xf32, #tpu.memory_space<vmem>>, vector<16xf32>,
    %convert_element_type3A_482 = arith.fptosi %get3A_481 : vector<16xf32> to vector<16xi32>
    %add3A_483 = arith.constant 500000 : i32
    %add3A_484 = vector.broadcast %add3A_483 : i32 to vector<16xi32>
    %add3A_485 = arith.addi %convert_element_type3A_482, %add3A_484 : vector<16xi32>
    %swap3A_486 = arith.constant 704 : index
    %swap3A_487 = tpu.vector_load %arg8[%swap3A_486] {strides = array<i32>} : memref<1664xi32, #tpu.memory_space<vmem>>, vector<16xi32>,
    tpu.vector_store %arg8[%swap3A_486], %add3A_485 {strides = array<i32>} : memref<1664xi32, #tpu.memory_space<vmem>>, vector<16xi32>,
    %get3A_488 = arith.constant 5 : i32
    %get3A_489 = arith.index_cast %get3A_488 : i32 to index
    %get3A_490 = arith.constant 80 : index
    %get3A_491 = tpu.vector_load %arg7[%get3A_489, %get3A_490] {strides = array<i32>} : memref<39x128xf32, #tpu.memory_space<vmem>>, vector<16xf32>,
    %convert_element_type3A_492 = arith.fptosi %get3A_491 : vector<16xf32> to vector<16xi32>
    %add3A_493 = arith.constant 500000 : i32
    %add3A_494 = vector.broadcast %add3A_493 : i32 to vector<16xi32>
    %add3A_495 = arith.addi %convert_element_type3A_492, %add3A_494 : vector<16xi32>
    %swap3A_496 = arith.constant 720 : index
    %swap3A_497 = tpu.vector_load %arg8[%swap3A_496] {strides = array<i32>} : memref<1664xi32, #tpu.memory_space<vmem>>, vector<16xi32>,
    tpu.vector_store %arg8[%swap3A_496], %add3A_495 {strides = array<i32>} : memref<1664xi32, #tpu.memory_space<vmem>>, vector<16xi32>,
    %get3A_498 = arith.constant 5 : i32
    %get3A_499 = arith.index_cast %get3A_498 : i32 to index
    %get3A_500 = arith.constant 96 : index
    %get3A_501 = tpu.vector_load %arg7[%get3A_499, %get3A_500] {strides = array<i32>} : memref<39x128xf32, #tpu.memory_space<vmem>>, vector<16xf32>,
    %convert_element_type3A_502 = arith.fptosi %get3A_501 : vector<16xf32> to vector<16xi32>
    %add3A_503 = arith.constant 500000 : i32
    %add3A_504 = vector.broadcast %add3A_503 : i32 to vector<16xi32>
    %add3A_505 = arith.addi %convert_element_type3A_502, %add3A_504 : vector<16xi32>
    %swap3A_506 = arith.constant 736 : index
    %swap3A_507 = tpu.vector_load %arg8[%swap3A_506] {strides = array<i32>} : memref<1664xi32, #tpu.memory_space<vmem>>, vector<16xi32>,
    tpu.vector_store %arg8[%swap3A_506], %add3A_505 {strides = array<i32>} : memref<1664xi32, #tpu.memory_space<vmem>>, vector<16xi32>,
    %get3A_508 = arith.constant 5 : i32
    %get3A_509 = arith.index_cast %get3A_508 : i32 to index
    %get3A_510 = arith.constant 112 : index
    %get3A_511 = tpu.vector_load %arg7[%get3A_509, %get3A_510] {strides = array<i32>} : memref<39x128xf32, #tpu.memory_space<vmem>>, vector<16xf32>,
    %convert_element_type3A_512 = arith.fptosi %get3A_511 : vector<16xf32> to vector<16xi32>
    %add3A_513 = arith.constant 500000 : i32
    %add3A_514 = vector.broadcast %add3A_513 : i32 to vector<16xi32>
    %add3A_515 = arith.addi %convert_element_type3A_512, %add3A_514 : vector<16xi32>
    %swap3A_516 = arith.constant 752 : index
    %swap3A_517 = tpu.vector_load %arg8[%swap3A_516] {strides = array<i32>} : memref<1664xi32, #tpu.memory_space<vmem>>, vector<16xi32>,
    tpu.vector_store %arg8[%swap3A_516], %add3A_515 {strides = array<i32>} : memref<1664xi32, #tpu.memory_space<vmem>>, vector<16xi32>,
    %get3A_518 = arith.constant 6 : i32
    %get3A_519 = arith.index_cast %get3A_518 : i32 to index
    %get3A_520 = arith.constant 0 : index
    %get3A_521 = tpu.vector_load %arg7[%get3A_519, %get3A_520] {strides = array<i32>} : memref<39x128xf32, #tpu.memory_space<vmem>>, vector<16xf32>,
    %convert_element_type3A_522 = arith.fptosi %get3A_521 : vector<16xf32> to vector<16xi32>
    %add3A_523 = arith.constant 600000 : i32
    %add3A_524 = vector.broadcast %add3A_523 : i32 to vector<16xi32>
    %add3A_525 = arith.addi %convert_element_type3A_522, %add3A_524 : vector<16xi32>
    %swap3A_526 = arith.constant 768 : index
    %swap3A_527 = tpu.vector_load %arg8[%swap3A_526] {strides = array<i32>} : memref<1664xi32, #tpu.memory_space<vmem>>, vector<16xi32>,
    tpu.vector_store %arg8[%swap3A_526], %add3A_525 {strides = array<i32>} : memref<1664xi32, #tpu.memory_space<vmem>>, vector<16xi32>,
    %get3A_528 = arith.constant 6 : i32
    %get3A_529 = arith.index_cast %get3A_528 : i32 to index
    %get3A_530 = arith.constant 16 : index
    %get3A_531 = tpu.vector_load %arg7[%get3A_529, %get3A_530] {strides = array<i32>} : memref<39x128xf32, #tpu.memory_space<vmem>>, vector<16xf32>,
    %convert_element_type3A_532 = arith.fptosi %get3A_531 : vector<16xf32> to vector<16xi32>
    %add3A_533 = arith.constant 600000 : i32
    %add3A_534 = vector.broadcast %add3A_533 : i32 to vector<16xi32>
    %add3A_535 = arith.addi %convert_element_type3A_532, %add3A_534 : vector<16xi32>
    %swap3A_536 = arith.constant 784 : index
    %swap3A_537 = tpu.vector_load %arg8[%swap3A_536] {strides = array<i32>} : memref<1664xi32, #tpu.memory_space<vmem>>, vector<16xi32>,
    tpu.vector_store %arg8[%swap3A_536], %add3A_535 {strides = array<i32>} : memref<1664xi32, #tpu.memory_space<vmem>>, vector<16xi32>,
    %get3A_538 = arith.constant 6 : i32
    %get3A_539 = arith.index_cast %get3A_538 : i32 to index
    %get3A_540 = arith.constant 32 : index
    %get3A_541 = tpu.vector_load %arg7[%get3A_539, %get3A_540] {strides = array<i32>} : memref<39x128xf32, #tpu.memory_space<vmem>>, vector<16xf32>,
    %convert_element_type3A_542 = arith.fptosi %get3A_541 : vector<16xf32> to vector<16xi32>
    %add3A_543 = arith.constant 600000 : i32
    %add3A_544 = vector.broadcast %add3A_543 : i32 to vector<16xi32>
    %add3A_545 = arith.addi %convert_element_type3A_542, %add3A_544 : vector<16xi32>
    %swap3A_546 = arith.constant 800 : index
    %swap3A_547 = tpu.vector_load %arg8[%swap3A_546] {strides = array<i32>} : memref<1664xi32, #tpu.memory_space<vmem>>, vector<16xi32>,
    tpu.vector_store %arg8[%swap3A_546], %add3A_545 {strides = array<i32>} : memref<1664xi32, #tpu.memory_space<vmem>>, vector<16xi32>,
    %get3A_548 = arith.constant 6 : i32
    %get3A_549 = arith.index_cast %get3A_548 : i32 to index
    %get3A_550 = arith.constant 48 : index
    %get3A_551 = tpu.vector_load %arg7[%get3A_549, %get3A_550] {strides = array<i32>} : memref<39x128xf32, #tpu.memory_space<vmem>>, vector<16xf32>,
    %convert_element_type3A_552 = arith.fptosi %get3A_551 : vector<16xf32> to vector<16xi32>
    %add3A_553 = arith.constant 600000 : i32
    %add3A_554 = vector.broadcast %add3A_553 : i32 to vector<16xi32>
    %add3A_555 = arith.addi %convert_element_type3A_552, %add3A_554 : vector<16xi32>
    %swap3A_556 = arith.constant 816 : index
    %swap3A_557 = tpu.vector_load %arg8[%swap3A_556] {strides = array<i32>} : memref<1664xi32, #tpu.memory_space<vmem>>, vector<16xi32>,
    tpu.vector_store %arg8[%swap3A_556], %add3A_555 {strides = array<i32>} : memref<1664xi32, #tpu.memory_space<vmem>>, vector<16xi32>,
    %get3A_558 = arith.constant 6 : i32
    %get3A_559 = arith.index_cast %get3A_558 : i32 to index
    %get3A_560 = arith.constant 64 : index
    %get3A_561 = tpu.vector_load %arg7[%get3A_559, %get3A_560] {strides = array<i32>} : memref<39x128xf32, #tpu.memory_space<vmem>>, vector<16xf32>,
    %convert_element_type3A_562 = arith.fptosi %get3A_561 : vector<16xf32> to vector<16xi32>
    %add3A_563 = arith.constant 600000 : i32
    %add3A_564 = vector.broadcast %add3A_563 : i32 to vector<16xi32>
    %add3A_565 = arith.addi %convert_element_type3A_562, %add3A_564 : vector<16xi32>
    %swap3A_566 = arith.constant 832 : index
    %swap3A_567 = tpu.vector_load %arg8[%swap3A_566] {strides = array<i32>} : memref<1664xi32, #tpu.memory_space<vmem>>, vector<16xi32>,
    tpu.vector_store %arg8[%swap3A_566], %add3A_565 {strides = array<i32>} : memref<1664xi32, #tpu.memory_space<vmem>>, vector<16xi32>,
    %get3A_568 = arith.constant 6 : i32
    %get3A_569 = arith.index_cast %get3A_568 : i32 to index
    %get3A_570 = arith.constant 80 : index
    %get3A_571 = tpu.vector_load %arg7[%get3A_569, %get3A_570] {strides = array<i32>} : memref<39x128xf32, #tpu.memory_space<vmem>>, vector<16xf32>,
    %convert_element_type3A_572 = arith.fptosi %get3A_571 : vector<16xf32> to vector<16xi32>
    %add3A_573 = arith.constant 600000 : i32
    %add3A_574 = vector.broadcast %add3A_573 : i32 to vector<16xi32>
    %add3A_575 = arith.addi %convert_element_type3A_572, %add3A_574 : vector<16xi32>
    %swap3A_576 = arith.constant 848 : index
    %swap3A_577 = tpu.vector_load %arg8[%swap3A_576] {strides = array<i32>} : memref<1664xi32, #tpu.memory_space<vmem>>, vector<16xi32>,
    tpu.vector_store %arg8[%swap3A_576], %add3A_575 {strides = array<i32>} : memref<1664xi32, #tpu.memory_space<vmem>>, vector<16xi32>,
    %get3A_578 = arith.constant 6 : i32
    %get3A_579 = arith.index_cast %get3A_578 : i32 to index
    %get3A_580 = arith.constant 96 : index
    %get3A_581 = tpu.vector_load %arg7[%get3A_579, %get3A_580] {strides = array<i32>} : memref<39x128xf32, #tpu.memory_space<vmem>>, vector<16xf32>,
    %convert_element_type3A_582 = arith.fptosi %get3A_581 : vector<16xf32> to vector<16xi32>
    %add3A_583 = arith.constant 600000 : i32
    %add3A_584 = vector.broadcast %add3A_583 : i32 to vector<16xi32>
    %add3A_585 = arith.addi %convert_element_type3A_582, %add3A_584 : vector<16xi32>
    %swap3A_586 = arith.constant 864 : index
    %swap3A_587 = tpu.vector_load %arg8[%swap3A_586] {strides = array<i32>} : memref<1664xi32, #tpu.memory_space<vmem>>, vector<16xi32>,
    tpu.vector_store %arg8[%swap3A_586], %add3A_585 {strides = array<i32>} : memref<1664xi32, #tpu.memory_space<vmem>>, vector<16xi32>,
    %get3A_588 = arith.constant 6 : i32
    %get3A_589 = arith.index_cast %get3A_588 : i32 to index
    %get3A_590 = arith.constant 112 : index
    %get3A_591 = tpu.vector_load %arg7[%get3A_589, %get3A_590] {strides = array<i32>} : memref<39x128xf32, #tpu.memory_space<vmem>>, vector<16xf32>,
    %convert_element_type3A_592 = arith.fptosi %get3A_591 : vector<16xf32> to vector<16xi32>
    %add3A_593 = arith.constant 600000 : i32
    %add3A_594 = vector.broadcast %add3A_593 : i32 to vector<16xi32>
    %add3A_595 = arith.addi %convert_element_type3A_592, %add3A_594 : vector<16xi32>
    %swap3A_596 = arith.constant 880 : index
    %swap3A_597 = tpu.vector_load %arg8[%swap3A_596] {strides = array<i32>} : memref<1664xi32, #tpu.memory_space<vmem>>, vector<16xi32>,
    tpu.vector_store %arg8[%swap3A_596], %add3A_595 {strides = array<i32>} : memref<1664xi32, #tpu.memory_space<vmem>>, vector<16xi32>,
    %get3A_598 = arith.constant 7 : i32
    %get3A_599 = arith.index_cast %get3A_598 : i32 to index
    %get3A_600 = arith.constant 0 : index
    %get3A_601 = tpu.vector_load %arg7[%get3A_599, %get3A_600] {strides = array<i32>} : memref<39x128xf32, #tpu.memory_space<vmem>>, vector<16xf32>,
    %convert_element_type3A_602 = arith.fptosi %get3A_601 : vector<16xf32> to vector<16xi32>
    %add3A_603 = arith.constant 700000 : i32
    %add3A_604 = vector.broadcast %add3A_603 : i32 to vector<16xi32>
    %add3A_605 = arith.addi %convert_element_type3A_602, %add3A_604 : vector<16xi32>
    %swap3A_606 = arith.constant 896 : index
    %swap3A_607 = tpu.vector_load %arg8[%swap3A_606] {strides = array<i32>} : memref<1664xi32, #tpu.memory_space<vmem>>, vector<16xi32>,
    tpu.vector_store %arg8[%swap3A_606], %add3A_605 {strides = array<i32>} : memref<1664xi32, #tpu.memory_space<vmem>>, vector<16xi32>,
    %get3A_608 = arith.constant 7 : i32
    %get3A_609 = arith.index_cast %get3A_608 : i32 to index
    %get3A_610 = arith.constant 16 : index
    %get3A_611 = tpu.vector_load %arg7[%get3A_609, %get3A_610] {strides = array<i32>} : memref<39x128xf32, #tpu.memory_space<vmem>>, vector<16xf32>,
    %convert_element_type3A_612 = arith.fptosi %get3A_611 : vector<16xf32> to vector<16xi32>
    %add3A_613 = arith.constant 700000 : i32
    %add3A_614 = vector.broadcast %add3A_613 : i32 to vector<16xi32>
    %add3A_615 = arith.addi %convert_element_type3A_612, %add3A_614 : vector<16xi32>
    %swap3A_616 = arith.constant 912 : index
    %swap3A_617 = tpu.vector_load %arg8[%swap3A_616] {strides = array<i32>} : memref<1664xi32, #tpu.memory_space<vmem>>, vector<16xi32>,
    tpu.vector_store %arg8[%swap3A_616], %add3A_615 {strides = array<i32>} : memref<1664xi32, #tpu.memory_space<vmem>>, vector<16xi32>,
    %get3A_618 = arith.constant 7 : i32
    %get3A_619 = arith.index_cast %get3A_618 : i32 to index
    %get3A_620 = arith.constant 32 : index
    %get3A_621 = tpu.vector_load %arg7[%get3A_619, %get3A_620] {strides = array<i32>} : memref<39x128xf32, #tpu.memory_space<vmem>>, vector<16xf32>,
    %convert_element_type3A_622 = arith.fptosi %get3A_621 : vector<16xf32> to vector<16xi32>
    %add3A_623 = arith.constant 700000 : i32
    %add3A_624 = vector.broadcast %add3A_623 : i32 to vector<16xi32>
    %add3A_625 = arith.addi %convert_element_type3A_622, %add3A_624 : vector<16xi32>
    %swap3A_626 = arith.constant 928 : index
    %swap3A_627 = tpu.vector_load %arg8[%swap3A_626] {strides = array<i32>} : memref<1664xi32, #tpu.memory_space<vmem>>, vector<16xi32>,
    tpu.vector_store %arg8[%swap3A_626], %add3A_625 {strides = array<i32>} : memref<1664xi32, #tpu.memory_space<vmem>>, vector<16xi32>,
    %get3A_628 = arith.constant 7 : i32
    %get3A_629 = arith.index_cast %get3A_628 : i32 to index
    %get3A_630 = arith.constant 48 : index
    %get3A_631 = tpu.vector_load %arg7[%get3A_629, %get3A_630] {strides = array<i32>} : memref<39x128xf32, #tpu.memory_space<vmem>>, vector<16xf32>,
    %convert_element_type3A_632 = arith.fptosi %get3A_631 : vector<16xf32> to vector<16xi32>
    %add3A_633 = arith.constant 700000 : i32
    %add3A_634 = vector.broadcast %add3A_633 : i32 to vector<16xi32>
    %add3A_635 = arith.addi %convert_element_type3A_632, %add3A_634 : vector<16xi32>
    %swap3A_636 = arith.constant 944 : index
    %swap3A_637 = tpu.vector_load %arg8[%swap3A_636] {strides = array<i32>} : memref<1664xi32, #tpu.memory_space<vmem>>, vector<16xi32>,
    tpu.vector_store %arg8[%swap3A_636], %add3A_635 {strides = array<i32>} : memref<1664xi32, #tpu.memory_space<vmem>>, vector<16xi32>,
    %get3A_638 = arith.constant 7 : i32
    %get3A_639 = arith.index_cast %get3A_638 : i32 to index
    %get3A_640 = arith.constant 64 : index
    %get3A_641 = tpu.vector_load %arg7[%get3A_639, %get3A_640] {strides = array<i32>} : memref<39x128xf32, #tpu.memory_space<vmem>>, vector<16xf32>,
    %convert_element_type3A_642 = arith.fptosi %get3A_641 : vector<16xf32> to vector<16xi32>
    %add3A_643 = arith.constant 700000 : i32
    %add3A_644 = vector.broadcast %add3A_643 : i32 to vector<16xi32>
    %add3A_645 = arith.addi %convert_element_type3A_642, %add3A_644 : vector<16xi32>
    %swap3A_646 = arith.constant 960 : index
    %swap3A_647 = tpu.vector_load %arg8[%swap3A_646] {strides = array<i32>} : memref<1664xi32, #tpu.memory_space<vmem>>, vector<16xi32>,
    tpu.vector_store %arg8[%swap3A_646], %add3A_645 {strides = array<i32>} : memref<1664xi32, #tpu.memory_space<vmem>>, vector<16xi32>,
    %get3A_648 = arith.constant 7 : i32
    %get3A_649 = arith.index_cast %get3A_648 : i32 to index
    %get3A_650 = arith.constant 80 : index
    %get3A_651 = tpu.vector_load %arg7[%get3A_649, %get3A_650] {strides = array<i32>} : memref<39x128xf32, #tpu.memory_space<vmem>>, vector<16xf32>,
    %convert_element_type3A_652 = arith.fptosi %get3A_651 : vector<16xf32> to vector<16xi32>
    %add3A_653 = arith.constant 700000 : i32
    %add3A_654 = vector.broadcast %add3A_653 : i32 to vector<16xi32>
    %add3A_655 = arith.addi %convert_element_type3A_652, %add3A_654 : vector<16xi32>
    %swap3A_656 = arith.constant 976 : index
    %swap3A_657 = tpu.vector_load %arg8[%swap3A_656] {strides = array<i32>} : memref<1664xi32, #tpu.memory_space<vmem>>, vector<16xi32>,
    tpu.vector_store %arg8[%swap3A_656], %add3A_655 {strides = array<i32>} : memref<1664xi32, #tpu.memory_space<vmem>>, vector<16xi32>,
    %get3A_658 = arith.constant 7 : i32
    %get3A_659 = arith.index_cast %get3A_658 : i32 to index
    %get3A_660 = arith.constant 96 : index
    %get3A_661 = tpu.vector_load %arg7[%get3A_659, %get3A_660] {strides = array<i32>} : memref<39x128xf32, #tpu.memory_space<vmem>>, vector<16xf32>,
    %convert_element_type3A_662 = arith.fptosi %get3A_661 : vector<16xf32> to vector<16xi32>
    %add3A_663 = arith.constant 700000 : i32
    %add3A_664 = vector.broadcast %add3A_663 : i32 to vector<16xi32>
    %add3A_665 = arith.addi %convert_element_type3A_662, %add3A_664 : vector<16xi32>
    %swap3A_666 = arith.constant 992 : index
    %swap3A_667 = tpu.vector_load %arg8[%swap3A_666] {strides = array<i32>} : memref<1664xi32, #tpu.memory_space<vmem>>, vector<16xi32>,
    tpu.vector_store %arg8[%swap3A_666], %add3A_665 {strides = array<i32>} : memref<1664xi32, #tpu.memory_space<vmem>>, vector<16xi32>,
    %get3A_668 = arith.constant 7 : i32
    %get3A_669 = arith.index_cast %get3A_668 : i32 to index
    %get3A_670 = arith.constant 112 : index
    %get3A_671 = tpu.vector_load %arg7[%get3A_669, %get3A_670] {strides = array<i32>} : memref<39x128xf32, #tpu.memory_space<vmem>>, vector<16xf32>,
    %convert_element_type3A_672 = arith.fptosi %get3A_671 : vector<16xf32> to vector<16xi32>
    %add3A_673 = arith.constant 700000 : i32
    %add3A_674 = vector.broadcast %add3A_673 : i32 to vector<16xi32>
    %add3A_675 = arith.addi %convert_element_type3A_672, %add3A_674 : vector<16xi32>
    %swap3A_676 = arith.constant 1008 : index
    %swap3A_677 = tpu.vector_load %arg8[%swap3A_676] {strides = array<i32>} : memref<1664xi32, #tpu.memory_space<vmem>>, vector<16xi32>,
    tpu.vector_store %arg8[%swap3A_676], %add3A_675 {strides = array<i32>} : memref<1664xi32, #tpu.memory_space<vmem>>, vector<16xi32>,
    %get3A_678 = arith.constant 8 : i32
    %get3A_679 = arith.index_cast %get3A_678 : i32 to index
    %get3A_680 = arith.constant 0 : index
    %get3A_681 = tpu.vector_load %arg7[%get3A_679, %get3A_680] {strides = array<i32>} : memref<39x128xf32, #tpu.memory_space<vmem>>, vector<16xf32>,
    %convert_element_type3A_682 = arith.fptosi %get3A_681 : vector<16xf32> to vector<16xi32>
    %add3A_683 = arith.constant 800000 : i32
    %add3A_684 = vector.broadcast %add3A_683 : i32 to vector<16xi32>
    %add3A_685 = arith.addi %convert_element_type3A_682, %add3A_684 : vector<16xi32>
    %swap3A_686 = arith.constant 1024 : index
    %swap3A_687 = tpu.vector_load %arg8[%swap3A_686] {strides = array<i32>} : memref<1664xi32, #tpu.memory_space<vmem>>, vector<16xi32>,
    tpu.vector_store %arg8[%swap3A_686], %add3A_685 {strides = array<i32>} : memref<1664xi32, #tpu.memory_space<vmem>>, vector<16xi32>,
    %get3A_688 = arith.constant 8 : i32
    %get3A_689 = arith.index_cast %get3A_688 : i32 to index
    %get3A_690 = arith.constant 16 : index
    %get3A_691 = tpu.vector_load %arg7[%get3A_689, %get3A_690] {strides = array<i32>} : memref<39x128xf32, #tpu.memory_space<vmem>>, vector<16xf32>,
    %convert_element_type3A_692 = arith.fptosi %get3A_691 : vector<16xf32> to vector<16xi32>
    %add3A_693 = arith.constant 800000 : i32
    %add3A_694 = vector.broadcast %add3A_693 : i32 to vector<16xi32>
    %add3A_695 = arith.addi %convert_element_type3A_692, %add3A_694 : vector<16xi32>
    %swap3A_696 = arith.constant 1040 : index
    %swap3A_697 = tpu.vector_load %arg8[%swap3A_696] {strides = array<i32>} : memref<1664xi32, #tpu.memory_space<vmem>>, vector<16xi32>,
    tpu.vector_store %arg8[%swap3A_696], %add3A_695 {strides = array<i32>} : memref<1664xi32, #tpu.memory_space<vmem>>, vector<16xi32>,
    %get3A_698 = arith.constant 8 : i32
    %get3A_699 = arith.index_cast %get3A_698 : i32 to index
    %get3A_700 = arith.constant 32 : index
    %get3A_701 = tpu.vector_load %arg7[%get3A_699, %get3A_700] {strides = array<i32>} : memref<39x128xf32, #tpu.memory_space<vmem>>, vector<16xf32>,
    %convert_element_type3A_702 = arith.fptosi %get3A_701 : vector<16xf32> to vector<16xi32>
    %add3A_703 = arith.constant 800000 : i32
    %add3A_704 = vector.broadcast %add3A_703 : i32 to vector<16xi32>
    %add3A_705 = arith.addi %convert_element_type3A_702, %add3A_704 : vector<16xi32>
    %swap3A_706 = arith.constant 1056 : index
    %swap3A_707 = tpu.vector_load %arg8[%swap3A_706] {strides = array<i32>} : memref<1664xi32, #tpu.memory_space<vmem>>, vector<16xi32>,
    tpu.vector_store %arg8[%swap3A_706], %add3A_705 {strides = array<i32>} : memref<1664xi32, #tpu.memory_space<vmem>>, vector<16xi32>,
    %get3A_708 = arith.constant 8 : i32
    %get3A_709 = arith.index_cast %get3A_708 : i32 to index
    %get3A_710 = arith.constant 48 : index
    %get3A_711 = tpu.vector_load %arg7[%get3A_709, %get3A_710] {strides = array<i32>} : memref<39x128xf32, #tpu.memory_space<vmem>>, vector<16xf32>,
    %convert_element_type3A_712 = arith.fptosi %get3A_711 : vector<16xf32> to vector<16xi32>
    %add3A_713 = arith.constant 800000 : i32
    %add3A_714 = vector.broadcast %add3A_713 : i32 to vector<16xi32>
    %add3A_715 = arith.addi %convert_element_type3A_712, %add3A_714 : vector<16xi32>
    %swap3A_716 = arith.constant 1072 : index
    %swap3A_717 = tpu.vector_load %arg8[%swap3A_716] {strides = array<i32>} : memref<1664xi32, #tpu.memory_space<vmem>>, vector<16xi32>,
    tpu.vector_store %arg8[%swap3A_716], %add3A_715 {strides = array<i32>} : memref<1664xi32, #tpu.memory_space<vmem>>, vector<16xi32>,
    %get3A_718 = arith.constant 8 : i32
    %get3A_719 = arith.index_cast %get3A_718 : i32 to index
    %get3A_720 = arith.constant 64 : index
    %get3A_721 = tpu.vector_load %arg7[%get3A_719, %get3A_720] {strides = array<i32>} : memref<39x128xf32, #tpu.memory_space<vmem>>, vector<16xf32>,
    %convert_element_type3A_722 = arith.fptosi %get3A_721 : vector<16xf32> to vector<16xi32>
    %add3A_723 = arith.constant 800000 : i32
    %add3A_724 = vector.broadcast %add3A_723 : i32 to vector<16xi32>
    %add3A_725 = arith.addi %convert_element_type3A_722, %add3A_724 : vector<16xi32>
    %swap3A_726 = arith.constant 1088 : index
    %swap3A_727 = tpu.vector_load %arg8[%swap3A_726] {strides = array<i32>} : memref<1664xi32, #tpu.memory_space<vmem>>, vector<16xi32>,
    tpu.vector_store %arg8[%swap3A_726], %add3A_725 {strides = array<i32>} : memref<1664xi32, #tpu.memory_space<vmem>>, vector<16xi32>,
    %get3A_728 = arith.constant 8 : i32
    %get3A_729 = arith.index_cast %get3A_728 : i32 to index
    %get3A_730 = arith.constant 80 : index
    %get3A_731 = tpu.vector_load %arg7[%get3A_729, %get3A_730] {strides = array<i32>} : memref<39x128xf32, #tpu.memory_space<vmem>>, vector<16xf32>,
    %convert_element_type3A_732 = arith.fptosi %get3A_731 : vector<16xf32> to vector<16xi32>
    %add3A_733 = arith.constant 800000 : i32
    %add3A_734 = vector.broadcast %add3A_733 : i32 to vector<16xi32>
    %add3A_735 = arith.addi %convert_element_type3A_732, %add3A_734 : vector<16xi32>
    %swap3A_736 = arith.constant 1104 : index
    %swap3A_737 = tpu.vector_load %arg8[%swap3A_736] {strides = array<i32>} : memref<1664xi32, #tpu.memory_space<vmem>>, vector<16xi32>,
    tpu.vector_store %arg8[%swap3A_736], %add3A_735 {strides = array<i32>} : memref<1664xi32, #tpu.memory_space<vmem>>, vector<16xi32>,
    %get3A_738 = arith.constant 8 : i32
    %get3A_739 = arith.index_cast %get3A_738 : i32 to index
    %get3A_740 = arith.constant 96 : index
    %get3A_741 = tpu.vector_load %arg7[%get3A_739, %get3A_740] {strides = array<i32>} : memref<39x128xf32, #tpu.memory_space<vmem>>, vector<16xf32>,
    %convert_element_type3A_742 = arith.fptosi %get3A_741 : vector<16xf32> to vector<16xi32>
    %add3A_743 = arith.constant 800000 : i32
    %add3A_744 = vector.broadcast %add3A_743 : i32 to vector<16xi32>
    %add3A_745 = arith.addi %convert_element_type3A_742, %add3A_744 : vector<16xi32>
    %swap3A_746 = arith.constant 1120 : index
    %swap3A_747 = tpu.vector_load %arg8[%swap3A_746] {strides = array<i32>} : memref<1664xi32, #tpu.memory_space<vmem>>, vector<16xi32>,
    tpu.vector_store %arg8[%swap3A_746], %add3A_745 {strides = array<i32>} : memref<1664xi32, #tpu.memory_space<vmem>>, vector<16xi32>,
    %get3A_748 = arith.constant 8 : i32
    %get3A_749 = arith.index_cast %get3A_748 : i32 to index
    %get3A_750 = arith.constant 112 : index
    %get3A_751 = tpu.vector_load %arg7[%get3A_749, %get3A_750] {strides = array<i32>} : memref<39x128xf32, #tpu.memory_space<vmem>>, vector<16xf32>,
    %convert_element_type3A_752 = arith.fptosi %get3A_751 : vector<16xf32> to vector<16xi32>
    %add3A_753 = arith.constant 800000 : i32
    %add3A_754 = vector.broadcast %add3A_753 : i32 to vector<16xi32>
    %add3A_755 = arith.addi %convert_element_type3A_752, %add3A_754 : vector<16xi32>
    %swap3A_756 = arith.constant 1136 : index
    %swap3A_757 = tpu.vector_load %arg8[%swap3A_756] {strides = array<i32>} : memref<1664xi32, #tpu.memory_space<vmem>>, vector<16xi32>,
    tpu.vector_store %arg8[%swap3A_756], %add3A_755 {strides = array<i32>} : memref<1664xi32, #tpu.memory_space<vmem>>, vector<16xi32>,
    %get3A_758 = arith.constant 9 : i32
    %get3A_759 = arith.index_cast %get3A_758 : i32 to index
    %get3A_760 = arith.constant 0 : index
    %get3A_761 = tpu.vector_load %arg7[%get3A_759, %get3A_760] {strides = array<i32>} : memref<39x128xf32, #tpu.memory_space<vmem>>, vector<16xf32>,
    %convert_element_type3A_762 = arith.fptosi %get3A_761 : vector<16xf32> to vector<16xi32>
    %add3A_763 = arith.constant 900000 : i32
    %add3A_764 = vector.broadcast %add3A_763 : i32 to vector<16xi32>
    %add3A_765 = arith.addi %convert_element_type3A_762, %add3A_764 : vector<16xi32>
    %swap3A_766 = arith.constant 1152 : index
    %swap3A_767 = tpu.vector_load %arg8[%swap3A_766] {strides = array<i32>} : memref<1664xi32, #tpu.memory_space<vmem>>, vector<16xi32>,
    tpu.vector_store %arg8[%swap3A_766], %add3A_765 {strides = array<i32>} : memref<1664xi32, #tpu.memory_space<vmem>>, vector<16xi32>,
    %get3A_768 = arith.constant 9 : i32
    %get3A_769 = arith.index_cast %get3A_768 : i32 to index
    %get3A_770 = arith.constant 16 : index
    %get3A_771 = tpu.vector_load %arg7[%get3A_769, %get3A_770] {strides = array<i32>} : memref<39x128xf32, #tpu.memory_space<vmem>>, vector<16xf32>,
    %convert_element_type3A_772 = arith.fptosi %get3A_771 : vector<16xf32> to vector<16xi32>
    %add3A_773 = arith.constant 900000 : i32
    %add3A_774 = vector.broadcast %add3A_773 : i32 to vector<16xi32>
    %add3A_775 = arith.addi %convert_element_type3A_772, %add3A_774 : vector<16xi32>
    %swap3A_776 = arith.constant 1168 : index
    %swap3A_777 = tpu.vector_load %arg8[%swap3A_776] {strides = array<i32>} : memref<1664xi32, #tpu.memory_space<vmem>>, vector<16xi32>,
    tpu.vector_store %arg8[%swap3A_776], %add3A_775 {strides = array<i32>} : memref<1664xi32, #tpu.memory_space<vmem>>, vector<16xi32>,
    %get3A_778 = arith.constant 9 : i32
    %get3A_779 = arith.index_cast %get3A_778 : i32 to index
    %get3A_780 = arith.constant 32 : index
    %get3A_781 = tpu.vector_load %arg7[%get3A_779, %get3A_780] {strides = array<i32>} : memref<39x128xf32, #tpu.memory_space<vmem>>, vector<16xf32>,
    %convert_element_type3A_782 = arith.fptosi %get3A_781 : vector<16xf32> to vector<16xi32>
    %add3A_783 = arith.constant 900000 : i32
    %add3A_784 = vector.broadcast %add3A_783 : i32 to vector<16xi32>
    %add3A_785 = arith.addi %convert_element_type3A_782, %add3A_784 : vector<16xi32>
    %swap3A_786 = arith.constant 1184 : index
    %swap3A_787 = tpu.vector_load %arg8[%swap3A_786] {strides = array<i32>} : memref<1664xi32, #tpu.memory_space<vmem>>, vector<16xi32>,
    tpu.vector_store %arg8[%swap3A_786], %add3A_785 {strides = array<i32>} : memref<1664xi32, #tpu.memory_space<vmem>>, vector<16xi32>,
    %get3A_788 = arith.constant 9 : i32
    %get3A_789 = arith.index_cast %get3A_788 : i32 to index
    %get3A_790 = arith.constant 48 : index
    %get3A_791 = tpu.vector_load %arg7[%get3A_789, %get3A_790] {strides = array<i32>} : memref<39x128xf32, #tpu.memory_space<vmem>>, vector<16xf32>,
    %convert_element_type3A_792 = arith.fptosi %get3A_791 : vector<16xf32> to vector<16xi32>
    %add3A_793 = arith.constant 900000 : i32
    %add3A_794 = vector.broadcast %add3A_793 : i32 to vector<16xi32>
    %add3A_795 = arith.addi %convert_element_type3A_792, %add3A_794 : vector<16xi32>
    %swap3A_796 = arith.constant 1200 : index
    %swap3A_797 = tpu.vector_load %arg8[%swap3A_796] {strides = array<i32>} : memref<1664xi32, #tpu.memory_space<vmem>>, vector<16xi32>,
    tpu.vector_store %arg8[%swap3A_796], %add3A_795 {strides = array<i32>} : memref<1664xi32, #tpu.memory_space<vmem>>, vector<16xi32>,
    %get3A_798 = arith.constant 9 : i32
    %get3A_799 = arith.index_cast %get3A_798 : i32 to index
    %get3A_800 = arith.constant 64 : index
    %get3A_801 = tpu.vector_load %arg7[%get3A_799, %get3A_800] {strides = array<i32>} : memref<39x128xf32, #tpu.memory_space<vmem>>, vector<16xf32>,
    %convert_element_type3A_802 = arith.fptosi %get3A_801 : vector<16xf32> to vector<16xi32>
    %add3A_803 = arith.constant 900000 : i32
    %add3A_804 = vector.broadcast %add3A_803 : i32 to vector<16xi32>
    %add3A_805 = arith.addi %convert_element_type3A_802, %add3A_804 : vector<16xi32>
    %swap3A_806 = arith.constant 1216 : index
    %swap3A_807 = tpu.vector_load %arg8[%swap3A_806] {strides = array<i32>} : memref<1664xi32, #tpu.memory_space<vmem>>, vector<16xi32>,
    tpu.vector_store %arg8[%swap3A_806], %add3A_805 {strides = array<i32>} : memref<1664xi32, #tpu.memory_space<vmem>>, vector<16xi32>,
    %get3A_808 = arith.constant 9 : i32
    %get3A_809 = arith.index_cast %get3A_808 : i32 to index
    %get3A_810 = arith.constant 80 : index
    %get3A_811 = tpu.vector_load %arg7[%get3A_809, %get3A_810] {strides = array<i32>} : memref<39x128xf32, #tpu.memory_space<vmem>>, vector<16xf32>,
    %convert_element_type3A_812 = arith.fptosi %get3A_811 : vector<16xf32> to vector<16xi32>
    %add3A_813 = arith.constant 900000 : i32
    %add3A_814 = vector.broadcast %add3A_813 : i32 to vector<16xi32>
    %add3A_815 = arith.addi %convert_element_type3A_812, %add3A_814 : vector<16xi32>
    %swap3A_816 = arith.constant 1232 : index
    %swap3A_817 = tpu.vector_load %arg8[%swap3A_816] {strides = array<i32>} : memref<1664xi32, #tpu.memory_space<vmem>>, vector<16xi32>,
    tpu.vector_store %arg8[%swap3A_816], %add3A_815 {strides = array<i32>} : memref<1664xi32, #tpu.memory_space<vmem>>, vector<16xi32>,
    %get3A_818 = arith.constant 9 : i32
    %get3A_819 = arith.index_cast %get3A_818 : i32 to index
    %get3A_820 = arith.constant 96 : index
    %get3A_821 = tpu.vector_load %arg7[%get3A_819, %get3A_820] {strides = array<i32>} : memref<39x128xf32, #tpu.memory_space<vmem>>, vector<16xf32>,
    %convert_element_type3A_822 = arith.fptosi %get3A_821 : vector<16xf32> to vector<16xi32>
    %add3A_823 = arith.constant 900000 : i32
    %add3A_824 = vector.broadcast %add3A_823 : i32 to vector<16xi32>
    %add3A_825 = arith.addi %convert_element_type3A_822, %add3A_824 : vector<16xi32>
    %swap3A_826 = arith.constant 1248 : index
    %swap3A_827 = tpu.vector_load %arg8[%swap3A_826] {strides = array<i32>} : memref<1664xi32, #tpu.memory_space<vmem>>, vector<16xi32>,
    tpu.vector_store %arg8[%swap3A_826], %add3A_825 {strides = array<i32>} : memref<1664xi32, #tpu.memory_space<vmem>>, vector<16xi32>,
    %get3A_828 = arith.constant 9 : i32
    %get3A_829 = arith.index_cast %get3A_828 : i32 to index
    %get3A_830 = arith.constant 112 : index
    %get3A_831 = tpu.vector_load %arg7[%get3A_829, %get3A_830] {strides = array<i32>} : memref<39x128xf32, #tpu.memory_space<vmem>>, vector<16xf32>,
    %convert_element_type3A_832 = arith.fptosi %get3A_831 : vector<16xf32> to vector<16xi32>
    %add3A_833 = arith.constant 900000 : i32
    %add3A_834 = vector.broadcast %add3A_833 : i32 to vector<16xi32>
    %add3A_835 = arith.addi %convert_element_type3A_832, %add3A_834 : vector<16xi32>
    %swap3A_836 = arith.constant 1264 : index
    %swap3A_837 = tpu.vector_load %arg8[%swap3A_836] {strides = array<i32>} : memref<1664xi32, #tpu.memory_space<vmem>>, vector<16xi32>,
    tpu.vector_store %arg8[%swap3A_836], %add3A_835 {strides = array<i32>} : memref<1664xi32, #tpu.memory_space<vmem>>, vector<16xi32>,
    %get3A_838 = arith.constant 10 : i32
    %get3A_839 = arith.index_cast %get3A_838 : i32 to index
    %get3A_840 = arith.constant 0 : index
    %get3A_841 = tpu.vector_load %arg7[%get3A_839, %get3A_840] {strides = array<i32>} : memref<39x128xf32, #tpu.memory_space<vmem>>, vector<16xf32>,
    %convert_element_type3A_842 = arith.fptosi %get3A_841 : vector<16xf32> to vector<16xi32>
    %add3A_843 = arith.constant 1000000 : i32
    %add3A_844 = vector.broadcast %add3A_843 : i32 to vector<16xi32>
    %add3A_845 = arith.addi %convert_element_type3A_842, %add3A_844 : vector<16xi32>
    %swap3A_846 = arith.constant 1280 : index
    %swap3A_847 = tpu.vector_load %arg8[%swap3A_846] {strides = array<i32>} : memref<1664xi32, #tpu.memory_space<vmem>>, vector<16xi32>,
    tpu.vector_store %arg8[%swap3A_846], %add3A_845 {strides = array<i32>} : memref<1664xi32, #tpu.memory_space<vmem>>, vector<16xi32>,
    %get3A_848 = arith.constant 10 : i32
    %get3A_849 = arith.index_cast %get3A_848 : i32 to index
    %get3A_850 = arith.constant 16 : index
    %get3A_851 = tpu.vector_load %arg7[%get3A_849, %get3A_850] {strides = array<i32>} : memref<39x128xf32, #tpu.memory_space<vmem>>, vector<16xf32>,
    %convert_element_type3A_852 = arith.fptosi %get3A_851 : vector<16xf32> to vector<16xi32>
    %add3A_853 = arith.constant 1000000 : i32
    %add3A_854 = vector.broadcast %add3A_853 : i32 to vector<16xi32>
    %add3A_855 = arith.addi %convert_element_type3A_852, %add3A_854 : vector<16xi32>
    %swap3A_856 = arith.constant 1296 : index
    %swap3A_857 = tpu.vector_load %arg8[%swap3A_856] {strides = array<i32>} : memref<1664xi32, #tpu.memory_space<vmem>>, vector<16xi32>,
    tpu.vector_store %arg8[%swap3A_856], %add3A_855 {strides = array<i32>} : memref<1664xi32, #tpu.memory_space<vmem>>, vector<16xi32>,
    %get3A_858 = arith.constant 10 : i32
    %get3A_859 = arith.index_cast %get3A_858 : i32 to index
    %get3A_860 = arith.constant 32 : index
    %get3A_861 = tpu.vector_load %arg7[%get3A_859, %get3A_860] {strides = array<i32>} : memref<39x128xf32, #tpu.memory_space<vmem>>, vector<16xf32>,
    %convert_element_type3A_862 = arith.fptosi %get3A_861 : vector<16xf32> to vector<16xi32>
    %add3A_863 = arith.constant 1000000 : i32
    %add3A_864 = vector.broadcast %add3A_863 : i32 to vector<16xi32>
    %add3A_865 = arith.addi %convert_element_type3A_862, %add3A_864 : vector<16xi32>
    %swap3A_866 = arith.constant 1312 : index
    %swap3A_867 = tpu.vector_load %arg8[%swap3A_866] {strides = array<i32>} : memref<1664xi32, #tpu.memory_space<vmem>>, vector<16xi32>,
    tpu.vector_store %arg8[%swap3A_866], %add3A_865 {strides = array<i32>} : memref<1664xi32, #tpu.memory_space<vmem>>, vector<16xi32>,
    %get3A_868 = arith.constant 10 : i32
    %get3A_869 = arith.index_cast %get3A_868 : i32 to index
    %get3A_870 = arith.constant 48 : index
    %get3A_871 = tpu.vector_load %arg7[%get3A_869, %get3A_870] {strides = array<i32>} : memref<39x128xf32, #tpu.memory_space<vmem>>, vector<16xf32>,
    %convert_element_type3A_872 = arith.fptosi %get3A_871 : vector<16xf32> to vector<16xi32>
    %add3A_873 = arith.constant 1000000 : i32
    %add3A_874 = vector.broadcast %add3A_873 : i32 to vector<16xi32>
    %add3A_875 = arith.addi %convert_element_type3A_872, %add3A_874 : vector<16xi32>
    %swap3A_876 = arith.constant 1328 : index
    %swap3A_877 = tpu.vector_load %arg8[%swap3A_876] {strides = array<i32>} : memref<1664xi32, #tpu.memory_space<vmem>>, vector<16xi32>,
    tpu.vector_store %arg8[%swap3A_876], %add3A_875 {strides = array<i32>} : memref<1664xi32, #tpu.memory_space<vmem>>, vector<16xi32>,
    %get3A_878 = arith.constant 10 : i32
    %get3A_879 = arith.index_cast %get3A_878 : i32 to index
    %get3A_880 = arith.constant 64 : index
    %get3A_881 = tpu.vector_load %arg7[%get3A_879, %get3A_880] {strides = array<i32>} : memref<39x128xf32, #tpu.memory_space<vmem>>, vector<16xf32>,
    %convert_element_type3A_882 = arith.fptosi %get3A_881 : vector<16xf32> to vector<16xi32>
    %add3A_883 = arith.constant 1000000 : i32
    %add3A_884 = vector.broadcast %add3A_883 : i32 to vector<16xi32>
    %add3A_885 = arith.addi %convert_element_type3A_882, %add3A_884 : vector<16xi32>
    %swap3A_886 = arith.constant 1344 : index
    %swap3A_887 = tpu.vector_load %arg8[%swap3A_886] {strides = array<i32>} : memref<1664xi32, #tpu.memory_space<vmem>>, vector<16xi32>,
    tpu.vector_store %arg8[%swap3A_886], %add3A_885 {strides = array<i32>} : memref<1664xi32, #tpu.memory_space<vmem>>, vector<16xi32>,
    %get3A_888 = arith.constant 10 : i32
    %get3A_889 = arith.index_cast %get3A_888 : i32 to index
    %get3A_890 = arith.constant 80 : index
    %get3A_891 = tpu.vector_load %arg7[%get3A_889, %get3A_890] {strides = array<i32>} : memref<39x128xf32, #tpu.memory_space<vmem>>, vector<16xf32>,
    %convert_element_type3A_892 = arith.fptosi %get3A_891 : vector<16xf32> to vector<16xi32>
    %add3A_893 = arith.constant 1000000 : i32
    %add3A_894 = vector.broadcast %add3A_893 : i32 to vector<16xi32>
    %add3A_895 = arith.addi %convert_element_type3A_892, %add3A_894 : vector<16xi32>
    %swap3A_896 = arith.constant 1360 : index
    %swap3A_897 = tpu.vector_load %arg8[%swap3A_896] {strides = array<i32>} : memref<1664xi32, #tpu.memory_space<vmem>>, vector<16xi32>,
    tpu.vector_store %arg8[%swap3A_896], %add3A_895 {strides = array<i32>} : memref<1664xi32, #tpu.memory_space<vmem>>, vector<16xi32>,
    %get3A_898 = arith.constant 10 : i32
    %get3A_899 = arith.index_cast %get3A_898 : i32 to index
    %get3A_900 = arith.constant 96 : index
    %get3A_901 = tpu.vector_load %arg7[%get3A_899, %get3A_900] {strides = array<i32>} : memref<39x128xf32, #tpu.memory_space<vmem>>, vector<16xf32>,
    %convert_element_type3A_902 = arith.fptosi %get3A_901 : vector<16xf32> to vector<16xi32>
    %add3A_903 = arith.constant 1000000 : i32
    %add3A_904 = vector.broadcast %add3A_903 : i32 to vector<16xi32>
    %add3A_905 = arith.addi %convert_element_type3A_902, %add3A_904 : vector<16xi32>
    %swap3A_906 = arith.constant 1376 : index
    %swap3A_907 = tpu.vector_load %arg8[%swap3A_906] {strides = array<i32>} : memref<1664xi32, #tpu.memory_space<vmem>>, vector<16xi32>,
    tpu.vector_store %arg8[%swap3A_906], %add3A_905 {strides = array<i32>} : memref<1664xi32, #tpu.memory_space<vmem>>, vector<16xi32>,
    %get3A_908 = arith.constant 10 : i32
    %get3A_909 = arith.index_cast %get3A_908 : i32 to index
    %get3A_910 = arith.constant 112 : index
    %get3A_911 = tpu.vector_load %arg7[%get3A_909, %get3A_910] {strides = array<i32>} : memref<39x128xf32, #tpu.memory_space<vmem>>, vector<16xf32>,
    %convert_element_type3A_912 = arith.fptosi %get3A_911 : vector<16xf32> to vector<16xi32>
    %add3A_913 = arith.constant 1000000 : i32
    %add3A_914 = vector.broadcast %add3A_913 : i32 to vector<16xi32>
    %add3A_915 = arith.addi %convert_element_type3A_912, %add3A_914 : vector<16xi32>
    %swap3A_916 = arith.constant 1392 : index
    %swap3A_917 = tpu.vector_load %arg8[%swap3A_916] {strides = array<i32>} : memref<1664xi32, #tpu.memory_space<vmem>>, vector<16xi32>,
    tpu.vector_store %arg8[%swap3A_916], %add3A_915 {strides = array<i32>} : memref<1664xi32, #tpu.memory_space<vmem>>, vector<16xi32>,
    %get3A_918 = arith.constant 11 : i32
    %get3A_919 = arith.index_cast %get3A_918 : i32 to index
    %get3A_920 = arith.constant 0 : index
    %get3A_921 = tpu.vector_load %arg7[%get3A_919, %get3A_920] {strides = array<i32>} : memref<39x128xf32, #tpu.memory_space<vmem>>, vector<16xf32>,
    %convert_element_type3A_922 = arith.fptosi %get3A_921 : vector<16xf32> to vector<16xi32>
    %add3A_923 = arith.constant 1100000 : i32
    %add3A_924 = vector.broadcast %add3A_923 : i32 to vector<16xi32>
    %add3A_925 = arith.addi %convert_element_type3A_922, %add3A_924 : vector<16xi32>
    %swap3A_926 = arith.constant 1408 : index
    %swap3A_927 = tpu.vector_load %arg8[%swap3A_926] {strides = array<i32>} : memref<1664xi32, #tpu.memory_space<vmem>>, vector<16xi32>,
    tpu.vector_store %arg8[%swap3A_926], %add3A_925 {strides = array<i32>} : memref<1664xi32, #tpu.memory_space<vmem>>, vector<16xi32>,
    %get3A_928 = arith.constant 11 : i32
    %get3A_929 = arith.index_cast %get3A_928 : i32 to index
    %get3A_930 = arith.constant 16 : index
    %get3A_931 = tpu.vector_load %arg7[%get3A_929, %get3A_930] {strides = array<i32>} : memref<39x128xf32, #tpu.memory_space<vmem>>, vector<16xf32>,
    %convert_element_type3A_932 = arith.fptosi %get3A_931 : vector<16xf32> to vector<16xi32>
    %add3A_933 = arith.constant 1100000 : i32
    %add3A_934 = vector.broadcast %add3A_933 : i32 to vector<16xi32>
    %add3A_935 = arith.addi %convert_element_type3A_932, %add3A_934 : vector<16xi32>
    %swap3A_936 = arith.constant 1424 : index
    %swap3A_937 = tpu.vector_load %arg8[%swap3A_936] {strides = array<i32>} : memref<1664xi32, #tpu.memory_space<vmem>>, vector<16xi32>,
    tpu.vector_store %arg8[%swap3A_936], %add3A_935 {strides = array<i32>} : memref<1664xi32, #tpu.memory_space<vmem>>, vector<16xi32>,
    %get3A_938 = arith.constant 11 : i32
    %get3A_939 = arith.index_cast %get3A_938 : i32 to index
    %get3A_940 = arith.constant 32 : index
    %get3A_941 = tpu.vector_load %arg7[%get3A_939, %get3A_940] {strides = array<i32>} : memref<39x128xf32, #tpu.memory_space<vmem>>, vector<16xf32>,
    %convert_element_type3A_942 = arith.fptosi %get3A_941 : vector<16xf32> to vector<16xi32>
    %add3A_943 = arith.constant 1100000 : i32
    %add3A_944 = vector.broadcast %add3A_943 : i32 to vector<16xi32>
    %add3A_945 = arith.addi %convert_element_type3A_942, %add3A_944 : vector<16xi32>
    %swap3A_946 = arith.constant 1440 : index
    %swap3A_947 = tpu.vector_load %arg8[%swap3A_946] {strides = array<i32>} : memref<1664xi32, #tpu.memory_space<vmem>>, vector<16xi32>,
    tpu.vector_store %arg8[%swap3A_946], %add3A_945 {strides = array<i32>} : memref<1664xi32, #tpu.memory_space<vmem>>, vector<16xi32>,
    %get3A_948 = arith.constant 11 : i32
    %get3A_949 = arith.index_cast %get3A_948 : i32 to index
    %get3A_950 = arith.constant 48 : index
    %get3A_951 = tpu.vector_load %arg7[%get3A_949, %get3A_950] {strides = array<i32>} : memref<39x128xf32, #tpu.memory_space<vmem>>, vector<16xf32>,
    %convert_element_type3A_952 = arith.fptosi %get3A_951 : vector<16xf32> to vector<16xi32>
    %add3A_953 = arith.constant 1100000 : i32
    %add3A_954 = vector.broadcast %add3A_953 : i32 to vector<16xi32>
    %add3A_955 = arith.addi %convert_element_type3A_952, %add3A_954 : vector<16xi32>
    %swap3A_956 = arith.constant 1456 : index
    %swap3A_957 = tpu.vector_load %arg8[%swap3A_956] {strides = array<i32>} : memref<1664xi32, #tpu.memory_space<vmem>>, vector<16xi32>,
    tpu.vector_store %arg8[%swap3A_956], %add3A_955 {strides = array<i32>} : memref<1664xi32, #tpu.memory_space<vmem>>, vector<16xi32>,
    %get3A_958 = arith.constant 11 : i32
    %get3A_959 = arith.index_cast %get3A_958 : i32 to index
    %get3A_960 = arith.constant 64 : index
    %get3A_961 = tpu.vector_load %arg7[%get3A_959, %get3A_960] {strides = array<i32>} : memref<39x128xf32, #tpu.memory_space<vmem>>, vector<16xf32>,
    %convert_element_type3A_962 = arith.fptosi %get3A_961 : vector<16xf32> to vector<16xi32>
    %add3A_963 = arith.constant 1100000 : i32
    %add3A_964 = vector.broadcast %add3A_963 : i32 to vector<16xi32>
    %add3A_965 = arith.addi %convert_element_type3A_962, %add3A_964 : vector<16xi32>
    %swap3A_966 = arith.constant 1472 : index
    %swap3A_967 = tpu.vector_load %arg8[%swap3A_966] {strides = array<i32>} : memref<1664xi32, #tpu.memory_space<vmem>>, vector<16xi32>,
    tpu.vector_store %arg8[%swap3A_966], %add3A_965 {strides = array<i32>} : memref<1664xi32, #tpu.memory_space<vmem>>, vector<16xi32>,
    %get3A_968 = arith.constant 11 : i32
    %get3A_969 = arith.index_cast %get3A_968 : i32 to index
    %get3A_970 = arith.constant 80 : index
    %get3A_971 = tpu.vector_load %arg7[%get3A_969, %get3A_970] {strides = array<i32>} : memref<39x128xf32, #tpu.memory_space<vmem>>, vector<16xf32>,
    %convert_element_type3A_972 = arith.fptosi %get3A_971 : vector<16xf32> to vector<16xi32>
    %add3A_973 = arith.constant 1100000 : i32
    %add3A_974 = vector.broadcast %add3A_973 : i32 to vector<16xi32>
    %add3A_975 = arith.addi %convert_element_type3A_972, %add3A_974 : vector<16xi32>
    %swap3A_976 = arith.constant 1488 : index
    %swap3A_977 = tpu.vector_load %arg8[%swap3A_976] {strides = array<i32>} : memref<1664xi32, #tpu.memory_space<vmem>>, vector<16xi32>,
    tpu.vector_store %arg8[%swap3A_976], %add3A_975 {strides = array<i32>} : memref<1664xi32, #tpu.memory_space<vmem>>, vector<16xi32>,
    %get3A_978 = arith.constant 11 : i32
    %get3A_979 = arith.index_cast %get3A_978 : i32 to index
    %get3A_980 = arith.constant 96 : index
    %get3A_981 = tpu.vector_load %arg7[%get3A_979, %get3A_980] {strides = array<i32>} : memref<39x128xf32, #tpu.memory_space<vmem>>, vector<16xf32>,
    %convert_element_type3A_982 = arith.fptosi %get3A_981 : vector<16xf32> to vector<16xi32>
    %add3A_983 = arith.constant 1100000 : i32
    %add3A_984 = vector.broadcast %add3A_983 : i32 to vector<16xi32>
    %add3A_985 = arith.addi %convert_element_type3A_982, %add3A_984 : vector<16xi32>
    %swap3A_986 = arith.constant 1504 : index
    %swap3A_987 = tpu.vector_load %arg8[%swap3A_986] {strides = array<i32>} : memref<1664xi32, #tpu.memory_space<vmem>>, vector<16xi32>,
    tpu.vector_store %arg8[%swap3A_986], %add3A_985 {strides = array<i32>} : memref<1664xi32, #tpu.memory_space<vmem>>, vector<16xi32>,
    %get3A_988 = arith.constant 11 : i32
    %get3A_989 = arith.index_cast %get3A_988 : i32 to index
    %get3A_990 = arith.constant 112 : index
    %get3A_991 = tpu.vector_load %arg7[%get3A_989, %get3A_990] {strides = array<i32>} : memref<39x128xf32, #tpu.memory_space<vmem>>, vector<16xf32>,
    %convert_element_type3A_992 = arith.fptosi %get3A_991 : vector<16xf32> to vector<16xi32>
    %add3A_993 = arith.constant 1100000 : i32
    %add3A_994 = vector.broadcast %add3A_993 : i32 to vector<16xi32>
    %add3A_995 = arith.addi %convert_element_type3A_992, %add3A_994 : vector<16xi32>
    %swap3A_996 = arith.constant 1520 : index
    %swap3A_997 = tpu.vector_load %arg8[%swap3A_996] {strides = array<i32>} : memref<1664xi32, #tpu.memory_space<vmem>>, vector<16xi32>,
    tpu.vector_store %arg8[%swap3A_996], %add3A_995 {strides = array<i32>} : memref<1664xi32, #tpu.memory_space<vmem>>, vector<16xi32>,
    %get3A_998 = arith.constant 12 : i32
    %get3A_999 = arith.index_cast %get3A_998 : i32 to index
    %get3A_1000 = arith.constant 0 : index
    %get3A_1001 = tpu.vector_load %arg7[%get3A_999, %get3A_1000] {strides = array<i32>} : memref<39x128xf32, #tpu.memory_space<vmem>>, vector<16xf32>,
    %convert_element_type3A_1002 = arith.fptosi %get3A_1001 : vector<16xf32> to vector<16xi32>
    %add3A_1003 = arith.constant 1200000 : i32
    %add3A_1004 = vector.broadcast %add3A_1003 : i32 to vector<16xi32>
    %add3A_1005 = arith.addi %convert_element_type3A_1002, %add3A_1004 : vector<16xi32>
    %swap3A_1006 = arith.constant 1536 : index
    %swap3A_1007 = tpu.vector_load %arg8[%swap3A_1006] {strides = array<i32>} : memref<1664xi32, #tpu.memory_space<vmem>>, vector<16xi32>,
    tpu.vector_store %arg8[%swap3A_1006], %add3A_1005 {strides = array<i32>} : memref<1664xi32, #tpu.memory_space<vmem>>, vector<16xi32>,
    %get3A_1008 = arith.constant 12 : i32
    %get3A_1009 = arith.index_cast %get3A_1008 : i32 to index
    %get3A_1010 = arith.constant 16 : index
    %get3A_1011 = tpu.vector_load %arg7[%get3A_1009, %get3A_1010] {strides = array<i32>} : memref<39x128xf32, #tpu.memory_space<vmem>>, vector<16xf32>,
    %convert_element_type3A_1012 = arith.fptosi %get3A_1011 : vector<16xf32> to vector<16xi32>
    %add3A_1013 = arith.constant 1200000 : i32
    %add3A_1014 = vector.broadcast %add3A_1013 : i32 to vector<16xi32>
    %add3A_1015 = arith.addi %convert_element_type3A_1012, %add3A_1014 : vector<16xi32>
    %swap3A_1016 = arith.constant 1552 : index
    %swap3A_1017 = tpu.vector_load %arg8[%swap3A_1016] {strides = array<i32>} : memref<1664xi32, #tpu.memory_space<vmem>>, vector<16xi32>,
    tpu.vector_store %arg8[%swap3A_1016], %add3A_1015 {strides = array<i32>} : memref<1664xi32, #tpu.memory_space<vmem>>, vector<16xi32>,
    %get3A_1018 = arith.constant 12 : i32
    %get3A_1019 = arith.index_cast %get3A_1018 : i32 to index
    %get3A_1020 = arith.constant 32 : index
    %get3A_1021 = tpu.vector_load %arg7[%get3A_1019, %get3A_1020] {strides = array<i32>} : memref<39x128xf32, #tpu.memory_space<vmem>>, vector<16xf32>,
    %convert_element_type3A_1022 = arith.fptosi %get3A_1021 : vector<16xf32> to vector<16xi32>
    %add3A_1023 = arith.constant 1200000 : i32
    %add3A_1024 = vector.broadcast %add3A_1023 : i32 to vector<16xi32>
    %add3A_1025 = arith.addi %convert_element_type3A_1022, %add3A_1024 : vector<16xi32>
    %swap3A_1026 = arith.constant 1568 : index
    %swap3A_1027 = tpu.vector_load %arg8[%swap3A_1026] {strides = array<i32>} : memref<1664xi32, #tpu.memory_space<vmem>>, vector<16xi32>,
    tpu.vector_store %arg8[%swap3A_1026], %add3A_1025 {strides = array<i32>} : memref<1664xi32, #tpu.memory_space<vmem>>, vector<16xi32>,
    %get3A_1028 = arith.constant 12 : i32
    %get3A_1029 = arith.index_cast %get3A_1028 : i32 to index
    %get3A_1030 = arith.constant 48 : index
    %get3A_1031 = tpu.vector_load %arg7[%get3A_1029, %get3A_1030] {strides = array<i32>} : memref<39x128xf32, #tpu.memory_space<vmem>>, vector<16xf32>,
    %convert_element_type3A_1032 = arith.fptosi %get3A_1031 : vector<16xf32> to vector<16xi32>
    %add3A_1033 = arith.constant 1200000 : i32
    %add3A_1034 = vector.broadcast %add3A_1033 : i32 to vector<16xi32>
    %add3A_1035 = arith.addi %convert_element_type3A_1032, %add3A_1034 : vector<16xi32>
    %swap3A_1036 = arith.constant 1584 : index
    %swap3A_1037 = tpu.vector_load %arg8[%swap3A_1036] {strides = array<i32>} : memref<1664xi32, #tpu.memory_space<vmem>>, vector<16xi32>,
    tpu.vector_store %arg8[%swap3A_1036], %add3A_1035 {strides = array<i32>} : memref<1664xi32, #tpu.memory_space<vmem>>, vector<16xi32>,
    %get3A_1038 = arith.constant 12 : i32
    %get3A_1039 = arith.index_cast %get3A_1038 : i32 to index
    %get3A_1040 = arith.constant 64 : index
    %get3A_1041 = tpu.vector_load %arg7[%get3A_1039, %get3A_1040] {strides = array<i32>} : memref<39x128xf32, #tpu.memory_space<vmem>>, vector<16xf32>,
    %convert_element_type3A_1042 = arith.fptosi %get3A_1041 : vector<16xf32> to vector<16xi32>
    %add3A_1043 = arith.constant 1200000 : i32
    %add3A_1044 = vector.broadcast %add3A_1043 : i32 to vector<16xi32>
    %add3A_1045 = arith.addi %convert_element_type3A_1042, %add3A_1044 : vector<16xi32>
    %swap3A_1046 = arith.constant 1600 : index
    %swap3A_1047 = tpu.vector_load %arg8[%swap3A_1046] {strides = array<i32>} : memref<1664xi32, #tpu.memory_space<vmem>>, vector<16xi32>,
    tpu.vector_store %arg8[%swap3A_1046], %add3A_1045 {strides = array<i32>} : memref<1664xi32, #tpu.memory_space<vmem>>, vector<16xi32>,
    %get3A_1048 = arith.constant 12 : i32
    %get3A_1049 = arith.index_cast %get3A_1048 : i32 to index
    %get3A_1050 = arith.constant 80 : index
    %get3A_1051 = tpu.vector_load %arg7[%get3A_1049, %get3A_1050] {strides = array<i32>} : memref<39x128xf32, #tpu.memory_space<vmem>>, vector<16xf32>,
    %convert_element_type3A_1052 = arith.fptosi %get3A_1051 : vector<16xf32> to vector<16xi32>
    %add3A_1053 = arith.constant 1200000 : i32
    %add3A_1054 = vector.broadcast %add3A_1053 : i32 to vector<16xi32>
    %add3A_1055 = arith.addi %convert_element_type3A_1052, %add3A_1054 : vector<16xi32>
    %swap3A_1056 = arith.constant 1616 : index
    %swap3A_1057 = tpu.vector_load %arg8[%swap3A_1056] {strides = array<i32>} : memref<1664xi32, #tpu.memory_space<vmem>>, vector<16xi32>,
    tpu.vector_store %arg8[%swap3A_1056], %add3A_1055 {strides = array<i32>} : memref<1664xi32, #tpu.memory_space<vmem>>, vector<16xi32>,
    %get3A_1058 = arith.constant 12 : i32
    %get3A_1059 = arith.index_cast %get3A_1058 : i32 to index
    %get3A_1060 = arith.constant 96 : index
    %get3A_1061 = tpu.vector_load %arg7[%get3A_1059, %get3A_1060] {strides = array<i32>} : memref<39x128xf32, #tpu.memory_space<vmem>>, vector<16xf32>,
    %convert_element_type3A_1062 = arith.fptosi %get3A_1061 : vector<16xf32> to vector<16xi32>
    %add3A_1063 = arith.constant 1200000 : i32
    %add3A_1064 = vector.broadcast %add3A_1063 : i32 to vector<16xi32>
    %add3A_1065 = arith.addi %convert_element_type3A_1062, %add3A_1064 : vector<16xi32>
    %swap3A_1066 = arith.constant 1632 : index
    %swap3A_1067 = tpu.vector_load %arg8[%swap3A_1066] {strides = array<i32>} : memref<1664xi32, #tpu.memory_space<vmem>>, vector<16xi32>,
    tpu.vector_store %arg8[%swap3A_1066], %add3A_1065 {strides = array<i32>} : memref<1664xi32, #tpu.memory_space<vmem>>, vector<16xi32>,
    %get3A_1068 = arith.constant 12 : i32
    %get3A_1069 = arith.index_cast %get3A_1068 : i32 to index
    %get3A_1070 = arith.constant 112 : index
    %get3A_1071 = tpu.vector_load %arg7[%get3A_1069, %get3A_1070] {strides = array<i32>} : memref<39x128xf32, #tpu.memory_space<vmem>>, vector<16xf32>,
    %convert_element_type3A_1072 = arith.fptosi %get3A_1071 : vector<16xf32> to vector<16xi32>
    %add3A_1073 = arith.constant 1200000 : i32
    %add3A_1074 = vector.broadcast %add3A_1073 : i32 to vector<16xi32>
    %add3A_1075 = arith.addi %convert_element_type3A_1072, %add3A_1074 : vector<16xi32>
    %swap3A_1076 = arith.constant 1648 : index
    %swap3A_1077 = tpu.vector_load %arg8[%swap3A_1076] {strides = array<i32>} : memref<1664xi32, #tpu.memory_space<vmem>>, vector<16xi32>,
    tpu.vector_store %arg8[%swap3A_1076], %add3A_1075 {strides = array<i32>} : memref<1664xi32, #tpu.memory_space<vmem>>, vector<16xi32>,
    %dma_start3A_1078 = arith.constant 0 : i32
    %dma_start3A_1079 = arith.constant 0 : i32
    %dma_start3A_1080 = tpu.memref_slice %arg3[%dma_start3A_1078, %dma_start3A_1079] : memref<1x2600000xf32, #tpu.memory_space<hbm>> -> memref<1x2600000xf32, #tpu.memory_space<hbm>>
    %dma_start3A_1081 = tpu.memref_squeeze %dma_start3A_1080 : memref<1x2600000xf32, #tpu.memory_space<hbm>> -> memref<2600000xf32, #tpu.memory_space<hbm>>
    %dma_start3A_1082 = arith.constant 0 : i32
    %dma_start3A_1083 = tpu.memref_slice %dma_start3A_1081[%dma_start3A_1082] : memref<2600000xf32, #tpu.memory_space<hbm>> -> memref<2600000xf32, #tpu.memory_space<hbm>>
    tpu.enqueue_indirect_dma source(%dma_start3A_1083 : memref<2600000xf32, #tpu.memory_space<hbm>>) target(%arg10 : memref<1664xf32, #tpu.memory_space<vmem>>) offsets(%arg8 : memref<1664xi32, #tpu.memory_space<vmem>>) semaphore(%arg15 : memref<!tpu.dma_semaphore, #tpu.memory_space<semaphore_mem>>)
    %dma_wait3A_1084 = arith.constant 16 : i32
    %dma_wait3A_1085 = arith.constant 0 : i32
    %dma_wait3A_1086 = tpu.memref_slice %arg7[%dma_wait3A_1084, %dma_wait3A_1085] : memref<39x128xf32, #tpu.memory_space<vmem>> -> memref<16x128xf32, #tpu.memory_space<vmem>>
    %dma_wait3A_1087 = arith.constant 16 : i32
    %dma_wait3A_1088 = tpu.memref_slice %arg2[%dma_wait3A_1087, %mul3A_2] : memref<39x4096xf32, #tpu.memory_space<hbm>> -> memref<16x128xf32, #tpu.memory_space<hbm>>
    %dma_wait3A_1089 = arith.constant 16 : i32
    %dma_wait3A_1090 = arith.constant 0 : i32
    %dma_wait3A_1091 = tpu.memref_slice %arg7[%dma_wait3A_1089, %dma_wait3A_1090] : memref<39x128xf32, #tpu.memory_space<vmem>> -> memref<16x128xf32, #tpu.memory_space<vmem>>
    %dma_wait3A_1092 = arith.constant 16 : i32
    %dma_wait3A_1093 = tpu.memref_slice %arg2[%dma_wait3A_1092, %mul3A_2] : memref<39x4096xf32, #tpu.memory_space<hbm>> -> memref<16x128xf32, #tpu.memory_space<hbm>>
    tpu.wait_dma2 semaphore(%arg16 : memref<!tpu.dma_semaphore, #tpu.memory_space<semaphore_mem>>) src(%dma_wait3A_1093 : memref<16x128xf32, #tpu.memory_space<hbm>>) dst(%dma_wait3A_1091 : memref<16x128xf32, #tpu.memory_space<vmem>>)
    %dma_wait3A_1094 = arith.constant 32 : i32
    %dma_wait3A_1095 = arith.constant 0 : i32
    %dma_wait3A_1096 = tpu.memref_slice %arg7[%dma_wait3A_1094, %dma_wait3A_1095] : memref<39x128xf32, #tpu.memory_space<vmem>> -> memref<7x128xf32, #tpu.memory_space<vmem>>
    %dma_wait3A_1097 = arith.constant 32 : i32
    %dma_wait3A_1098 = tpu.memref_slice %arg2[%dma_wait3A_1097, %mul3A_2] : memref<39x4096xf32, #tpu.memory_space<hbm>> -> memref<7x128xf32, #tpu.memory_space<hbm>>
    %dma_wait3A_1099 = arith.constant 32 : i32
    %dma_wait3A_1100 = arith.constant 0 : i32
    %dma_wait3A_1101 = tpu.memref_slice %arg7[%dma_wait3A_1099, %dma_wait3A_1100] : memref<39x128xf32, #tpu.memory_space<vmem>> -> memref<7x128xf32, #tpu.memory_space<vmem>>
    %dma_wait3A_1102 = arith.constant 32 : i32
    %dma_wait3A_1103 = tpu.memref_slice %arg2[%dma_wait3A_1102, %mul3A_2] : memref<39x4096xf32, #tpu.memory_space<hbm>> -> memref<7x128xf32, #tpu.memory_space<hbm>>
    tpu.wait_dma2 semaphore(%arg16 : memref<!tpu.dma_semaphore, #tpu.memory_space<semaphore_mem>>) src(%dma_wait3A_1103 : memref<7x128xf32, #tpu.memory_space<hbm>>) dst(%dma_wait3A_1101 : memref<7x128xf32, #tpu.memory_space<vmem>>)
    tpu.wait_dma2 semaphore(%arg16 : memref<!tpu.dma_semaphore, #tpu.memory_space<semaphore_mem>>) src(%arg4 : memref<13xf32, #tpu.memory_space<hbm>>) dst(%arg13 : memref<13xf32, #tpu.memory_space<vmem>>)
    tpu.wait_dma2 semaphore(%arg16 : memref<!tpu.dma_semaphore, #tpu.memory_space<semaphore_mem>>) src(%arg5 : memref<1xf32, #tpu.memory_space<hbm>>) dst(%arg14 : memref<1xf32, #tpu.memory_space<vmem>>)
    %get3A_1104 = arith.constant 13 : i32
    %get3A_1105 = arith.index_cast %get3A_1104 : i32 to index
    %get3A_1106 = arith.constant 0 : index
    %get3A_1107 = tpu.vector_load %arg7[%get3A_1105, %get3A_1106] {strides = array<i32>} : memref<39x128xf32, #tpu.memory_space<vmem>>, vector<16xf32>,
    %convert_element_type3A_1108 = arith.fptosi %get3A_1107 : vector<16xf32> to vector<16xi32>
    %add3A_1109 = arith.constant 1300000 : i32
    %add3A_1110 = vector.broadcast %add3A_1109 : i32 to vector<16xi32>
    %add3A_1111 = arith.addi %convert_element_type3A_1108, %add3A_1110 : vector<16xi32>
    %swap3A_1112 = arith.constant 0 : index
    %swap3A_1113 = tpu.vector_load %arg9[%swap3A_1112] {strides = array<i32>} : memref<1664xi32, #tpu.memory_space<vmem>>, vector<16xi32>,
    tpu.vector_store %arg9[%swap3A_1112], %add3A_1111 {strides = array<i32>} : memref<1664xi32, #tpu.memory_space<vmem>>, vector<16xi32>,
    %get3A_1114 = arith.constant 13 : i32
    %get3A_1115 = arith.index_cast %get3A_1114 : i32 to index
    %get3A_1116 = arith.constant 16 : index
    %get3A_1117 = tpu.vector_load %arg7[%get3A_1115, %get3A_1116] {strides = array<i32>} : memref<39x128xf32, #tpu.memory_space<vmem>>, vector<16xf32>,
    %convert_element_type3A_1118 = arith.fptosi %get3A_1117 : vector<16xf32> to vector<16xi32>
    %add3A_1119 = arith.constant 1300000 : i32
    %add3A_1120 = vector.broadcast %add3A_1119 : i32 to vector<16xi32>
    %add3A_1121 = arith.addi %convert_element_type3A_1118, %add3A_1120 : vector<16xi32>
    %swap3A_1122 = arith.constant 16 : index
    %swap3A_1123 = tpu.vector_load %arg9[%swap3A_1122] {strides = array<i32>} : memref<1664xi32, #tpu.memory_space<vmem>>, vector<16xi32>,
    tpu.vector_store %arg9[%swap3A_1122], %add3A_1121 {strides = array<i32>} : memref<1664xi32, #tpu.memory_space<vmem>>, vector<16xi32>,
    %get3A_1124 = arith.constant 13 : i32
    %get3A_1125 = arith.index_cast %get3A_1124 : i32 to index
    %get3A_1126 = arith.constant 32 : index
    %get3A_1127 = tpu.vector_load %arg7[%get3A_1125, %get3A_1126] {strides = array<i32>} : memref<39x128xf32, #tpu.memory_space<vmem>>, vector<16xf32>,
    %convert_element_type3A_1128 = arith.fptosi %get3A_1127 : vector<16xf32> to vector<16xi32>
    %add3A_1129 = arith.constant 1300000 : i32
    %add3A_1130 = vector.broadcast %add3A_1129 : i32 to vector<16xi32>
    %add3A_1131 = arith.addi %convert_element_type3A_1128, %add3A_1130 : vector<16xi32>
    %swap3A_1132 = arith.constant 32 : index
    %swap3A_1133 = tpu.vector_load %arg9[%swap3A_1132] {strides = array<i32>} : memref<1664xi32, #tpu.memory_space<vmem>>, vector<16xi32>,
    tpu.vector_store %arg9[%swap3A_1132], %add3A_1131 {strides = array<i32>} : memref<1664xi32, #tpu.memory_space<vmem>>, vector<16xi32>,
    %get3A_1134 = arith.constant 13 : i32
    %get3A_1135 = arith.index_cast %get3A_1134 : i32 to index
    %get3A_1136 = arith.constant 48 : index
    %get3A_1137 = tpu.vector_load %arg7[%get3A_1135, %get3A_1136] {strides = array<i32>} : memref<39x128xf32, #tpu.memory_space<vmem>>, vector<16xf32>,
    %convert_element_type3A_1138 = arith.fptosi %get3A_1137 : vector<16xf32> to vector<16xi32>
    %add3A_1139 = arith.constant 1300000 : i32
    %add3A_1140 = vector.broadcast %add3A_1139 : i32 to vector<16xi32>
    %add3A_1141 = arith.addi %convert_element_type3A_1138, %add3A_1140 : vector<16xi32>
    %swap3A_1142 = arith.constant 48 : index
    %swap3A_1143 = tpu.vector_load %arg9[%swap3A_1142] {strides = array<i32>} : memref<1664xi32, #tpu.memory_space<vmem>>, vector<16xi32>,
    tpu.vector_store %arg9[%swap3A_1142], %add3A_1141 {strides = array<i32>} : memref<1664xi32, #tpu.memory_space<vmem>>, vector<16xi32>,
    %get3A_1144 = arith.constant 13 : i32
    %get3A_1145 = arith.index_cast %get3A_1144 : i32 to index
    %get3A_1146 = arith.constant 64 : index
    %get3A_1147 = tpu.vector_load %arg7[%get3A_1145, %get3A_1146] {strides = array<i32>} : memref<39x128xf32, #tpu.memory_space<vmem>>, vector<16xf32>,
    %convert_element_type3A_1148 = arith.fptosi %get3A_1147 : vector<16xf32> to vector<16xi32>
    %add3A_1149 = arith.constant 1300000 : i32
    %add3A_1150 = vector.broadcast %add3A_1149 : i32 to vector<16xi32>
    %add3A_1151 = arith.addi %convert_element_type3A_1148, %add3A_1150 : vector<16xi32>
    %swap3A_1152 = arith.constant 64 : index
    %swap3A_1153 = tpu.vector_load %arg9[%swap3A_1152] {strides = array<i32>} : memref<1664xi32, #tpu.memory_space<vmem>>, vector<16xi32>,
    tpu.vector_store %arg9[%swap3A_1152], %add3A_1151 {strides = array<i32>} : memref<1664xi32, #tpu.memory_space<vmem>>, vector<16xi32>,
    %get3A_1154 = arith.constant 13 : i32
    %get3A_1155 = arith.index_cast %get3A_1154 : i32 to index
    %get3A_1156 = arith.constant 80 : index
    %get3A_1157 = tpu.vector_load %arg7[%get3A_1155, %get3A_1156] {strides = array<i32>} : memref<39x128xf32, #tpu.memory_space<vmem>>, vector<16xf32>,
    %convert_element_type3A_1158 = arith.fptosi %get3A_1157 : vector<16xf32> to vector<16xi32>
    %add3A_1159 = arith.constant 1300000 : i32
    %add3A_1160 = vector.broadcast %add3A_1159 : i32 to vector<16xi32>
    %add3A_1161 = arith.addi %convert_element_type3A_1158, %add3A_1160 : vector<16xi32>
    %swap3A_1162 = arith.constant 80 : index
    %swap3A_1163 = tpu.vector_load %arg9[%swap3A_1162] {strides = array<i32>} : memref<1664xi32, #tpu.memory_space<vmem>>, vector<16xi32>,
    tpu.vector_store %arg9[%swap3A_1162], %add3A_1161 {strides = array<i32>} : memref<1664xi32, #tpu.memory_space<vmem>>, vector<16xi32>,
    %get3A_1164 = arith.constant 13 : i32
    %get3A_1165 = arith.index_cast %get3A_1164 : i32 to index
    %get3A_1166 = arith.constant 96 : index
    %get3A_1167 = tpu.vector_load %arg7[%get3A_1165, %get3A_1166] {strides = array<i32>} : memref<39x128xf32, #tpu.memory_space<vmem>>, vector<16xf32>,
    %convert_element_type3A_1168 = arith.fptosi %get3A_1167 : vector<16xf32> to vector<16xi32>
    %add3A_1169 = arith.constant 1300000 : i32
    %add3A_1170 = vector.broadcast %add3A_1169 : i32 to vector<16xi32>
    %add3A_1171 = arith.addi %convert_element_type3A_1168, %add3A_1170 : vector<16xi32>
    %swap3A_1172 = arith.constant 96 : index
    %swap3A_1173 = tpu.vector_load %arg9[%swap3A_1172] {strides = array<i32>} : memref<1664xi32, #tpu.memory_space<vmem>>, vector<16xi32>,
    tpu.vector_store %arg9[%swap3A_1172], %add3A_1171 {strides = array<i32>} : memref<1664xi32, #tpu.memory_space<vmem>>, vector<16xi32>,
    %get3A_1174 = arith.constant 13 : i32
    %get3A_1175 = arith.index_cast %get3A_1174 : i32 to index
    %get3A_1176 = arith.constant 112 : index
    %get3A_1177 = tpu.vector_load %arg7[%get3A_1175, %get3A_1176] {strides = array<i32>} : memref<39x128xf32, #tpu.memory_space<vmem>>, vector<16xf32>,
    %convert_element_type3A_1178 = arith.fptosi %get3A_1177 : vector<16xf32> to vector<16xi32>
    %add3A_1179 = arith.constant 1300000 : i32
    %add3A_1180 = vector.broadcast %add3A_1179 : i32 to vector<16xi32>
    %add3A_1181 = arith.addi %convert_element_type3A_1178, %add3A_1180 : vector<16xi32>
    %swap3A_1182 = arith.constant 112 : index
    %swap3A_1183 = tpu.vector_load %arg9[%swap3A_1182] {strides = array<i32>} : memref<1664xi32, #tpu.memory_space<vmem>>, vector<16xi32>,
    tpu.vector_store %arg9[%swap3A_1182], %add3A_1181 {strides = array<i32>} : memref<1664xi32, #tpu.memory_space<vmem>>, vector<16xi32>,
    %get3A_1184 = arith.constant 14 : i32
    %get3A_1185 = arith.index_cast %get3A_1184 : i32 to index
    %get3A_1186 = arith.constant 0 : index
    %get3A_1187 = tpu.vector_load %arg7[%get3A_1185, %get3A_1186] {strides = array<i32>} : memref<39x128xf32, #tpu.memory_space<vmem>>, vector<16xf32>,
    %convert_element_type3A_1188 = arith.fptosi %get3A_1187 : vector<16xf32> to vector<16xi32>
    %add3A_1189 = arith.constant 1400000 : i32
    %add3A_1190 = vector.broadcast %add3A_1189 : i32 to vector<16xi32>
    %add3A_1191 = arith.addi %convert_element_type3A_1188, %add3A_1190 : vector<16xi32>
    %swap3A_1192 = arith.constant 128 : index
    %swap3A_1193 = tpu.vector_load %arg9[%swap3A_1192] {strides = array<i32>} : memref<1664xi32, #tpu.memory_space<vmem>>, vector<16xi32>,
    tpu.vector_store %arg9[%swap3A_1192], %add3A_1191 {strides = array<i32>} : memref<1664xi32, #tpu.memory_space<vmem>>, vector<16xi32>,
    %get3A_1194 = arith.constant 14 : i32
    %get3A_1195 = arith.index_cast %get3A_1194 : i32 to index
    %get3A_1196 = arith.constant 16 : index
    %get3A_1197 = tpu.vector_load %arg7[%get3A_1195, %get3A_1196] {strides = array<i32>} : memref<39x128xf32, #tpu.memory_space<vmem>>, vector<16xf32>,
    %convert_element_type3A_1198 = arith.fptosi %get3A_1197 : vector<16xf32> to vector<16xi32>
    %add3A_1199 = arith.constant 1400000 : i32
    %add3A_1200 = vector.broadcast %add3A_1199 : i32 to vector<16xi32>
    %add3A_1201 = arith.addi %convert_element_type3A_1198, %add3A_1200 : vector<16xi32>
    %swap3A_1202 = arith.constant 144 : index
    %swap3A_1203 = tpu.vector_load %arg9[%swap3A_1202] {strides = array<i32>} : memref<1664xi32, #tpu.memory_space<vmem>>, vector<16xi32>,
    tpu.vector_store %arg9[%swap3A_1202], %add3A_1201 {strides = array<i32>} : memref<1664xi32, #tpu.memory_space<vmem>>, vector<16xi32>,
    %get3A_1204 = arith.constant 14 : i32
    %get3A_1205 = arith.index_cast %get3A_1204 : i32 to index
    %get3A_1206 = arith.constant 32 : index
    %get3A_1207 = tpu.vector_load %arg7[%get3A_1205, %get3A_1206] {strides = array<i32>} : memref<39x128xf32, #tpu.memory_space<vmem>>, vector<16xf32>,
    %convert_element_type3A_1208 = arith.fptosi %get3A_1207 : vector<16xf32> to vector<16xi32>
    %add3A_1209 = arith.constant 1400000 : i32
    %add3A_1210 = vector.broadcast %add3A_1209 : i32 to vector<16xi32>
    %add3A_1211 = arith.addi %convert_element_type3A_1208, %add3A_1210 : vector<16xi32>
    %swap3A_1212 = arith.constant 160 : index
    %swap3A_1213 = tpu.vector_load %arg9[%swap3A_1212] {strides = array<i32>} : memref<1664xi32, #tpu.memory_space<vmem>>, vector<16xi32>,
    tpu.vector_store %arg9[%swap3A_1212], %add3A_1211 {strides = array<i32>} : memref<1664xi32, #tpu.memory_space<vmem>>, vector<16xi32>,
    %get3A_1214 = arith.constant 14 : i32
    %get3A_1215 = arith.index_cast %get3A_1214 : i32 to index
    %get3A_1216 = arith.constant 48 : index
    %get3A_1217 = tpu.vector_load %arg7[%get3A_1215, %get3A_1216] {strides = array<i32>} : memref<39x128xf32, #tpu.memory_space<vmem>>, vector<16xf32>,
    %convert_element_type3A_1218 = arith.fptosi %get3A_1217 : vector<16xf32> to vector<16xi32>
    %add3A_1219 = arith.constant 1400000 : i32
    %add3A_1220 = vector.broadcast %add3A_1219 : i32 to vector<16xi32>
    %add3A_1221 = arith.addi %convert_element_type3A_1218, %add3A_1220 : vector<16xi32>
    %swap3A_1222 = arith.constant 176 : index
    %swap3A_1223 = tpu.vector_load %arg9[%swap3A_1222] {strides = array<i32>} : memref<1664xi32, #tpu.memory_space<vmem>>, vector<16xi32>,
    tpu.vector_store %arg9[%swap3A_1222], %add3A_1221 {strides = array<i32>} : memref<1664xi32, #tpu.memory_space<vmem>>, vector<16xi32>,
    %get3A_1224 = arith.constant 14 : i32
    %get3A_1225 = arith.index_cast %get3A_1224 : i32 to index
    %get3A_1226 = arith.constant 64 : index
    %get3A_1227 = tpu.vector_load %arg7[%get3A_1225, %get3A_1226] {strides = array<i32>} : memref<39x128xf32, #tpu.memory_space<vmem>>, vector<16xf32>,
    %convert_element_type3A_1228 = arith.fptosi %get3A_1227 : vector<16xf32> to vector<16xi32>
    %add3A_1229 = arith.constant 1400000 : i32
    %add3A_1230 = vector.broadcast %add3A_1229 : i32 to vector<16xi32>
    %add3A_1231 = arith.addi %convert_element_type3A_1228, %add3A_1230 : vector<16xi32>
    %swap3A_1232 = arith.constant 192 : index
    %swap3A_1233 = tpu.vector_load %arg9[%swap3A_1232] {strides = array<i32>} : memref<1664xi32, #tpu.memory_space<vmem>>, vector<16xi32>,
    tpu.vector_store %arg9[%swap3A_1232], %add3A_1231 {strides = array<i32>} : memref<1664xi32, #tpu.memory_space<vmem>>, vector<16xi32>,
    %get3A_1234 = arith.constant 14 : i32
    %get3A_1235 = arith.index_cast %get3A_1234 : i32 to index
    %get3A_1236 = arith.constant 80 : index
    %get3A_1237 = tpu.vector_load %arg7[%get3A_1235, %get3A_1236] {strides = array<i32>} : memref<39x128xf32, #tpu.memory_space<vmem>>, vector<16xf32>,
    %convert_element_type3A_1238 = arith.fptosi %get3A_1237 : vector<16xf32> to vector<16xi32>
    %add3A_1239 = arith.constant 1400000 : i32
    %add3A_1240 = vector.broadcast %add3A_1239 : i32 to vector<16xi32>
    %add3A_1241 = arith.addi %convert_element_type3A_1238, %add3A_1240 : vector<16xi32>
    %swap3A_1242 = arith.constant 208 : index
    %swap3A_1243 = tpu.vector_load %arg9[%swap3A_1242] {strides = array<i32>} : memref<1664xi32, #tpu.memory_space<vmem>>, vector<16xi32>,
    tpu.vector_store %arg9[%swap3A_1242], %add3A_1241 {strides = array<i32>} : memref<1664xi32, #tpu.memory_space<vmem>>, vector<16xi32>,
    %get3A_1244 = arith.constant 14 : i32
    %get3A_1245 = arith.index_cast %get3A_1244 : i32 to index
    %get3A_1246 = arith.constant 96 : index
    %get3A_1247 = tpu.vector_load %arg7[%get3A_1245, %get3A_1246] {strides = array<i32>} : memref<39x128xf32, #tpu.memory_space<vmem>>, vector<16xf32>,
    %convert_element_type3A_1248 = arith.fptosi %get3A_1247 : vector<16xf32> to vector<16xi32>
    %add3A_1249 = arith.constant 1400000 : i32
    %add3A_1250 = vector.broadcast %add3A_1249 : i32 to vector<16xi32>
    %add3A_1251 = arith.addi %convert_element_type3A_1248, %add3A_1250 : vector<16xi32>
    %swap3A_1252 = arith.constant 224 : index
    %swap3A_1253 = tpu.vector_load %arg9[%swap3A_1252] {strides = array<i32>} : memref<1664xi32, #tpu.memory_space<vmem>>, vector<16xi32>,
    tpu.vector_store %arg9[%swap3A_1252], %add3A_1251 {strides = array<i32>} : memref<1664xi32, #tpu.memory_space<vmem>>, vector<16xi32>,
    %get3A_1254 = arith.constant 14 : i32
    %get3A_1255 = arith.index_cast %get3A_1254 : i32 to index
    %get3A_1256 = arith.constant 112 : index
    %get3A_1257 = tpu.vector_load %arg7[%get3A_1255, %get3A_1256] {strides = array<i32>} : memref<39x128xf32, #tpu.memory_space<vmem>>, vector<16xf32>,
    %convert_element_type3A_1258 = arith.fptosi %get3A_1257 : vector<16xf32> to vector<16xi32>
    %add3A_1259 = arith.constant 1400000 : i32
    %add3A_1260 = vector.broadcast %add3A_1259 : i32 to vector<16xi32>
    %add3A_1261 = arith.addi %convert_element_type3A_1258, %add3A_1260 : vector<16xi32>
    %swap3A_1262 = arith.constant 240 : index
    %swap3A_1263 = tpu.vector_load %arg9[%swap3A_1262] {strides = array<i32>} : memref<1664xi32, #tpu.memory_space<vmem>>, vector<16xi32>,
    tpu.vector_store %arg9[%swap3A_1262], %add3A_1261 {strides = array<i32>} : memref<1664xi32, #tpu.memory_space<vmem>>, vector<16xi32>,
    %get3A_1264 = arith.constant 15 : i32
    %get3A_1265 = arith.index_cast %get3A_1264 : i32 to index
    %get3A_1266 = arith.constant 0 : index
    %get3A_1267 = tpu.vector_load %arg7[%get3A_1265, %get3A_1266] {strides = array<i32>} : memref<39x128xf32, #tpu.memory_space<vmem>>, vector<16xf32>,
    %convert_element_type3A_1268 = arith.fptosi %get3A_1267 : vector<16xf32> to vector<16xi32>
    %add3A_1269 = arith.constant 1500000 : i32
    %add3A_1270 = vector.broadcast %add3A_1269 : i32 to vector<16xi32>
    %add3A_1271 = arith.addi %convert_element_type3A_1268, %add3A_1270 : vector<16xi32>
    %swap3A_1272 = arith.constant 256 : index
    %swap3A_1273 = tpu.vector_load %arg9[%swap3A_1272] {strides = array<i32>} : memref<1664xi32, #tpu.memory_space<vmem>>, vector<16xi32>,
    tpu.vector_store %arg9[%swap3A_1272], %add3A_1271 {strides = array<i32>} : memref<1664xi32, #tpu.memory_space<vmem>>, vector<16xi32>,
    %get3A_1274 = arith.constant 15 : i32
    %get3A_1275 = arith.index_cast %get3A_1274 : i32 to index
    %get3A_1276 = arith.constant 16 : index
    %get3A_1277 = tpu.vector_load %arg7[%get3A_1275, %get3A_1276] {strides = array<i32>} : memref<39x128xf32, #tpu.memory_space<vmem>>, vector<16xf32>,
    %convert_element_type3A_1278 = arith.fptosi %get3A_1277 : vector<16xf32> to vector<16xi32>
    %add3A_1279 = arith.constant 1500000 : i32
    %add3A_1280 = vector.broadcast %add3A_1279 : i32 to vector<16xi32>
    %add3A_1281 = arith.addi %convert_element_type3A_1278, %add3A_1280 : vector<16xi32>
    %swap3A_1282 = arith.constant 272 : index
    %swap3A_1283 = tpu.vector_load %arg9[%swap3A_1282] {strides = array<i32>} : memref<1664xi32, #tpu.memory_space<vmem>>, vector<16xi32>,
    tpu.vector_store %arg9[%swap3A_1282], %add3A_1281 {strides = array<i32>} : memref<1664xi32, #tpu.memory_space<vmem>>, vector<16xi32>,
    %get3A_1284 = arith.constant 15 : i32
    %get3A_1285 = arith.index_cast %get3A_1284 : i32 to index
    %get3A_1286 = arith.constant 32 : index
    %get3A_1287 = tpu.vector_load %arg7[%get3A_1285, %get3A_1286] {strides = array<i32>} : memref<39x128xf32, #tpu.memory_space<vmem>>, vector<16xf32>,
    %convert_element_type3A_1288 = arith.fptosi %get3A_1287 : vector<16xf32> to vector<16xi32>
    %add3A_1289 = arith.constant 1500000 : i32
    %add3A_1290 = vector.broadcast %add3A_1289 : i32 to vector<16xi32>
    %add3A_1291 = arith.addi %convert_element_type3A_1288, %add3A_1290 : vector<16xi32>
    %swap3A_1292 = arith.constant 288 : index
    %swap3A_1293 = tpu.vector_load %arg9[%swap3A_1292] {strides = array<i32>} : memref<1664xi32, #tpu.memory_space<vmem>>, vector<16xi32>,
    tpu.vector_store %arg9[%swap3A_1292], %add3A_1291 {strides = array<i32>} : memref<1664xi32, #tpu.memory_space<vmem>>, vector<16xi32>,
    %get3A_1294 = arith.constant 15 : i32
    %get3A_1295 = arith.index_cast %get3A_1294 : i32 to index
    %get3A_1296 = arith.constant 48 : index
    %get3A_1297 = tpu.vector_load %arg7[%get3A_1295, %get3A_1296] {strides = array<i32>} : memref<39x128xf32, #tpu.memory_space<vmem>>, vector<16xf32>,
    %convert_element_type3A_1298 = arith.fptosi %get3A_1297 : vector<16xf32> to vector<16xi32>
    %add3A_1299 = arith.constant 1500000 : i32
    %add3A_1300 = vector.broadcast %add3A_1299 : i32 to vector<16xi32>
    %add3A_1301 = arith.addi %convert_element_type3A_1298, %add3A_1300 : vector<16xi32>
    %swap3A_1302 = arith.constant 304 : index
    %swap3A_1303 = tpu.vector_load %arg9[%swap3A_1302] {strides = array<i32>} : memref<1664xi32, #tpu.memory_space<vmem>>, vector<16xi32>,
    tpu.vector_store %arg9[%swap3A_1302], %add3A_1301 {strides = array<i32>} : memref<1664xi32, #tpu.memory_space<vmem>>, vector<16xi32>,
    %get3A_1304 = arith.constant 15 : i32
    %get3A_1305 = arith.index_cast %get3A_1304 : i32 to index
    %get3A_1306 = arith.constant 64 : index
    %get3A_1307 = tpu.vector_load %arg7[%get3A_1305, %get3A_1306] {strides = array<i32>} : memref<39x128xf32, #tpu.memory_space<vmem>>, vector<16xf32>,
    %convert_element_type3A_1308 = arith.fptosi %get3A_1307 : vector<16xf32> to vector<16xi32>
    %add3A_1309 = arith.constant 1500000 : i32
    %add3A_1310 = vector.broadcast %add3A_1309 : i32 to vector<16xi32>
    %add3A_1311 = arith.addi %convert_element_type3A_1308, %add3A_1310 : vector<16xi32>
    %swap3A_1312 = arith.constant 320 : index
    %swap3A_1313 = tpu.vector_load %arg9[%swap3A_1312] {strides = array<i32>} : memref<1664xi32, #tpu.memory_space<vmem>>, vector<16xi32>,
    tpu.vector_store %arg9[%swap3A_1312], %add3A_1311 {strides = array<i32>} : memref<1664xi32, #tpu.memory_space<vmem>>, vector<16xi32>,
    %get3A_1314 = arith.constant 15 : i32
    %get3A_1315 = arith.index_cast %get3A_1314 : i32 to index
    %get3A_1316 = arith.constant 80 : index
    %get3A_1317 = tpu.vector_load %arg7[%get3A_1315, %get3A_1316] {strides = array<i32>} : memref<39x128xf32, #tpu.memory_space<vmem>>, vector<16xf32>,
    %convert_element_type3A_1318 = arith.fptosi %get3A_1317 : vector<16xf32> to vector<16xi32>
    %add3A_1319 = arith.constant 1500000 : i32
    %add3A_1320 = vector.broadcast %add3A_1319 : i32 to vector<16xi32>
    %add3A_1321 = arith.addi %convert_element_type3A_1318, %add3A_1320 : vector<16xi32>
    %swap3A_1322 = arith.constant 336 : index
    %swap3A_1323 = tpu.vector_load %arg9[%swap3A_1322] {strides = array<i32>} : memref<1664xi32, #tpu.memory_space<vmem>>, vector<16xi32>,
    tpu.vector_store %arg9[%swap3A_1322], %add3A_1321 {strides = array<i32>} : memref<1664xi32, #tpu.memory_space<vmem>>, vector<16xi32>,
    %get3A_1324 = arith.constant 15 : i32
    %get3A_1325 = arith.index_cast %get3A_1324 : i32 to index
    %get3A_1326 = arith.constant 96 : index
    %get3A_1327 = tpu.vector_load %arg7[%get3A_1325, %get3A_1326] {strides = array<i32>} : memref<39x128xf32, #tpu.memory_space<vmem>>, vector<16xf32>,
    %convert_element_type3A_1328 = arith.fptosi %get3A_1327 : vector<16xf32> to vector<16xi32>
    %add3A_1329 = arith.constant 1500000 : i32
    %add3A_1330 = vector.broadcast %add3A_1329 : i32 to vector<16xi32>
    %add3A_1331 = arith.addi %convert_element_type3A_1328, %add3A_1330 : vector<16xi32>
    %swap3A_1332 = arith.constant 352 : index
    %swap3A_1333 = tpu.vector_load %arg9[%swap3A_1332] {strides = array<i32>} : memref<1664xi32, #tpu.memory_space<vmem>>, vector<16xi32>,
    tpu.vector_store %arg9[%swap3A_1332], %add3A_1331 {strides = array<i32>} : memref<1664xi32, #tpu.memory_space<vmem>>, vector<16xi32>,
    %get3A_1334 = arith.constant 15 : i32
    %get3A_1335 = arith.index_cast %get3A_1334 : i32 to index
    %get3A_1336 = arith.constant 112 : index
    %get3A_1337 = tpu.vector_load %arg7[%get3A_1335, %get3A_1336] {strides = array<i32>} : memref<39x128xf32, #tpu.memory_space<vmem>>, vector<16xf32>,
    %convert_element_type3A_1338 = arith.fptosi %get3A_1337 : vector<16xf32> to vector<16xi32>
    %add3A_1339 = arith.constant 1500000 : i32
    %add3A_1340 = vector.broadcast %add3A_1339 : i32 to vector<16xi32>
    %add3A_1341 = arith.addi %convert_element_type3A_1338, %add3A_1340 : vector<16xi32>
    %swap3A_1342 = arith.constant 368 : index
    %swap3A_1343 = tpu.vector_load %arg9[%swap3A_1342] {strides = array<i32>} : memref<1664xi32, #tpu.memory_space<vmem>>, vector<16xi32>,
    tpu.vector_store %arg9[%swap3A_1342], %add3A_1341 {strides = array<i32>} : memref<1664xi32, #tpu.memory_space<vmem>>, vector<16xi32>,
    %get3A_1344 = arith.constant 16 : i32
    %get3A_1345 = arith.index_cast %get3A_1344 : i32 to index
    %get3A_1346 = arith.constant 0 : index
    %get3A_1347 = tpu.vector_load %arg7[%get3A_1345, %get3A_1346] {strides = array<i32>} : memref<39x128xf32, #tpu.memory_space<vmem>>, vector<16xf32>,
    %convert_element_type3A_1348 = arith.fptosi %get3A_1347 : vector<16xf32> to vector<16xi32>
    %add3A_1349 = arith.constant 1600000 : i32
    %add3A_1350 = vector.broadcast %add3A_1349 : i32 to vector<16xi32>
    %add3A_1351 = arith.addi %convert_element_type3A_1348, %add3A_1350 : vector<16xi32>
    %swap3A_1352 = arith.constant 384 : index
    %swap3A_1353 = tpu.vector_load %arg9[%swap3A_1352] {strides = array<i32>} : memref<1664xi32, #tpu.memory_space<vmem>>, vector<16xi32>,
    tpu.vector_store %arg9[%swap3A_1352], %add3A_1351 {strides = array<i32>} : memref<1664xi32, #tpu.memory_space<vmem>>, vector<16xi32>,
    %get3A_1354 = arith.constant 16 : i32
    %get3A_1355 = arith.index_cast %get3A_1354 : i32 to index
    %get3A_1356 = arith.constant 16 : index
    %get3A_1357 = tpu.vector_load %arg7[%get3A_1355, %get3A_1356] {strides = array<i32>} : memref<39x128xf32, #tpu.memory_space<vmem>>, vector<16xf32>,
    %convert_element_type3A_1358 = arith.fptosi %get3A_1357 : vector<16xf32> to vector<16xi32>
    %add3A_1359 = arith.constant 1600000 : i32
    %add3A_1360 = vector.broadcast %add3A_1359 : i32 to vector<16xi32>
    %add3A_1361 = arith.addi %convert_element_type3A_1358, %add3A_1360 : vector<16xi32>
    %swap3A_1362 = arith.constant 400 : index
    %swap3A_1363 = tpu.vector_load %arg9[%swap3A_1362] {strides = array<i32>} : memref<1664xi32, #tpu.memory_space<vmem>>, vector<16xi32>,
    tpu.vector_store %arg9[%swap3A_1362], %add3A_1361 {strides = array<i32>} : memref<1664xi32, #tpu.memory_space<vmem>>, vector<16xi32>,
    %get3A_1364 = arith.constant 16 : i32
    %get3A_1365 = arith.index_cast %get3A_1364 : i32 to index
    %get3A_1366 = arith.constant 32 : index
    %get3A_1367 = tpu.vector_load %arg7[%get3A_1365, %get3A_1366] {strides = array<i32>} : memref<39x128xf32, #tpu.memory_space<vmem>>, vector<16xf32>,
    %convert_element_type3A_1368 = arith.fptosi %get3A_1367 : vector<16xf32> to vector<16xi32>
    %add3A_1369 = arith.constant 1600000 : i32
    %add3A_1370 = vector.broadcast %add3A_1369 : i32 to vector<16xi32>
    %add3A_1371 = arith.addi %convert_element_type3A_1368, %add3A_1370 : vector<16xi32>
    %swap3A_1372 = arith.constant 416 : index
    %swap3A_1373 = tpu.vector_load %arg9[%swap3A_1372] {strides = array<i32>} : memref<1664xi32, #tpu.memory_space<vmem>>, vector<16xi32>,
    tpu.vector_store %arg9[%swap3A_1372], %add3A_1371 {strides = array<i32>} : memref<1664xi32, #tpu.memory_space<vmem>>, vector<16xi32>,
    %get3A_1374 = arith.constant 16 : i32
    %get3A_1375 = arith.index_cast %get3A_1374 : i32 to index
    %get3A_1376 = arith.constant 48 : index
    %get3A_1377 = tpu.vector_load %arg7[%get3A_1375, %get3A_1376] {strides = array<i32>} : memref<39x128xf32, #tpu.memory_space<vmem>>, vector<16xf32>,
    %convert_element_type3A_1378 = arith.fptosi %get3A_1377 : vector<16xf32> to vector<16xi32>
    %add3A_1379 = arith.constant 1600000 : i32
    %add3A_1380 = vector.broadcast %add3A_1379 : i32 to vector<16xi32>
    %add3A_1381 = arith.addi %convert_element_type3A_1378, %add3A_1380 : vector<16xi32>
    %swap3A_1382 = arith.constant 432 : index
    %swap3A_1383 = tpu.vector_load %arg9[%swap3A_1382] {strides = array<i32>} : memref<1664xi32, #tpu.memory_space<vmem>>, vector<16xi32>,
    tpu.vector_store %arg9[%swap3A_1382], %add3A_1381 {strides = array<i32>} : memref<1664xi32, #tpu.memory_space<vmem>>, vector<16xi32>,
    %get3A_1384 = arith.constant 16 : i32
    %get3A_1385 = arith.index_cast %get3A_1384 : i32 to index
    %get3A_1386 = arith.constant 64 : index
    %get3A_1387 = tpu.vector_load %arg7[%get3A_1385, %get3A_1386] {strides = array<i32>} : memref<39x128xf32, #tpu.memory_space<vmem>>, vector<16xf32>,
    %convert_element_type3A_1388 = arith.fptosi %get3A_1387 : vector<16xf32> to vector<16xi32>
    %add3A_1389 = arith.constant 1600000 : i32
    %add3A_1390 = vector.broadcast %add3A_1389 : i32 to vector<16xi32>
    %add3A_1391 = arith.addi %convert_element_type3A_1388, %add3A_1390 : vector<16xi32>
    %swap3A_1392 = arith.constant 448 : index
    %swap3A_1393 = tpu.vector_load %arg9[%swap3A_1392] {strides = array<i32>} : memref<1664xi32, #tpu.memory_space<vmem>>, vector<16xi32>,
    tpu.vector_store %arg9[%swap3A_1392], %add3A_1391 {strides = array<i32>} : memref<1664xi32, #tpu.memory_space<vmem>>, vector<16xi32>,
    %get3A_1394 = arith.constant 16 : i32
    %get3A_1395 = arith.index_cast %get3A_1394 : i32 to index
    %get3A_1396 = arith.constant 80 : index
    %get3A_1397 = tpu.vector_load %arg7[%get3A_1395, %get3A_1396] {strides = array<i32>} : memref<39x128xf32, #tpu.memory_space<vmem>>, vector<16xf32>,
    %convert_element_type3A_1398 = arith.fptosi %get3A_1397 : vector<16xf32> to vector<16xi32>
    %add3A_1399 = arith.constant 1600000 : i32
    %add3A_1400 = vector.broadcast %add3A_1399 : i32 to vector<16xi32>
    %add3A_1401 = arith.addi %convert_element_type3A_1398, %add3A_1400 : vector<16xi32>
    %swap3A_1402 = arith.constant 464 : index
    %swap3A_1403 = tpu.vector_load %arg9[%swap3A_1402] {strides = array<i32>} : memref<1664xi32, #tpu.memory_space<vmem>>, vector<16xi32>,
    tpu.vector_store %arg9[%swap3A_1402], %add3A_1401 {strides = array<i32>} : memref<1664xi32, #tpu.memory_space<vmem>>, vector<16xi32>,
    %get3A_1404 = arith.constant 16 : i32
    %get3A_1405 = arith.index_cast %get3A_1404 : i32 to index
    %get3A_1406 = arith.constant 96 : index
    %get3A_1407 = tpu.vector_load %arg7[%get3A_1405, %get3A_1406] {strides = array<i32>} : memref<39x128xf32, #tpu.memory_space<vmem>>, vector<16xf32>,
    %convert_element_type3A_1408 = arith.fptosi %get3A_1407 : vector<16xf32> to vector<16xi32>
    %add3A_1409 = arith.constant 1600000 : i32
    %add3A_1410 = vector.broadcast %add3A_1409 : i32 to vector<16xi32>
    %add3A_1411 = arith.addi %convert_element_type3A_1408, %add3A_1410 : vector<16xi32>
    %swap3A_1412 = arith.constant 480 : index
    %swap3A_1413 = tpu.vector_load %arg9[%swap3A_1412] {strides = array<i32>} : memref<1664xi32, #tpu.memory_space<vmem>>, vector<16xi32>,
    tpu.vector_store %arg9[%swap3A_1412], %add3A_1411 {strides = array<i32>} : memref<1664xi32, #tpu.memory_space<vmem>>, vector<16xi32>,
    %get3A_1414 = arith.constant 16 : i32
    %get3A_1415 = arith.index_cast %get3A_1414 : i32 to index
    %get3A_1416 = arith.constant 112 : index
    %get3A_1417 = tpu.vector_load %arg7[%get3A_1415, %get3A_1416] {strides = array<i32>} : memref<39x128xf32, #tpu.memory_space<vmem>>, vector<16xf32>,
    %convert_element_type3A_1418 = arith.fptosi %get3A_1417 : vector<16xf32> to vector<16xi32>
    %add3A_1419 = arith.constant 1600000 : i32
    %add3A_1420 = vector.broadcast %add3A_1419 : i32 to vector<16xi32>
    %add3A_1421 = arith.addi %convert_element_type3A_1418, %add3A_1420 : vector<16xi32>
    %swap3A_1422 = arith.constant 496 : index
    %swap3A_1423 = tpu.vector_load %arg9[%swap3A_1422] {strides = array<i32>} : memref<1664xi32, #tpu.memory_space<vmem>>, vector<16xi32>,
    tpu.vector_store %arg9[%swap3A_1422], %add3A_1421 {strides = array<i32>} : memref<1664xi32, #tpu.memory_space<vmem>>, vector<16xi32>,
    %get3A_1424 = arith.constant 17 : i32
    %get3A_1425 = arith.index_cast %get3A_1424 : i32 to index
    %get3A_1426 = arith.constant 0 : index
    %get3A_1427 = tpu.vector_load %arg7[%get3A_1425, %get3A_1426] {strides = array<i32>} : memref<39x128xf32, #tpu.memory_space<vmem>>, vector<16xf32>,
    %convert_element_type3A_1428 = arith.fptosi %get3A_1427 : vector<16xf32> to vector<16xi32>
    %add3A_1429 = arith.constant 1700000 : i32
    %add3A_1430 = vector.broadcast %add3A_1429 : i32 to vector<16xi32>
    %add3A_1431 = arith.addi %convert_element_type3A_1428, %add3A_1430 : vector<16xi32>
    %swap3A_1432 = arith.constant 512 : index
    %swap3A_1433 = tpu.vector_load %arg9[%swap3A_1432] {strides = array<i32>} : memref<1664xi32, #tpu.memory_space<vmem>>, vector<16xi32>,
    tpu.vector_store %arg9[%swap3A_1432], %add3A_1431 {strides = array<i32>} : memref<1664xi32, #tpu.memory_space<vmem>>, vector<16xi32>,
    %get3A_1434 = arith.constant 17 : i32
    %get3A_1435 = arith.index_cast %get3A_1434 : i32 to index
    %get3A_1436 = arith.constant 16 : index
    %get3A_1437 = tpu.vector_load %arg7[%get3A_1435, %get3A_1436] {strides = array<i32>} : memref<39x128xf32, #tpu.memory_space<vmem>>, vector<16xf32>,
    %convert_element_type3A_1438 = arith.fptosi %get3A_1437 : vector<16xf32> to vector<16xi32>
    %add3A_1439 = arith.constant 1700000 : i32
    %add3A_1440 = vector.broadcast %add3A_1439 : i32 to vector<16xi32>
    %add3A_1441 = arith.addi %convert_element_type3A_1438, %add3A_1440 : vector<16xi32>
    %swap3A_1442 = arith.constant 528 : index
    %swap3A_1443 = tpu.vector_load %arg9[%swap3A_1442] {strides = array<i32>} : memref<1664xi32, #tpu.memory_space<vmem>>, vector<16xi32>,
    tpu.vector_store %arg9[%swap3A_1442], %add3A_1441 {strides = array<i32>} : memref<1664xi32, #tpu.memory_space<vmem>>, vector<16xi32>,
    %get3A_1444 = arith.constant 17 : i32
    %get3A_1445 = arith.index_cast %get3A_1444 : i32 to index
    %get3A_1446 = arith.constant 32 : index
    %get3A_1447 = tpu.vector_load %arg7[%get3A_1445, %get3A_1446] {strides = array<i32>} : memref<39x128xf32, #tpu.memory_space<vmem>>, vector<16xf32>,
    %convert_element_type3A_1448 = arith.fptosi %get3A_1447 : vector<16xf32> to vector<16xi32>
    %add3A_1449 = arith.constant 1700000 : i32
    %add3A_1450 = vector.broadcast %add3A_1449 : i32 to vector<16xi32>
    %add3A_1451 = arith.addi %convert_element_type3A_1448, %add3A_1450 : vector<16xi32>
    %swap3A_1452 = arith.constant 544 : index
    %swap3A_1453 = tpu.vector_load %arg9[%swap3A_1452] {strides = array<i32>} : memref<1664xi32, #tpu.memory_space<vmem>>, vector<16xi32>,
    tpu.vector_store %arg9[%swap3A_1452], %add3A_1451 {strides = array<i32>} : memref<1664xi32, #tpu.memory_space<vmem>>, vector<16xi32>,
    %get3A_1454 = arith.constant 17 : i32
    %get3A_1455 = arith.index_cast %get3A_1454 : i32 to index
    %get3A_1456 = arith.constant 48 : index
    %get3A_1457 = tpu.vector_load %arg7[%get3A_1455, %get3A_1456] {strides = array<i32>} : memref<39x128xf32, #tpu.memory_space<vmem>>, vector<16xf32>,
    %convert_element_type3A_1458 = arith.fptosi %get3A_1457 : vector<16xf32> to vector<16xi32>
    %add3A_1459 = arith.constant 1700000 : i32
    %add3A_1460 = vector.broadcast %add3A_1459 : i32 to vector<16xi32>
    %add3A_1461 = arith.addi %convert_element_type3A_1458, %add3A_1460 : vector<16xi32>
    %swap3A_1462 = arith.constant 560 : index
    %swap3A_1463 = tpu.vector_load %arg9[%swap3A_1462] {strides = array<i32>} : memref<1664xi32, #tpu.memory_space<vmem>>, vector<16xi32>,
    tpu.vector_store %arg9[%swap3A_1462], %add3A_1461 {strides = array<i32>} : memref<1664xi32, #tpu.memory_space<vmem>>, vector<16xi32>,
    %get3A_1464 = arith.constant 17 : i32
    %get3A_1465 = arith.index_cast %get3A_1464 : i32 to index
    %get3A_1466 = arith.constant 64 : index
    %get3A_1467 = tpu.vector_load %arg7[%get3A_1465, %get3A_1466] {strides = array<i32>} : memref<39x128xf32, #tpu.memory_space<vmem>>, vector<16xf32>,
    %convert_element_type3A_1468 = arith.fptosi %get3A_1467 : vector<16xf32> to vector<16xi32>
    %add3A_1469 = arith.constant 1700000 : i32
    %add3A_1470 = vector.broadcast %add3A_1469 : i32 to vector<16xi32>
    %add3A_1471 = arith.addi %convert_element_type3A_1468, %add3A_1470 : vector<16xi32>
    %swap3A_1472 = arith.constant 576 : index
    %swap3A_1473 = tpu.vector_load %arg9[%swap3A_1472] {strides = array<i32>} : memref<1664xi32, #tpu.memory_space<vmem>>, vector<16xi32>,
    tpu.vector_store %arg9[%swap3A_1472], %add3A_1471 {strides = array<i32>} : memref<1664xi32, #tpu.memory_space<vmem>>, vector<16xi32>,
    %get3A_1474 = arith.constant 17 : i32
    %get3A_1475 = arith.index_cast %get3A_1474 : i32 to index
    %get3A_1476 = arith.constant 80 : index
    %get3A_1477 = tpu.vector_load %arg7[%get3A_1475, %get3A_1476] {strides = array<i32>} : memref<39x128xf32, #tpu.memory_space<vmem>>, vector<16xf32>,
    %convert_element_type3A_1478 = arith.fptosi %get3A_1477 : vector<16xf32> to vector<16xi32>
    %add3A_1479 = arith.constant 1700000 : i32
    %add3A_1480 = vector.broadcast %add3A_1479 : i32 to vector<16xi32>
    %add3A_1481 = arith.addi %convert_element_type3A_1478, %add3A_1480 : vector<16xi32>
    %swap3A_1482 = arith.constant 592 : index
    %swap3A_1483 = tpu.vector_load %arg9[%swap3A_1482] {strides = array<i32>} : memref<1664xi32, #tpu.memory_space<vmem>>, vector<16xi32>,
    tpu.vector_store %arg9[%swap3A_1482], %add3A_1481 {strides = array<i32>} : memref<1664xi32, #tpu.memory_space<vmem>>, vector<16xi32>,
    %get3A_1484 = arith.constant 17 : i32
    %get3A_1485 = arith.index_cast %get3A_1484 : i32 to index
    %get3A_1486 = arith.constant 96 : index
    %get3A_1487 = tpu.vector_load %arg7[%get3A_1485, %get3A_1486] {strides = array<i32>} : memref<39x128xf32, #tpu.memory_space<vmem>>, vector<16xf32>,
    %convert_element_type3A_1488 = arith.fptosi %get3A_1487 : vector<16xf32> to vector<16xi32>
    %add3A_1489 = arith.constant 1700000 : i32
    %add3A_1490 = vector.broadcast %add3A_1489 : i32 to vector<16xi32>
    %add3A_1491 = arith.addi %convert_element_type3A_1488, %add3A_1490 : vector<16xi32>
    %swap3A_1492 = arith.constant 608 : index
    %swap3A_1493 = tpu.vector_load %arg9[%swap3A_1492] {strides = array<i32>} : memref<1664xi32, #tpu.memory_space<vmem>>, vector<16xi32>,
    tpu.vector_store %arg9[%swap3A_1492], %add3A_1491 {strides = array<i32>} : memref<1664xi32, #tpu.memory_space<vmem>>, vector<16xi32>,
    %get3A_1494 = arith.constant 17 : i32
    %get3A_1495 = arith.index_cast %get3A_1494 : i32 to index
    %get3A_1496 = arith.constant 112 : index
    %get3A_1497 = tpu.vector_load %arg7[%get3A_1495, %get3A_1496] {strides = array<i32>} : memref<39x128xf32, #tpu.memory_space<vmem>>, vector<16xf32>,
    %convert_element_type3A_1498 = arith.fptosi %get3A_1497 : vector<16xf32> to vector<16xi32>
    %add3A_1499 = arith.constant 1700000 : i32
    %add3A_1500 = vector.broadcast %add3A_1499 : i32 to vector<16xi32>
    %add3A_1501 = arith.addi %convert_element_type3A_1498, %add3A_1500 : vector<16xi32>
    %swap3A_1502 = arith.constant 624 : index
    %swap3A_1503 = tpu.vector_load %arg9[%swap3A_1502] {strides = array<i32>} : memref<1664xi32, #tpu.memory_space<vmem>>, vector<16xi32>,
    tpu.vector_store %arg9[%swap3A_1502], %add3A_1501 {strides = array<i32>} : memref<1664xi32, #tpu.memory_space<vmem>>, vector<16xi32>,
    %get3A_1504 = arith.constant 18 : i32
    %get3A_1505 = arith.index_cast %get3A_1504 : i32 to index
    %get3A_1506 = arith.constant 0 : index
    %get3A_1507 = tpu.vector_load %arg7[%get3A_1505, %get3A_1506] {strides = array<i32>} : memref<39x128xf32, #tpu.memory_space<vmem>>, vector<16xf32>,
    %convert_element_type3A_1508 = arith.fptosi %get3A_1507 : vector<16xf32> to vector<16xi32>
    %add3A_1509 = arith.constant 1800000 : i32
    %add3A_1510 = vector.broadcast %add3A_1509 : i32 to vector<16xi32>
    %add3A_1511 = arith.addi %convert_element_type3A_1508, %add3A_1510 : vector<16xi32>
    %swap3A_1512 = arith.constant 640 : index
    %swap3A_1513 = tpu.vector_load %arg9[%swap3A_1512] {strides = array<i32>} : memref<1664xi32, #tpu.memory_space<vmem>>, vector<16xi32>,
    tpu.vector_store %arg9[%swap3A_1512], %add3A_1511 {strides = array<i32>} : memref<1664xi32, #tpu.memory_space<vmem>>, vector<16xi32>,
    %get3A_1514 = arith.constant 18 : i32
    %get3A_1515 = arith.index_cast %get3A_1514 : i32 to index
    %get3A_1516 = arith.constant 16 : index
    %get3A_1517 = tpu.vector_load %arg7[%get3A_1515, %get3A_1516] {strides = array<i32>} : memref<39x128xf32, #tpu.memory_space<vmem>>, vector<16xf32>,
    %convert_element_type3A_1518 = arith.fptosi %get3A_1517 : vector<16xf32> to vector<16xi32>
    %add3A_1519 = arith.constant 1800000 : i32
    %add3A_1520 = vector.broadcast %add3A_1519 : i32 to vector<16xi32>
    %add3A_1521 = arith.addi %convert_element_type3A_1518, %add3A_1520 : vector<16xi32>
    %swap3A_1522 = arith.constant 656 : index
    %swap3A_1523 = tpu.vector_load %arg9[%swap3A_1522] {strides = array<i32>} : memref<1664xi32, #tpu.memory_space<vmem>>, vector<16xi32>,
    tpu.vector_store %arg9[%swap3A_1522], %add3A_1521 {strides = array<i32>} : memref<1664xi32, #tpu.memory_space<vmem>>, vector<16xi32>,
    %get3A_1524 = arith.constant 18 : i32
    %get3A_1525 = arith.index_cast %get3A_1524 : i32 to index
    %get3A_1526 = arith.constant 32 : index
    %get3A_1527 = tpu.vector_load %arg7[%get3A_1525, %get3A_1526] {strides = array<i32>} : memref<39x128xf32, #tpu.memory_space<vmem>>, vector<16xf32>,
    %convert_element_type3A_1528 = arith.fptosi %get3A_1527 : vector<16xf32> to vector<16xi32>
    %add3A_1529 = arith.constant 1800000 : i32
    %add3A_1530 = vector.broadcast %add3A_1529 : i32 to vector<16xi32>
    %add3A_1531 = arith.addi %convert_element_type3A_1528, %add3A_1530 : vector<16xi32>
    %swap3A_1532 = arith.constant 672 : index
    %swap3A_1533 = tpu.vector_load %arg9[%swap3A_1532] {strides = array<i32>} : memref<1664xi32, #tpu.memory_space<vmem>>, vector<16xi32>,
    tpu.vector_store %arg9[%swap3A_1532], %add3A_1531 {strides = array<i32>} : memref<1664xi32, #tpu.memory_space<vmem>>, vector<16xi32>,
    %get3A_1534 = arith.constant 18 : i32
    %get3A_1535 = arith.index_cast %get3A_1534 : i32 to index
    %get3A_1536 = arith.constant 48 : index
    %get3A_1537 = tpu.vector_load %arg7[%get3A_1535, %get3A_1536] {strides = array<i32>} : memref<39x128xf32, #tpu.memory_space<vmem>>, vector<16xf32>,
    %convert_element_type3A_1538 = arith.fptosi %get3A_1537 : vector<16xf32> to vector<16xi32>
    %add3A_1539 = arith.constant 1800000 : i32
    %add3A_1540 = vector.broadcast %add3A_1539 : i32 to vector<16xi32>
    %add3A_1541 = arith.addi %convert_element_type3A_1538, %add3A_1540 : vector<16xi32>
    %swap3A_1542 = arith.constant 688 : index
    %swap3A_1543 = tpu.vector_load %arg9[%swap3A_1542] {strides = array<i32>} : memref<1664xi32, #tpu.memory_space<vmem>>, vector<16xi32>,
    tpu.vector_store %arg9[%swap3A_1542], %add3A_1541 {strides = array<i32>} : memref<1664xi32, #tpu.memory_space<vmem>>, vector<16xi32>,
    %get3A_1544 = arith.constant 18 : i32
    %get3A_1545 = arith.index_cast %get3A_1544 : i32 to index
    %get3A_1546 = arith.constant 64 : index
    %get3A_1547 = tpu.vector_load %arg7[%get3A_1545, %get3A_1546] {strides = array<i32>} : memref<39x128xf32, #tpu.memory_space<vmem>>, vector<16xf32>,
    %convert_element_type3A_1548 = arith.fptosi %get3A_1547 : vector<16xf32> to vector<16xi32>
    %add3A_1549 = arith.constant 1800000 : i32
    %add3A_1550 = vector.broadcast %add3A_1549 : i32 to vector<16xi32>
    %add3A_1551 = arith.addi %convert_element_type3A_1548, %add3A_1550 : vector<16xi32>
    %swap3A_1552 = arith.constant 704 : index
    %swap3A_1553 = tpu.vector_load %arg9[%swap3A_1552] {strides = array<i32>} : memref<1664xi32, #tpu.memory_space<vmem>>, vector<16xi32>,
    tpu.vector_store %arg9[%swap3A_1552], %add3A_1551 {strides = array<i32>} : memref<1664xi32, #tpu.memory_space<vmem>>, vector<16xi32>,
    %get3A_1554 = arith.constant 18 : i32
    %get3A_1555 = arith.index_cast %get3A_1554 : i32 to index
    %get3A_1556 = arith.constant 80 : index
    %get3A_1557 = tpu.vector_load %arg7[%get3A_1555, %get3A_1556] {strides = array<i32>} : memref<39x128xf32, #tpu.memory_space<vmem>>, vector<16xf32>,
    %convert_element_type3A_1558 = arith.fptosi %get3A_1557 : vector<16xf32> to vector<16xi32>
    %add3A_1559 = arith.constant 1800000 : i32
    %add3A_1560 = vector.broadcast %add3A_1559 : i32 to vector<16xi32>
    %add3A_1561 = arith.addi %convert_element_type3A_1558, %add3A_1560 : vector<16xi32>
    %swap3A_1562 = arith.constant 720 : index
    %swap3A_1563 = tpu.vector_load %arg9[%swap3A_1562] {strides = array<i32>} : memref<1664xi32, #tpu.memory_space<vmem>>, vector<16xi32>,
    tpu.vector_store %arg9[%swap3A_1562], %add3A_1561 {strides = array<i32>} : memref<1664xi32, #tpu.memory_space<vmem>>, vector<16xi32>,
    %get3A_1564 = arith.constant 18 : i32
    %get3A_1565 = arith.index_cast %get3A_1564 : i32 to index
    %get3A_1566 = arith.constant 96 : index
    %get3A_1567 = tpu.vector_load %arg7[%get3A_1565, %get3A_1566] {strides = array<i32>} : memref<39x128xf32, #tpu.memory_space<vmem>>, vector<16xf32>,
    %convert_element_type3A_1568 = arith.fptosi %get3A_1567 : vector<16xf32> to vector<16xi32>
    %add3A_1569 = arith.constant 1800000 : i32
    %add3A_1570 = vector.broadcast %add3A_1569 : i32 to vector<16xi32>
    %add3A_1571 = arith.addi %convert_element_type3A_1568, %add3A_1570 : vector<16xi32>
    %swap3A_1572 = arith.constant 736 : index
    %swap3A_1573 = tpu.vector_load %arg9[%swap3A_1572] {strides = array<i32>} : memref<1664xi32, #tpu.memory_space<vmem>>, vector<16xi32>,
    tpu.vector_store %arg9[%swap3A_1572], %add3A_1571 {strides = array<i32>} : memref<1664xi32, #tpu.memory_space<vmem>>, vector<16xi32>,
    %get3A_1574 = arith.constant 18 : i32
    %get3A_1575 = arith.index_cast %get3A_1574 : i32 to index
    %get3A_1576 = arith.constant 112 : index
    %get3A_1577 = tpu.vector_load %arg7[%get3A_1575, %get3A_1576] {strides = array<i32>} : memref<39x128xf32, #tpu.memory_space<vmem>>, vector<16xf32>,
    %convert_element_type3A_1578 = arith.fptosi %get3A_1577 : vector<16xf32> to vector<16xi32>
    %add3A_1579 = arith.constant 1800000 : i32
    %add3A_1580 = vector.broadcast %add3A_1579 : i32 to vector<16xi32>
    %add3A_1581 = arith.addi %convert_element_type3A_1578, %add3A_1580 : vector<16xi32>
    %swap3A_1582 = arith.constant 752 : index
    %swap3A_1583 = tpu.vector_load %arg9[%swap3A_1582] {strides = array<i32>} : memref<1664xi32, #tpu.memory_space<vmem>>, vector<16xi32>,
    tpu.vector_store %arg9[%swap3A_1582], %add3A_1581 {strides = array<i32>} : memref<1664xi32, #tpu.memory_space<vmem>>, vector<16xi32>,
    %get3A_1584 = arith.constant 19 : i32
    %get3A_1585 = arith.index_cast %get3A_1584 : i32 to index
    %get3A_1586 = arith.constant 0 : index
    %get3A_1587 = tpu.vector_load %arg7[%get3A_1585, %get3A_1586] {strides = array<i32>} : memref<39x128xf32, #tpu.memory_space<vmem>>, vector<16xf32>,
    %convert_element_type3A_1588 = arith.fptosi %get3A_1587 : vector<16xf32> to vector<16xi32>
    %add3A_1589 = arith.constant 1900000 : i32
    %add3A_1590 = vector.broadcast %add3A_1589 : i32 to vector<16xi32>
    %add3A_1591 = arith.addi %convert_element_type3A_1588, %add3A_1590 : vector<16xi32>
    %swap3A_1592 = arith.constant 768 : index
    %swap3A_1593 = tpu.vector_load %arg9[%swap3A_1592] {strides = array<i32>} : memref<1664xi32, #tpu.memory_space<vmem>>, vector<16xi32>,
    tpu.vector_store %arg9[%swap3A_1592], %add3A_1591 {strides = array<i32>} : memref<1664xi32, #tpu.memory_space<vmem>>, vector<16xi32>,
    %get3A_1594 = arith.constant 19 : i32
    %get3A_1595 = arith.index_cast %get3A_1594 : i32 to index
    %get3A_1596 = arith.constant 16 : index
    %get3A_1597 = tpu.vector_load %arg7[%get3A_1595, %get3A_1596] {strides = array<i32>} : memref<39x128xf32, #tpu.memory_space<vmem>>, vector<16xf32>,
    %convert_element_type3A_1598 = arith.fptosi %get3A_1597 : vector<16xf32> to vector<16xi32>
    %add3A_1599 = arith.constant 1900000 : i32
    %add3A_1600 = vector.broadcast %add3A_1599 : i32 to vector<16xi32>
    %add3A_1601 = arith.addi %convert_element_type3A_1598, %add3A_1600 : vector<16xi32>
    %swap3A_1602 = arith.constant 784 : index
    %swap3A_1603 = tpu.vector_load %arg9[%swap3A_1602] {strides = array<i32>} : memref<1664xi32, #tpu.memory_space<vmem>>, vector<16xi32>,
    tpu.vector_store %arg9[%swap3A_1602], %add3A_1601 {strides = array<i32>} : memref<1664xi32, #tpu.memory_space<vmem>>, vector<16xi32>,
    %get3A_1604 = arith.constant 19 : i32
    %get3A_1605 = arith.index_cast %get3A_1604 : i32 to index
    %get3A_1606 = arith.constant 32 : index
    %get3A_1607 = tpu.vector_load %arg7[%get3A_1605, %get3A_1606] {strides = array<i32>} : memref<39x128xf32, #tpu.memory_space<vmem>>, vector<16xf32>,
    %convert_element_type3A_1608 = arith.fptosi %get3A_1607 : vector<16xf32> to vector<16xi32>
    %add3A_1609 = arith.constant 1900000 : i32
    %add3A_1610 = vector.broadcast %add3A_1609 : i32 to vector<16xi32>
    %add3A_1611 = arith.addi %convert_element_type3A_1608, %add3A_1610 : vector<16xi32>
    %swap3A_1612 = arith.constant 800 : index
    %swap3A_1613 = tpu.vector_load %arg9[%swap3A_1612] {strides = array<i32>} : memref<1664xi32, #tpu.memory_space<vmem>>, vector<16xi32>,
    tpu.vector_store %arg9[%swap3A_1612], %add3A_1611 {strides = array<i32>} : memref<1664xi32, #tpu.memory_space<vmem>>, vector<16xi32>,
    %get3A_1614 = arith.constant 19 : i32
    %get3A_1615 = arith.index_cast %get3A_1614 : i32 to index
    %get3A_1616 = arith.constant 48 : index
    %get3A_1617 = tpu.vector_load %arg7[%get3A_1615, %get3A_1616] {strides = array<i32>} : memref<39x128xf32, #tpu.memory_space<vmem>>, vector<16xf32>,
    %convert_element_type3A_1618 = arith.fptosi %get3A_1617 : vector<16xf32> to vector<16xi32>
    %add3A_1619 = arith.constant 1900000 : i32
    %add3A_1620 = vector.broadcast %add3A_1619 : i32 to vector<16xi32>
    %add3A_1621 = arith.addi %convert_element_type3A_1618, %add3A_1620 : vector<16xi32>
    %swap3A_1622 = arith.constant 816 : index
    %swap3A_1623 = tpu.vector_load %arg9[%swap3A_1622] {strides = array<i32>} : memref<1664xi32, #tpu.memory_space<vmem>>, vector<16xi32>,
    tpu.vector_store %arg9[%swap3A_1622], %add3A_1621 {strides = array<i32>} : memref<1664xi32, #tpu.memory_space<vmem>>, vector<16xi32>,
    %get3A_1624 = arith.constant 19 : i32
    %get3A_1625 = arith.index_cast %get3A_1624 : i32 to index
    %get3A_1626 = arith.constant 64 : index
    %get3A_1627 = tpu.vector_load %arg7[%get3A_1625, %get3A_1626] {strides = array<i32>} : memref<39x128xf32, #tpu.memory_space<vmem>>, vector<16xf32>,
    %convert_element_type3A_1628 = arith.fptosi %get3A_1627 : vector<16xf32> to vector<16xi32>
    %add3A_1629 = arith.constant 1900000 : i32
    %add3A_1630 = vector.broadcast %add3A_1629 : i32 to vector<16xi32>
    %add3A_1631 = arith.addi %convert_element_type3A_1628, %add3A_1630 : vector<16xi32>
    %swap3A_1632 = arith.constant 832 : index
    %swap3A_1633 = tpu.vector_load %arg9[%swap3A_1632] {strides = array<i32>} : memref<1664xi32, #tpu.memory_space<vmem>>, vector<16xi32>,
    tpu.vector_store %arg9[%swap3A_1632], %add3A_1631 {strides = array<i32>} : memref<1664xi32, #tpu.memory_space<vmem>>, vector<16xi32>,
    %get3A_1634 = arith.constant 19 : i32
    %get3A_1635 = arith.index_cast %get3A_1634 : i32 to index
    %get3A_1636 = arith.constant 80 : index
    %get3A_1637 = tpu.vector_load %arg7[%get3A_1635, %get3A_1636] {strides = array<i32>} : memref<39x128xf32, #tpu.memory_space<vmem>>, vector<16xf32>,
    %convert_element_type3A_1638 = arith.fptosi %get3A_1637 : vector<16xf32> to vector<16xi32>
    %add3A_1639 = arith.constant 1900000 : i32
    %add3A_1640 = vector.broadcast %add3A_1639 : i32 to vector<16xi32>
    %add3A_1641 = arith.addi %convert_element_type3A_1638, %add3A_1640 : vector<16xi32>
    %swap3A_1642 = arith.constant 848 : index
    %swap3A_1643 = tpu.vector_load %arg9[%swap3A_1642] {strides = array<i32>} : memref<1664xi32, #tpu.memory_space<vmem>>, vector<16xi32>,
    tpu.vector_store %arg9[%swap3A_1642], %add3A_1641 {strides = array<i32>} : memref<1664xi32, #tpu.memory_space<vmem>>, vector<16xi32>,
    %get3A_1644 = arith.constant 19 : i32
    %get3A_1645 = arith.index_cast %get3A_1644 : i32 to index
    %get3A_1646 = arith.constant 96 : index
    %get3A_1647 = tpu.vector_load %arg7[%get3A_1645, %get3A_1646] {strides = array<i32>} : memref<39x128xf32, #tpu.memory_space<vmem>>, vector<16xf32>,
    %convert_element_type3A_1648 = arith.fptosi %get3A_1647 : vector<16xf32> to vector<16xi32>
    %add3A_1649 = arith.constant 1900000 : i32
    %add3A_1650 = vector.broadcast %add3A_1649 : i32 to vector<16xi32>
    %add3A_1651 = arith.addi %convert_element_type3A_1648, %add3A_1650 : vector<16xi32>
    %swap3A_1652 = arith.constant 864 : index
    %swap3A_1653 = tpu.vector_load %arg9[%swap3A_1652] {strides = array<i32>} : memref<1664xi32, #tpu.memory_space<vmem>>, vector<16xi32>,
    tpu.vector_store %arg9[%swap3A_1652], %add3A_1651 {strides = array<i32>} : memref<1664xi32, #tpu.memory_space<vmem>>, vector<16xi32>,
    %get3A_1654 = arith.constant 19 : i32
    %get3A_1655 = arith.index_cast %get3A_1654 : i32 to index
    %get3A_1656 = arith.constant 112 : index
    %get3A_1657 = tpu.vector_load %arg7[%get3A_1655, %get3A_1656] {strides = array<i32>} : memref<39x128xf32, #tpu.memory_space<vmem>>, vector<16xf32>,
    %convert_element_type3A_1658 = arith.fptosi %get3A_1657 : vector<16xf32> to vector<16xi32>
    %add3A_1659 = arith.constant 1900000 : i32
    %add3A_1660 = vector.broadcast %add3A_1659 : i32 to vector<16xi32>
    %add3A_1661 = arith.addi %convert_element_type3A_1658, %add3A_1660 : vector<16xi32>
    %swap3A_1662 = arith.constant 880 : index
    %swap3A_1663 = tpu.vector_load %arg9[%swap3A_1662] {strides = array<i32>} : memref<1664xi32, #tpu.memory_space<vmem>>, vector<16xi32>,
    tpu.vector_store %arg9[%swap3A_1662], %add3A_1661 {strides = array<i32>} : memref<1664xi32, #tpu.memory_space<vmem>>, vector<16xi32>,
    %get3A_1664 = arith.constant 20 : i32
    %get3A_1665 = arith.index_cast %get3A_1664 : i32 to index
    %get3A_1666 = arith.constant 0 : index
    %get3A_1667 = tpu.vector_load %arg7[%get3A_1665, %get3A_1666] {strides = array<i32>} : memref<39x128xf32, #tpu.memory_space<vmem>>, vector<16xf32>,
    %convert_element_type3A_1668 = arith.fptosi %get3A_1667 : vector<16xf32> to vector<16xi32>
    %add3A_1669 = arith.constant 2000000 : i32
    %add3A_1670 = vector.broadcast %add3A_1669 : i32 to vector<16xi32>
    %add3A_1671 = arith.addi %convert_element_type3A_1668, %add3A_1670 : vector<16xi32>
    %swap3A_1672 = arith.constant 896 : index
    %swap3A_1673 = tpu.vector_load %arg9[%swap3A_1672] {strides = array<i32>} : memref<1664xi32, #tpu.memory_space<vmem>>, vector<16xi32>,
    tpu.vector_store %arg9[%swap3A_1672], %add3A_1671 {strides = array<i32>} : memref<1664xi32, #tpu.memory_space<vmem>>, vector<16xi32>,
    %get3A_1674 = arith.constant 20 : i32
    %get3A_1675 = arith.index_cast %get3A_1674 : i32 to index
    %get3A_1676 = arith.constant 16 : index
    %get3A_1677 = tpu.vector_load %arg7[%get3A_1675, %get3A_1676] {strides = array<i32>} : memref<39x128xf32, #tpu.memory_space<vmem>>, vector<16xf32>,
    %convert_element_type3A_1678 = arith.fptosi %get3A_1677 : vector<16xf32> to vector<16xi32>
    %add3A_1679 = arith.constant 2000000 : i32
    %add3A_1680 = vector.broadcast %add3A_1679 : i32 to vector<16xi32>
    %add3A_1681 = arith.addi %convert_element_type3A_1678, %add3A_1680 : vector<16xi32>
    %swap3A_1682 = arith.constant 912 : index
    %swap3A_1683 = tpu.vector_load %arg9[%swap3A_1682] {strides = array<i32>} : memref<1664xi32, #tpu.memory_space<vmem>>, vector<16xi32>,
    tpu.vector_store %arg9[%swap3A_1682], %add3A_1681 {strides = array<i32>} : memref<1664xi32, #tpu.memory_space<vmem>>, vector<16xi32>,
    %get3A_1684 = arith.constant 20 : i32
    %get3A_1685 = arith.index_cast %get3A_1684 : i32 to index
    %get3A_1686 = arith.constant 32 : index
    %get3A_1687 = tpu.vector_load %arg7[%get3A_1685, %get3A_1686] {strides = array<i32>} : memref<39x128xf32, #tpu.memory_space<vmem>>, vector<16xf32>,
    %convert_element_type3A_1688 = arith.fptosi %get3A_1687 : vector<16xf32> to vector<16xi32>
    %add3A_1689 = arith.constant 2000000 : i32
    %add3A_1690 = vector.broadcast %add3A_1689 : i32 to vector<16xi32>
    %add3A_1691 = arith.addi %convert_element_type3A_1688, %add3A_1690 : vector<16xi32>
    %swap3A_1692 = arith.constant 928 : index
    %swap3A_1693 = tpu.vector_load %arg9[%swap3A_1692] {strides = array<i32>} : memref<1664xi32, #tpu.memory_space<vmem>>, vector<16xi32>,
    tpu.vector_store %arg9[%swap3A_1692], %add3A_1691 {strides = array<i32>} : memref<1664xi32, #tpu.memory_space<vmem>>, vector<16xi32>,
    %get3A_1694 = arith.constant 20 : i32
    %get3A_1695 = arith.index_cast %get3A_1694 : i32 to index
    %get3A_1696 = arith.constant 48 : index
    %get3A_1697 = tpu.vector_load %arg7[%get3A_1695, %get3A_1696] {strides = array<i32>} : memref<39x128xf32, #tpu.memory_space<vmem>>, vector<16xf32>,
    %convert_element_type3A_1698 = arith.fptosi %get3A_1697 : vector<16xf32> to vector<16xi32>
    %add3A_1699 = arith.constant 2000000 : i32
    %add3A_1700 = vector.broadcast %add3A_1699 : i32 to vector<16xi32>
    %add3A_1701 = arith.addi %convert_element_type3A_1698, %add3A_1700 : vector<16xi32>
    %swap3A_1702 = arith.constant 944 : index
    %swap3A_1703 = tpu.vector_load %arg9[%swap3A_1702] {strides = array<i32>} : memref<1664xi32, #tpu.memory_space<vmem>>, vector<16xi32>,
    tpu.vector_store %arg9[%swap3A_1702], %add3A_1701 {strides = array<i32>} : memref<1664xi32, #tpu.memory_space<vmem>>, vector<16xi32>,
    %get3A_1704 = arith.constant 20 : i32
    %get3A_1705 = arith.index_cast %get3A_1704 : i32 to index
    %get3A_1706 = arith.constant 64 : index
    %get3A_1707 = tpu.vector_load %arg7[%get3A_1705, %get3A_1706] {strides = array<i32>} : memref<39x128xf32, #tpu.memory_space<vmem>>, vector<16xf32>,
    %convert_element_type3A_1708 = arith.fptosi %get3A_1707 : vector<16xf32> to vector<16xi32>
    %add3A_1709 = arith.constant 2000000 : i32
    %add3A_1710 = vector.broadcast %add3A_1709 : i32 to vector<16xi32>
    %add3A_1711 = arith.addi %convert_element_type3A_1708, %add3A_1710 : vector<16xi32>
    %swap3A_1712 = arith.constant 960 : index
    %swap3A_1713 = tpu.vector_load %arg9[%swap3A_1712] {strides = array<i32>} : memref<1664xi32, #tpu.memory_space<vmem>>, vector<16xi32>,
    tpu.vector_store %arg9[%swap3A_1712], %add3A_1711 {strides = array<i32>} : memref<1664xi32, #tpu.memory_space<vmem>>, vector<16xi32>,
    %get3A_1714 = arith.constant 20 : i32
    %get3A_1715 = arith.index_cast %get3A_1714 : i32 to index
    %get3A_1716 = arith.constant 80 : index
    %get3A_1717 = tpu.vector_load %arg7[%get3A_1715, %get3A_1716] {strides = array<i32>} : memref<39x128xf32, #tpu.memory_space<vmem>>, vector<16xf32>,
    %convert_element_type3A_1718 = arith.fptosi %get3A_1717 : vector<16xf32> to vector<16xi32>
    %add3A_1719 = arith.constant 2000000 : i32
    %add3A_1720 = vector.broadcast %add3A_1719 : i32 to vector<16xi32>
    %add3A_1721 = arith.addi %convert_element_type3A_1718, %add3A_1720 : vector<16xi32>
    %swap3A_1722 = arith.constant 976 : index
    %swap3A_1723 = tpu.vector_load %arg9[%swap3A_1722] {strides = array<i32>} : memref<1664xi32, #tpu.memory_space<vmem>>, vector<16xi32>,
    tpu.vector_store %arg9[%swap3A_1722], %add3A_1721 {strides = array<i32>} : memref<1664xi32, #tpu.memory_space<vmem>>, vector<16xi32>,
    %get3A_1724 = arith.constant 20 : i32
    %get3A_1725 = arith.index_cast %get3A_1724 : i32 to index
    %get3A_1726 = arith.constant 96 : index
    %get3A_1727 = tpu.vector_load %arg7[%get3A_1725, %get3A_1726] {strides = array<i32>} : memref<39x128xf32, #tpu.memory_space<vmem>>, vector<16xf32>,
    %convert_element_type3A_1728 = arith.fptosi %get3A_1727 : vector<16xf32> to vector<16xi32>
    %add3A_1729 = arith.constant 2000000 : i32
    %add3A_1730 = vector.broadcast %add3A_1729 : i32 to vector<16xi32>
    %add3A_1731 = arith.addi %convert_element_type3A_1728, %add3A_1730 : vector<16xi32>
    %swap3A_1732 = arith.constant 992 : index
    %swap3A_1733 = tpu.vector_load %arg9[%swap3A_1732] {strides = array<i32>} : memref<1664xi32, #tpu.memory_space<vmem>>, vector<16xi32>,
    tpu.vector_store %arg9[%swap3A_1732], %add3A_1731 {strides = array<i32>} : memref<1664xi32, #tpu.memory_space<vmem>>, vector<16xi32>,
    %get3A_1734 = arith.constant 20 : i32
    %get3A_1735 = arith.index_cast %get3A_1734 : i32 to index
    %get3A_1736 = arith.constant 112 : index
    %get3A_1737 = tpu.vector_load %arg7[%get3A_1735, %get3A_1736] {strides = array<i32>} : memref<39x128xf32, #tpu.memory_space<vmem>>, vector<16xf32>,
    %convert_element_type3A_1738 = arith.fptosi %get3A_1737 : vector<16xf32> to vector<16xi32>
    %add3A_1739 = arith.constant 2000000 : i32
    %add3A_1740 = vector.broadcast %add3A_1739 : i32 to vector<16xi32>
    %add3A_1741 = arith.addi %convert_element_type3A_1738, %add3A_1740 : vector<16xi32>
    %swap3A_1742 = arith.constant 1008 : index
    %swap3A_1743 = tpu.vector_load %arg9[%swap3A_1742] {strides = array<i32>} : memref<1664xi32, #tpu.memory_space<vmem>>, vector<16xi32>,
    tpu.vector_store %arg9[%swap3A_1742], %add3A_1741 {strides = array<i32>} : memref<1664xi32, #tpu.memory_space<vmem>>, vector<16xi32>,
    %get3A_1744 = arith.constant 21 : i32
    %get3A_1745 = arith.index_cast %get3A_1744 : i32 to index
    %get3A_1746 = arith.constant 0 : index
    %get3A_1747 = tpu.vector_load %arg7[%get3A_1745, %get3A_1746] {strides = array<i32>} : memref<39x128xf32, #tpu.memory_space<vmem>>, vector<16xf32>,
    %convert_element_type3A_1748 = arith.fptosi %get3A_1747 : vector<16xf32> to vector<16xi32>
    %add3A_1749 = arith.constant 2100000 : i32
    %add3A_1750 = vector.broadcast %add3A_1749 : i32 to vector<16xi32>
    %add3A_1751 = arith.addi %convert_element_type3A_1748, %add3A_1750 : vector<16xi32>
    %swap3A_1752 = arith.constant 1024 : index
    %swap3A_1753 = tpu.vector_load %arg9[%swap3A_1752] {strides = array<i32>} : memref<1664xi32, #tpu.memory_space<vmem>>, vector<16xi32>,
    tpu.vector_store %arg9[%swap3A_1752], %add3A_1751 {strides = array<i32>} : memref<1664xi32, #tpu.memory_space<vmem>>, vector<16xi32>,
    %get3A_1754 = arith.constant 21 : i32
    %get3A_1755 = arith.index_cast %get3A_1754 : i32 to index
    %get3A_1756 = arith.constant 16 : index
    %get3A_1757 = tpu.vector_load %arg7[%get3A_1755, %get3A_1756] {strides = array<i32>} : memref<39x128xf32, #tpu.memory_space<vmem>>, vector<16xf32>,
    %convert_element_type3A_1758 = arith.fptosi %get3A_1757 : vector<16xf32> to vector<16xi32>
    %add3A_1759 = arith.constant 2100000 : i32
    %add3A_1760 = vector.broadcast %add3A_1759 : i32 to vector<16xi32>
    %add3A_1761 = arith.addi %convert_element_type3A_1758, %add3A_1760 : vector<16xi32>
    %swap3A_1762 = arith.constant 1040 : index
    %swap3A_1763 = tpu.vector_load %arg9[%swap3A_1762] {strides = array<i32>} : memref<1664xi32, #tpu.memory_space<vmem>>, vector<16xi32>,
    tpu.vector_store %arg9[%swap3A_1762], %add3A_1761 {strides = array<i32>} : memref<1664xi32, #tpu.memory_space<vmem>>, vector<16xi32>,
    %get3A_1764 = arith.constant 21 : i32
    %get3A_1765 = arith.index_cast %get3A_1764 : i32 to index
    %get3A_1766 = arith.constant 32 : index
    %get3A_1767 = tpu.vector_load %arg7[%get3A_1765, %get3A_1766] {strides = array<i32>} : memref<39x128xf32, #tpu.memory_space<vmem>>, vector<16xf32>,
    %convert_element_type3A_1768 = arith.fptosi %get3A_1767 : vector<16xf32> to vector<16xi32>
    %add3A_1769 = arith.constant 2100000 : i32
    %add3A_1770 = vector.broadcast %add3A_1769 : i32 to vector<16xi32>
    %add3A_1771 = arith.addi %convert_element_type3A_1768, %add3A_1770 : vector<16xi32>
    %swap3A_1772 = arith.constant 1056 : index
    %swap3A_1773 = tpu.vector_load %arg9[%swap3A_1772] {strides = array<i32>} : memref<1664xi32, #tpu.memory_space<vmem>>, vector<16xi32>,
    tpu.vector_store %arg9[%swap3A_1772], %add3A_1771 {strides = array<i32>} : memref<1664xi32, #tpu.memory_space<vmem>>, vector<16xi32>,
    %get3A_1774 = arith.constant 21 : i32
    %get3A_1775 = arith.index_cast %get3A_1774 : i32 to index
    %get3A_1776 = arith.constant 48 : index
    %get3A_1777 = tpu.vector_load %arg7[%get3A_1775, %get3A_1776] {strides = array<i32>} : memref<39x128xf32, #tpu.memory_space<vmem>>, vector<16xf32>,
    %convert_element_type3A_1778 = arith.fptosi %get3A_1777 : vector<16xf32> to vector<16xi32>
    %add3A_1779 = arith.constant 2100000 : i32
    %add3A_1780 = vector.broadcast %add3A_1779 : i32 to vector<16xi32>
    %add3A_1781 = arith.addi %convert_element_type3A_1778, %add3A_1780 : vector<16xi32>
    %swap3A_1782 = arith.constant 1072 : index
    %swap3A_1783 = tpu.vector_load %arg9[%swap3A_1782] {strides = array<i32>} : memref<1664xi32, #tpu.memory_space<vmem>>, vector<16xi32>,
    tpu.vector_store %arg9[%swap3A_1782], %add3A_1781 {strides = array<i32>} : memref<1664xi32, #tpu.memory_space<vmem>>, vector<16xi32>,
    %get3A_1784 = arith.constant 21 : i32
    %get3A_1785 = arith.index_cast %get3A_1784 : i32 to index
    %get3A_1786 = arith.constant 64 : index
    %get3A_1787 = tpu.vector_load %arg7[%get3A_1785, %get3A_1786] {strides = array<i32>} : memref<39x128xf32, #tpu.memory_space<vmem>>, vector<16xf32>,
    %convert_element_type3A_1788 = arith.fptosi %get3A_1787 : vector<16xf32> to vector<16xi32>
    %add3A_1789 = arith.constant 2100000 : i32
    %add3A_1790 = vector.broadcast %add3A_1789 : i32 to vector<16xi32>
    %add3A_1791 = arith.addi %convert_element_type3A_1788, %add3A_1790 : vector<16xi32>
    %swap3A_1792 = arith.constant 1088 : index
    %swap3A_1793 = tpu.vector_load %arg9[%swap3A_1792] {strides = array<i32>} : memref<1664xi32, #tpu.memory_space<vmem>>, vector<16xi32>,
    tpu.vector_store %arg9[%swap3A_1792], %add3A_1791 {strides = array<i32>} : memref<1664xi32, #tpu.memory_space<vmem>>, vector<16xi32>,
    %get3A_1794 = arith.constant 21 : i32
    %get3A_1795 = arith.index_cast %get3A_1794 : i32 to index
    %get3A_1796 = arith.constant 80 : index
    %get3A_1797 = tpu.vector_load %arg7[%get3A_1795, %get3A_1796] {strides = array<i32>} : memref<39x128xf32, #tpu.memory_space<vmem>>, vector<16xf32>,
    %convert_element_type3A_1798 = arith.fptosi %get3A_1797 : vector<16xf32> to vector<16xi32>
    %add3A_1799 = arith.constant 2100000 : i32
    %add3A_1800 = vector.broadcast %add3A_1799 : i32 to vector<16xi32>
    %add3A_1801 = arith.addi %convert_element_type3A_1798, %add3A_1800 : vector<16xi32>
    %swap3A_1802 = arith.constant 1104 : index
    %swap3A_1803 = tpu.vector_load %arg9[%swap3A_1802] {strides = array<i32>} : memref<1664xi32, #tpu.memory_space<vmem>>, vector<16xi32>,
    tpu.vector_store %arg9[%swap3A_1802], %add3A_1801 {strides = array<i32>} : memref<1664xi32, #tpu.memory_space<vmem>>, vector<16xi32>,
    %get3A_1804 = arith.constant 21 : i32
    %get3A_1805 = arith.index_cast %get3A_1804 : i32 to index
    %get3A_1806 = arith.constant 96 : index
    %get3A_1807 = tpu.vector_load %arg7[%get3A_1805, %get3A_1806] {strides = array<i32>} : memref<39x128xf32, #tpu.memory_space<vmem>>, vector<16xf32>,
    %convert_element_type3A_1808 = arith.fptosi %get3A_1807 : vector<16xf32> to vector<16xi32>
    %add3A_1809 = arith.constant 2100000 : i32
    %add3A_1810 = vector.broadcast %add3A_1809 : i32 to vector<16xi32>
    %add3A_1811 = arith.addi %convert_element_type3A_1808, %add3A_1810 : vector<16xi32>
    %swap3A_1812 = arith.constant 1120 : index
    %swap3A_1813 = tpu.vector_load %arg9[%swap3A_1812] {strides = array<i32>} : memref<1664xi32, #tpu.memory_space<vmem>>, vector<16xi32>,
    tpu.vector_store %arg9[%swap3A_1812], %add3A_1811 {strides = array<i32>} : memref<1664xi32, #tpu.memory_space<vmem>>, vector<16xi32>,
    %get3A_1814 = arith.constant 21 : i32
    %get3A_1815 = arith.index_cast %get3A_1814 : i32 to index
    %get3A_1816 = arith.constant 112 : index
    %get3A_1817 = tpu.vector_load %arg7[%get3A_1815, %get3A_1816] {strides = array<i32>} : memref<39x128xf32, #tpu.memory_space<vmem>>, vector<16xf32>,
    %convert_element_type3A_1818 = arith.fptosi %get3A_1817 : vector<16xf32> to vector<16xi32>
    %add3A_1819 = arith.constant 2100000 : i32
    %add3A_1820 = vector.broadcast %add3A_1819 : i32 to vector<16xi32>
    %add3A_1821 = arith.addi %convert_element_type3A_1818, %add3A_1820 : vector<16xi32>
    %swap3A_1822 = arith.constant 1136 : index
    %swap3A_1823 = tpu.vector_load %arg9[%swap3A_1822] {strides = array<i32>} : memref<1664xi32, #tpu.memory_space<vmem>>, vector<16xi32>,
    tpu.vector_store %arg9[%swap3A_1822], %add3A_1821 {strides = array<i32>} : memref<1664xi32, #tpu.memory_space<vmem>>, vector<16xi32>,
    %get3A_1824 = arith.constant 22 : i32
    %get3A_1825 = arith.index_cast %get3A_1824 : i32 to index
    %get3A_1826 = arith.constant 0 : index
    %get3A_1827 = tpu.vector_load %arg7[%get3A_1825, %get3A_1826] {strides = array<i32>} : memref<39x128xf32, #tpu.memory_space<vmem>>, vector<16xf32>,
    %convert_element_type3A_1828 = arith.fptosi %get3A_1827 : vector<16xf32> to vector<16xi32>
    %add3A_1829 = arith.constant 2200000 : i32
    %add3A_1830 = vector.broadcast %add3A_1829 : i32 to vector<16xi32>
    %add3A_1831 = arith.addi %convert_element_type3A_1828, %add3A_1830 : vector<16xi32>
    %swap3A_1832 = arith.constant 1152 : index
    %swap3A_1833 = tpu.vector_load %arg9[%swap3A_1832] {strides = array<i32>} : memref<1664xi32, #tpu.memory_space<vmem>>, vector<16xi32>,
    tpu.vector_store %arg9[%swap3A_1832], %add3A_1831 {strides = array<i32>} : memref<1664xi32, #tpu.memory_space<vmem>>, vector<16xi32>,
    %get3A_1834 = arith.constant 22 : i32
    %get3A_1835 = arith.index_cast %get3A_1834 : i32 to index
    %get3A_1836 = arith.constant 16 : index
    %get3A_1837 = tpu.vector_load %arg7[%get3A_1835, %get3A_1836] {strides = array<i32>} : memref<39x128xf32, #tpu.memory_space<vmem>>, vector<16xf32>,
    %convert_element_type3A_1838 = arith.fptosi %get3A_1837 : vector<16xf32> to vector<16xi32>
    %add3A_1839 = arith.constant 2200000 : i32
    %add3A_1840 = vector.broadcast %add3A_1839 : i32 to vector<16xi32>
    %add3A_1841 = arith.addi %convert_element_type3A_1838, %add3A_1840 : vector<16xi32>
    %swap3A_1842 = arith.constant 1168 : index
    %swap3A_1843 = tpu.vector_load %arg9[%swap3A_1842] {strides = array<i32>} : memref<1664xi32, #tpu.memory_space<vmem>>, vector<16xi32>,
    tpu.vector_store %arg9[%swap3A_1842], %add3A_1841 {strides = array<i32>} : memref<1664xi32, #tpu.memory_space<vmem>>, vector<16xi32>,
    %get3A_1844 = arith.constant 22 : i32
    %get3A_1845 = arith.index_cast %get3A_1844 : i32 to index
    %get3A_1846 = arith.constant 32 : index
    %get3A_1847 = tpu.vector_load %arg7[%get3A_1845, %get3A_1846] {strides = array<i32>} : memref<39x128xf32, #tpu.memory_space<vmem>>, vector<16xf32>,
    %convert_element_type3A_1848 = arith.fptosi %get3A_1847 : vector<16xf32> to vector<16xi32>
    %add3A_1849 = arith.constant 2200000 : i32
    %add3A_1850 = vector.broadcast %add3A_1849 : i32 to vector<16xi32>
    %add3A_1851 = arith.addi %convert_element_type3A_1848, %add3A_1850 : vector<16xi32>
    %swap3A_1852 = arith.constant 1184 : index
    %swap3A_1853 = tpu.vector_load %arg9[%swap3A_1852] {strides = array<i32>} : memref<1664xi32, #tpu.memory_space<vmem>>, vector<16xi32>,
    tpu.vector_store %arg9[%swap3A_1852], %add3A_1851 {strides = array<i32>} : memref<1664xi32, #tpu.memory_space<vmem>>, vector<16xi32>,
    %get3A_1854 = arith.constant 22 : i32
    %get3A_1855 = arith.index_cast %get3A_1854 : i32 to index
    %get3A_1856 = arith.constant 48 : index
    %get3A_1857 = tpu.vector_load %arg7[%get3A_1855, %get3A_1856] {strides = array<i32>} : memref<39x128xf32, #tpu.memory_space<vmem>>, vector<16xf32>,
    %convert_element_type3A_1858 = arith.fptosi %get3A_1857 : vector<16xf32> to vector<16xi32>
    %add3A_1859 = arith.constant 2200000 : i32
    %add3A_1860 = vector.broadcast %add3A_1859 : i32 to vector<16xi32>
    %add3A_1861 = arith.addi %convert_element_type3A_1858, %add3A_1860 : vector<16xi32>
    %swap3A_1862 = arith.constant 1200 : index
    %swap3A_1863 = tpu.vector_load %arg9[%swap3A_1862] {strides = array<i32>} : memref<1664xi32, #tpu.memory_space<vmem>>, vector<16xi32>,
    tpu.vector_store %arg9[%swap3A_1862], %add3A_1861 {strides = array<i32>} : memref<1664xi32, #tpu.memory_space<vmem>>, vector<16xi32>,
    %get3A_1864 = arith.constant 22 : i32
    %get3A_1865 = arith.index_cast %get3A_1864 : i32 to index
    %get3A_1866 = arith.constant 64 : index
    %get3A_1867 = tpu.vector_load %arg7[%get3A_1865, %get3A_1866] {strides = array<i32>} : memref<39x128xf32, #tpu.memory_space<vmem>>, vector<16xf32>,
    %convert_element_type3A_1868 = arith.fptosi %get3A_1867 : vector<16xf32> to vector<16xi32>
    %add3A_1869 = arith.constant 2200000 : i32
    %add3A_1870 = vector.broadcast %add3A_1869 : i32 to vector<16xi32>
    %add3A_1871 = arith.addi %convert_element_type3A_1868, %add3A_1870 : vector<16xi32>
    %swap3A_1872 = arith.constant 1216 : index
    %swap3A_1873 = tpu.vector_load %arg9[%swap3A_1872] {strides = array<i32>} : memref<1664xi32, #tpu.memory_space<vmem>>, vector<16xi32>,
    tpu.vector_store %arg9[%swap3A_1872], %add3A_1871 {strides = array<i32>} : memref<1664xi32, #tpu.memory_space<vmem>>, vector<16xi32>,
    %get3A_1874 = arith.constant 22 : i32
    %get3A_1875 = arith.index_cast %get3A_1874 : i32 to index
    %get3A_1876 = arith.constant 80 : index
    %get3A_1877 = tpu.vector_load %arg7[%get3A_1875, %get3A_1876] {strides = array<i32>} : memref<39x128xf32, #tpu.memory_space<vmem>>, vector<16xf32>,
    %convert_element_type3A_1878 = arith.fptosi %get3A_1877 : vector<16xf32> to vector<16xi32>
    %add3A_1879 = arith.constant 2200000 : i32
    %add3A_1880 = vector.broadcast %add3A_1879 : i32 to vector<16xi32>
    %add3A_1881 = arith.addi %convert_element_type3A_1878, %add3A_1880 : vector<16xi32>
    %swap3A_1882 = arith.constant 1232 : index
    %swap3A_1883 = tpu.vector_load %arg9[%swap3A_1882] {strides = array<i32>} : memref<1664xi32, #tpu.memory_space<vmem>>, vector<16xi32>,
    tpu.vector_store %arg9[%swap3A_1882], %add3A_1881 {strides = array<i32>} : memref<1664xi32, #tpu.memory_space<vmem>>, vector<16xi32>,
    %get3A_1884 = arith.constant 22 : i32
    %get3A_1885 = arith.index_cast %get3A_1884 : i32 to index
    %get3A_1886 = arith.constant 96 : index
    %get3A_1887 = tpu.vector_load %arg7[%get3A_1885, %get3A_1886] {strides = array<i32>} : memref<39x128xf32, #tpu.memory_space<vmem>>, vector<16xf32>,
    %convert_element_type3A_1888 = arith.fptosi %get3A_1887 : vector<16xf32> to vector<16xi32>
    %add3A_1889 = arith.constant 2200000 : i32
    %add3A_1890 = vector.broadcast %add3A_1889 : i32 to vector<16xi32>
    %add3A_1891 = arith.addi %convert_element_type3A_1888, %add3A_1890 : vector<16xi32>
    %swap3A_1892 = arith.constant 1248 : index
    %swap3A_1893 = tpu.vector_load %arg9[%swap3A_1892] {strides = array<i32>} : memref<1664xi32, #tpu.memory_space<vmem>>, vector<16xi32>,
    tpu.vector_store %arg9[%swap3A_1892], %add3A_1891 {strides = array<i32>} : memref<1664xi32, #tpu.memory_space<vmem>>, vector<16xi32>,
    %get3A_1894 = arith.constant 22 : i32
    %get3A_1895 = arith.index_cast %get3A_1894 : i32 to index
    %get3A_1896 = arith.constant 112 : index
    %get3A_1897 = tpu.vector_load %arg7[%get3A_1895, %get3A_1896] {strides = array<i32>} : memref<39x128xf32, #tpu.memory_space<vmem>>, vector<16xf32>,
    %convert_element_type3A_1898 = arith.fptosi %get3A_1897 : vector<16xf32> to vector<16xi32>
    %add3A_1899 = arith.constant 2200000 : i32
    %add3A_1900 = vector.broadcast %add3A_1899 : i32 to vector<16xi32>
    %add3A_1901 = arith.addi %convert_element_type3A_1898, %add3A_1900 : vector<16xi32>
    %swap3A_1902 = arith.constant 1264 : index
    %swap3A_1903 = tpu.vector_load %arg9[%swap3A_1902] {strides = array<i32>} : memref<1664xi32, #tpu.memory_space<vmem>>, vector<16xi32>,
    tpu.vector_store %arg9[%swap3A_1902], %add3A_1901 {strides = array<i32>} : memref<1664xi32, #tpu.memory_space<vmem>>, vector<16xi32>,
    %get3A_1904 = arith.constant 23 : i32
    %get3A_1905 = arith.index_cast %get3A_1904 : i32 to index
    %get3A_1906 = arith.constant 0 : index
    %get3A_1907 = tpu.vector_load %arg7[%get3A_1905, %get3A_1906] {strides = array<i32>} : memref<39x128xf32, #tpu.memory_space<vmem>>, vector<16xf32>,
    %convert_element_type3A_1908 = arith.fptosi %get3A_1907 : vector<16xf32> to vector<16xi32>
    %add3A_1909 = arith.constant 2300000 : i32
    %add3A_1910 = vector.broadcast %add3A_1909 : i32 to vector<16xi32>
    %add3A_1911 = arith.addi %convert_element_type3A_1908, %add3A_1910 : vector<16xi32>
    %swap3A_1912 = arith.constant 1280 : index
    %swap3A_1913 = tpu.vector_load %arg9[%swap3A_1912] {strides = array<i32>} : memref<1664xi32, #tpu.memory_space<vmem>>, vector<16xi32>,
    tpu.vector_store %arg9[%swap3A_1912], %add3A_1911 {strides = array<i32>} : memref<1664xi32, #tpu.memory_space<vmem>>, vector<16xi32>,
    %get3A_1914 = arith.constant 23 : i32
    %get3A_1915 = arith.index_cast %get3A_1914 : i32 to index
    %get3A_1916 = arith.constant 16 : index
    %get3A_1917 = tpu.vector_load %arg7[%get3A_1915, %get3A_1916] {strides = array<i32>} : memref<39x128xf32, #tpu.memory_space<vmem>>, vector<16xf32>,
    %convert_element_type3A_1918 = arith.fptosi %get3A_1917 : vector<16xf32> to vector<16xi32>
    %add3A_1919 = arith.constant 2300000 : i32
    %add3A_1920 = vector.broadcast %add3A_1919 : i32 to vector<16xi32>
    %add3A_1921 = arith.addi %convert_element_type3A_1918, %add3A_1920 : vector<16xi32>
    %swap3A_1922 = arith.constant 1296 : index
    %swap3A_1923 = tpu.vector_load %arg9[%swap3A_1922] {strides = array<i32>} : memref<1664xi32, #tpu.memory_space<vmem>>, vector<16xi32>,
    tpu.vector_store %arg9[%swap3A_1922], %add3A_1921 {strides = array<i32>} : memref<1664xi32, #tpu.memory_space<vmem>>, vector<16xi32>,
    %get3A_1924 = arith.constant 23 : i32
    %get3A_1925 = arith.index_cast %get3A_1924 : i32 to index
    %get3A_1926 = arith.constant 32 : index
    %get3A_1927 = tpu.vector_load %arg7[%get3A_1925, %get3A_1926] {strides = array<i32>} : memref<39x128xf32, #tpu.memory_space<vmem>>, vector<16xf32>,
    %convert_element_type3A_1928 = arith.fptosi %get3A_1927 : vector<16xf32> to vector<16xi32>
    %add3A_1929 = arith.constant 2300000 : i32
    %add3A_1930 = vector.broadcast %add3A_1929 : i32 to vector<16xi32>
    %add3A_1931 = arith.addi %convert_element_type3A_1928, %add3A_1930 : vector<16xi32>
    %swap3A_1932 = arith.constant 1312 : index
    %swap3A_1933 = tpu.vector_load %arg9[%swap3A_1932] {strides = array<i32>} : memref<1664xi32, #tpu.memory_space<vmem>>, vector<16xi32>,
    tpu.vector_store %arg9[%swap3A_1932], %add3A_1931 {strides = array<i32>} : memref<1664xi32, #tpu.memory_space<vmem>>, vector<16xi32>,
    %get3A_1934 = arith.constant 23 : i32
    %get3A_1935 = arith.index_cast %get3A_1934 : i32 to index
    %get3A_1936 = arith.constant 48 : index
    %get3A_1937 = tpu.vector_load %arg7[%get3A_1935, %get3A_1936] {strides = array<i32>} : memref<39x128xf32, #tpu.memory_space<vmem>>, vector<16xf32>,
    %convert_element_type3A_1938 = arith.fptosi %get3A_1937 : vector<16xf32> to vector<16xi32>
    %add3A_1939 = arith.constant 2300000 : i32
    %add3A_1940 = vector.broadcast %add3A_1939 : i32 to vector<16xi32>
    %add3A_1941 = arith.addi %convert_element_type3A_1938, %add3A_1940 : vector<16xi32>
    %swap3A_1942 = arith.constant 1328 : index
    %swap3A_1943 = tpu.vector_load %arg9[%swap3A_1942] {strides = array<i32>} : memref<1664xi32, #tpu.memory_space<vmem>>, vector<16xi32>,
    tpu.vector_store %arg9[%swap3A_1942], %add3A_1941 {strides = array<i32>} : memref<1664xi32, #tpu.memory_space<vmem>>, vector<16xi32>,
    %get3A_1944 = arith.constant 23 : i32
    %get3A_1945 = arith.index_cast %get3A_1944 : i32 to index
    %get3A_1946 = arith.constant 64 : index
    %get3A_1947 = tpu.vector_load %arg7[%get3A_1945, %get3A_1946] {strides = array<i32>} : memref<39x128xf32, #tpu.memory_space<vmem>>, vector<16xf32>,
    %convert_element_type3A_1948 = arith.fptosi %get3A_1947 : vector<16xf32> to vector<16xi32>
    %add3A_1949 = arith.constant 2300000 : i32
    %add3A_1950 = vector.broadcast %add3A_1949 : i32 to vector<16xi32>
    %add3A_1951 = arith.addi %convert_element_type3A_1948, %add3A_1950 : vector<16xi32>
    %swap3A_1952 = arith.constant 1344 : index
    %swap3A_1953 = tpu.vector_load %arg9[%swap3A_1952] {strides = array<i32>} : memref<1664xi32, #tpu.memory_space<vmem>>, vector<16xi32>,
    tpu.vector_store %arg9[%swap3A_1952], %add3A_1951 {strides = array<i32>} : memref<1664xi32, #tpu.memory_space<vmem>>, vector<16xi32>,
    %get3A_1954 = arith.constant 23 : i32
    %get3A_1955 = arith.index_cast %get3A_1954 : i32 to index
    %get3A_1956 = arith.constant 80 : index
    %get3A_1957 = tpu.vector_load %arg7[%get3A_1955, %get3A_1956] {strides = array<i32>} : memref<39x128xf32, #tpu.memory_space<vmem>>, vector<16xf32>,
    %convert_element_type3A_1958 = arith.fptosi %get3A_1957 : vector<16xf32> to vector<16xi32>
    %add3A_1959 = arith.constant 2300000 : i32
    %add3A_1960 = vector.broadcast %add3A_1959 : i32 to vector<16xi32>
    %add3A_1961 = arith.addi %convert_element_type3A_1958, %add3A_1960 : vector<16xi32>
    %swap3A_1962 = arith.constant 1360 : index
    %swap3A_1963 = tpu.vector_load %arg9[%swap3A_1962] {strides = array<i32>} : memref<1664xi32, #tpu.memory_space<vmem>>, vector<16xi32>,
    tpu.vector_store %arg9[%swap3A_1962], %add3A_1961 {strides = array<i32>} : memref<1664xi32, #tpu.memory_space<vmem>>, vector<16xi32>,
    %get3A_1964 = arith.constant 23 : i32
    %get3A_1965 = arith.index_cast %get3A_1964 : i32 to index
    %get3A_1966 = arith.constant 96 : index
    %get3A_1967 = tpu.vector_load %arg7[%get3A_1965, %get3A_1966] {strides = array<i32>} : memref<39x128xf32, #tpu.memory_space<vmem>>, vector<16xf32>,
    %convert_element_type3A_1968 = arith.fptosi %get3A_1967 : vector<16xf32> to vector<16xi32>
    %add3A_1969 = arith.constant 2300000 : i32
    %add3A_1970 = vector.broadcast %add3A_1969 : i32 to vector<16xi32>
    %add3A_1971 = arith.addi %convert_element_type3A_1968, %add3A_1970 : vector<16xi32>
    %swap3A_1972 = arith.constant 1376 : index
    %swap3A_1973 = tpu.vector_load %arg9[%swap3A_1972] {strides = array<i32>} : memref<1664xi32, #tpu.memory_space<vmem>>, vector<16xi32>,
    tpu.vector_store %arg9[%swap3A_1972], %add3A_1971 {strides = array<i32>} : memref<1664xi32, #tpu.memory_space<vmem>>, vector<16xi32>,
    %get3A_1974 = arith.constant 23 : i32
    %get3A_1975 = arith.index_cast %get3A_1974 : i32 to index
    %get3A_1976 = arith.constant 112 : index
    %get3A_1977 = tpu.vector_load %arg7[%get3A_1975, %get3A_1976] {strides = array<i32>} : memref<39x128xf32, #tpu.memory_space<vmem>>, vector<16xf32>,
    %convert_element_type3A_1978 = arith.fptosi %get3A_1977 : vector<16xf32> to vector<16xi32>
    %add3A_1979 = arith.constant 2300000 : i32
    %add3A_1980 = vector.broadcast %add3A_1979 : i32 to vector<16xi32>
    %add3A_1981 = arith.addi %convert_element_type3A_1978, %add3A_1980 : vector<16xi32>
    %swap3A_1982 = arith.constant 1392 : index
    %swap3A_1983 = tpu.vector_load %arg9[%swap3A_1982] {strides = array<i32>} : memref<1664xi32, #tpu.memory_space<vmem>>, vector<16xi32>,
    tpu.vector_store %arg9[%swap3A_1982], %add3A_1981 {strides = array<i32>} : memref<1664xi32, #tpu.memory_space<vmem>>, vector<16xi32>,
    %get3A_1984 = arith.constant 24 : i32
    %get3A_1985 = arith.index_cast %get3A_1984 : i32 to index
    %get3A_1986 = arith.constant 0 : index
    %get3A_1987 = tpu.vector_load %arg7[%get3A_1985, %get3A_1986] {strides = array<i32>} : memref<39x128xf32, #tpu.memory_space<vmem>>, vector<16xf32>,
    %convert_element_type3A_1988 = arith.fptosi %get3A_1987 : vector<16xf32> to vector<16xi32>
    %add3A_1989 = arith.constant 2400000 : i32
    %add3A_1990 = vector.broadcast %add3A_1989 : i32 to vector<16xi32>
    %add3A_1991 = arith.addi %convert_element_type3A_1988, %add3A_1990 : vector<16xi32>
    %swap3A_1992 = arith.constant 1408 : index
    %swap3A_1993 = tpu.vector_load %arg9[%swap3A_1992] {strides = array<i32>} : memref<1664xi32, #tpu.memory_space<vmem>>, vector<16xi32>,
    tpu.vector_store %arg9[%swap3A_1992], %add3A_1991 {strides = array<i32>} : memref<1664xi32, #tpu.memory_space<vmem>>, vector<16xi32>,
    %get3A_1994 = arith.constant 24 : i32
    %get3A_1995 = arith.index_cast %get3A_1994 : i32 to index
    %get3A_1996 = arith.constant 16 : index
    %get3A_1997 = tpu.vector_load %arg7[%get3A_1995, %get3A_1996] {strides = array<i32>} : memref<39x128xf32, #tpu.memory_space<vmem>>, vector<16xf32>,
    %convert_element_type3A_1998 = arith.fptosi %get3A_1997 : vector<16xf32> to vector<16xi32>
    %add3A_1999 = arith.constant 2400000 : i32
    %add3A_2000 = vector.broadcast %add3A_1999 : i32 to vector<16xi32>
    %add3A_2001 = arith.addi %convert_element_type3A_1998, %add3A_2000 : vector<16xi32>
    %swap3A_2002 = arith.constant 1424 : index
    %swap3A_2003 = tpu.vector_load %arg9[%swap3A_2002] {strides = array<i32>} : memref<1664xi32, #tpu.memory_space<vmem>>, vector<16xi32>,
    tpu.vector_store %arg9[%swap3A_2002], %add3A_2001 {strides = array<i32>} : memref<1664xi32, #tpu.memory_space<vmem>>, vector<16xi32>,
    %get3A_2004 = arith.constant 24 : i32
    %get3A_2005 = arith.index_cast %get3A_2004 : i32 to index
    %get3A_2006 = arith.constant 32 : index
    %get3A_2007 = tpu.vector_load %arg7[%get3A_2005, %get3A_2006] {strides = array<i32>} : memref<39x128xf32, #tpu.memory_space<vmem>>, vector<16xf32>,
    %convert_element_type3A_2008 = arith.fptosi %get3A_2007 : vector<16xf32> to vector<16xi32>
    %add3A_2009 = arith.constant 2400000 : i32
    %add3A_2010 = vector.broadcast %add3A_2009 : i32 to vector<16xi32>
    %add3A_2011 = arith.addi %convert_element_type3A_2008, %add3A_2010 : vector<16xi32>
    %swap3A_2012 = arith.constant 1440 : index
    %swap3A_2013 = tpu.vector_load %arg9[%swap3A_2012] {strides = array<i32>} : memref<1664xi32, #tpu.memory_space<vmem>>, vector<16xi32>,
    tpu.vector_store %arg9[%swap3A_2012], %add3A_2011 {strides = array<i32>} : memref<1664xi32, #tpu.memory_space<vmem>>, vector<16xi32>,
    %get3A_2014 = arith.constant 24 : i32
    %get3A_2015 = arith.index_cast %get3A_2014 : i32 to index
    %get3A_2016 = arith.constant 48 : index
    %get3A_2017 = tpu.vector_load %arg7[%get3A_2015, %get3A_2016] {strides = array<i32>} : memref<39x128xf32, #tpu.memory_space<vmem>>, vector<16xf32>,
    %convert_element_type3A_2018 = arith.fptosi %get3A_2017 : vector<16xf32> to vector<16xi32>
    %add3A_2019 = arith.constant 2400000 : i32
    %add3A_2020 = vector.broadcast %add3A_2019 : i32 to vector<16xi32>
    %add3A_2021 = arith.addi %convert_element_type3A_2018, %add3A_2020 : vector<16xi32>
    %swap3A_2022 = arith.constant 1456 : index
    %swap3A_2023 = tpu.vector_load %arg9[%swap3A_2022] {strides = array<i32>} : memref<1664xi32, #tpu.memory_space<vmem>>, vector<16xi32>,
    tpu.vector_store %arg9[%swap3A_2022], %add3A_2021 {strides = array<i32>} : memref<1664xi32, #tpu.memory_space<vmem>>, vector<16xi32>,
    %get3A_2024 = arith.constant 24 : i32
    %get3A_2025 = arith.index_cast %get3A_2024 : i32 to index
    %get3A_2026 = arith.constant 64 : index
    %get3A_2027 = tpu.vector_load %arg7[%get3A_2025, %get3A_2026] {strides = array<i32>} : memref<39x128xf32, #tpu.memory_space<vmem>>, vector<16xf32>,
    %convert_element_type3A_2028 = arith.fptosi %get3A_2027 : vector<16xf32> to vector<16xi32>
    %add3A_2029 = arith.constant 2400000 : i32
    %add3A_2030 = vector.broadcast %add3A_2029 : i32 to vector<16xi32>
    %add3A_2031 = arith.addi %convert_element_type3A_2028, %add3A_2030 : vector<16xi32>
    %swap3A_2032 = arith.constant 1472 : index
    %swap3A_2033 = tpu.vector_load %arg9[%swap3A_2032] {strides = array<i32>} : memref<1664xi32, #tpu.memory_space<vmem>>, vector<16xi32>,
    tpu.vector_store %arg9[%swap3A_2032], %add3A_2031 {strides = array<i32>} : memref<1664xi32, #tpu.memory_space<vmem>>, vector<16xi32>,
    %get3A_2034 = arith.constant 24 : i32
    %get3A_2035 = arith.index_cast %get3A_2034 : i32 to index
    %get3A_2036 = arith.constant 80 : index
    %get3A_2037 = tpu.vector_load %arg7[%get3A_2035, %get3A_2036] {strides = array<i32>} : memref<39x128xf32, #tpu.memory_space<vmem>>, vector<16xf32>,
    %convert_element_type3A_2038 = arith.fptosi %get3A_2037 : vector<16xf32> to vector<16xi32>
    %add3A_2039 = arith.constant 2400000 : i32
    %add3A_2040 = vector.broadcast %add3A_2039 : i32 to vector<16xi32>
    %add3A_2041 = arith.addi %convert_element_type3A_2038, %add3A_2040 : vector<16xi32>
    %swap3A_2042 = arith.constant 1488 : index
    %swap3A_2043 = tpu.vector_load %arg9[%swap3A_2042] {strides = array<i32>} : memref<1664xi32, #tpu.memory_space<vmem>>, vector<16xi32>,
    tpu.vector_store %arg9[%swap3A_2042], %add3A_2041 {strides = array<i32>} : memref<1664xi32, #tpu.memory_space<vmem>>, vector<16xi32>,
    %get3A_2044 = arith.constant 24 : i32
    %get3A_2045 = arith.index_cast %get3A_2044 : i32 to index
    %get3A_2046 = arith.constant 96 : index
    %get3A_2047 = tpu.vector_load %arg7[%get3A_2045, %get3A_2046] {strides = array<i32>} : memref<39x128xf32, #tpu.memory_space<vmem>>, vector<16xf32>,
    %convert_element_type3A_2048 = arith.fptosi %get3A_2047 : vector<16xf32> to vector<16xi32>
    %add3A_2049 = arith.constant 2400000 : i32
    %add3A_2050 = vector.broadcast %add3A_2049 : i32 to vector<16xi32>
    %add3A_2051 = arith.addi %convert_element_type3A_2048, %add3A_2050 : vector<16xi32>
    %swap3A_2052 = arith.constant 1504 : index
    %swap3A_2053 = tpu.vector_load %arg9[%swap3A_2052] {strides = array<i32>} : memref<1664xi32, #tpu.memory_space<vmem>>, vector<16xi32>,
    tpu.vector_store %arg9[%swap3A_2052], %add3A_2051 {strides = array<i32>} : memref<1664xi32, #tpu.memory_space<vmem>>, vector<16xi32>,
    %get3A_2054 = arith.constant 24 : i32
    %get3A_2055 = arith.index_cast %get3A_2054 : i32 to index
    %get3A_2056 = arith.constant 112 : index
    %get3A_2057 = tpu.vector_load %arg7[%get3A_2055, %get3A_2056] {strides = array<i32>} : memref<39x128xf32, #tpu.memory_space<vmem>>, vector<16xf32>,
    %convert_element_type3A_2058 = arith.fptosi %get3A_2057 : vector<16xf32> to vector<16xi32>
    %add3A_2059 = arith.constant 2400000 : i32
    %add3A_2060 = vector.broadcast %add3A_2059 : i32 to vector<16xi32>
    %add3A_2061 = arith.addi %convert_element_type3A_2058, %add3A_2060 : vector<16xi32>
    %swap3A_2062 = arith.constant 1520 : index
    %swap3A_2063 = tpu.vector_load %arg9[%swap3A_2062] {strides = array<i32>} : memref<1664xi32, #tpu.memory_space<vmem>>, vector<16xi32>,
    tpu.vector_store %arg9[%swap3A_2062], %add3A_2061 {strides = array<i32>} : memref<1664xi32, #tpu.memory_space<vmem>>, vector<16xi32>,
    %get3A_2064 = arith.constant 25 : i32
    %get3A_2065 = arith.index_cast %get3A_2064 : i32 to index
    %get3A_2066 = arith.constant 0 : index
    %get3A_2067 = tpu.vector_load %arg7[%get3A_2065, %get3A_2066] {strides = array<i32>} : memref<39x128xf32, #tpu.memory_space<vmem>>, vector<16xf32>,
    %convert_element_type3A_2068 = arith.fptosi %get3A_2067 : vector<16xf32> to vector<16xi32>
    %add3A_2069 = arith.constant 2500000 : i32
    %add3A_2070 = vector.broadcast %add3A_2069 : i32 to vector<16xi32>
    %add3A_2071 = arith.addi %convert_element_type3A_2068, %add3A_2070 : vector<16xi32>
    %swap3A_2072 = arith.constant 1536 : index
    %swap3A_2073 = tpu.vector_load %arg9[%swap3A_2072] {strides = array<i32>} : memref<1664xi32, #tpu.memory_space<vmem>>, vector<16xi32>,
    tpu.vector_store %arg9[%swap3A_2072], %add3A_2071 {strides = array<i32>} : memref<1664xi32, #tpu.memory_space<vmem>>, vector<16xi32>,
    %get3A_2074 = arith.constant 25 : i32
    %get3A_2075 = arith.index_cast %get3A_2074 : i32 to index
    %get3A_2076 = arith.constant 16 : index
    %get3A_2077 = tpu.vector_load %arg7[%get3A_2075, %get3A_2076] {strides = array<i32>} : memref<39x128xf32, #tpu.memory_space<vmem>>, vector<16xf32>,
    %convert_element_type3A_2078 = arith.fptosi %get3A_2077 : vector<16xf32> to vector<16xi32>
    %add3A_2079 = arith.constant 2500000 : i32
    %add3A_2080 = vector.broadcast %add3A_2079 : i32 to vector<16xi32>
    %add3A_2081 = arith.addi %convert_element_type3A_2078, %add3A_2080 : vector<16xi32>
    %swap3A_2082 = arith.constant 1552 : index
    %swap3A_2083 = tpu.vector_load %arg9[%swap3A_2082] {strides = array<i32>} : memref<1664xi32, #tpu.memory_space<vmem>>, vector<16xi32>,
    tpu.vector_store %arg9[%swap3A_2082], %add3A_2081 {strides = array<i32>} : memref<1664xi32, #tpu.memory_space<vmem>>, vector<16xi32>,
    %get3A_2084 = arith.constant 25 : i32
    %get3A_2085 = arith.index_cast %get3A_2084 : i32 to index
    %get3A_2086 = arith.constant 32 : index
    %get3A_2087 = tpu.vector_load %arg7[%get3A_2085, %get3A_2086] {strides = array<i32>} : memref<39x128xf32, #tpu.memory_space<vmem>>, vector<16xf32>,
    %convert_element_type3A_2088 = arith.fptosi %get3A_2087 : vector<16xf32> to vector<16xi32>
    %add3A_2089 = arith.constant 2500000 : i32
    %add3A_2090 = vector.broadcast %add3A_2089 : i32 to vector<16xi32>
    %add3A_2091 = arith.addi %convert_element_type3A_2088, %add3A_2090 : vector<16xi32>
    %swap3A_2092 = arith.constant 1568 : index
    %swap3A_2093 = tpu.vector_load %arg9[%swap3A_2092] {strides = array<i32>} : memref<1664xi32, #tpu.memory_space<vmem>>, vector<16xi32>,
    tpu.vector_store %arg9[%swap3A_2092], %add3A_2091 {strides = array<i32>} : memref<1664xi32, #tpu.memory_space<vmem>>, vector<16xi32>,
    %get3A_2094 = arith.constant 25 : i32
    %get3A_2095 = arith.index_cast %get3A_2094 : i32 to index
    %get3A_2096 = arith.constant 48 : index
    %get3A_2097 = tpu.vector_load %arg7[%get3A_2095, %get3A_2096] {strides = array<i32>} : memref<39x128xf32, #tpu.memory_space<vmem>>, vector<16xf32>,
    %convert_element_type3A_2098 = arith.fptosi %get3A_2097 : vector<16xf32> to vector<16xi32>
    %add3A_2099 = arith.constant 2500000 : i32
    %add3A_2100 = vector.broadcast %add3A_2099 : i32 to vector<16xi32>
    %add3A_2101 = arith.addi %convert_element_type3A_2098, %add3A_2100 : vector<16xi32>
    %swap3A_2102 = arith.constant 1584 : index
    %swap3A_2103 = tpu.vector_load %arg9[%swap3A_2102] {strides = array<i32>} : memref<1664xi32, #tpu.memory_space<vmem>>, vector<16xi32>,
    tpu.vector_store %arg9[%swap3A_2102], %add3A_2101 {strides = array<i32>} : memref<1664xi32, #tpu.memory_space<vmem>>, vector<16xi32>,
    %get3A_2104 = arith.constant 25 : i32
    %get3A_2105 = arith.index_cast %get3A_2104 : i32 to index
    %get3A_2106 = arith.constant 64 : index
    %get3A_2107 = tpu.vector_load %arg7[%get3A_2105, %get3A_2106] {strides = array<i32>} : memref<39x128xf32, #tpu.memory_space<vmem>>, vector<16xf32>,
    %convert_element_type3A_2108 = arith.fptosi %get3A_2107 : vector<16xf32> to vector<16xi32>
    %add3A_2109 = arith.constant 2500000 : i32
    %add3A_2110 = vector.broadcast %add3A_2109 : i32 to vector<16xi32>
    %add3A_2111 = arith.addi %convert_element_type3A_2108, %add3A_2110 : vector<16xi32>
    %swap3A_2112 = arith.constant 1600 : index
    %swap3A_2113 = tpu.vector_load %arg9[%swap3A_2112] {strides = array<i32>} : memref<1664xi32, #tpu.memory_space<vmem>>, vector<16xi32>,
    tpu.vector_store %arg9[%swap3A_2112], %add3A_2111 {strides = array<i32>} : memref<1664xi32, #tpu.memory_space<vmem>>, vector<16xi32>,
    %get3A_2114 = arith.constant 25 : i32
    %get3A_2115 = arith.index_cast %get3A_2114 : i32 to index
    %get3A_2116 = arith.constant 80 : index
    %get3A_2117 = tpu.vector_load %arg7[%get3A_2115, %get3A_2116] {strides = array<i32>} : memref<39x128xf32, #tpu.memory_space<vmem>>, vector<16xf32>,
    %convert_element_type3A_2118 = arith.fptosi %get3A_2117 : vector<16xf32> to vector<16xi32>
    %add3A_2119 = arith.constant 2500000 : i32
    %add3A_2120 = vector.broadcast %add3A_2119 : i32 to vector<16xi32>
    %add3A_2121 = arith.addi %convert_element_type3A_2118, %add3A_2120 : vector<16xi32>
    %swap3A_2122 = arith.constant 1616 : index
    %swap3A_2123 = tpu.vector_load %arg9[%swap3A_2122] {strides = array<i32>} : memref<1664xi32, #tpu.memory_space<vmem>>, vector<16xi32>,
    tpu.vector_store %arg9[%swap3A_2122], %add3A_2121 {strides = array<i32>} : memref<1664xi32, #tpu.memory_space<vmem>>, vector<16xi32>,
    %get3A_2124 = arith.constant 25 : i32
    %get3A_2125 = arith.index_cast %get3A_2124 : i32 to index
    %get3A_2126 = arith.constant 96 : index
    %get3A_2127 = tpu.vector_load %arg7[%get3A_2125, %get3A_2126] {strides = array<i32>} : memref<39x128xf32, #tpu.memory_space<vmem>>, vector<16xf32>,
    %convert_element_type3A_2128 = arith.fptosi %get3A_2127 : vector<16xf32> to vector<16xi32>
    %add3A_2129 = arith.constant 2500000 : i32
    %add3A_2130 = vector.broadcast %add3A_2129 : i32 to vector<16xi32>
    %add3A_2131 = arith.addi %convert_element_type3A_2128, %add3A_2130 : vector<16xi32>
    %swap3A_2132 = arith.constant 1632 : index
    %swap3A_2133 = tpu.vector_load %arg9[%swap3A_2132] {strides = array<i32>} : memref<1664xi32, #tpu.memory_space<vmem>>, vector<16xi32>,
    tpu.vector_store %arg9[%swap3A_2132], %add3A_2131 {strides = array<i32>} : memref<1664xi32, #tpu.memory_space<vmem>>, vector<16xi32>,
    %get3A_2134 = arith.constant 25 : i32
    %get3A_2135 = arith.index_cast %get3A_2134 : i32 to index
    %get3A_2136 = arith.constant 112 : index
    %get3A_2137 = tpu.vector_load %arg7[%get3A_2135, %get3A_2136] {strides = array<i32>} : memref<39x128xf32, #tpu.memory_space<vmem>>, vector<16xf32>,
    %convert_element_type3A_2138 = arith.fptosi %get3A_2137 : vector<16xf32> to vector<16xi32>
    %add3A_2139 = arith.constant 2500000 : i32
    %add3A_2140 = vector.broadcast %add3A_2139 : i32 to vector<16xi32>
    %add3A_2141 = arith.addi %convert_element_type3A_2138, %add3A_2140 : vector<16xi32>
    %swap3A_2142 = arith.constant 1648 : index
    %swap3A_2143 = tpu.vector_load %arg9[%swap3A_2142] {strides = array<i32>} : memref<1664xi32, #tpu.memory_space<vmem>>, vector<16xi32>,
    tpu.vector_store %arg9[%swap3A_2142], %add3A_2141 {strides = array<i32>} : memref<1664xi32, #tpu.memory_space<vmem>>, vector<16xi32>,
    %dma_start3A_2144 = arith.constant 0 : i32
    %dma_start3A_2145 = arith.constant 0 : i32
    %dma_start3A_2146 = tpu.memref_slice %arg3[%dma_start3A_2144, %dma_start3A_2145] : memref<1x2600000xf32, #tpu.memory_space<hbm>> -> memref<1x2600000xf32, #tpu.memory_space<hbm>>
    %dma_start3A_2147 = tpu.memref_squeeze %dma_start3A_2146 : memref<1x2600000xf32, #tpu.memory_space<hbm>> -> memref<2600000xf32, #tpu.memory_space<hbm>>
    %dma_start3A_2148 = arith.constant 0 : i32
    %dma_start3A_2149 = tpu.memref_slice %dma_start3A_2147[%dma_start3A_2148] : memref<2600000xf32, #tpu.memory_space<hbm>> -> memref<2600000xf32, #tpu.memory_space<hbm>>
    tpu.enqueue_indirect_dma source(%dma_start3A_2149 : memref<2600000xf32, #tpu.memory_space<hbm>>) target(%arg11 : memref<1664xf32, #tpu.memory_space<vmem>>) offsets(%arg9 : memref<1664xi32, #tpu.memory_space<vmem>>) semaphore(%arg16 : memref<!tpu.dma_semaphore, #tpu.memory_space<semaphore_mem>>)
    %min3A = arith.constant 12 : i32
    %min3A_2150 = vector.broadcast %min3A : i32 to vector<16xi32>
    %min3A_2151 = arith.minsi %iota3A, %min3A_2150 : vector<16xi32>
    %gather3A = tpu.vector_load_idx %arg13[%min3A_2151] : memref<13xf32, #tpu.memory_space<vmem>>[vector<16xi32>], vector<16xf32>,
    %broadcast_in_dim3A = arith.constant 0 : i32
    %broadcast_in_dim3A_2152 = vector.broadcast %broadcast_in_dim3A : i32 to vector<16xi32>
    %gather3A_2153 = tpu.vector_load_idx %arg14[%broadcast_in_dim3A_2152] : memref<1xf32, #tpu.memory_space<vmem>>[vector<16xi32>], vector<16xf32>,
    %get3A_2154 = arith.constant 26 : i32
    %get3A_2155 = arith.index_cast %get3A_2154 : i32 to index
    %get3A_2156 = arith.constant 0 : index
    %get3A_2157 = tpu.vector_load %arg7[%get3A_2155, %get3A_2156] {strides = array<i32>} : memref<39x128xf32, #tpu.memory_space<vmem>>, vector<16xf32>,
    %slice3A = vector.extract_strided_slice %gather3A {offsets = [0], sizes = [1], strides = [1]} : vector<16xf32> to vector<1xf32>
    %squeeze3A = vector.extract %slice3A[0] : f32 from vector<1xf32>
    %mul3A_2158 = vector.broadcast %squeeze3A : f32 to vector<16xf32>
    %mul3A_2159 = arith.mulf %get3A_2157, %mul3A_2158 : vector<16xf32>
    %add3A_2160 = arith.addf %gather3A_2153, %mul3A_2159 : vector<16xf32>
    %get3A_2161 = arith.constant 27 : i32
    %get3A_2162 = arith.index_cast %get3A_2161 : i32 to index
    %get3A_2163 = arith.constant 0 : index
    %get3A_2164 = tpu.vector_load %arg7[%get3A_2162, %get3A_2163] {strides = array<i32>} : memref<39x128xf32, #tpu.memory_space<vmem>>, vector<16xf32>,
    %slice3A_2165 = vector.extract_strided_slice %gather3A {offsets = [1], sizes = [1], strides = [1]} : vector<16xf32> to vector<1xf32>
    %squeeze3A_2166 = vector.extract %slice3A_2165[0] : f32 from vector<1xf32>
    %mul3A_2167 = vector.broadcast %squeeze3A_2166 : f32 to vector<16xf32>
    %mul3A_2168 = arith.mulf %get3A_2164, %mul3A_2167 : vector<16xf32>
    %add3A_2169 = arith.addf %add3A_2160, %mul3A_2168 : vector<16xf32>
    %get3A_2170 = arith.constant 28 : i32
    %get3A_2171 = arith.index_cast %get3A_2170 : i32 to index
    %get3A_2172 = arith.constant 0 : index
    %get3A_2173 = tpu.vector_load %arg7[%get3A_2171, %get3A_2172] {strides = array<i32>} : memref<39x128xf32, #tpu.memory_space<vmem>>, vector<16xf32>,
    %slice3A_2174 = vector.extract_strided_slice %gather3A {offsets = [2], sizes = [1], strides = [1]} : vector<16xf32> to vector<1xf32>
    %squeeze3A_2175 = vector.extract %slice3A_2174[0] : f32 from vector<1xf32>
    %mul3A_2176 = vector.broadcast %squeeze3A_2175 : f32 to vector<16xf32>
    %mul3A_2177 = arith.mulf %get3A_2173, %mul3A_2176 : vector<16xf32>
    %add3A_2178 = arith.addf %add3A_2169, %mul3A_2177 : vector<16xf32>
    %get3A_2179 = arith.constant 29 : i32
    %get3A_2180 = arith.index_cast %get3A_2179 : i32 to index
    %get3A_2181 = arith.constant 0 : index
    %get3A_2182 = tpu.vector_load %arg7[%get3A_2180, %get3A_2181] {strides = array<i32>} : memref<39x128xf32, #tpu.memory_space<vmem>>, vector<16xf32>,
    %slice3A_2183 = vector.extract_strided_slice %gather3A {offsets = [3], sizes = [1], strides = [1]} : vector<16xf32> to vector<1xf32>
    %squeeze3A_2184 = vector.extract %slice3A_2183[0] : f32 from vector<1xf32>
    %mul3A_2185 = vector.broadcast %squeeze3A_2184 : f32 to vector<16xf32>
    %mul3A_2186 = arith.mulf %get3A_2182, %mul3A_2185 : vector<16xf32>
    %add3A_2187 = arith.addf %add3A_2178, %mul3A_2186 : vector<16xf32>
    %get3A_2188 = arith.constant 30 : i32
    %get3A_2189 = arith.index_cast %get3A_2188 : i32 to index
    %get3A_2190 = arith.constant 0 : index
    %get3A_2191 = tpu.vector_load %arg7[%get3A_2189, %get3A_2190] {strides = array<i32>} : memref<39x128xf32, #tpu.memory_space<vmem>>, vector<16xf32>,
    %slice3A_2192 = vector.extract_strided_slice %gather3A {offsets = [4], sizes = [1], strides = [1]} : vector<16xf32> to vector<1xf32>
    %squeeze3A_2193 = vector.extract %slice3A_2192[0] : f32 from vector<1xf32>
    %mul3A_2194 = vector.broadcast %squeeze3A_2193 : f32 to vector<16xf32>
    %mul3A_2195 = arith.mulf %get3A_2191, %mul3A_2194 : vector<16xf32>
    %add3A_2196 = arith.addf %add3A_2187, %mul3A_2195 : vector<16xf32>
    %get3A_2197 = arith.constant 31 : i32
    %get3A_2198 = arith.index_cast %get3A_2197 : i32 to index
    %get3A_2199 = arith.constant 0 : index
    %get3A_2200 = tpu.vector_load %arg7[%get3A_2198, %get3A_2199] {strides = array<i32>} : memref<39x128xf32, #tpu.memory_space<vmem>>, vector<16xf32>,
    %slice3A_2201 = vector.extract_strided_slice %gather3A {offsets = [5], sizes = [1], strides = [1]} : vector<16xf32> to vector<1xf32>
    %squeeze3A_2202 = vector.extract %slice3A_2201[0] : f32 from vector<1xf32>
    %mul3A_2203 = vector.broadcast %squeeze3A_2202 : f32 to vector<16xf32>
    %mul3A_2204 = arith.mulf %get3A_2200, %mul3A_2203 : vector<16xf32>
    %add3A_2205 = arith.addf %add3A_2196, %mul3A_2204 : vector<16xf32>
    %get3A_2206 = arith.constant 32 : i32
    %get3A_2207 = arith.index_cast %get3A_2206 : i32 to index
    %get3A_2208 = arith.constant 0 : index
    %get3A_2209 = tpu.vector_load %arg7[%get3A_2207, %get3A_2208] {strides = array<i32>} : memref<39x128xf32, #tpu.memory_space<vmem>>, vector<16xf32>,
    %slice3A_2210 = vector.extract_strided_slice %gather3A {offsets = [6], sizes = [1], strides = [1]} : vector<16xf32> to vector<1xf32>
    %squeeze3A_2211 = vector.extract %slice3A_2210[0] : f32 from vector<1xf32>
    %mul3A_2212 = vector.broadcast %squeeze3A_2211 : f32 to vector<16xf32>
    %mul3A_2213 = arith.mulf %get3A_2209, %mul3A_2212 : vector<16xf32>
    %add3A_2214 = arith.addf %add3A_2205, %mul3A_2213 : vector<16xf32>
    %get3A_2215 = arith.constant 33 : i32
    %get3A_2216 = arith.index_cast %get3A_2215 : i32 to index
    %get3A_2217 = arith.constant 0 : index
    %get3A_2218 = tpu.vector_load %arg7[%get3A_2216, %get3A_2217] {strides = array<i32>} : memref<39x128xf32, #tpu.memory_space<vmem>>, vector<16xf32>,
    %slice3A_2219 = vector.extract_strided_slice %gather3A {offsets = [7], sizes = [1], strides = [1]} : vector<16xf32> to vector<1xf32>
    %squeeze3A_2220 = vector.extract %slice3A_2219[0] : f32 from vector<1xf32>
    %mul3A_2221 = vector.broadcast %squeeze3A_2220 : f32 to vector<16xf32>
    %mul3A_2222 = arith.mulf %get3A_2218, %mul3A_2221 : vector<16xf32>
    %add3A_2223 = arith.addf %add3A_2214, %mul3A_2222 : vector<16xf32>
    %get3A_2224 = arith.constant 34 : i32
    %get3A_2225 = arith.index_cast %get3A_2224 : i32 to index
    %get3A_2226 = arith.constant 0 : index
    %get3A_2227 = tpu.vector_load %arg7[%get3A_2225, %get3A_2226] {strides = array<i32>} : memref<39x128xf32, #tpu.memory_space<vmem>>, vector<16xf32>,
    %slice3A_2228 = vector.extract_strided_slice %gather3A {offsets = [8], sizes = [1], strides = [1]} : vector<16xf32> to vector<1xf32>
    %squeeze3A_2229 = vector.extract %slice3A_2228[0] : f32 from vector<1xf32>
    %mul3A_2230 = vector.broadcast %squeeze3A_2229 : f32 to vector<16xf32>
    %mul3A_2231 = arith.mulf %get3A_2227, %mul3A_2230 : vector<16xf32>
    %add3A_2232 = arith.addf %add3A_2223, %mul3A_2231 : vector<16xf32>
    %get3A_2233 = arith.constant 35 : i32
    %get3A_2234 = arith.index_cast %get3A_2233 : i32 to index
    %get3A_2235 = arith.constant 0 : index
    %get3A_2236 = tpu.vector_load %arg7[%get3A_2234, %get3A_2235] {strides = array<i32>} : memref<39x128xf32, #tpu.memory_space<vmem>>, vector<16xf32>,
    %slice3A_2237 = vector.extract_strided_slice %gather3A {offsets = [9], sizes = [1], strides = [1]} : vector<16xf32> to vector<1xf32>
    %squeeze3A_2238 = vector.extract %slice3A_2237[0] : f32 from vector<1xf32>
    %mul3A_2239 = vector.broadcast %squeeze3A_2238 : f32 to vector<16xf32>
    %mul3A_2240 = arith.mulf %get3A_2236, %mul3A_2239 : vector<16xf32>
    %add3A_2241 = arith.addf %add3A_2232, %mul3A_2240 : vector<16xf32>
    %get3A_2242 = arith.constant 36 : i32
    %get3A_2243 = arith.index_cast %get3A_2242 : i32 to index
    %get3A_2244 = arith.constant 0 : index
    %get3A_2245 = tpu.vector_load %arg7[%get3A_2243, %get3A_2244] {strides = array<i32>} : memref<39x128xf32, #tpu.memory_space<vmem>>, vector<16xf32>,
    %slice3A_2246 = vector.extract_strided_slice %gather3A {offsets = [10], sizes = [1], strides = [1]} : vector<16xf32> to vector<1xf32>
    %squeeze3A_2247 = vector.extract %slice3A_2246[0] : f32 from vector<1xf32>
    %mul3A_2248 = vector.broadcast %squeeze3A_2247 : f32 to vector<16xf32>
    %mul3A_2249 = arith.mulf %get3A_2245, %mul3A_2248 : vector<16xf32>
    %add3A_2250 = arith.addf %add3A_2241, %mul3A_2249 : vector<16xf32>
    %get3A_2251 = arith.constant 37 : i32
    %get3A_2252 = arith.index_cast %get3A_2251 : i32 to index
    %get3A_2253 = arith.constant 0 : index
    %get3A_2254 = tpu.vector_load %arg7[%get3A_2252, %get3A_2253] {strides = array<i32>} : memref<39x128xf32, #tpu.memory_space<vmem>>, vector<16xf32>,
    %slice3A_2255 = vector.extract_strided_slice %gather3A {offsets = [11], sizes = [1], strides = [1]} : vector<16xf32> to vector<1xf32>
    %squeeze3A_2256 = vector.extract %slice3A_2255[0] : f32 from vector<1xf32>
    %mul3A_2257 = vector.broadcast %squeeze3A_2256 : f32 to vector<16xf32>
    %mul3A_2258 = arith.mulf %get3A_2254, %mul3A_2257 : vector<16xf32>
    %add3A_2259 = arith.addf %add3A_2250, %mul3A_2258 : vector<16xf32>
    %get3A_2260 = arith.constant 38 : i32
    %get3A_2261 = arith.index_cast %get3A_2260 : i32 to index
    %get3A_2262 = arith.constant 0 : index
    %get3A_2263 = tpu.vector_load %arg7[%get3A_2261, %get3A_2262] {strides = array<i32>} : memref<39x128xf32, #tpu.memory_space<vmem>>, vector<16xf32>,
    %slice3A_2264 = vector.extract_strided_slice %gather3A {offsets = [12], sizes = [1], strides = [1]} : vector<16xf32> to vector<1xf32>
    %squeeze3A_2265 = vector.extract %slice3A_2264[0] : f32 from vector<1xf32>
    %mul3A_2266 = vector.broadcast %squeeze3A_2265 : f32 to vector<16xf32>
    %mul3A_2267 = arith.mulf %get3A_2263, %mul3A_2266 : vector<16xf32>
    %add3A_2268 = arith.addf %add3A_2259, %mul3A_2267 : vector<16xf32>
    %swap3A_2269 = arith.constant 0 : index
    %swap3A_2270 = tpu.vector_load %arg12[%swap3A_2269] {strides = array<i32>} : memref<128xf32, #tpu.memory_space<vmem>>, vector<16xf32>,
    tpu.vector_store %arg12[%swap3A_2269], %add3A_2268 {strides = array<i32>} : memref<128xf32, #tpu.memory_space<vmem>>, vector<16xf32>,
    %get3A_2271 = arith.constant 26 : i32
    %get3A_2272 = arith.index_cast %get3A_2271 : i32 to index
    %get3A_2273 = arith.constant 16 : index
    %get3A_2274 = tpu.vector_load %arg7[%get3A_2272, %get3A_2273] {strides = array<i32>} : memref<39x128xf32, #tpu.memory_space<vmem>>, vector<16xf32>,
    %slice3A_2275 = vector.extract_strided_slice %gather3A {offsets = [0], sizes = [1], strides = [1]} : vector<16xf32> to vector<1xf32>
    %squeeze3A_2276 = vector.extract %slice3A_2275[0] : f32 from vector<1xf32>
    %mul3A_2277 = vector.broadcast %squeeze3A_2276 : f32 to vector<16xf32>
    %mul3A_2278 = arith.mulf %get3A_2274, %mul3A_2277 : vector<16xf32>
    %add3A_2279 = arith.addf %gather3A_2153, %mul3A_2278 : vector<16xf32>
    %get3A_2280 = arith.constant 27 : i32
    %get3A_2281 = arith.index_cast %get3A_2280 : i32 to index
    %get3A_2282 = arith.constant 16 : index
    %get3A_2283 = tpu.vector_load %arg7[%get3A_2281, %get3A_2282] {strides = array<i32>} : memref<39x128xf32, #tpu.memory_space<vmem>>, vector<16xf32>,
    %slice3A_2284 = vector.extract_strided_slice %gather3A {offsets = [1], sizes = [1], strides = [1]} : vector<16xf32> to vector<1xf32>
    %squeeze3A_2285 = vector.extract %slice3A_2284[0] : f32 from vector<1xf32>
    %mul3A_2286 = vector.broadcast %squeeze3A_2285 : f32 to vector<16xf32>
    %mul3A_2287 = arith.mulf %get3A_2283, %mul3A_2286 : vector<16xf32>
    %add3A_2288 = arith.addf %add3A_2279, %mul3A_2287 : vector<16xf32>
    %get3A_2289 = arith.constant 28 : i32
    %get3A_2290 = arith.index_cast %get3A_2289 : i32 to index
    %get3A_2291 = arith.constant 16 : index
    %get3A_2292 = tpu.vector_load %arg7[%get3A_2290, %get3A_2291] {strides = array<i32>} : memref<39x128xf32, #tpu.memory_space<vmem>>, vector<16xf32>,
    %slice3A_2293 = vector.extract_strided_slice %gather3A {offsets = [2], sizes = [1], strides = [1]} : vector<16xf32> to vector<1xf32>
    %squeeze3A_2294 = vector.extract %slice3A_2293[0] : f32 from vector<1xf32>
    %mul3A_2295 = vector.broadcast %squeeze3A_2294 : f32 to vector<16xf32>
    %mul3A_2296 = arith.mulf %get3A_2292, %mul3A_2295 : vector<16xf32>
    %add3A_2297 = arith.addf %add3A_2288, %mul3A_2296 : vector<16xf32>
    %get3A_2298 = arith.constant 29 : i32
    %get3A_2299 = arith.index_cast %get3A_2298 : i32 to index
    %get3A_2300 = arith.constant 16 : index
    %get3A_2301 = tpu.vector_load %arg7[%get3A_2299, %get3A_2300] {strides = array<i32>} : memref<39x128xf32, #tpu.memory_space<vmem>>, vector<16xf32>,
    %slice3A_2302 = vector.extract_strided_slice %gather3A {offsets = [3], sizes = [1], strides = [1]} : vector<16xf32> to vector<1xf32>
    %squeeze3A_2303 = vector.extract %slice3A_2302[0] : f32 from vector<1xf32>
    %mul3A_2304 = vector.broadcast %squeeze3A_2303 : f32 to vector<16xf32>
    %mul3A_2305 = arith.mulf %get3A_2301, %mul3A_2304 : vector<16xf32>
    %add3A_2306 = arith.addf %add3A_2297, %mul3A_2305 : vector<16xf32>
    %get3A_2307 = arith.constant 30 : i32
    %get3A_2308 = arith.index_cast %get3A_2307 : i32 to index
    %get3A_2309 = arith.constant 16 : index
    %get3A_2310 = tpu.vector_load %arg7[%get3A_2308, %get3A_2309] {strides = array<i32>} : memref<39x128xf32, #tpu.memory_space<vmem>>, vector<16xf32>,
    %slice3A_2311 = vector.extract_strided_slice %gather3A {offsets = [4], sizes = [1], strides = [1]} : vector<16xf32> to vector<1xf32>
    %squeeze3A_2312 = vector.extract %slice3A_2311[0] : f32 from vector<1xf32>
    %mul3A_2313 = vector.broadcast %squeeze3A_2312 : f32 to vector<16xf32>
    %mul3A_2314 = arith.mulf %get3A_2310, %mul3A_2313 : vector<16xf32>
    %add3A_2315 = arith.addf %add3A_2306, %mul3A_2314 : vector<16xf32>
    %get3A_2316 = arith.constant 31 : i32
    %get3A_2317 = arith.index_cast %get3A_2316 : i32 to index
    %get3A_2318 = arith.constant 16 : index
    %get3A_2319 = tpu.vector_load %arg7[%get3A_2317, %get3A_2318] {strides = array<i32>} : memref<39x128xf32, #tpu.memory_space<vmem>>, vector<16xf32>,
    %slice3A_2320 = vector.extract_strided_slice %gather3A {offsets = [5], sizes = [1], strides = [1]} : vector<16xf32> to vector<1xf32>
    %squeeze3A_2321 = vector.extract %slice3A_2320[0] : f32 from vector<1xf32>
    %mul3A_2322 = vector.broadcast %squeeze3A_2321 : f32 to vector<16xf32>
    %mul3A_2323 = arith.mulf %get3A_2319, %mul3A_2322 : vector<16xf32>
    %add3A_2324 = arith.addf %add3A_2315, %mul3A_2323 : vector<16xf32>
    %get3A_2325 = arith.constant 32 : i32
    %get3A_2326 = arith.index_cast %get3A_2325 : i32 to index
    %get3A_2327 = arith.constant 16 : index
    %get3A_2328 = tpu.vector_load %arg7[%get3A_2326, %get3A_2327] {strides = array<i32>} : memref<39x128xf32, #tpu.memory_space<vmem>>, vector<16xf32>,
    %slice3A_2329 = vector.extract_strided_slice %gather3A {offsets = [6], sizes = [1], strides = [1]} : vector<16xf32> to vector<1xf32>
    %squeeze3A_2330 = vector.extract %slice3A_2329[0] : f32 from vector<1xf32>
    %mul3A_2331 = vector.broadcast %squeeze3A_2330 : f32 to vector<16xf32>
    %mul3A_2332 = arith.mulf %get3A_2328, %mul3A_2331 : vector<16xf32>
    %add3A_2333 = arith.addf %add3A_2324, %mul3A_2332 : vector<16xf32>
    %get3A_2334 = arith.constant 33 : i32
    %get3A_2335 = arith.index_cast %get3A_2334 : i32 to index
    %get3A_2336 = arith.constant 16 : index
    %get3A_2337 = tpu.vector_load %arg7[%get3A_2335, %get3A_2336] {strides = array<i32>} : memref<39x128xf32, #tpu.memory_space<vmem>>, vector<16xf32>,
    %slice3A_2338 = vector.extract_strided_slice %gather3A {offsets = [7], sizes = [1], strides = [1]} : vector<16xf32> to vector<1xf32>
    %squeeze3A_2339 = vector.extract %slice3A_2338[0] : f32 from vector<1xf32>
    %mul3A_2340 = vector.broadcast %squeeze3A_2339 : f32 to vector<16xf32>
    %mul3A_2341 = arith.mulf %get3A_2337, %mul3A_2340 : vector<16xf32>
    %add3A_2342 = arith.addf %add3A_2333, %mul3A_2341 : vector<16xf32>
    %get3A_2343 = arith.constant 34 : i32
    %get3A_2344 = arith.index_cast %get3A_2343 : i32 to index
    %get3A_2345 = arith.constant 16 : index
    %get3A_2346 = tpu.vector_load %arg7[%get3A_2344, %get3A_2345] {strides = array<i32>} : memref<39x128xf32, #tpu.memory_space<vmem>>, vector<16xf32>,
    %slice3A_2347 = vector.extract_strided_slice %gather3A {offsets = [8], sizes = [1], strides = [1]} : vector<16xf32> to vector<1xf32>
    %squeeze3A_2348 = vector.extract %slice3A_2347[0] : f32 from vector<1xf32>
    %mul3A_2349 = vector.broadcast %squeeze3A_2348 : f32 to vector<16xf32>
    %mul3A_2350 = arith.mulf %get3A_2346, %mul3A_2349 : vector<16xf32>
    %add3A_2351 = arith.addf %add3A_2342, %mul3A_2350 : vector<16xf32>
    %get3A_2352 = arith.constant 35 : i32
    %get3A_2353 = arith.index_cast %get3A_2352 : i32 to index
    %get3A_2354 = arith.constant 16 : index
    %get3A_2355 = tpu.vector_load %arg7[%get3A_2353, %get3A_2354] {strides = array<i32>} : memref<39x128xf32, #tpu.memory_space<vmem>>, vector<16xf32>,
    %slice3A_2356 = vector.extract_strided_slice %gather3A {offsets = [9], sizes = [1], strides = [1]} : vector<16xf32> to vector<1xf32>
    %squeeze3A_2357 = vector.extract %slice3A_2356[0] : f32 from vector<1xf32>
    %mul3A_2358 = vector.broadcast %squeeze3A_2357 : f32 to vector<16xf32>
    %mul3A_2359 = arith.mulf %get3A_2355, %mul3A_2358 : vector<16xf32>
    %add3A_2360 = arith.addf %add3A_2351, %mul3A_2359 : vector<16xf32>
    %get3A_2361 = arith.constant 36 : i32
    %get3A_2362 = arith.index_cast %get3A_2361 : i32 to index
    %get3A_2363 = arith.constant 16 : index
    %get3A_2364 = tpu.vector_load %arg7[%get3A_2362, %get3A_2363] {strides = array<i32>} : memref<39x128xf32, #tpu.memory_space<vmem>>, vector<16xf32>,
    %slice3A_2365 = vector.extract_strided_slice %gather3A {offsets = [10], sizes = [1], strides = [1]} : vector<16xf32> to vector<1xf32>
    %squeeze3A_2366 = vector.extract %slice3A_2365[0] : f32 from vector<1xf32>
    %mul3A_2367 = vector.broadcast %squeeze3A_2366 : f32 to vector<16xf32>
    %mul3A_2368 = arith.mulf %get3A_2364, %mul3A_2367 : vector<16xf32>
    %add3A_2369 = arith.addf %add3A_2360, %mul3A_2368 : vector<16xf32>
    %get3A_2370 = arith.constant 37 : i32
    %get3A_2371 = arith.index_cast %get3A_2370 : i32 to index
    %get3A_2372 = arith.constant 16 : index
    %get3A_2373 = tpu.vector_load %arg7[%get3A_2371, %get3A_2372] {strides = array<i32>} : memref<39x128xf32, #tpu.memory_space<vmem>>, vector<16xf32>,
    %slice3A_2374 = vector.extract_strided_slice %gather3A {offsets = [11], sizes = [1], strides = [1]} : vector<16xf32> to vector<1xf32>
    %squeeze3A_2375 = vector.extract %slice3A_2374[0] : f32 from vector<1xf32>
    %mul3A_2376 = vector.broadcast %squeeze3A_2375 : f32 to vector<16xf32>
    %mul3A_2377 = arith.mulf %get3A_2373, %mul3A_2376 : vector<16xf32>
    %add3A_2378 = arith.addf %add3A_2369, %mul3A_2377 : vector<16xf32>
    %get3A_2379 = arith.constant 38 : i32
    %get3A_2380 = arith.index_cast %get3A_2379 : i32 to index
    %get3A_2381 = arith.constant 16 : index
    %get3A_2382 = tpu.vector_load %arg7[%get3A_2380, %get3A_2381] {strides = array<i32>} : memref<39x128xf32, #tpu.memory_space<vmem>>, vector<16xf32>,
    %slice3A_2383 = vector.extract_strided_slice %gather3A {offsets = [12], sizes = [1], strides = [1]} : vector<16xf32> to vector<1xf32>
    %squeeze3A_2384 = vector.extract %slice3A_2383[0] : f32 from vector<1xf32>
    %mul3A_2385 = vector.broadcast %squeeze3A_2384 : f32 to vector<16xf32>
    %mul3A_2386 = arith.mulf %get3A_2382, %mul3A_2385 : vector<16xf32>
    %add3A_2387 = arith.addf %add3A_2378, %mul3A_2386 : vector<16xf32>
    %swap3A_2388 = arith.constant 16 : index
    %swap3A_2389 = tpu.vector_load %arg12[%swap3A_2388] {strides = array<i32>} : memref<128xf32, #tpu.memory_space<vmem>>, vector<16xf32>,
    tpu.vector_store %arg12[%swap3A_2388], %add3A_2387 {strides = array<i32>} : memref<128xf32, #tpu.memory_space<vmem>>, vector<16xf32>,
    %get3A_2390 = arith.constant 26 : i32
    %get3A_2391 = arith.index_cast %get3A_2390 : i32 to index
    %get3A_2392 = arith.constant 32 : index
    %get3A_2393 = tpu.vector_load %arg7[%get3A_2391, %get3A_2392] {strides = array<i32>} : memref<39x128xf32, #tpu.memory_space<vmem>>, vector<16xf32>,
    %slice3A_2394 = vector.extract_strided_slice %gather3A {offsets = [0], sizes = [1], strides = [1]} : vector<16xf32> to vector<1xf32>
    %squeeze3A_2395 = vector.extract %slice3A_2394[0] : f32 from vector<1xf32>
    %mul3A_2396 = vector.broadcast %squeeze3A_2395 : f32 to vector<16xf32>
    %mul3A_2397 = arith.mulf %get3A_2393, %mul3A_2396 : vector<16xf32>
    %add3A_2398 = arith.addf %gather3A_2153, %mul3A_2397 : vector<16xf32>
    %get3A_2399 = arith.constant 27 : i32
    %get3A_2400 = arith.index_cast %get3A_2399 : i32 to index
    %get3A_2401 = arith.constant 32 : index
    %get3A_2402 = tpu.vector_load %arg7[%get3A_2400, %get3A_2401] {strides = array<i32>} : memref<39x128xf32, #tpu.memory_space<vmem>>, vector<16xf32>,
    %slice3A_2403 = vector.extract_strided_slice %gather3A {offsets = [1], sizes = [1], strides = [1]} : vector<16xf32> to vector<1xf32>
    %squeeze3A_2404 = vector.extract %slice3A_2403[0] : f32 from vector<1xf32>
    %mul3A_2405 = vector.broadcast %squeeze3A_2404 : f32 to vector<16xf32>
    %mul3A_2406 = arith.mulf %get3A_2402, %mul3A_2405 : vector<16xf32>
    %add3A_2407 = arith.addf %add3A_2398, %mul3A_2406 : vector<16xf32>
    %get3A_2408 = arith.constant 28 : i32
    %get3A_2409 = arith.index_cast %get3A_2408 : i32 to index
    %get3A_2410 = arith.constant 32 : index
    %get3A_2411 = tpu.vector_load %arg7[%get3A_2409, %get3A_2410] {strides = array<i32>} : memref<39x128xf32, #tpu.memory_space<vmem>>, vector<16xf32>,
    %slice3A_2412 = vector.extract_strided_slice %gather3A {offsets = [2], sizes = [1], strides = [1]} : vector<16xf32> to vector<1xf32>
    %squeeze3A_2413 = vector.extract %slice3A_2412[0] : f32 from vector<1xf32>
    %mul3A_2414 = vector.broadcast %squeeze3A_2413 : f32 to vector<16xf32>
    %mul3A_2415 = arith.mulf %get3A_2411, %mul3A_2414 : vector<16xf32>
    %add3A_2416 = arith.addf %add3A_2407, %mul3A_2415 : vector<16xf32>
    %get3A_2417 = arith.constant 29 : i32
    %get3A_2418 = arith.index_cast %get3A_2417 : i32 to index
    %get3A_2419 = arith.constant 32 : index
    %get3A_2420 = tpu.vector_load %arg7[%get3A_2418, %get3A_2419] {strides = array<i32>} : memref<39x128xf32, #tpu.memory_space<vmem>>, vector<16xf32>,
    %slice3A_2421 = vector.extract_strided_slice %gather3A {offsets = [3], sizes = [1], strides = [1]} : vector<16xf32> to vector<1xf32>
    %squeeze3A_2422 = vector.extract %slice3A_2421[0] : f32 from vector<1xf32>
    %mul3A_2423 = vector.broadcast %squeeze3A_2422 : f32 to vector<16xf32>
    %mul3A_2424 = arith.mulf %get3A_2420, %mul3A_2423 : vector<16xf32>
    %add3A_2425 = arith.addf %add3A_2416, %mul3A_2424 : vector<16xf32>
    %get3A_2426 = arith.constant 30 : i32
    %get3A_2427 = arith.index_cast %get3A_2426 : i32 to index
    %get3A_2428 = arith.constant 32 : index
    %get3A_2429 = tpu.vector_load %arg7[%get3A_2427, %get3A_2428] {strides = array<i32>} : memref<39x128xf32, #tpu.memory_space<vmem>>, vector<16xf32>,
    %slice3A_2430 = vector.extract_strided_slice %gather3A {offsets = [4], sizes = [1], strides = [1]} : vector<16xf32> to vector<1xf32>
    %squeeze3A_2431 = vector.extract %slice3A_2430[0] : f32 from vector<1xf32>
    %mul3A_2432 = vector.broadcast %squeeze3A_2431 : f32 to vector<16xf32>
    %mul3A_2433 = arith.mulf %get3A_2429, %mul3A_2432 : vector<16xf32>
    %add3A_2434 = arith.addf %add3A_2425, %mul3A_2433 : vector<16xf32>
    %get3A_2435 = arith.constant 31 : i32
    %get3A_2436 = arith.index_cast %get3A_2435 : i32 to index
    %get3A_2437 = arith.constant 32 : index
    %get3A_2438 = tpu.vector_load %arg7[%get3A_2436, %get3A_2437] {strides = array<i32>} : memref<39x128xf32, #tpu.memory_space<vmem>>, vector<16xf32>,
    %slice3A_2439 = vector.extract_strided_slice %gather3A {offsets = [5], sizes = [1], strides = [1]} : vector<16xf32> to vector<1xf32>
    %squeeze3A_2440 = vector.extract %slice3A_2439[0] : f32 from vector<1xf32>
    %mul3A_2441 = vector.broadcast %squeeze3A_2440 : f32 to vector<16xf32>
    %mul3A_2442 = arith.mulf %get3A_2438, %mul3A_2441 : vector<16xf32>
    %add3A_2443 = arith.addf %add3A_2434, %mul3A_2442 : vector<16xf32>
    %get3A_2444 = arith.constant 32 : i32
    %get3A_2445 = arith.index_cast %get3A_2444 : i32 to index
    %get3A_2446 = arith.constant 32 : index
    %get3A_2447 = tpu.vector_load %arg7[%get3A_2445, %get3A_2446] {strides = array<i32>} : memref<39x128xf32, #tpu.memory_space<vmem>>, vector<16xf32>,
    %slice3A_2448 = vector.extract_strided_slice %gather3A {offsets = [6], sizes = [1], strides = [1]} : vector<16xf32> to vector<1xf32>
    %squeeze3A_2449 = vector.extract %slice3A_2448[0] : f32 from vector<1xf32>
    %mul3A_2450 = vector.broadcast %squeeze3A_2449 : f32 to vector<16xf32>
    %mul3A_2451 = arith.mulf %get3A_2447, %mul3A_2450 : vector<16xf32>
    %add3A_2452 = arith.addf %add3A_2443, %mul3A_2451 : vector<16xf32>
    %get3A_2453 = arith.constant 33 : i32
    %get3A_2454 = arith.index_cast %get3A_2453 : i32 to index
    %get3A_2455 = arith.constant 32 : index
    %get3A_2456 = tpu.vector_load %arg7[%get3A_2454, %get3A_2455] {strides = array<i32>} : memref<39x128xf32, #tpu.memory_space<vmem>>, vector<16xf32>,
    %slice3A_2457 = vector.extract_strided_slice %gather3A {offsets = [7], sizes = [1], strides = [1]} : vector<16xf32> to vector<1xf32>
    %squeeze3A_2458 = vector.extract %slice3A_2457[0] : f32 from vector<1xf32>
    %mul3A_2459 = vector.broadcast %squeeze3A_2458 : f32 to vector<16xf32>
    %mul3A_2460 = arith.mulf %get3A_2456, %mul3A_2459 : vector<16xf32>
    %add3A_2461 = arith.addf %add3A_2452, %mul3A_2460 : vector<16xf32>
    %get3A_2462 = arith.constant 34 : i32
    %get3A_2463 = arith.index_cast %get3A_2462 : i32 to index
    %get3A_2464 = arith.constant 32 : index
    %get3A_2465 = tpu.vector_load %arg7[%get3A_2463, %get3A_2464] {strides = array<i32>} : memref<39x128xf32, #tpu.memory_space<vmem>>, vector<16xf32>,
    %slice3A_2466 = vector.extract_strided_slice %gather3A {offsets = [8], sizes = [1], strides = [1]} : vector<16xf32> to vector<1xf32>
    %squeeze3A_2467 = vector.extract %slice3A_2466[0] : f32 from vector<1xf32>
    %mul3A_2468 = vector.broadcast %squeeze3A_2467 : f32 to vector<16xf32>
    %mul3A_2469 = arith.mulf %get3A_2465, %mul3A_2468 : vector<16xf32>
    %add3A_2470 = arith.addf %add3A_2461, %mul3A_2469 : vector<16xf32>
    %get3A_2471 = arith.constant 35 : i32
    %get3A_2472 = arith.index_cast %get3A_2471 : i32 to index
    %get3A_2473 = arith.constant 32 : index
    %get3A_2474 = tpu.vector_load %arg7[%get3A_2472, %get3A_2473] {strides = array<i32>} : memref<39x128xf32, #tpu.memory_space<vmem>>, vector<16xf32>,
    %slice3A_2475 = vector.extract_strided_slice %gather3A {offsets = [9], sizes = [1], strides = [1]} : vector<16xf32> to vector<1xf32>
    %squeeze3A_2476 = vector.extract %slice3A_2475[0] : f32 from vector<1xf32>
    %mul3A_2477 = vector.broadcast %squeeze3A_2476 : f32 to vector<16xf32>
    %mul3A_2478 = arith.mulf %get3A_2474, %mul3A_2477 : vector<16xf32>
    %add3A_2479 = arith.addf %add3A_2470, %mul3A_2478 : vector<16xf32>
    %get3A_2480 = arith.constant 36 : i32
    %get3A_2481 = arith.index_cast %get3A_2480 : i32 to index
    %get3A_2482 = arith.constant 32 : index
    %get3A_2483 = tpu.vector_load %arg7[%get3A_2481, %get3A_2482] {strides = array<i32>} : memref<39x128xf32, #tpu.memory_space<vmem>>, vector<16xf32>,
    %slice3A_2484 = vector.extract_strided_slice %gather3A {offsets = [10], sizes = [1], strides = [1]} : vector<16xf32> to vector<1xf32>
    %squeeze3A_2485 = vector.extract %slice3A_2484[0] : f32 from vector<1xf32>
    %mul3A_2486 = vector.broadcast %squeeze3A_2485 : f32 to vector<16xf32>
    %mul3A_2487 = arith.mulf %get3A_2483, %mul3A_2486 : vector<16xf32>
    %add3A_2488 = arith.addf %add3A_2479, %mul3A_2487 : vector<16xf32>
    %get3A_2489 = arith.constant 37 : i32
    %get3A_2490 = arith.index_cast %get3A_2489 : i32 to index
    %get3A_2491 = arith.constant 32 : index
    %get3A_2492 = tpu.vector_load %arg7[%get3A_2490, %get3A_2491] {strides = array<i32>} : memref<39x128xf32, #tpu.memory_space<vmem>>, vector<16xf32>,
    %slice3A_2493 = vector.extract_strided_slice %gather3A {offsets = [11], sizes = [1], strides = [1]} : vector<16xf32> to vector<1xf32>
    %squeeze3A_2494 = vector.extract %slice3A_2493[0] : f32 from vector<1xf32>
    %mul3A_2495 = vector.broadcast %squeeze3A_2494 : f32 to vector<16xf32>
    %mul3A_2496 = arith.mulf %get3A_2492, %mul3A_2495 : vector<16xf32>
    %add3A_2497 = arith.addf %add3A_2488, %mul3A_2496 : vector<16xf32>
    %get3A_2498 = arith.constant 38 : i32
    %get3A_2499 = arith.index_cast %get3A_2498 : i32 to index
    %get3A_2500 = arith.constant 32 : index
    %get3A_2501 = tpu.vector_load %arg7[%get3A_2499, %get3A_2500] {strides = array<i32>} : memref<39x128xf32, #tpu.memory_space<vmem>>, vector<16xf32>,
    %slice3A_2502 = vector.extract_strided_slice %gather3A {offsets = [12], sizes = [1], strides = [1]} : vector<16xf32> to vector<1xf32>
    %squeeze3A_2503 = vector.extract %slice3A_2502[0] : f32 from vector<1xf32>
    %mul3A_2504 = vector.broadcast %squeeze3A_2503 : f32 to vector<16xf32>
    %mul3A_2505 = arith.mulf %get3A_2501, %mul3A_2504 : vector<16xf32>
    %add3A_2506 = arith.addf %add3A_2497, %mul3A_2505 : vector<16xf32>
    %swap3A_2507 = arith.constant 32 : index
    %swap3A_2508 = tpu.vector_load %arg12[%swap3A_2507] {strides = array<i32>} : memref<128xf32, #tpu.memory_space<vmem>>, vector<16xf32>,
    tpu.vector_store %arg12[%swap3A_2507], %add3A_2506 {strides = array<i32>} : memref<128xf32, #tpu.memory_space<vmem>>, vector<16xf32>,
    %get3A_2509 = arith.constant 26 : i32
    %get3A_2510 = arith.index_cast %get3A_2509 : i32 to index
    %get3A_2511 = arith.constant 48 : index
    %get3A_2512 = tpu.vector_load %arg7[%get3A_2510, %get3A_2511] {strides = array<i32>} : memref<39x128xf32, #tpu.memory_space<vmem>>, vector<16xf32>,
    %slice3A_2513 = vector.extract_strided_slice %gather3A {offsets = [0], sizes = [1], strides = [1]} : vector<16xf32> to vector<1xf32>
    %squeeze3A_2514 = vector.extract %slice3A_2513[0] : f32 from vector<1xf32>
    %mul3A_2515 = vector.broadcast %squeeze3A_2514 : f32 to vector<16xf32>
    %mul3A_2516 = arith.mulf %get3A_2512, %mul3A_2515 : vector<16xf32>
    %add3A_2517 = arith.addf %gather3A_2153, %mul3A_2516 : vector<16xf32>
    %get3A_2518 = arith.constant 27 : i32
    %get3A_2519 = arith.index_cast %get3A_2518 : i32 to index
    %get3A_2520 = arith.constant 48 : index
    %get3A_2521 = tpu.vector_load %arg7[%get3A_2519, %get3A_2520] {strides = array<i32>} : memref<39x128xf32, #tpu.memory_space<vmem>>, vector<16xf32>,
    %slice3A_2522 = vector.extract_strided_slice %gather3A {offsets = [1], sizes = [1], strides = [1]} : vector<16xf32> to vector<1xf32>
    %squeeze3A_2523 = vector.extract %slice3A_2522[0] : f32 from vector<1xf32>
    %mul3A_2524 = vector.broadcast %squeeze3A_2523 : f32 to vector<16xf32>
    %mul3A_2525 = arith.mulf %get3A_2521, %mul3A_2524 : vector<16xf32>
    %add3A_2526 = arith.addf %add3A_2517, %mul3A_2525 : vector<16xf32>
    %get3A_2527 = arith.constant 28 : i32
    %get3A_2528 = arith.index_cast %get3A_2527 : i32 to index
    %get3A_2529 = arith.constant 48 : index
    %get3A_2530 = tpu.vector_load %arg7[%get3A_2528, %get3A_2529] {strides = array<i32>} : memref<39x128xf32, #tpu.memory_space<vmem>>, vector<16xf32>,
    %slice3A_2531 = vector.extract_strided_slice %gather3A {offsets = [2], sizes = [1], strides = [1]} : vector<16xf32> to vector<1xf32>
    %squeeze3A_2532 = vector.extract %slice3A_2531[0] : f32 from vector<1xf32>
    %mul3A_2533 = vector.broadcast %squeeze3A_2532 : f32 to vector<16xf32>
    %mul3A_2534 = arith.mulf %get3A_2530, %mul3A_2533 : vector<16xf32>
    %add3A_2535 = arith.addf %add3A_2526, %mul3A_2534 : vector<16xf32>
    %get3A_2536 = arith.constant 29 : i32
    %get3A_2537 = arith.index_cast %get3A_2536 : i32 to index
    %get3A_2538 = arith.constant 48 : index
    %get3A_2539 = tpu.vector_load %arg7[%get3A_2537, %get3A_2538] {strides = array<i32>} : memref<39x128xf32, #tpu.memory_space<vmem>>, vector<16xf32>,
    %slice3A_2540 = vector.extract_strided_slice %gather3A {offsets = [3], sizes = [1], strides = [1]} : vector<16xf32> to vector<1xf32>
    %squeeze3A_2541 = vector.extract %slice3A_2540[0] : f32 from vector<1xf32>
    %mul3A_2542 = vector.broadcast %squeeze3A_2541 : f32 to vector<16xf32>
    %mul3A_2543 = arith.mulf %get3A_2539, %mul3A_2542 : vector<16xf32>
    %add3A_2544 = arith.addf %add3A_2535, %mul3A_2543 : vector<16xf32>
    %get3A_2545 = arith.constant 30 : i32
    %get3A_2546 = arith.index_cast %get3A_2545 : i32 to index
    %get3A_2547 = arith.constant 48 : index
    %get3A_2548 = tpu.vector_load %arg7[%get3A_2546, %get3A_2547] {strides = array<i32>} : memref<39x128xf32, #tpu.memory_space<vmem>>, vector<16xf32>,
    %slice3A_2549 = vector.extract_strided_slice %gather3A {offsets = [4], sizes = [1], strides = [1]} : vector<16xf32> to vector<1xf32>
    %squeeze3A_2550 = vector.extract %slice3A_2549[0] : f32 from vector<1xf32>
    %mul3A_2551 = vector.broadcast %squeeze3A_2550 : f32 to vector<16xf32>
    %mul3A_2552 = arith.mulf %get3A_2548, %mul3A_2551 : vector<16xf32>
    %add3A_2553 = arith.addf %add3A_2544, %mul3A_2552 : vector<16xf32>
    %get3A_2554 = arith.constant 31 : i32
    %get3A_2555 = arith.index_cast %get3A_2554 : i32 to index
    %get3A_2556 = arith.constant 48 : index
    %get3A_2557 = tpu.vector_load %arg7[%get3A_2555, %get3A_2556] {strides = array<i32>} : memref<39x128xf32, #tpu.memory_space<vmem>>, vector<16xf32>,
    %slice3A_2558 = vector.extract_strided_slice %gather3A {offsets = [5], sizes = [1], strides = [1]} : vector<16xf32> to vector<1xf32>
    %squeeze3A_2559 = vector.extract %slice3A_2558[0] : f32 from vector<1xf32>
    %mul3A_2560 = vector.broadcast %squeeze3A_2559 : f32 to vector<16xf32>
    %mul3A_2561 = arith.mulf %get3A_2557, %mul3A_2560 : vector<16xf32>
    %add3A_2562 = arith.addf %add3A_2553, %mul3A_2561 : vector<16xf32>
    %get3A_2563 = arith.constant 32 : i32
    %get3A_2564 = arith.index_cast %get3A_2563 : i32 to index
    %get3A_2565 = arith.constant 48 : index
    %get3A_2566 = tpu.vector_load %arg7[%get3A_2564, %get3A_2565] {strides = array<i32>} : memref<39x128xf32, #tpu.memory_space<vmem>>, vector<16xf32>,
    %slice3A_2567 = vector.extract_strided_slice %gather3A {offsets = [6], sizes = [1], strides = [1]} : vector<16xf32> to vector<1xf32>
    %squeeze3A_2568 = vector.extract %slice3A_2567[0] : f32 from vector<1xf32>
    %mul3A_2569 = vector.broadcast %squeeze3A_2568 : f32 to vector<16xf32>
    %mul3A_2570 = arith.mulf %get3A_2566, %mul3A_2569 : vector<16xf32>
    %add3A_2571 = arith.addf %add3A_2562, %mul3A_2570 : vector<16xf32>
    %get3A_2572 = arith.constant 33 : i32
    %get3A_2573 = arith.index_cast %get3A_2572 : i32 to index
    %get3A_2574 = arith.constant 48 : index
    %get3A_2575 = tpu.vector_load %arg7[%get3A_2573, %get3A_2574] {strides = array<i32>} : memref<39x128xf32, #tpu.memory_space<vmem>>, vector<16xf32>,
    %slice3A_2576 = vector.extract_strided_slice %gather3A {offsets = [7], sizes = [1], strides = [1]} : vector<16xf32> to vector<1xf32>
    %squeeze3A_2577 = vector.extract %slice3A_2576[0] : f32 from vector<1xf32>
    %mul3A_2578 = vector.broadcast %squeeze3A_2577 : f32 to vector<16xf32>
    %mul3A_2579 = arith.mulf %get3A_2575, %mul3A_2578 : vector<16xf32>
    %add3A_2580 = arith.addf %add3A_2571, %mul3A_2579 : vector<16xf32>
    %get3A_2581 = arith.constant 34 : i32
    %get3A_2582 = arith.index_cast %get3A_2581 : i32 to index
    %get3A_2583 = arith.constant 48 : index
    %get3A_2584 = tpu.vector_load %arg7[%get3A_2582, %get3A_2583] {strides = array<i32>} : memref<39x128xf32, #tpu.memory_space<vmem>>, vector<16xf32>,
    %slice3A_2585 = vector.extract_strided_slice %gather3A {offsets = [8], sizes = [1], strides = [1]} : vector<16xf32> to vector<1xf32>
    %squeeze3A_2586 = vector.extract %slice3A_2585[0] : f32 from vector<1xf32>
    %mul3A_2587 = vector.broadcast %squeeze3A_2586 : f32 to vector<16xf32>
    %mul3A_2588 = arith.mulf %get3A_2584, %mul3A_2587 : vector<16xf32>
    %add3A_2589 = arith.addf %add3A_2580, %mul3A_2588 : vector<16xf32>
    %get3A_2590 = arith.constant 35 : i32
    %get3A_2591 = arith.index_cast %get3A_2590 : i32 to index
    %get3A_2592 = arith.constant 48 : index
    %get3A_2593 = tpu.vector_load %arg7[%get3A_2591, %get3A_2592] {strides = array<i32>} : memref<39x128xf32, #tpu.memory_space<vmem>>, vector<16xf32>,
    %slice3A_2594 = vector.extract_strided_slice %gather3A {offsets = [9], sizes = [1], strides = [1]} : vector<16xf32> to vector<1xf32>
    %squeeze3A_2595 = vector.extract %slice3A_2594[0] : f32 from vector<1xf32>
    %mul3A_2596 = vector.broadcast %squeeze3A_2595 : f32 to vector<16xf32>
    %mul3A_2597 = arith.mulf %get3A_2593, %mul3A_2596 : vector<16xf32>
    %add3A_2598 = arith.addf %add3A_2589, %mul3A_2597 : vector<16xf32>
    %get3A_2599 = arith.constant 36 : i32
    %get3A_2600 = arith.index_cast %get3A_2599 : i32 to index
    %get3A_2601 = arith.constant 48 : index
    %get3A_2602 = tpu.vector_load %arg7[%get3A_2600, %get3A_2601] {strides = array<i32>} : memref<39x128xf32, #tpu.memory_space<vmem>>, vector<16xf32>,
    %slice3A_2603 = vector.extract_strided_slice %gather3A {offsets = [10], sizes = [1], strides = [1]} : vector<16xf32> to vector<1xf32>
    %squeeze3A_2604 = vector.extract %slice3A_2603[0] : f32 from vector<1xf32>
    %mul3A_2605 = vector.broadcast %squeeze3A_2604 : f32 to vector<16xf32>
    %mul3A_2606 = arith.mulf %get3A_2602, %mul3A_2605 : vector<16xf32>
    %add3A_2607 = arith.addf %add3A_2598, %mul3A_2606 : vector<16xf32>
    %get3A_2608 = arith.constant 37 : i32
    %get3A_2609 = arith.index_cast %get3A_2608 : i32 to index
    %get3A_2610 = arith.constant 48 : index
    %get3A_2611 = tpu.vector_load %arg7[%get3A_2609, %get3A_2610] {strides = array<i32>} : memref<39x128xf32, #tpu.memory_space<vmem>>, vector<16xf32>,
    %slice3A_2612 = vector.extract_strided_slice %gather3A {offsets = [11], sizes = [1], strides = [1]} : vector<16xf32> to vector<1xf32>
    %squeeze3A_2613 = vector.extract %slice3A_2612[0] : f32 from vector<1xf32>
    %mul3A_2614 = vector.broadcast %squeeze3A_2613 : f32 to vector<16xf32>
    %mul3A_2615 = arith.mulf %get3A_2611, %mul3A_2614 : vector<16xf32>
    %add3A_2616 = arith.addf %add3A_2607, %mul3A_2615 : vector<16xf32>
    %get3A_2617 = arith.constant 38 : i32
    %get3A_2618 = arith.index_cast %get3A_2617 : i32 to index
    %get3A_2619 = arith.constant 48 : index
    %get3A_2620 = tpu.vector_load %arg7[%get3A_2618, %get3A_2619] {strides = array<i32>} : memref<39x128xf32, #tpu.memory_space<vmem>>, vector<16xf32>,
    %slice3A_2621 = vector.extract_strided_slice %gather3A {offsets = [12], sizes = [1], strides = [1]} : vector<16xf32> to vector<1xf32>
    %squeeze3A_2622 = vector.extract %slice3A_2621[0] : f32 from vector<1xf32>
    %mul3A_2623 = vector.broadcast %squeeze3A_2622 : f32 to vector<16xf32>
    %mul3A_2624 = arith.mulf %get3A_2620, %mul3A_2623 : vector<16xf32>
    %add3A_2625 = arith.addf %add3A_2616, %mul3A_2624 : vector<16xf32>
    %swap3A_2626 = arith.constant 48 : index
    %swap3A_2627 = tpu.vector_load %arg12[%swap3A_2626] {strides = array<i32>} : memref<128xf32, #tpu.memory_space<vmem>>, vector<16xf32>,
    tpu.vector_store %arg12[%swap3A_2626], %add3A_2625 {strides = array<i32>} : memref<128xf32, #tpu.memory_space<vmem>>, vector<16xf32>,
    %get3A_2628 = arith.constant 26 : i32
    %get3A_2629 = arith.index_cast %get3A_2628 : i32 to index
    %get3A_2630 = arith.constant 64 : index
    %get3A_2631 = tpu.vector_load %arg7[%get3A_2629, %get3A_2630] {strides = array<i32>} : memref<39x128xf32, #tpu.memory_space<vmem>>, vector<16xf32>,
    %slice3A_2632 = vector.extract_strided_slice %gather3A {offsets = [0], sizes = [1], strides = [1]} : vector<16xf32> to vector<1xf32>
    %squeeze3A_2633 = vector.extract %slice3A_2632[0] : f32 from vector<1xf32>
    %mul3A_2634 = vector.broadcast %squeeze3A_2633 : f32 to vector<16xf32>
    %mul3A_2635 = arith.mulf %get3A_2631, %mul3A_2634 : vector<16xf32>
    %add3A_2636 = arith.addf %gather3A_2153, %mul3A_2635 : vector<16xf32>
    %get3A_2637 = arith.constant 27 : i32
    %get3A_2638 = arith.index_cast %get3A_2637 : i32 to index
    %get3A_2639 = arith.constant 64 : index
    %get3A_2640 = tpu.vector_load %arg7[%get3A_2638, %get3A_2639] {strides = array<i32>} : memref<39x128xf32, #tpu.memory_space<vmem>>, vector<16xf32>,
    %slice3A_2641 = vector.extract_strided_slice %gather3A {offsets = [1], sizes = [1], strides = [1]} : vector<16xf32> to vector<1xf32>
    %squeeze3A_2642 = vector.extract %slice3A_2641[0] : f32 from vector<1xf32>
    %mul3A_2643 = vector.broadcast %squeeze3A_2642 : f32 to vector<16xf32>
    %mul3A_2644 = arith.mulf %get3A_2640, %mul3A_2643 : vector<16xf32>
    %add3A_2645 = arith.addf %add3A_2636, %mul3A_2644 : vector<16xf32>
    %get3A_2646 = arith.constant 28 : i32
    %get3A_2647 = arith.index_cast %get3A_2646 : i32 to index
    %get3A_2648 = arith.constant 64 : index
    %get3A_2649 = tpu.vector_load %arg7[%get3A_2647, %get3A_2648] {strides = array<i32>} : memref<39x128xf32, #tpu.memory_space<vmem>>, vector<16xf32>,
    %slice3A_2650 = vector.extract_strided_slice %gather3A {offsets = [2], sizes = [1], strides = [1]} : vector<16xf32> to vector<1xf32>
    %squeeze3A_2651 = vector.extract %slice3A_2650[0] : f32 from vector<1xf32>
    %mul3A_2652 = vector.broadcast %squeeze3A_2651 : f32 to vector<16xf32>
    %mul3A_2653 = arith.mulf %get3A_2649, %mul3A_2652 : vector<16xf32>
    %add3A_2654 = arith.addf %add3A_2645, %mul3A_2653 : vector<16xf32>
    %get3A_2655 = arith.constant 29 : i32
    %get3A_2656 = arith.index_cast %get3A_2655 : i32 to index
    %get3A_2657 = arith.constant 64 : index
    %get3A_2658 = tpu.vector_load %arg7[%get3A_2656, %get3A_2657] {strides = array<i32>} : memref<39x128xf32, #tpu.memory_space<vmem>>, vector<16xf32>,
    %slice3A_2659 = vector.extract_strided_slice %gather3A {offsets = [3], sizes = [1], strides = [1]} : vector<16xf32> to vector<1xf32>
    %squeeze3A_2660 = vector.extract %slice3A_2659[0] : f32 from vector<1xf32>
    %mul3A_2661 = vector.broadcast %squeeze3A_2660 : f32 to vector<16xf32>
    %mul3A_2662 = arith.mulf %get3A_2658, %mul3A_2661 : vector<16xf32>
    %add3A_2663 = arith.addf %add3A_2654, %mul3A_2662 : vector<16xf32>
    %get3A_2664 = arith.constant 30 : i32
    %get3A_2665 = arith.index_cast %get3A_2664 : i32 to index
    %get3A_2666 = arith.constant 64 : index
    %get3A_2667 = tpu.vector_load %arg7[%get3A_2665, %get3A_2666] {strides = array<i32>} : memref<39x128xf32, #tpu.memory_space<vmem>>, vector<16xf32>,
    %slice3A_2668 = vector.extract_strided_slice %gather3A {offsets = [4], sizes = [1], strides = [1]} : vector<16xf32> to vector<1xf32>
    %squeeze3A_2669 = vector.extract %slice3A_2668[0] : f32 from vector<1xf32>
    %mul3A_2670 = vector.broadcast %squeeze3A_2669 : f32 to vector<16xf32>
    %mul3A_2671 = arith.mulf %get3A_2667, %mul3A_2670 : vector<16xf32>
    %add3A_2672 = arith.addf %add3A_2663, %mul3A_2671 : vector<16xf32>
    %get3A_2673 = arith.constant 31 : i32
    %get3A_2674 = arith.index_cast %get3A_2673 : i32 to index
    %get3A_2675 = arith.constant 64 : index
    %get3A_2676 = tpu.vector_load %arg7[%get3A_2674, %get3A_2675] {strides = array<i32>} : memref<39x128xf32, #tpu.memory_space<vmem>>, vector<16xf32>,
    %slice3A_2677 = vector.extract_strided_slice %gather3A {offsets = [5], sizes = [1], strides = [1]} : vector<16xf32> to vector<1xf32>
    %squeeze3A_2678 = vector.extract %slice3A_2677[0] : f32 from vector<1xf32>
    %mul3A_2679 = vector.broadcast %squeeze3A_2678 : f32 to vector<16xf32>
    %mul3A_2680 = arith.mulf %get3A_2676, %mul3A_2679 : vector<16xf32>
    %add3A_2681 = arith.addf %add3A_2672, %mul3A_2680 : vector<16xf32>
    %get3A_2682 = arith.constant 32 : i32
    %get3A_2683 = arith.index_cast %get3A_2682 : i32 to index
    %get3A_2684 = arith.constant 64 : index
    %get3A_2685 = tpu.vector_load %arg7[%get3A_2683, %get3A_2684] {strides = array<i32>} : memref<39x128xf32, #tpu.memory_space<vmem>>, vector<16xf32>,
    %slice3A_2686 = vector.extract_strided_slice %gather3A {offsets = [6], sizes = [1], strides = [1]} : vector<16xf32> to vector<1xf32>
    %squeeze3A_2687 = vector.extract %slice3A_2686[0] : f32 from vector<1xf32>
    %mul3A_2688 = vector.broadcast %squeeze3A_2687 : f32 to vector<16xf32>
    %mul3A_2689 = arith.mulf %get3A_2685, %mul3A_2688 : vector<16xf32>
    %add3A_2690 = arith.addf %add3A_2681, %mul3A_2689 : vector<16xf32>
    %get3A_2691 = arith.constant 33 : i32
    %get3A_2692 = arith.index_cast %get3A_2691 : i32 to index
    %get3A_2693 = arith.constant 64 : index
    %get3A_2694 = tpu.vector_load %arg7[%get3A_2692, %get3A_2693] {strides = array<i32>} : memref<39x128xf32, #tpu.memory_space<vmem>>, vector<16xf32>,
    %slice3A_2695 = vector.extract_strided_slice %gather3A {offsets = [7], sizes = [1], strides = [1]} : vector<16xf32> to vector<1xf32>
    %squeeze3A_2696 = vector.extract %slice3A_2695[0] : f32 from vector<1xf32>
    %mul3A_2697 = vector.broadcast %squeeze3A_2696 : f32 to vector<16xf32>
    %mul3A_2698 = arith.mulf %get3A_2694, %mul3A_2697 : vector<16xf32>
    %add3A_2699 = arith.addf %add3A_2690, %mul3A_2698 : vector<16xf32>
    %get3A_2700 = arith.constant 34 : i32
    %get3A_2701 = arith.index_cast %get3A_2700 : i32 to index
    %get3A_2702 = arith.constant 64 : index
    %get3A_2703 = tpu.vector_load %arg7[%get3A_2701, %get3A_2702] {strides = array<i32>} : memref<39x128xf32, #tpu.memory_space<vmem>>, vector<16xf32>,
    %slice3A_2704 = vector.extract_strided_slice %gather3A {offsets = [8], sizes = [1], strides = [1]} : vector<16xf32> to vector<1xf32>
    %squeeze3A_2705 = vector.extract %slice3A_2704[0] : f32 from vector<1xf32>
    %mul3A_2706 = vector.broadcast %squeeze3A_2705 : f32 to vector<16xf32>
    %mul3A_2707 = arith.mulf %get3A_2703, %mul3A_2706 : vector<16xf32>
    %add3A_2708 = arith.addf %add3A_2699, %mul3A_2707 : vector<16xf32>
    %get3A_2709 = arith.constant 35 : i32
    %get3A_2710 = arith.index_cast %get3A_2709 : i32 to index
    %get3A_2711 = arith.constant 64 : index
    %get3A_2712 = tpu.vector_load %arg7[%get3A_2710, %get3A_2711] {strides = array<i32>} : memref<39x128xf32, #tpu.memory_space<vmem>>, vector<16xf32>,
    %slice3A_2713 = vector.extract_strided_slice %gather3A {offsets = [9], sizes = [1], strides = [1]} : vector<16xf32> to vector<1xf32>
    %squeeze3A_2714 = vector.extract %slice3A_2713[0] : f32 from vector<1xf32>
    %mul3A_2715 = vector.broadcast %squeeze3A_2714 : f32 to vector<16xf32>
    %mul3A_2716 = arith.mulf %get3A_2712, %mul3A_2715 : vector<16xf32>
    %add3A_2717 = arith.addf %add3A_2708, %mul3A_2716 : vector<16xf32>
    %get3A_2718 = arith.constant 36 : i32
    %get3A_2719 = arith.index_cast %get3A_2718 : i32 to index
    %get3A_2720 = arith.constant 64 : index
    %get3A_2721 = tpu.vector_load %arg7[%get3A_2719, %get3A_2720] {strides = array<i32>} : memref<39x128xf32, #tpu.memory_space<vmem>>, vector<16xf32>,
    %slice3A_2722 = vector.extract_strided_slice %gather3A {offsets = [10], sizes = [1], strides = [1]} : vector<16xf32> to vector<1xf32>
    %squeeze3A_2723 = vector.extract %slice3A_2722[0] : f32 from vector<1xf32>
    %mul3A_2724 = vector.broadcast %squeeze3A_2723 : f32 to vector<16xf32>
    %mul3A_2725 = arith.mulf %get3A_2721, %mul3A_2724 : vector<16xf32>
    %add3A_2726 = arith.addf %add3A_2717, %mul3A_2725 : vector<16xf32>
    %get3A_2727 = arith.constant 37 : i32
    %get3A_2728 = arith.index_cast %get3A_2727 : i32 to index
    %get3A_2729 = arith.constant 64 : index
    %get3A_2730 = tpu.vector_load %arg7[%get3A_2728, %get3A_2729] {strides = array<i32>} : memref<39x128xf32, #tpu.memory_space<vmem>>, vector<16xf32>,
    %slice3A_2731 = vector.extract_strided_slice %gather3A {offsets = [11], sizes = [1], strides = [1]} : vector<16xf32> to vector<1xf32>
    %squeeze3A_2732 = vector.extract %slice3A_2731[0] : f32 from vector<1xf32>
    %mul3A_2733 = vector.broadcast %squeeze3A_2732 : f32 to vector<16xf32>
    %mul3A_2734 = arith.mulf %get3A_2730, %mul3A_2733 : vector<16xf32>
    %add3A_2735 = arith.addf %add3A_2726, %mul3A_2734 : vector<16xf32>
    %get3A_2736 = arith.constant 38 : i32
    %get3A_2737 = arith.index_cast %get3A_2736 : i32 to index
    %get3A_2738 = arith.constant 64 : index
    %get3A_2739 = tpu.vector_load %arg7[%get3A_2737, %get3A_2738] {strides = array<i32>} : memref<39x128xf32, #tpu.memory_space<vmem>>, vector<16xf32>,
    %slice3A_2740 = vector.extract_strided_slice %gather3A {offsets = [12], sizes = [1], strides = [1]} : vector<16xf32> to vector<1xf32>
    %squeeze3A_2741 = vector.extract %slice3A_2740[0] : f32 from vector<1xf32>
    %mul3A_2742 = vector.broadcast %squeeze3A_2741 : f32 to vector<16xf32>
    %mul3A_2743 = arith.mulf %get3A_2739, %mul3A_2742 : vector<16xf32>
    %add3A_2744 = arith.addf %add3A_2735, %mul3A_2743 : vector<16xf32>
    %swap3A_2745 = arith.constant 64 : index
    %swap3A_2746 = tpu.vector_load %arg12[%swap3A_2745] {strides = array<i32>} : memref<128xf32, #tpu.memory_space<vmem>>, vector<16xf32>,
    tpu.vector_store %arg12[%swap3A_2745], %add3A_2744 {strides = array<i32>} : memref<128xf32, #tpu.memory_space<vmem>>, vector<16xf32>,
    %get3A_2747 = arith.constant 26 : i32
    %get3A_2748 = arith.index_cast %get3A_2747 : i32 to index
    %get3A_2749 = arith.constant 80 : index
    %get3A_2750 = tpu.vector_load %arg7[%get3A_2748, %get3A_2749] {strides = array<i32>} : memref<39x128xf32, #tpu.memory_space<vmem>>, vector<16xf32>,
    %slice3A_2751 = vector.extract_strided_slice %gather3A {offsets = [0], sizes = [1], strides = [1]} : vector<16xf32> to vector<1xf32>
    %squeeze3A_2752 = vector.extract %slice3A_2751[0] : f32 from vector<1xf32>
    %mul3A_2753 = vector.broadcast %squeeze3A_2752 : f32 to vector<16xf32>
    %mul3A_2754 = arith.mulf %get3A_2750, %mul3A_2753 : vector<16xf32>
    %add3A_2755 = arith.addf %gather3A_2153, %mul3A_2754 : vector<16xf32>
    %get3A_2756 = arith.constant 27 : i32
    %get3A_2757 = arith.index_cast %get3A_2756 : i32 to index
    %get3A_2758 = arith.constant 80 : index
    %get3A_2759 = tpu.vector_load %arg7[%get3A_2757, %get3A_2758] {strides = array<i32>} : memref<39x128xf32, #tpu.memory_space<vmem>>, vector<16xf32>,
    %slice3A_2760 = vector.extract_strided_slice %gather3A {offsets = [1], sizes = [1], strides = [1]} : vector<16xf32> to vector<1xf32>
    %squeeze3A_2761 = vector.extract %slice3A_2760[0] : f32 from vector<1xf32>
    %mul3A_2762 = vector.broadcast %squeeze3A_2761 : f32 to vector<16xf32>
    %mul3A_2763 = arith.mulf %get3A_2759, %mul3A_2762 : vector<16xf32>
    %add3A_2764 = arith.addf %add3A_2755, %mul3A_2763 : vector<16xf32>
    %get3A_2765 = arith.constant 28 : i32
    %get3A_2766 = arith.index_cast %get3A_2765 : i32 to index
    %get3A_2767 = arith.constant 80 : index
    %get3A_2768 = tpu.vector_load %arg7[%get3A_2766, %get3A_2767] {strides = array<i32>} : memref<39x128xf32, #tpu.memory_space<vmem>>, vector<16xf32>,
    %slice3A_2769 = vector.extract_strided_slice %gather3A {offsets = [2], sizes = [1], strides = [1]} : vector<16xf32> to vector<1xf32>
    %squeeze3A_2770 = vector.extract %slice3A_2769[0] : f32 from vector<1xf32>
    %mul3A_2771 = vector.broadcast %squeeze3A_2770 : f32 to vector<16xf32>
    %mul3A_2772 = arith.mulf %get3A_2768, %mul3A_2771 : vector<16xf32>
    %add3A_2773 = arith.addf %add3A_2764, %mul3A_2772 : vector<16xf32>
    %get3A_2774 = arith.constant 29 : i32
    %get3A_2775 = arith.index_cast %get3A_2774 : i32 to index
    %get3A_2776 = arith.constant 80 : index
    %get3A_2777 = tpu.vector_load %arg7[%get3A_2775, %get3A_2776] {strides = array<i32>} : memref<39x128xf32, #tpu.memory_space<vmem>>, vector<16xf32>,
    %slice3A_2778 = vector.extract_strided_slice %gather3A {offsets = [3], sizes = [1], strides = [1]} : vector<16xf32> to vector<1xf32>
    %squeeze3A_2779 = vector.extract %slice3A_2778[0] : f32 from vector<1xf32>
    %mul3A_2780 = vector.broadcast %squeeze3A_2779 : f32 to vector<16xf32>
    %mul3A_2781 = arith.mulf %get3A_2777, %mul3A_2780 : vector<16xf32>
    %add3A_2782 = arith.addf %add3A_2773, %mul3A_2781 : vector<16xf32>
    %get3A_2783 = arith.constant 30 : i32
    %get3A_2784 = arith.index_cast %get3A_2783 : i32 to index
    %get3A_2785 = arith.constant 80 : index
    %get3A_2786 = tpu.vector_load %arg7[%get3A_2784, %get3A_2785] {strides = array<i32>} : memref<39x128xf32, #tpu.memory_space<vmem>>, vector<16xf32>,
    %slice3A_2787 = vector.extract_strided_slice %gather3A {offsets = [4], sizes = [1], strides = [1]} : vector<16xf32> to vector<1xf32>
    %squeeze3A_2788 = vector.extract %slice3A_2787[0] : f32 from vector<1xf32>
    %mul3A_2789 = vector.broadcast %squeeze3A_2788 : f32 to vector<16xf32>
    %mul3A_2790 = arith.mulf %get3A_2786, %mul3A_2789 : vector<16xf32>
    %add3A_2791 = arith.addf %add3A_2782, %mul3A_2790 : vector<16xf32>
    %get3A_2792 = arith.constant 31 : i32
    %get3A_2793 = arith.index_cast %get3A_2792 : i32 to index
    %get3A_2794 = arith.constant 80 : index
    %get3A_2795 = tpu.vector_load %arg7[%get3A_2793, %get3A_2794] {strides = array<i32>} : memref<39x128xf32, #tpu.memory_space<vmem>>, vector<16xf32>,
    %slice3A_2796 = vector.extract_strided_slice %gather3A {offsets = [5], sizes = [1], strides = [1]} : vector<16xf32> to vector<1xf32>
    %squeeze3A_2797 = vector.extract %slice3A_2796[0] : f32 from vector<1xf32>
    %mul3A_2798 = vector.broadcast %squeeze3A_2797 : f32 to vector<16xf32>
    %mul3A_2799 = arith.mulf %get3A_2795, %mul3A_2798 : vector<16xf32>
    %add3A_2800 = arith.addf %add3A_2791, %mul3A_2799 : vector<16xf32>
    %get3A_2801 = arith.constant 32 : i32
    %get3A_2802 = arith.index_cast %get3A_2801 : i32 to index
    %get3A_2803 = arith.constant 80 : index
    %get3A_2804 = tpu.vector_load %arg7[%get3A_2802, %get3A_2803] {strides = array<i32>} : memref<39x128xf32, #tpu.memory_space<vmem>>, vector<16xf32>,
    %slice3A_2805 = vector.extract_strided_slice %gather3A {offsets = [6], sizes = [1], strides = [1]} : vector<16xf32> to vector<1xf32>
    %squeeze3A_2806 = vector.extract %slice3A_2805[0] : f32 from vector<1xf32>
    %mul3A_2807 = vector.broadcast %squeeze3A_2806 : f32 to vector<16xf32>
    %mul3A_2808 = arith.mulf %get3A_2804, %mul3A_2807 : vector<16xf32>
    %add3A_2809 = arith.addf %add3A_2800, %mul3A_2808 : vector<16xf32>
    %get3A_2810 = arith.constant 33 : i32
    %get3A_2811 = arith.index_cast %get3A_2810 : i32 to index
    %get3A_2812 = arith.constant 80 : index
    %get3A_2813 = tpu.vector_load %arg7[%get3A_2811, %get3A_2812] {strides = array<i32>} : memref<39x128xf32, #tpu.memory_space<vmem>>, vector<16xf32>,
    %slice3A_2814 = vector.extract_strided_slice %gather3A {offsets = [7], sizes = [1], strides = [1]} : vector<16xf32> to vector<1xf32>
    %squeeze3A_2815 = vector.extract %slice3A_2814[0] : f32 from vector<1xf32>
    %mul3A_2816 = vector.broadcast %squeeze3A_2815 : f32 to vector<16xf32>
    %mul3A_2817 = arith.mulf %get3A_2813, %mul3A_2816 : vector<16xf32>
    %add3A_2818 = arith.addf %add3A_2809, %mul3A_2817 : vector<16xf32>
    %get3A_2819 = arith.constant 34 : i32
    %get3A_2820 = arith.index_cast %get3A_2819 : i32 to index
    %get3A_2821 = arith.constant 80 : index
    %get3A_2822 = tpu.vector_load %arg7[%get3A_2820, %get3A_2821] {strides = array<i32>} : memref<39x128xf32, #tpu.memory_space<vmem>>, vector<16xf32>,
    %slice3A_2823 = vector.extract_strided_slice %gather3A {offsets = [8], sizes = [1], strides = [1]} : vector<16xf32> to vector<1xf32>
    %squeeze3A_2824 = vector.extract %slice3A_2823[0] : f32 from vector<1xf32>
    %mul3A_2825 = vector.broadcast %squeeze3A_2824 : f32 to vector<16xf32>
    %mul3A_2826 = arith.mulf %get3A_2822, %mul3A_2825 : vector<16xf32>
    %add3A_2827 = arith.addf %add3A_2818, %mul3A_2826 : vector<16xf32>
    %get3A_2828 = arith.constant 35 : i32
    %get3A_2829 = arith.index_cast %get3A_2828 : i32 to index
    %get3A_2830 = arith.constant 80 : index
    %get3A_2831 = tpu.vector_load %arg7[%get3A_2829, %get3A_2830] {strides = array<i32>} : memref<39x128xf32, #tpu.memory_space<vmem>>, vector<16xf32>,
    %slice3A_2832 = vector.extract_strided_slice %gather3A {offsets = [9], sizes = [1], strides = [1]} : vector<16xf32> to vector<1xf32>
    %squeeze3A_2833 = vector.extract %slice3A_2832[0] : f32 from vector<1xf32>
    %mul3A_2834 = vector.broadcast %squeeze3A_2833 : f32 to vector<16xf32>
    %mul3A_2835 = arith.mulf %get3A_2831, %mul3A_2834 : vector<16xf32>
    %add3A_2836 = arith.addf %add3A_2827, %mul3A_2835 : vector<16xf32>
    %get3A_2837 = arith.constant 36 : i32
    %get3A_2838 = arith.index_cast %get3A_2837 : i32 to index
    %get3A_2839 = arith.constant 80 : index
    %get3A_2840 = tpu.vector_load %arg7[%get3A_2838, %get3A_2839] {strides = array<i32>} : memref<39x128xf32, #tpu.memory_space<vmem>>, vector<16xf32>,
    %slice3A_2841 = vector.extract_strided_slice %gather3A {offsets = [10], sizes = [1], strides = [1]} : vector<16xf32> to vector<1xf32>
    %squeeze3A_2842 = vector.extract %slice3A_2841[0] : f32 from vector<1xf32>
    %mul3A_2843 = vector.broadcast %squeeze3A_2842 : f32 to vector<16xf32>
    %mul3A_2844 = arith.mulf %get3A_2840, %mul3A_2843 : vector<16xf32>
    %add3A_2845 = arith.addf %add3A_2836, %mul3A_2844 : vector<16xf32>
    %get3A_2846 = arith.constant 37 : i32
    %get3A_2847 = arith.index_cast %get3A_2846 : i32 to index
    %get3A_2848 = arith.constant 80 : index
    %get3A_2849 = tpu.vector_load %arg7[%get3A_2847, %get3A_2848] {strides = array<i32>} : memref<39x128xf32, #tpu.memory_space<vmem>>, vector<16xf32>,
    %slice3A_2850 = vector.extract_strided_slice %gather3A {offsets = [11], sizes = [1], strides = [1]} : vector<16xf32> to vector<1xf32>
    %squeeze3A_2851 = vector.extract %slice3A_2850[0] : f32 from vector<1xf32>
    %mul3A_2852 = vector.broadcast %squeeze3A_2851 : f32 to vector<16xf32>
    %mul3A_2853 = arith.mulf %get3A_2849, %mul3A_2852 : vector<16xf32>
    %add3A_2854 = arith.addf %add3A_2845, %mul3A_2853 : vector<16xf32>
    %get3A_2855 = arith.constant 38 : i32
    %get3A_2856 = arith.index_cast %get3A_2855 : i32 to index
    %get3A_2857 = arith.constant 80 : index
    %get3A_2858 = tpu.vector_load %arg7[%get3A_2856, %get3A_2857] {strides = array<i32>} : memref<39x128xf32, #tpu.memory_space<vmem>>, vector<16xf32>,
    %slice3A_2859 = vector.extract_strided_slice %gather3A {offsets = [12], sizes = [1], strides = [1]} : vector<16xf32> to vector<1xf32>
    %squeeze3A_2860 = vector.extract %slice3A_2859[0] : f32 from vector<1xf32>
    %mul3A_2861 = vector.broadcast %squeeze3A_2860 : f32 to vector<16xf32>
    %mul3A_2862 = arith.mulf %get3A_2858, %mul3A_2861 : vector<16xf32>
    %add3A_2863 = arith.addf %add3A_2854, %mul3A_2862 : vector<16xf32>
    %swap3A_2864 = arith.constant 80 : index
    %swap3A_2865 = tpu.vector_load %arg12[%swap3A_2864] {strides = array<i32>} : memref<128xf32, #tpu.memory_space<vmem>>, vector<16xf32>,
    tpu.vector_store %arg12[%swap3A_2864], %add3A_2863 {strides = array<i32>} : memref<128xf32, #tpu.memory_space<vmem>>, vector<16xf32>,
    %get3A_2866 = arith.constant 26 : i32
    %get3A_2867 = arith.index_cast %get3A_2866 : i32 to index
    %get3A_2868 = arith.constant 96 : index
    %get3A_2869 = tpu.vector_load %arg7[%get3A_2867, %get3A_2868] {strides = array<i32>} : memref<39x128xf32, #tpu.memory_space<vmem>>, vector<16xf32>,
    %slice3A_2870 = vector.extract_strided_slice %gather3A {offsets = [0], sizes = [1], strides = [1]} : vector<16xf32> to vector<1xf32>
    %squeeze3A_2871 = vector.extract %slice3A_2870[0] : f32 from vector<1xf32>
    %mul3A_2872 = vector.broadcast %squeeze3A_2871 : f32 to vector<16xf32>
    %mul3A_2873 = arith.mulf %get3A_2869, %mul3A_2872 : vector<16xf32>
    %add3A_2874 = arith.addf %gather3A_2153, %mul3A_2873 : vector<16xf32>
    %get3A_2875 = arith.constant 27 : i32
    %get3A_2876 = arith.index_cast %get3A_2875 : i32 to index
    %get3A_2877 = arith.constant 96 : index
    %get3A_2878 = tpu.vector_load %arg7[%get3A_2876, %get3A_2877] {strides = array<i32>} : memref<39x128xf32, #tpu.memory_space<vmem>>, vector<16xf32>,
    %slice3A_2879 = vector.extract_strided_slice %gather3A {offsets = [1], sizes = [1], strides = [1]} : vector<16xf32> to vector<1xf32>
    %squeeze3A_2880 = vector.extract %slice3A_2879[0] : f32 from vector<1xf32>
    %mul3A_2881 = vector.broadcast %squeeze3A_2880 : f32 to vector<16xf32>
    %mul3A_2882 = arith.mulf %get3A_2878, %mul3A_2881 : vector<16xf32>
    %add3A_2883 = arith.addf %add3A_2874, %mul3A_2882 : vector<16xf32>
    %get3A_2884 = arith.constant 28 : i32
    %get3A_2885 = arith.index_cast %get3A_2884 : i32 to index
    %get3A_2886 = arith.constant 96 : index
    %get3A_2887 = tpu.vector_load %arg7[%get3A_2885, %get3A_2886] {strides = array<i32>} : memref<39x128xf32, #tpu.memory_space<vmem>>, vector<16xf32>,
    %slice3A_2888 = vector.extract_strided_slice %gather3A {offsets = [2], sizes = [1], strides = [1]} : vector<16xf32> to vector<1xf32>
    %squeeze3A_2889 = vector.extract %slice3A_2888[0] : f32 from vector<1xf32>
    %mul3A_2890 = vector.broadcast %squeeze3A_2889 : f32 to vector<16xf32>
    %mul3A_2891 = arith.mulf %get3A_2887, %mul3A_2890 : vector<16xf32>
    %add3A_2892 = arith.addf %add3A_2883, %mul3A_2891 : vector<16xf32>
    %get3A_2893 = arith.constant 29 : i32
    %get3A_2894 = arith.index_cast %get3A_2893 : i32 to index
    %get3A_2895 = arith.constant 96 : index
    %get3A_2896 = tpu.vector_load %arg7[%get3A_2894, %get3A_2895] {strides = array<i32>} : memref<39x128xf32, #tpu.memory_space<vmem>>, vector<16xf32>,
    %slice3A_2897 = vector.extract_strided_slice %gather3A {offsets = [3], sizes = [1], strides = [1]} : vector<16xf32> to vector<1xf32>
    %squeeze3A_2898 = vector.extract %slice3A_2897[0] : f32 from vector<1xf32>
    %mul3A_2899 = vector.broadcast %squeeze3A_2898 : f32 to vector<16xf32>
    %mul3A_2900 = arith.mulf %get3A_2896, %mul3A_2899 : vector<16xf32>
    %add3A_2901 = arith.addf %add3A_2892, %mul3A_2900 : vector<16xf32>
    %get3A_2902 = arith.constant 30 : i32
    %get3A_2903 = arith.index_cast %get3A_2902 : i32 to index
    %get3A_2904 = arith.constant 96 : index
    %get3A_2905 = tpu.vector_load %arg7[%get3A_2903, %get3A_2904] {strides = array<i32>} : memref<39x128xf32, #tpu.memory_space<vmem>>, vector<16xf32>,
    %slice3A_2906 = vector.extract_strided_slice %gather3A {offsets = [4], sizes = [1], strides = [1]} : vector<16xf32> to vector<1xf32>
    %squeeze3A_2907 = vector.extract %slice3A_2906[0] : f32 from vector<1xf32>
    %mul3A_2908 = vector.broadcast %squeeze3A_2907 : f32 to vector<16xf32>
    %mul3A_2909 = arith.mulf %get3A_2905, %mul3A_2908 : vector<16xf32>
    %add3A_2910 = arith.addf %add3A_2901, %mul3A_2909 : vector<16xf32>
    %get3A_2911 = arith.constant 31 : i32
    %get3A_2912 = arith.index_cast %get3A_2911 : i32 to index
    %get3A_2913 = arith.constant 96 : index
    %get3A_2914 = tpu.vector_load %arg7[%get3A_2912, %get3A_2913] {strides = array<i32>} : memref<39x128xf32, #tpu.memory_space<vmem>>, vector<16xf32>,
    %slice3A_2915 = vector.extract_strided_slice %gather3A {offsets = [5], sizes = [1], strides = [1]} : vector<16xf32> to vector<1xf32>
    %squeeze3A_2916 = vector.extract %slice3A_2915[0] : f32 from vector<1xf32>
    %mul3A_2917 = vector.broadcast %squeeze3A_2916 : f32 to vector<16xf32>
    %mul3A_2918 = arith.mulf %get3A_2914, %mul3A_2917 : vector<16xf32>
    %add3A_2919 = arith.addf %add3A_2910, %mul3A_2918 : vector<16xf32>
    %get3A_2920 = arith.constant 32 : i32
    %get3A_2921 = arith.index_cast %get3A_2920 : i32 to index
    %get3A_2922 = arith.constant 96 : index
    %get3A_2923 = tpu.vector_load %arg7[%get3A_2921, %get3A_2922] {strides = array<i32>} : memref<39x128xf32, #tpu.memory_space<vmem>>, vector<16xf32>,
    %slice3A_2924 = vector.extract_strided_slice %gather3A {offsets = [6], sizes = [1], strides = [1]} : vector<16xf32> to vector<1xf32>
    %squeeze3A_2925 = vector.extract %slice3A_2924[0] : f32 from vector<1xf32>
    %mul3A_2926 = vector.broadcast %squeeze3A_2925 : f32 to vector<16xf32>
    %mul3A_2927 = arith.mulf %get3A_2923, %mul3A_2926 : vector<16xf32>
    %add3A_2928 = arith.addf %add3A_2919, %mul3A_2927 : vector<16xf32>
    %get3A_2929 = arith.constant 33 : i32
    %get3A_2930 = arith.index_cast %get3A_2929 : i32 to index
    %get3A_2931 = arith.constant 96 : index
    %get3A_2932 = tpu.vector_load %arg7[%get3A_2930, %get3A_2931] {strides = array<i32>} : memref<39x128xf32, #tpu.memory_space<vmem>>, vector<16xf32>,
    %slice3A_2933 = vector.extract_strided_slice %gather3A {offsets = [7], sizes = [1], strides = [1]} : vector<16xf32> to vector<1xf32>
    %squeeze3A_2934 = vector.extract %slice3A_2933[0] : f32 from vector<1xf32>
    %mul3A_2935 = vector.broadcast %squeeze3A_2934 : f32 to vector<16xf32>
    %mul3A_2936 = arith.mulf %get3A_2932, %mul3A_2935 : vector<16xf32>
    %add3A_2937 = arith.addf %add3A_2928, %mul3A_2936 : vector<16xf32>
    %get3A_2938 = arith.constant 34 : i32
    %get3A_2939 = arith.index_cast %get3A_2938 : i32 to index
    %get3A_2940 = arith.constant 96 : index
    %get3A_2941 = tpu.vector_load %arg7[%get3A_2939, %get3A_2940] {strides = array<i32>} : memref<39x128xf32, #tpu.memory_space<vmem>>, vector<16xf32>,
    %slice3A_2942 = vector.extract_strided_slice %gather3A {offsets = [8], sizes = [1], strides = [1]} : vector<16xf32> to vector<1xf32>
    %squeeze3A_2943 = vector.extract %slice3A_2942[0] : f32 from vector<1xf32>
    %mul3A_2944 = vector.broadcast %squeeze3A_2943 : f32 to vector<16xf32>
    %mul3A_2945 = arith.mulf %get3A_2941, %mul3A_2944 : vector<16xf32>
    %add3A_2946 = arith.addf %add3A_2937, %mul3A_2945 : vector<16xf32>
    %get3A_2947 = arith.constant 35 : i32
    %get3A_2948 = arith.index_cast %get3A_2947 : i32 to index
    %get3A_2949 = arith.constant 96 : index
    %get3A_2950 = tpu.vector_load %arg7[%get3A_2948, %get3A_2949] {strides = array<i32>} : memref<39x128xf32, #tpu.memory_space<vmem>>, vector<16xf32>,
    %slice3A_2951 = vector.extract_strided_slice %gather3A {offsets = [9], sizes = [1], strides = [1]} : vector<16xf32> to vector<1xf32>
    %squeeze3A_2952 = vector.extract %slice3A_2951[0] : f32 from vector<1xf32>
    %mul3A_2953 = vector.broadcast %squeeze3A_2952 : f32 to vector<16xf32>
    %mul3A_2954 = arith.mulf %get3A_2950, %mul3A_2953 : vector<16xf32>
    %add3A_2955 = arith.addf %add3A_2946, %mul3A_2954 : vector<16xf32>
    %get3A_2956 = arith.constant 36 : i32
    %get3A_2957 = arith.index_cast %get3A_2956 : i32 to index
    %get3A_2958 = arith.constant 96 : index
    %get3A_2959 = tpu.vector_load %arg7[%get3A_2957, %get3A_2958] {strides = array<i32>} : memref<39x128xf32, #tpu.memory_space<vmem>>, vector<16xf32>,
    %slice3A_2960 = vector.extract_strided_slice %gather3A {offsets = [10], sizes = [1], strides = [1]} : vector<16xf32> to vector<1xf32>
    %squeeze3A_2961 = vector.extract %slice3A_2960[0] : f32 from vector<1xf32>
    %mul3A_2962 = vector.broadcast %squeeze3A_2961 : f32 to vector<16xf32>
    %mul3A_2963 = arith.mulf %get3A_2959, %mul3A_2962 : vector<16xf32>
    %add3A_2964 = arith.addf %add3A_2955, %mul3A_2963 : vector<16xf32>
    %get3A_2965 = arith.constant 37 : i32
    %get3A_2966 = arith.index_cast %get3A_2965 : i32 to index
    %get3A_2967 = arith.constant 96 : index
    %get3A_2968 = tpu.vector_load %arg7[%get3A_2966, %get3A_2967] {strides = array<i32>} : memref<39x128xf32, #tpu.memory_space<vmem>>, vector<16xf32>,
    %slice3A_2969 = vector.extract_strided_slice %gather3A {offsets = [11], sizes = [1], strides = [1]} : vector<16xf32> to vector<1xf32>
    %squeeze3A_2970 = vector.extract %slice3A_2969[0] : f32 from vector<1xf32>
    %mul3A_2971 = vector.broadcast %squeeze3A_2970 : f32 to vector<16xf32>
    %mul3A_2972 = arith.mulf %get3A_2968, %mul3A_2971 : vector<16xf32>
    %add3A_2973 = arith.addf %add3A_2964, %mul3A_2972 : vector<16xf32>
    %get3A_2974 = arith.constant 38 : i32
    %get3A_2975 = arith.index_cast %get3A_2974 : i32 to index
    %get3A_2976 = arith.constant 96 : index
    %get3A_2977 = tpu.vector_load %arg7[%get3A_2975, %get3A_2976] {strides = array<i32>} : memref<39x128xf32, #tpu.memory_space<vmem>>, vector<16xf32>,
    %slice3A_2978 = vector.extract_strided_slice %gather3A {offsets = [12], sizes = [1], strides = [1]} : vector<16xf32> to vector<1xf32>
    %squeeze3A_2979 = vector.extract %slice3A_2978[0] : f32 from vector<1xf32>
    %mul3A_2980 = vector.broadcast %squeeze3A_2979 : f32 to vector<16xf32>
    %mul3A_2981 = arith.mulf %get3A_2977, %mul3A_2980 : vector<16xf32>
    %add3A_2982 = arith.addf %add3A_2973, %mul3A_2981 : vector<16xf32>
    %swap3A_2983 = arith.constant 96 : index
    %swap3A_2984 = tpu.vector_load %arg12[%swap3A_2983] {strides = array<i32>} : memref<128xf32, #tpu.memory_space<vmem>>, vector<16xf32>,
    tpu.vector_store %arg12[%swap3A_2983], %add3A_2982 {strides = array<i32>} : memref<128xf32, #tpu.memory_space<vmem>>, vector<16xf32>,
    %get3A_2985 = arith.constant 26 : i32
    %get3A_2986 = arith.index_cast %get3A_2985 : i32 to index
    %get3A_2987 = arith.constant 112 : index
    %get3A_2988 = tpu.vector_load %arg7[%get3A_2986, %get3A_2987] {strides = array<i32>} : memref<39x128xf32, #tpu.memory_space<vmem>>, vector<16xf32>,
    %slice3A_2989 = vector.extract_strided_slice %gather3A {offsets = [0], sizes = [1], strides = [1]} : vector<16xf32> to vector<1xf32>
    %squeeze3A_2990 = vector.extract %slice3A_2989[0] : f32 from vector<1xf32>
    %mul3A_2991 = vector.broadcast %squeeze3A_2990 : f32 to vector<16xf32>
    %mul3A_2992 = arith.mulf %get3A_2988, %mul3A_2991 : vector<16xf32>
    %add3A_2993 = arith.addf %gather3A_2153, %mul3A_2992 : vector<16xf32>
    %get3A_2994 = arith.constant 27 : i32
    %get3A_2995 = arith.index_cast %get3A_2994 : i32 to index
    %get3A_2996 = arith.constant 112 : index
    %get3A_2997 = tpu.vector_load %arg7[%get3A_2995, %get3A_2996] {strides = array<i32>} : memref<39x128xf32, #tpu.memory_space<vmem>>, vector<16xf32>,
    %slice3A_2998 = vector.extract_strided_slice %gather3A {offsets = [1], sizes = [1], strides = [1]} : vector<16xf32> to vector<1xf32>
    %squeeze3A_2999 = vector.extract %slice3A_2998[0] : f32 from vector<1xf32>
    %mul3A_3000 = vector.broadcast %squeeze3A_2999 : f32 to vector<16xf32>
    %mul3A_3001 = arith.mulf %get3A_2997, %mul3A_3000 : vector<16xf32>
    %add3A_3002 = arith.addf %add3A_2993, %mul3A_3001 : vector<16xf32>
    %get3A_3003 = arith.constant 28 : i32
    %get3A_3004 = arith.index_cast %get3A_3003 : i32 to index
    %get3A_3005 = arith.constant 112 : index
    %get3A_3006 = tpu.vector_load %arg7[%get3A_3004, %get3A_3005] {strides = array<i32>} : memref<39x128xf32, #tpu.memory_space<vmem>>, vector<16xf32>,
    %slice3A_3007 = vector.extract_strided_slice %gather3A {offsets = [2], sizes = [1], strides = [1]} : vector<16xf32> to vector<1xf32>
    %squeeze3A_3008 = vector.extract %slice3A_3007[0] : f32 from vector<1xf32>
    %mul3A_3009 = vector.broadcast %squeeze3A_3008 : f32 to vector<16xf32>
    %mul3A_3010 = arith.mulf %get3A_3006, %mul3A_3009 : vector<16xf32>
    %add3A_3011 = arith.addf %add3A_3002, %mul3A_3010 : vector<16xf32>
    %get3A_3012 = arith.constant 29 : i32
    %get3A_3013 = arith.index_cast %get3A_3012 : i32 to index
    %get3A_3014 = arith.constant 112 : index
    %get3A_3015 = tpu.vector_load %arg7[%get3A_3013, %get3A_3014] {strides = array<i32>} : memref<39x128xf32, #tpu.memory_space<vmem>>, vector<16xf32>,
    %slice3A_3016 = vector.extract_strided_slice %gather3A {offsets = [3], sizes = [1], strides = [1]} : vector<16xf32> to vector<1xf32>
    %squeeze3A_3017 = vector.extract %slice3A_3016[0] : f32 from vector<1xf32>
    %mul3A_3018 = vector.broadcast %squeeze3A_3017 : f32 to vector<16xf32>
    %mul3A_3019 = arith.mulf %get3A_3015, %mul3A_3018 : vector<16xf32>
    %add3A_3020 = arith.addf %add3A_3011, %mul3A_3019 : vector<16xf32>
    %get3A_3021 = arith.constant 30 : i32
    %get3A_3022 = arith.index_cast %get3A_3021 : i32 to index
    %get3A_3023 = arith.constant 112 : index
    %get3A_3024 = tpu.vector_load %arg7[%get3A_3022, %get3A_3023] {strides = array<i32>} : memref<39x128xf32, #tpu.memory_space<vmem>>, vector<16xf32>,
    %slice3A_3025 = vector.extract_strided_slice %gather3A {offsets = [4], sizes = [1], strides = [1]} : vector<16xf32> to vector<1xf32>
    %squeeze3A_3026 = vector.extract %slice3A_3025[0] : f32 from vector<1xf32>
    %mul3A_3027 = vector.broadcast %squeeze3A_3026 : f32 to vector<16xf32>
    %mul3A_3028 = arith.mulf %get3A_3024, %mul3A_3027 : vector<16xf32>
    %add3A_3029 = arith.addf %add3A_3020, %mul3A_3028 : vector<16xf32>
    %get3A_3030 = arith.constant 31 : i32
    %get3A_3031 = arith.index_cast %get3A_3030 : i32 to index
    %get3A_3032 = arith.constant 112 : index
    %get3A_3033 = tpu.vector_load %arg7[%get3A_3031, %get3A_3032] {strides = array<i32>} : memref<39x128xf32, #tpu.memory_space<vmem>>, vector<16xf32>,
    %slice3A_3034 = vector.extract_strided_slice %gather3A {offsets = [5], sizes = [1], strides = [1]} : vector<16xf32> to vector<1xf32>
    %squeeze3A_3035 = vector.extract %slice3A_3034[0] : f32 from vector<1xf32>
    %mul3A_3036 = vector.broadcast %squeeze3A_3035 : f32 to vector<16xf32>
    %mul3A_3037 = arith.mulf %get3A_3033, %mul3A_3036 : vector<16xf32>
    %add3A_3038 = arith.addf %add3A_3029, %mul3A_3037 : vector<16xf32>
    %get3A_3039 = arith.constant 32 : i32
    %get3A_3040 = arith.index_cast %get3A_3039 : i32 to index
    %get3A_3041 = arith.constant 112 : index
    %get3A_3042 = tpu.vector_load %arg7[%get3A_3040, %get3A_3041] {strides = array<i32>} : memref<39x128xf32, #tpu.memory_space<vmem>>, vector<16xf32>,
    %slice3A_3043 = vector.extract_strided_slice %gather3A {offsets = [6], sizes = [1], strides = [1]} : vector<16xf32> to vector<1xf32>
    %squeeze3A_3044 = vector.extract %slice3A_3043[0] : f32 from vector<1xf32>
    %mul3A_3045 = vector.broadcast %squeeze3A_3044 : f32 to vector<16xf32>
    %mul3A_3046 = arith.mulf %get3A_3042, %mul3A_3045 : vector<16xf32>
    %add3A_3047 = arith.addf %add3A_3038, %mul3A_3046 : vector<16xf32>
    %get3A_3048 = arith.constant 33 : i32
    %get3A_3049 = arith.index_cast %get3A_3048 : i32 to index
    %get3A_3050 = arith.constant 112 : index
    %get3A_3051 = tpu.vector_load %arg7[%get3A_3049, %get3A_3050] {strides = array<i32>} : memref<39x128xf32, #tpu.memory_space<vmem>>, vector<16xf32>,
    %slice3A_3052 = vector.extract_strided_slice %gather3A {offsets = [7], sizes = [1], strides = [1]} : vector<16xf32> to vector<1xf32>
    %squeeze3A_3053 = vector.extract %slice3A_3052[0] : f32 from vector<1xf32>
    %mul3A_3054 = vector.broadcast %squeeze3A_3053 : f32 to vector<16xf32>
    %mul3A_3055 = arith.mulf %get3A_3051, %mul3A_3054 : vector<16xf32>
    %add3A_3056 = arith.addf %add3A_3047, %mul3A_3055 : vector<16xf32>
    %get3A_3057 = arith.constant 34 : i32
    %get3A_3058 = arith.index_cast %get3A_3057 : i32 to index
    %get3A_3059 = arith.constant 112 : index
    %get3A_3060 = tpu.vector_load %arg7[%get3A_3058, %get3A_3059] {strides = array<i32>} : memref<39x128xf32, #tpu.memory_space<vmem>>, vector<16xf32>,
    %slice3A_3061 = vector.extract_strided_slice %gather3A {offsets = [8], sizes = [1], strides = [1]} : vector<16xf32> to vector<1xf32>
    %squeeze3A_3062 = vector.extract %slice3A_3061[0] : f32 from vector<1xf32>
    %mul3A_3063 = vector.broadcast %squeeze3A_3062 : f32 to vector<16xf32>
    %mul3A_3064 = arith.mulf %get3A_3060, %mul3A_3063 : vector<16xf32>
    %add3A_3065 = arith.addf %add3A_3056, %mul3A_3064 : vector<16xf32>
    %get3A_3066 = arith.constant 35 : i32
    %get3A_3067 = arith.index_cast %get3A_3066 : i32 to index
    %get3A_3068 = arith.constant 112 : index
    %get3A_3069 = tpu.vector_load %arg7[%get3A_3067, %get3A_3068] {strides = array<i32>} : memref<39x128xf32, #tpu.memory_space<vmem>>, vector<16xf32>,
    %slice3A_3070 = vector.extract_strided_slice %gather3A {offsets = [9], sizes = [1], strides = [1]} : vector<16xf32> to vector<1xf32>
    %squeeze3A_3071 = vector.extract %slice3A_3070[0] : f32 from vector<1xf32>
    %mul3A_3072 = vector.broadcast %squeeze3A_3071 : f32 to vector<16xf32>
    %mul3A_3073 = arith.mulf %get3A_3069, %mul3A_3072 : vector<16xf32>
    %add3A_3074 = arith.addf %add3A_3065, %mul3A_3073 : vector<16xf32>
    %get3A_3075 = arith.constant 36 : i32
    %get3A_3076 = arith.index_cast %get3A_3075 : i32 to index
    %get3A_3077 = arith.constant 112 : index
    %get3A_3078 = tpu.vector_load %arg7[%get3A_3076, %get3A_3077] {strides = array<i32>} : memref<39x128xf32, #tpu.memory_space<vmem>>, vector<16xf32>,
    %slice3A_3079 = vector.extract_strided_slice %gather3A {offsets = [10], sizes = [1], strides = [1]} : vector<16xf32> to vector<1xf32>
    %squeeze3A_3080 = vector.extract %slice3A_3079[0] : f32 from vector<1xf32>
    %mul3A_3081 = vector.broadcast %squeeze3A_3080 : f32 to vector<16xf32>
    %mul3A_3082 = arith.mulf %get3A_3078, %mul3A_3081 : vector<16xf32>
    %add3A_3083 = arith.addf %add3A_3074, %mul3A_3082 : vector<16xf32>
    %get3A_3084 = arith.constant 37 : i32
    %get3A_3085 = arith.index_cast %get3A_3084 : i32 to index
    %get3A_3086 = arith.constant 112 : index
    %get3A_3087 = tpu.vector_load %arg7[%get3A_3085, %get3A_3086] {strides = array<i32>} : memref<39x128xf32, #tpu.memory_space<vmem>>, vector<16xf32>,
    %slice3A_3088 = vector.extract_strided_slice %gather3A {offsets = [11], sizes = [1], strides = [1]} : vector<16xf32> to vector<1xf32>
    %squeeze3A_3089 = vector.extract %slice3A_3088[0] : f32 from vector<1xf32>
    %mul3A_3090 = vector.broadcast %squeeze3A_3089 : f32 to vector<16xf32>
    %mul3A_3091 = arith.mulf %get3A_3087, %mul3A_3090 : vector<16xf32>
    %add3A_3092 = arith.addf %add3A_3083, %mul3A_3091 : vector<16xf32>
    %get3A_3093 = arith.constant 38 : i32
    %get3A_3094 = arith.index_cast %get3A_3093 : i32 to index
    %get3A_3095 = arith.constant 112 : index
    %get3A_3096 = tpu.vector_load %arg7[%get3A_3094, %get3A_3095] {strides = array<i32>} : memref<39x128xf32, #tpu.memory_space<vmem>>, vector<16xf32>,
    %slice3A_3097 = vector.extract_strided_slice %gather3A {offsets = [12], sizes = [1], strides = [1]} : vector<16xf32> to vector<1xf32>
    %squeeze3A_3098 = vector.extract %slice3A_3097[0] : f32 from vector<1xf32>
    %mul3A_3099 = vector.broadcast %squeeze3A_3098 : f32 to vector<16xf32>
    %mul3A_3100 = arith.mulf %get3A_3096, %mul3A_3099 : vector<16xf32>
    %add3A_3101 = arith.addf %add3A_3092, %mul3A_3100 : vector<16xf32>
    %swap3A_3102 = arith.constant 112 : index
    %swap3A_3103 = tpu.vector_load %arg12[%swap3A_3102] {strides = array<i32>} : memref<128xf32, #tpu.memory_space<vmem>>, vector<16xf32>,
    tpu.vector_store %arg12[%swap3A_3102], %add3A_3101 {strides = array<i32>} : memref<128xf32, #tpu.memory_space<vmem>>, vector<16xf32>,
    %dma_wait3A_3104 = arith.constant 0 : i32
    %dma_wait3A_3105 = arith.constant 0 : i32
    %dma_wait3A_3106 = tpu.memref_slice %arg3[%dma_wait3A_3104, %dma_wait3A_3105] : memref<1x2600000xf32, #tpu.memory_space<hbm>> -> memref<1x2600000xf32, #tpu.memory_space<hbm>>
    %dma_wait3A_3107 = tpu.memref_squeeze %dma_wait3A_3106 : memref<1x2600000xf32, #tpu.memory_space<hbm>> -> memref<2600000xf32, #tpu.memory_space<hbm>>
    %dma_wait3A_3108 = arith.constant 0 : i32
    %dma_wait3A_3109 = tpu.memref_slice %dma_wait3A_3107[%dma_wait3A_3108] : memref<2600000xf32, #tpu.memory_space<hbm>> -> memref<2600000xf32, #tpu.memory_space<hbm>>
    tpu.wait_indirect_dma semaphore(%arg15 : memref<!tpu.dma_semaphore, #tpu.memory_space<semaphore_mem>>) src(%dma_wait3A_3109 : memref<2600000xf32, #tpu.memory_space<hbm>>) dst(%arg10 : memref<1664xf32, #tpu.memory_space<vmem>>)
    %get3A_3110 = arith.constant 0 : index
    %get3A_3111 = tpu.vector_load %arg12[%get3A_3110] {strides = array<i32>} : memref<128xf32, #tpu.memory_space<vmem>>, vector<16xf32>,
    %get3A_3112 = arith.constant 0 : index
    %get3A_3113 = tpu.vector_load %arg10[%get3A_3112] {strides = array<i32>} : memref<1664xf32, #tpu.memory_space<vmem>>, vector<16xf32>,
    %add3A_3114 = arith.addf %get3A_3111, %get3A_3113 : vector<16xf32>
    %get3A_3115 = arith.constant 128 : index
    %get3A_3116 = tpu.vector_load %arg10[%get3A_3115] {strides = array<i32>} : memref<1664xf32, #tpu.memory_space<vmem>>, vector<16xf32>,
    %add3A_3117 = arith.addf %add3A_3114, %get3A_3116 : vector<16xf32>
    %get3A_3118 = arith.constant 256 : index
    %get3A_3119 = tpu.vector_load %arg10[%get3A_3118] {strides = array<i32>} : memref<1664xf32, #tpu.memory_space<vmem>>, vector<16xf32>,
    %add3A_3120 = arith.addf %add3A_3117, %get3A_3119 : vector<16xf32>
    %get3A_3121 = arith.constant 384 : index
    %get3A_3122 = tpu.vector_load %arg10[%get3A_3121] {strides = array<i32>} : memref<1664xf32, #tpu.memory_space<vmem>>, vector<16xf32>,
    %add3A_3123 = arith.addf %add3A_3120, %get3A_3122 : vector<16xf32>
    %get3A_3124 = arith.constant 512 : index
    %get3A_3125 = tpu.vector_load %arg10[%get3A_3124] {strides = array<i32>} : memref<1664xf32, #tpu.memory_space<vmem>>, vector<16xf32>,
    %add3A_3126 = arith.addf %add3A_3123, %get3A_3125 : vector<16xf32>
    %get3A_3127 = arith.constant 640 : index
    %get3A_3128 = tpu.vector_load %arg10[%get3A_3127] {strides = array<i32>} : memref<1664xf32, #tpu.memory_space<vmem>>, vector<16xf32>,
    %add3A_3129 = arith.addf %add3A_3126, %get3A_3128 : vector<16xf32>
    %get3A_3130 = arith.constant 768 : index
    %get3A_3131 = tpu.vector_load %arg10[%get3A_3130] {strides = array<i32>} : memref<1664xf32, #tpu.memory_space<vmem>>, vector<16xf32>,
    %add3A_3132 = arith.addf %add3A_3129, %get3A_3131 : vector<16xf32>
    %get3A_3133 = arith.constant 896 : index
    %get3A_3134 = tpu.vector_load %arg10[%get3A_3133] {strides = array<i32>} : memref<1664xf32, #tpu.memory_space<vmem>>, vector<16xf32>,
    %add3A_3135 = arith.addf %add3A_3132, %get3A_3134 : vector<16xf32>
    %get3A_3136 = arith.constant 1024 : index
    %get3A_3137 = tpu.vector_load %arg10[%get3A_3136] {strides = array<i32>} : memref<1664xf32, #tpu.memory_space<vmem>>, vector<16xf32>,
    %add3A_3138 = arith.addf %add3A_3135, %get3A_3137 : vector<16xf32>
    %get3A_3139 = arith.constant 1152 : index
    %get3A_3140 = tpu.vector_load %arg10[%get3A_3139] {strides = array<i32>} : memref<1664xf32, #tpu.memory_space<vmem>>, vector<16xf32>,
    %add3A_3141 = arith.addf %add3A_3138, %get3A_3140 : vector<16xf32>
    %get3A_3142 = arith.constant 1280 : index
    %get3A_3143 = tpu.vector_load %arg10[%get3A_3142] {strides = array<i32>} : memref<1664xf32, #tpu.memory_space<vmem>>, vector<16xf32>,
    %add3A_3144 = arith.addf %add3A_3141, %get3A_3143 : vector<16xf32>
    %get3A_3145 = arith.constant 1408 : index
    %get3A_3146 = tpu.vector_load %arg10[%get3A_3145] {strides = array<i32>} : memref<1664xf32, #tpu.memory_space<vmem>>, vector<16xf32>,
    %add3A_3147 = arith.addf %add3A_3144, %get3A_3146 : vector<16xf32>
    %get3A_3148 = arith.constant 1536 : index
    %get3A_3149 = tpu.vector_load %arg10[%get3A_3148] {strides = array<i32>} : memref<1664xf32, #tpu.memory_space<vmem>>, vector<16xf32>,
    %add3A_3150 = arith.addf %add3A_3147, %get3A_3149 : vector<16xf32>
    %swap3A_3151 = arith.constant 0 : index
    %swap3A_3152 = tpu.vector_load %arg12[%swap3A_3151] {strides = array<i32>} : memref<128xf32, #tpu.memory_space<vmem>>, vector<16xf32>,
    tpu.vector_store %arg12[%swap3A_3151], %add3A_3150 {strides = array<i32>} : memref<128xf32, #tpu.memory_space<vmem>>, vector<16xf32>,
    %get3A_3153 = arith.constant 16 : index
    %get3A_3154 = tpu.vector_load %arg12[%get3A_3153] {strides = array<i32>} : memref<128xf32, #tpu.memory_space<vmem>>, vector<16xf32>,
    %get3A_3155 = arith.constant 16 : index
    %get3A_3156 = tpu.vector_load %arg10[%get3A_3155] {strides = array<i32>} : memref<1664xf32, #tpu.memory_space<vmem>>, vector<16xf32>,
    %add3A_3157 = arith.addf %get3A_3154, %get3A_3156 : vector<16xf32>
    %get3A_3158 = arith.constant 144 : index
    %get3A_3159 = tpu.vector_load %arg10[%get3A_3158] {strides = array<i32>} : memref<1664xf32, #tpu.memory_space<vmem>>, vector<16xf32>,
    %add3A_3160 = arith.addf %add3A_3157, %get3A_3159 : vector<16xf32>
    %get3A_3161 = arith.constant 272 : index
    %get3A_3162 = tpu.vector_load %arg10[%get3A_3161] {strides = array<i32>} : memref<1664xf32, #tpu.memory_space<vmem>>, vector<16xf32>,
    %add3A_3163 = arith.addf %add3A_3160, %get3A_3162 : vector<16xf32>
    %get3A_3164 = arith.constant 400 : index
    %get3A_3165 = tpu.vector_load %arg10[%get3A_3164] {strides = array<i32>} : memref<1664xf32, #tpu.memory_space<vmem>>, vector<16xf32>,
    %add3A_3166 = arith.addf %add3A_3163, %get3A_3165 : vector<16xf32>
    %get3A_3167 = arith.constant 528 : index
    %get3A_3168 = tpu.vector_load %arg10[%get3A_3167] {strides = array<i32>} : memref<1664xf32, #tpu.memory_space<vmem>>, vector<16xf32>,
    %add3A_3169 = arith.addf %add3A_3166, %get3A_3168 : vector<16xf32>
    %get3A_3170 = arith.constant 656 : index
    %get3A_3171 = tpu.vector_load %arg10[%get3A_3170] {strides = array<i32>} : memref<1664xf32, #tpu.memory_space<vmem>>, vector<16xf32>,
    %add3A_3172 = arith.addf %add3A_3169, %get3A_3171 : vector<16xf32>
    %get3A_3173 = arith.constant 784 : index
    %get3A_3174 = tpu.vector_load %arg10[%get3A_3173] {strides = array<i32>} : memref<1664xf32, #tpu.memory_space<vmem>>, vector<16xf32>,
    %add3A_3175 = arith.addf %add3A_3172, %get3A_3174 : vector<16xf32>
    %get3A_3176 = arith.constant 912 : index
    %get3A_3177 = tpu.vector_load %arg10[%get3A_3176] {strides = array<i32>} : memref<1664xf32, #tpu.memory_space<vmem>>, vector<16xf32>,
    %add3A_3178 = arith.addf %add3A_3175, %get3A_3177 : vector<16xf32>
    %get3A_3179 = arith.constant 1040 : index
    %get3A_3180 = tpu.vector_load %arg10[%get3A_3179] {strides = array<i32>} : memref<1664xf32, #tpu.memory_space<vmem>>, vector<16xf32>,
    %add3A_3181 = arith.addf %add3A_3178, %get3A_3180 : vector<16xf32>
    %get3A_3182 = arith.constant 1168 : index
    %get3A_3183 = tpu.vector_load %arg10[%get3A_3182] {strides = array<i32>} : memref<1664xf32, #tpu.memory_space<vmem>>, vector<16xf32>,
    %add3A_3184 = arith.addf %add3A_3181, %get3A_3183 : vector<16xf32>
    %get3A_3185 = arith.constant 1296 : index
    %get3A_3186 = tpu.vector_load %arg10[%get3A_3185] {strides = array<i32>} : memref<1664xf32, #tpu.memory_space<vmem>>, vector<16xf32>,
    %add3A_3187 = arith.addf %add3A_3184, %get3A_3186 : vector<16xf32>
    %get3A_3188 = arith.constant 1424 : index
    %get3A_3189 = tpu.vector_load %arg10[%get3A_3188] {strides = array<i32>} : memref<1664xf32, #tpu.memory_space<vmem>>, vector<16xf32>,
    %add3A_3190 = arith.addf %add3A_3187, %get3A_3189 : vector<16xf32>
    %get3A_3191 = arith.constant 1552 : index
    %get3A_3192 = tpu.vector_load %arg10[%get3A_3191] {strides = array<i32>} : memref<1664xf32, #tpu.memory_space<vmem>>, vector<16xf32>,
    %add3A_3193 = arith.addf %add3A_3190, %get3A_3192 : vector<16xf32>
    %swap3A_3194 = arith.constant 16 : index
    %swap3A_3195 = tpu.vector_load %arg12[%swap3A_3194] {strides = array<i32>} : memref<128xf32, #tpu.memory_space<vmem>>, vector<16xf32>,
    tpu.vector_store %arg12[%swap3A_3194], %add3A_3193 {strides = array<i32>} : memref<128xf32, #tpu.memory_space<vmem>>, vector<16xf32>,
    %get3A_3196 = arith.constant 32 : index
    %get3A_3197 = tpu.vector_load %arg12[%get3A_3196] {strides = array<i32>} : memref<128xf32, #tpu.memory_space<vmem>>, vector<16xf32>,
    %get3A_3198 = arith.constant 32 : index
    %get3A_3199 = tpu.vector_load %arg10[%get3A_3198] {strides = array<i32>} : memref<1664xf32, #tpu.memory_space<vmem>>, vector<16xf32>,
    %add3A_3200 = arith.addf %get3A_3197, %get3A_3199 : vector<16xf32>
    %get3A_3201 = arith.constant 160 : index
    %get3A_3202 = tpu.vector_load %arg10[%get3A_3201] {strides = array<i32>} : memref<1664xf32, #tpu.memory_space<vmem>>, vector<16xf32>,
    %add3A_3203 = arith.addf %add3A_3200, %get3A_3202 : vector<16xf32>
    %get3A_3204 = arith.constant 288 : index
    %get3A_3205 = tpu.vector_load %arg10[%get3A_3204] {strides = array<i32>} : memref<1664xf32, #tpu.memory_space<vmem>>, vector<16xf32>,
    %add3A_3206 = arith.addf %add3A_3203, %get3A_3205 : vector<16xf32>
    %get3A_3207 = arith.constant 416 : index
    %get3A_3208 = tpu.vector_load %arg10[%get3A_3207] {strides = array<i32>} : memref<1664xf32, #tpu.memory_space<vmem>>, vector<16xf32>,
    %add3A_3209 = arith.addf %add3A_3206, %get3A_3208 : vector<16xf32>
    %get3A_3210 = arith.constant 544 : index
    %get3A_3211 = tpu.vector_load %arg10[%get3A_3210] {strides = array<i32>} : memref<1664xf32, #tpu.memory_space<vmem>>, vector<16xf32>,
    %add3A_3212 = arith.addf %add3A_3209, %get3A_3211 : vector<16xf32>
    %get3A_3213 = arith.constant 672 : index
    %get3A_3214 = tpu.vector_load %arg10[%get3A_3213] {strides = array<i32>} : memref<1664xf32, #tpu.memory_space<vmem>>, vector<16xf32>,
    %add3A_3215 = arith.addf %add3A_3212, %get3A_3214 : vector<16xf32>
    %get3A_3216 = arith.constant 800 : index
    %get3A_3217 = tpu.vector_load %arg10[%get3A_3216] {strides = array<i32>} : memref<1664xf32, #tpu.memory_space<vmem>>, vector<16xf32>,
    %add3A_3218 = arith.addf %add3A_3215, %get3A_3217 : vector<16xf32>
    %get3A_3219 = arith.constant 928 : index
    %get3A_3220 = tpu.vector_load %arg10[%get3A_3219] {strides = array<i32>} : memref<1664xf32, #tpu.memory_space<vmem>>, vector<16xf32>,
    %add3A_3221 = arith.addf %add3A_3218, %get3A_3220 : vector<16xf32>
    %get3A_3222 = arith.constant 1056 : index
    %get3A_3223 = tpu.vector_load %arg10[%get3A_3222] {strides = array<i32>} : memref<1664xf32, #tpu.memory_space<vmem>>, vector<16xf32>,
    %add3A_3224 = arith.addf %add3A_3221, %get3A_3223 : vector<16xf32>
    %get3A_3225 = arith.constant 1184 : index
    %get3A_3226 = tpu.vector_load %arg10[%get3A_3225] {strides = array<i32>} : memref<1664xf32, #tpu.memory_space<vmem>>, vector<16xf32>,
    %add3A_3227 = arith.addf %add3A_3224, %get3A_3226 : vector<16xf32>
    %get3A_3228 = arith.constant 1312 : index
    %get3A_3229 = tpu.vector_load %arg10[%get3A_3228] {strides = array<i32>} : memref<1664xf32, #tpu.memory_space<vmem>>, vector<16xf32>,
    %add3A_3230 = arith.addf %add3A_3227, %get3A_3229 : vector<16xf32>
    %get3A_3231 = arith.constant 1440 : index
    %get3A_3232 = tpu.vector_load %arg10[%get3A_3231] {strides = array<i32>} : memref<1664xf32, #tpu.memory_space<vmem>>, vector<16xf32>,
    %add3A_3233 = arith.addf %add3A_3230, %get3A_3232 : vector<16xf32>
    %get3A_3234 = arith.constant 1568 : index
    %get3A_3235 = tpu.vector_load %arg10[%get3A_3234] {strides = array<i32>} : memref<1664xf32, #tpu.memory_space<vmem>>, vector<16xf32>,
    %add3A_3236 = arith.addf %add3A_3233, %get3A_3235 : vector<16xf32>
    %swap3A_3237 = arith.constant 32 : index
    %swap3A_3238 = tpu.vector_load %arg12[%swap3A_3237] {strides = array<i32>} : memref<128xf32, #tpu.memory_space<vmem>>, vector<16xf32>,
    tpu.vector_store %arg12[%swap3A_3237], %add3A_3236 {strides = array<i32>} : memref<128xf32, #tpu.memory_space<vmem>>, vector<16xf32>,
    %get3A_3239 = arith.constant 48 : index
    %get3A_3240 = tpu.vector_load %arg12[%get3A_3239] {strides = array<i32>} : memref<128xf32, #tpu.memory_space<vmem>>, vector<16xf32>,
    %get3A_3241 = arith.constant 48 : index
    %get3A_3242 = tpu.vector_load %arg10[%get3A_3241] {strides = array<i32>} : memref<1664xf32, #tpu.memory_space<vmem>>, vector<16xf32>,
    %add3A_3243 = arith.addf %get3A_3240, %get3A_3242 : vector<16xf32>
    %get3A_3244 = arith.constant 176 : index
    %get3A_3245 = tpu.vector_load %arg10[%get3A_3244] {strides = array<i32>} : memref<1664xf32, #tpu.memory_space<vmem>>, vector<16xf32>,
    %add3A_3246 = arith.addf %add3A_3243, %get3A_3245 : vector<16xf32>
    %get3A_3247 = arith.constant 304 : index
    %get3A_3248 = tpu.vector_load %arg10[%get3A_3247] {strides = array<i32>} : memref<1664xf32, #tpu.memory_space<vmem>>, vector<16xf32>,
    %add3A_3249 = arith.addf %add3A_3246, %get3A_3248 : vector<16xf32>
    %get3A_3250 = arith.constant 432 : index
    %get3A_3251 = tpu.vector_load %arg10[%get3A_3250] {strides = array<i32>} : memref<1664xf32, #tpu.memory_space<vmem>>, vector<16xf32>,
    %add3A_3252 = arith.addf %add3A_3249, %get3A_3251 : vector<16xf32>
    %get3A_3253 = arith.constant 560 : index
    %get3A_3254 = tpu.vector_load %arg10[%get3A_3253] {strides = array<i32>} : memref<1664xf32, #tpu.memory_space<vmem>>, vector<16xf32>,
    %add3A_3255 = arith.addf %add3A_3252, %get3A_3254 : vector<16xf32>
    %get3A_3256 = arith.constant 688 : index
    %get3A_3257 = tpu.vector_load %arg10[%get3A_3256] {strides = array<i32>} : memref<1664xf32, #tpu.memory_space<vmem>>, vector<16xf32>,
    %add3A_3258 = arith.addf %add3A_3255, %get3A_3257 : vector<16xf32>
    %get3A_3259 = arith.constant 816 : index
    %get3A_3260 = tpu.vector_load %arg10[%get3A_3259] {strides = array<i32>} : memref<1664xf32, #tpu.memory_space<vmem>>, vector<16xf32>,
    %add3A_3261 = arith.addf %add3A_3258, %get3A_3260 : vector<16xf32>
    %get3A_3262 = arith.constant 944 : index
    %get3A_3263 = tpu.vector_load %arg10[%get3A_3262] {strides = array<i32>} : memref<1664xf32, #tpu.memory_space<vmem>>, vector<16xf32>,
    %add3A_3264 = arith.addf %add3A_3261, %get3A_3263 : vector<16xf32>
    %get3A_3265 = arith.constant 1072 : index
    %get3A_3266 = tpu.vector_load %arg10[%get3A_3265] {strides = array<i32>} : memref<1664xf32, #tpu.memory_space<vmem>>, vector<16xf32>,
    %add3A_3267 = arith.addf %add3A_3264, %get3A_3266 : vector<16xf32>
    %get3A_3268 = arith.constant 1200 : index
    %get3A_3269 = tpu.vector_load %arg10[%get3A_3268] {strides = array<i32>} : memref<1664xf32, #tpu.memory_space<vmem>>, vector<16xf32>,
    %add3A_3270 = arith.addf %add3A_3267, %get3A_3269 : vector<16xf32>
    %get3A_3271 = arith.constant 1328 : index
    %get3A_3272 = tpu.vector_load %arg10[%get3A_3271] {strides = array<i32>} : memref<1664xf32, #tpu.memory_space<vmem>>, vector<16xf32>,
    %add3A_3273 = arith.addf %add3A_3270, %get3A_3272 : vector<16xf32>
    %get3A_3274 = arith.constant 1456 : index
    %get3A_3275 = tpu.vector_load %arg10[%get3A_3274] {strides = array<i32>} : memref<1664xf32, #tpu.memory_space<vmem>>, vector<16xf32>,
    %add3A_3276 = arith.addf %add3A_3273, %get3A_3275 : vector<16xf32>
    %get3A_3277 = arith.constant 1584 : index
    %get3A_3278 = tpu.vector_load %arg10[%get3A_3277] {strides = array<i32>} : memref<1664xf32, #tpu.memory_space<vmem>>, vector<16xf32>,
    %add3A_3279 = arith.addf %add3A_3276, %get3A_3278 : vector<16xf32>
    %swap3A_3280 = arith.constant 48 : index
    %swap3A_3281 = tpu.vector_load %arg12[%swap3A_3280] {strides = array<i32>} : memref<128xf32, #tpu.memory_space<vmem>>, vector<16xf32>,
    tpu.vector_store %arg12[%swap3A_3280], %add3A_3279 {strides = array<i32>} : memref<128xf32, #tpu.memory_space<vmem>>, vector<16xf32>,
    %get3A_3282 = arith.constant 64 : index
    %get3A_3283 = tpu.vector_load %arg12[%get3A_3282] {strides = array<i32>} : memref<128xf32, #tpu.memory_space<vmem>>, vector<16xf32>,
    %get3A_3284 = arith.constant 64 : index
    %get3A_3285 = tpu.vector_load %arg10[%get3A_3284] {strides = array<i32>} : memref<1664xf32, #tpu.memory_space<vmem>>, vector<16xf32>,
    %add3A_3286 = arith.addf %get3A_3283, %get3A_3285 : vector<16xf32>
    %get3A_3287 = arith.constant 192 : index
    %get3A_3288 = tpu.vector_load %arg10[%get3A_3287] {strides = array<i32>} : memref<1664xf32, #tpu.memory_space<vmem>>, vector<16xf32>,
    %add3A_3289 = arith.addf %add3A_3286, %get3A_3288 : vector<16xf32>
    %get3A_3290 = arith.constant 320 : index
    %get3A_3291 = tpu.vector_load %arg10[%get3A_3290] {strides = array<i32>} : memref<1664xf32, #tpu.memory_space<vmem>>, vector<16xf32>,
    %add3A_3292 = arith.addf %add3A_3289, %get3A_3291 : vector<16xf32>
    %get3A_3293 = arith.constant 448 : index
    %get3A_3294 = tpu.vector_load %arg10[%get3A_3293] {strides = array<i32>} : memref<1664xf32, #tpu.memory_space<vmem>>, vector<16xf32>,
    %add3A_3295 = arith.addf %add3A_3292, %get3A_3294 : vector<16xf32>
    %get3A_3296 = arith.constant 576 : index
    %get3A_3297 = tpu.vector_load %arg10[%get3A_3296] {strides = array<i32>} : memref<1664xf32, #tpu.memory_space<vmem>>, vector<16xf32>,
    %add3A_3298 = arith.addf %add3A_3295, %get3A_3297 : vector<16xf32>
    %get3A_3299 = arith.constant 704 : index
    %get3A_3300 = tpu.vector_load %arg10[%get3A_3299] {strides = array<i32>} : memref<1664xf32, #tpu.memory_space<vmem>>, vector<16xf32>,
    %add3A_3301 = arith.addf %add3A_3298, %get3A_3300 : vector<16xf32>
    %get3A_3302 = arith.constant 832 : index
    %get3A_3303 = tpu.vector_load %arg10[%get3A_3302] {strides = array<i32>} : memref<1664xf32, #tpu.memory_space<vmem>>, vector<16xf32>,
    %add3A_3304 = arith.addf %add3A_3301, %get3A_3303 : vector<16xf32>
    %get3A_3305 = arith.constant 960 : index
    %get3A_3306 = tpu.vector_load %arg10[%get3A_3305] {strides = array<i32>} : memref<1664xf32, #tpu.memory_space<vmem>>, vector<16xf32>,
    %add3A_3307 = arith.addf %add3A_3304, %get3A_3306 : vector<16xf32>
    %get3A_3308 = arith.constant 1088 : index
    %get3A_3309 = tpu.vector_load %arg10[%get3A_3308] {strides = array<i32>} : memref<1664xf32, #tpu.memory_space<vmem>>, vector<16xf32>,
    %add3A_3310 = arith.addf %add3A_3307, %get3A_3309 : vector<16xf32>
    %get3A_3311 = arith.constant 1216 : index
    %get3A_3312 = tpu.vector_load %arg10[%get3A_3311] {strides = array<i32>} : memref<1664xf32, #tpu.memory_space<vmem>>, vector<16xf32>,
    %add3A_3313 = arith.addf %add3A_3310, %get3A_3312 : vector<16xf32>
    %get3A_3314 = arith.constant 1344 : index
    %get3A_3315 = tpu.vector_load %arg10[%get3A_3314] {strides = array<i32>} : memref<1664xf32, #tpu.memory_space<vmem>>, vector<16xf32>,
    %add3A_3316 = arith.addf %add3A_3313, %get3A_3315 : vector<16xf32>
    %get3A_3317 = arith.constant 1472 : index
    %get3A_3318 = tpu.vector_load %arg10[%get3A_3317] {strides = array<i32>} : memref<1664xf32, #tpu.memory_space<vmem>>, vector<16xf32>,
    %add3A_3319 = arith.addf %add3A_3316, %get3A_3318 : vector<16xf32>
    %get3A_3320 = arith.constant 1600 : index
    %get3A_3321 = tpu.vector_load %arg10[%get3A_3320] {strides = array<i32>} : memref<1664xf32, #tpu.memory_space<vmem>>, vector<16xf32>,
    %add3A_3322 = arith.addf %add3A_3319, %get3A_3321 : vector<16xf32>
    %swap3A_3323 = arith.constant 64 : index
    %swap3A_3324 = tpu.vector_load %arg12[%swap3A_3323] {strides = array<i32>} : memref<128xf32, #tpu.memory_space<vmem>>, vector<16xf32>,
    tpu.vector_store %arg12[%swap3A_3323], %add3A_3322 {strides = array<i32>} : memref<128xf32, #tpu.memory_space<vmem>>, vector<16xf32>,
    %get3A_3325 = arith.constant 80 : index
    %get3A_3326 = tpu.vector_load %arg12[%get3A_3325] {strides = array<i32>} : memref<128xf32, #tpu.memory_space<vmem>>, vector<16xf32>,
    %get3A_3327 = arith.constant 80 : index
    %get3A_3328 = tpu.vector_load %arg10[%get3A_3327] {strides = array<i32>} : memref<1664xf32, #tpu.memory_space<vmem>>, vector<16xf32>,
    %add3A_3329 = arith.addf %get3A_3326, %get3A_3328 : vector<16xf32>
    %get3A_3330 = arith.constant 208 : index
    %get3A_3331 = tpu.vector_load %arg10[%get3A_3330] {strides = array<i32>} : memref<1664xf32, #tpu.memory_space<vmem>>, vector<16xf32>,
    %add3A_3332 = arith.addf %add3A_3329, %get3A_3331 : vector<16xf32>
    %get3A_3333 = arith.constant 336 : index
    %get3A_3334 = tpu.vector_load %arg10[%get3A_3333] {strides = array<i32>} : memref<1664xf32, #tpu.memory_space<vmem>>, vector<16xf32>,
    %add3A_3335 = arith.addf %add3A_3332, %get3A_3334 : vector<16xf32>
    %get3A_3336 = arith.constant 464 : index
    %get3A_3337 = tpu.vector_load %arg10[%get3A_3336] {strides = array<i32>} : memref<1664xf32, #tpu.memory_space<vmem>>, vector<16xf32>,
    %add3A_3338 = arith.addf %add3A_3335, %get3A_3337 : vector<16xf32>
    %get3A_3339 = arith.constant 592 : index
    %get3A_3340 = tpu.vector_load %arg10[%get3A_3339] {strides = array<i32>} : memref<1664xf32, #tpu.memory_space<vmem>>, vector<16xf32>,
    %add3A_3341 = arith.addf %add3A_3338, %get3A_3340 : vector<16xf32>
    %get3A_3342 = arith.constant 720 : index
    %get3A_3343 = tpu.vector_load %arg10[%get3A_3342] {strides = array<i32>} : memref<1664xf32, #tpu.memory_space<vmem>>, vector<16xf32>,
    %add3A_3344 = arith.addf %add3A_3341, %get3A_3343 : vector<16xf32>
    %get3A_3345 = arith.constant 848 : index
    %get3A_3346 = tpu.vector_load %arg10[%get3A_3345] {strides = array<i32>} : memref<1664xf32, #tpu.memory_space<vmem>>, vector<16xf32>,
    %add3A_3347 = arith.addf %add3A_3344, %get3A_3346 : vector<16xf32>
    %get3A_3348 = arith.constant 976 : index
    %get3A_3349 = tpu.vector_load %arg10[%get3A_3348] {strides = array<i32>} : memref<1664xf32, #tpu.memory_space<vmem>>, vector<16xf32>,
    %add3A_3350 = arith.addf %add3A_3347, %get3A_3349 : vector<16xf32>
    %get3A_3351 = arith.constant 1104 : index
    %get3A_3352 = tpu.vector_load %arg10[%get3A_3351] {strides = array<i32>} : memref<1664xf32, #tpu.memory_space<vmem>>, vector<16xf32>,
    %add3A_3353 = arith.addf %add3A_3350, %get3A_3352 : vector<16xf32>
    %get3A_3354 = arith.constant 1232 : index
    %get3A_3355 = tpu.vector_load %arg10[%get3A_3354] {strides = array<i32>} : memref<1664xf32, #tpu.memory_space<vmem>>, vector<16xf32>,
    %add3A_3356 = arith.addf %add3A_3353, %get3A_3355 : vector<16xf32>
    %get3A_3357 = arith.constant 1360 : index
    %get3A_3358 = tpu.vector_load %arg10[%get3A_3357] {strides = array<i32>} : memref<1664xf32, #tpu.memory_space<vmem>>, vector<16xf32>,
    %add3A_3359 = arith.addf %add3A_3356, %get3A_3358 : vector<16xf32>
    %get3A_3360 = arith.constant 1488 : index
    %get3A_3361 = tpu.vector_load %arg10[%get3A_3360] {strides = array<i32>} : memref<1664xf32, #tpu.memory_space<vmem>>, vector<16xf32>,
    %add3A_3362 = arith.addf %add3A_3359, %get3A_3361 : vector<16xf32>
    %get3A_3363 = arith.constant 1616 : index
    %get3A_3364 = tpu.vector_load %arg10[%get3A_3363] {strides = array<i32>} : memref<1664xf32, #tpu.memory_space<vmem>>, vector<16xf32>,
    %add3A_3365 = arith.addf %add3A_3362, %get3A_3364 : vector<16xf32>
    %swap3A_3366 = arith.constant 80 : index
    %swap3A_3367 = tpu.vector_load %arg12[%swap3A_3366] {strides = array<i32>} : memref<128xf32, #tpu.memory_space<vmem>>, vector<16xf32>,
    tpu.vector_store %arg12[%swap3A_3366], %add3A_3365 {strides = array<i32>} : memref<128xf32, #tpu.memory_space<vmem>>, vector<16xf32>,
    %get3A_3368 = arith.constant 96 : index
    %get3A_3369 = tpu.vector_load %arg12[%get3A_3368] {strides = array<i32>} : memref<128xf32, #tpu.memory_space<vmem>>, vector<16xf32>,
    %get3A_3370 = arith.constant 96 : index
    %get3A_3371 = tpu.vector_load %arg10[%get3A_3370] {strides = array<i32>} : memref<1664xf32, #tpu.memory_space<vmem>>, vector<16xf32>,
    %add3A_3372 = arith.addf %get3A_3369, %get3A_3371 : vector<16xf32>
    %get3A_3373 = arith.constant 224 : index
    %get3A_3374 = tpu.vector_load %arg10[%get3A_3373] {strides = array<i32>} : memref<1664xf32, #tpu.memory_space<vmem>>, vector<16xf32>,
    %add3A_3375 = arith.addf %add3A_3372, %get3A_3374 : vector<16xf32>
    %get3A_3376 = arith.constant 352 : index
    %get3A_3377 = tpu.vector_load %arg10[%get3A_3376] {strides = array<i32>} : memref<1664xf32, #tpu.memory_space<vmem>>, vector<16xf32>,
    %add3A_3378 = arith.addf %add3A_3375, %get3A_3377 : vector<16xf32>
    %get3A_3379 = arith.constant 480 : index
    %get3A_3380 = tpu.vector_load %arg10[%get3A_3379] {strides = array<i32>} : memref<1664xf32, #tpu.memory_space<vmem>>, vector<16xf32>,
    %add3A_3381 = arith.addf %add3A_3378, %get3A_3380 : vector<16xf32>
    %get3A_3382 = arith.constant 608 : index
    %get3A_3383 = tpu.vector_load %arg10[%get3A_3382] {strides = array<i32>} : memref<1664xf32, #tpu.memory_space<vmem>>, vector<16xf32>,
    %add3A_3384 = arith.addf %add3A_3381, %get3A_3383 : vector<16xf32>
    %get3A_3385 = arith.constant 736 : index
    %get3A_3386 = tpu.vector_load %arg10[%get3A_3385] {strides = array<i32>} : memref<1664xf32, #tpu.memory_space<vmem>>, vector<16xf32>,
    %add3A_3387 = arith.addf %add3A_3384, %get3A_3386 : vector<16xf32>
    %get3A_3388 = arith.constant 864 : index
    %get3A_3389 = tpu.vector_load %arg10[%get3A_3388] {strides = array<i32>} : memref<1664xf32, #tpu.memory_space<vmem>>, vector<16xf32>,
    %add3A_3390 = arith.addf %add3A_3387, %get3A_3389 : vector<16xf32>
    %get3A_3391 = arith.constant 992 : index
    %get3A_3392 = tpu.vector_load %arg10[%get3A_3391] {strides = array<i32>} : memref<1664xf32, #tpu.memory_space<vmem>>, vector<16xf32>,
    %add3A_3393 = arith.addf %add3A_3390, %get3A_3392 : vector<16xf32>
    %get3A_3394 = arith.constant 1120 : index
    %get3A_3395 = tpu.vector_load %arg10[%get3A_3394] {strides = array<i32>} : memref<1664xf32, #tpu.memory_space<vmem>>, vector<16xf32>,
    %add3A_3396 = arith.addf %add3A_3393, %get3A_3395 : vector<16xf32>
    %get3A_3397 = arith.constant 1248 : index
    %get3A_3398 = tpu.vector_load %arg10[%get3A_3397] {strides = array<i32>} : memref<1664xf32, #tpu.memory_space<vmem>>, vector<16xf32>,
    %add3A_3399 = arith.addf %add3A_3396, %get3A_3398 : vector<16xf32>
    %get3A_3400 = arith.constant 1376 : index
    %get3A_3401 = tpu.vector_load %arg10[%get3A_3400] {strides = array<i32>} : memref<1664xf32, #tpu.memory_space<vmem>>, vector<16xf32>,
    %add3A_3402 = arith.addf %add3A_3399, %get3A_3401 : vector<16xf32>
    %get3A_3403 = arith.constant 1504 : index
    %get3A_3404 = tpu.vector_load %arg10[%get3A_3403] {strides = array<i32>} : memref<1664xf32, #tpu.memory_space<vmem>>, vector<16xf32>,
    %add3A_3405 = arith.addf %add3A_3402, %get3A_3404 : vector<16xf32>
    %get3A_3406 = arith.constant 1632 : index
    %get3A_3407 = tpu.vector_load %arg10[%get3A_3406] {strides = array<i32>} : memref<1664xf32, #tpu.memory_space<vmem>>, vector<16xf32>,
    %add3A_3408 = arith.addf %add3A_3405, %get3A_3407 : vector<16xf32>
    %swap3A_3409 = arith.constant 96 : index
    %swap3A_3410 = tpu.vector_load %arg12[%swap3A_3409] {strides = array<i32>} : memref<128xf32, #tpu.memory_space<vmem>>, vector<16xf32>,
    tpu.vector_store %arg12[%swap3A_3409], %add3A_3408 {strides = array<i32>} : memref<128xf32, #tpu.memory_space<vmem>>, vector<16xf32>,
    %get3A_3411 = arith.constant 112 : index
    %get3A_3412 = tpu.vector_load %arg12[%get3A_3411] {strides = array<i32>} : memref<128xf32, #tpu.memory_space<vmem>>, vector<16xf32>,
    %get3A_3413 = arith.constant 112 : index
    %get3A_3414 = tpu.vector_load %arg10[%get3A_3413] {strides = array<i32>} : memref<1664xf32, #tpu.memory_space<vmem>>, vector<16xf32>,
    %add3A_3415 = arith.addf %get3A_3412, %get3A_3414 : vector<16xf32>
    %get3A_3416 = arith.constant 240 : index
    %get3A_3417 = tpu.vector_load %arg10[%get3A_3416] {strides = array<i32>} : memref<1664xf32, #tpu.memory_space<vmem>>, vector<16xf32>,
    %add3A_3418 = arith.addf %add3A_3415, %get3A_3417 : vector<16xf32>
    %get3A_3419 = arith.constant 368 : index
    %get3A_3420 = tpu.vector_load %arg10[%get3A_3419] {strides = array<i32>} : memref<1664xf32, #tpu.memory_space<vmem>>, vector<16xf32>,
    %add3A_3421 = arith.addf %add3A_3418, %get3A_3420 : vector<16xf32>
    %get3A_3422 = arith.constant 496 : index
    %get3A_3423 = tpu.vector_load %arg10[%get3A_3422] {strides = array<i32>} : memref<1664xf32, #tpu.memory_space<vmem>>, vector<16xf32>,
    %add3A_3424 = arith.addf %add3A_3421, %get3A_3423 : vector<16xf32>
    %get3A_3425 = arith.constant 624 : index
    %get3A_3426 = tpu.vector_load %arg10[%get3A_3425] {strides = array<i32>} : memref<1664xf32, #tpu.memory_space<vmem>>, vector<16xf32>,
    %add3A_3427 = arith.addf %add3A_3424, %get3A_3426 : vector<16xf32>
    %get3A_3428 = arith.constant 752 : index
    %get3A_3429 = tpu.vector_load %arg10[%get3A_3428] {strides = array<i32>} : memref<1664xf32, #tpu.memory_space<vmem>>, vector<16xf32>,
    %add3A_3430 = arith.addf %add3A_3427, %get3A_3429 : vector<16xf32>
    %get3A_3431 = arith.constant 880 : index
    %get3A_3432 = tpu.vector_load %arg10[%get3A_3431] {strides = array<i32>} : memref<1664xf32, #tpu.memory_space<vmem>>, vector<16xf32>,
    %add3A_3433 = arith.addf %add3A_3430, %get3A_3432 : vector<16xf32>
    %get3A_3434 = arith.constant 1008 : index
    %get3A_3435 = tpu.vector_load %arg10[%get3A_3434] {strides = array<i32>} : memref<1664xf32, #tpu.memory_space<vmem>>, vector<16xf32>,
    %add3A_3436 = arith.addf %add3A_3433, %get3A_3435 : vector<16xf32>
    %get3A_3437 = arith.constant 1136 : index
    %get3A_3438 = tpu.vector_load %arg10[%get3A_3437] {strides = array<i32>} : memref<1664xf32, #tpu.memory_space<vmem>>, vector<16xf32>,
    %add3A_3439 = arith.addf %add3A_3436, %get3A_3438 : vector<16xf32>
    %get3A_3440 = arith.constant 1264 : index
    %get3A_3441 = tpu.vector_load %arg10[%get3A_3440] {strides = array<i32>} : memref<1664xf32, #tpu.memory_space<vmem>>, vector<16xf32>,
    %add3A_3442 = arith.addf %add3A_3439, %get3A_3441 : vector<16xf32>
    %get3A_3443 = arith.constant 1392 : index
    %get3A_3444 = tpu.vector_load %arg10[%get3A_3443] {strides = array<i32>} : memref<1664xf32, #tpu.memory_space<vmem>>, vector<16xf32>,
    %add3A_3445 = arith.addf %add3A_3442, %get3A_3444 : vector<16xf32>
    %get3A_3446 = arith.constant 1520 : index
    %get3A_3447 = tpu.vector_load %arg10[%get3A_3446] {strides = array<i32>} : memref<1664xf32, #tpu.memory_space<vmem>>, vector<16xf32>,
    %add3A_3448 = arith.addf %add3A_3445, %get3A_3447 : vector<16xf32>
    %get3A_3449 = arith.constant 1648 : index
    %get3A_3450 = tpu.vector_load %arg10[%get3A_3449] {strides = array<i32>} : memref<1664xf32, #tpu.memory_space<vmem>>, vector<16xf32>,
    %add3A_3451 = arith.addf %add3A_3448, %get3A_3450 : vector<16xf32>
    %swap3A_3452 = arith.constant 112 : index
    %swap3A_3453 = tpu.vector_load %arg12[%swap3A_3452] {strides = array<i32>} : memref<128xf32, #tpu.memory_space<vmem>>, vector<16xf32>,
    tpu.vector_store %arg12[%swap3A_3452], %add3A_3451 {strides = array<i32>} : memref<128xf32, #tpu.memory_space<vmem>>, vector<16xf32>,
    %dma_wait3A_3454 = arith.constant 0 : i32
    %dma_wait3A_3455 = arith.constant 0 : i32
    %dma_wait3A_3456 = tpu.memref_slice %arg3[%dma_wait3A_3454, %dma_wait3A_3455] : memref<1x2600000xf32, #tpu.memory_space<hbm>> -> memref<1x2600000xf32, #tpu.memory_space<hbm>>
    %dma_wait3A_3457 = tpu.memref_squeeze %dma_wait3A_3456 : memref<1x2600000xf32, #tpu.memory_space<hbm>> -> memref<2600000xf32, #tpu.memory_space<hbm>>
    %dma_wait3A_3458 = arith.constant 0 : i32
    %dma_wait3A_3459 = tpu.memref_slice %dma_wait3A_3457[%dma_wait3A_3458] : memref<2600000xf32, #tpu.memory_space<hbm>> -> memref<2600000xf32, #tpu.memory_space<hbm>>
    tpu.wait_indirect_dma semaphore(%arg16 : memref<!tpu.dma_semaphore, #tpu.memory_space<semaphore_mem>>) src(%dma_wait3A_3459 : memref<2600000xf32, #tpu.memory_space<hbm>>) dst(%arg11 : memref<1664xf32, #tpu.memory_space<vmem>>)
    %get3A_3460 = arith.constant 0 : index
    %get3A_3461 = tpu.vector_load %arg12[%get3A_3460] {strides = array<i32>} : memref<128xf32, #tpu.memory_space<vmem>>, vector<16xf32>,
    %get3A_3462 = arith.constant 0 : index
    %get3A_3463 = tpu.vector_load %arg11[%get3A_3462] {strides = array<i32>} : memref<1664xf32, #tpu.memory_space<vmem>>, vector<16xf32>,
    %add3A_3464 = arith.addf %get3A_3461, %get3A_3463 : vector<16xf32>
    %get3A_3465 = arith.constant 128 : index
    %get3A_3466 = tpu.vector_load %arg11[%get3A_3465] {strides = array<i32>} : memref<1664xf32, #tpu.memory_space<vmem>>, vector<16xf32>,
    %add3A_3467 = arith.addf %add3A_3464, %get3A_3466 : vector<16xf32>
    %get3A_3468 = arith.constant 256 : index
    %get3A_3469 = tpu.vector_load %arg11[%get3A_3468] {strides = array<i32>} : memref<1664xf32, #tpu.memory_space<vmem>>, vector<16xf32>,
    %add3A_3470 = arith.addf %add3A_3467, %get3A_3469 : vector<16xf32>
    %get3A_3471 = arith.constant 384 : index
    %get3A_3472 = tpu.vector_load %arg11[%get3A_3471] {strides = array<i32>} : memref<1664xf32, #tpu.memory_space<vmem>>, vector<16xf32>,
    %add3A_3473 = arith.addf %add3A_3470, %get3A_3472 : vector<16xf32>
    %get3A_3474 = arith.constant 512 : index
    %get3A_3475 = tpu.vector_load %arg11[%get3A_3474] {strides = array<i32>} : memref<1664xf32, #tpu.memory_space<vmem>>, vector<16xf32>,
    %add3A_3476 = arith.addf %add3A_3473, %get3A_3475 : vector<16xf32>
    %get3A_3477 = arith.constant 640 : index
    %get3A_3478 = tpu.vector_load %arg11[%get3A_3477] {strides = array<i32>} : memref<1664xf32, #tpu.memory_space<vmem>>, vector<16xf32>,
    %add3A_3479 = arith.addf %add3A_3476, %get3A_3478 : vector<16xf32>
    %get3A_3480 = arith.constant 768 : index
    %get3A_3481 = tpu.vector_load %arg11[%get3A_3480] {strides = array<i32>} : memref<1664xf32, #tpu.memory_space<vmem>>, vector<16xf32>,
    %add3A_3482 = arith.addf %add3A_3479, %get3A_3481 : vector<16xf32>
    %get3A_3483 = arith.constant 896 : index
    %get3A_3484 = tpu.vector_load %arg11[%get3A_3483] {strides = array<i32>} : memref<1664xf32, #tpu.memory_space<vmem>>, vector<16xf32>,
    %add3A_3485 = arith.addf %add3A_3482, %get3A_3484 : vector<16xf32>
    %get3A_3486 = arith.constant 1024 : index
    %get3A_3487 = tpu.vector_load %arg11[%get3A_3486] {strides = array<i32>} : memref<1664xf32, #tpu.memory_space<vmem>>, vector<16xf32>,
    %add3A_3488 = arith.addf %add3A_3485, %get3A_3487 : vector<16xf32>
    %get3A_3489 = arith.constant 1152 : index
    %get3A_3490 = tpu.vector_load %arg11[%get3A_3489] {strides = array<i32>} : memref<1664xf32, #tpu.memory_space<vmem>>, vector<16xf32>,
    %add3A_3491 = arith.addf %add3A_3488, %get3A_3490 : vector<16xf32>
    %get3A_3492 = arith.constant 1280 : index
    %get3A_3493 = tpu.vector_load %arg11[%get3A_3492] {strides = array<i32>} : memref<1664xf32, #tpu.memory_space<vmem>>, vector<16xf32>,
    %add3A_3494 = arith.addf %add3A_3491, %get3A_3493 : vector<16xf32>
    %get3A_3495 = arith.constant 1408 : index
    %get3A_3496 = tpu.vector_load %arg11[%get3A_3495] {strides = array<i32>} : memref<1664xf32, #tpu.memory_space<vmem>>, vector<16xf32>,
    %add3A_3497 = arith.addf %add3A_3494, %get3A_3496 : vector<16xf32>
    %get3A_3498 = arith.constant 1536 : index
    %get3A_3499 = tpu.vector_load %arg11[%get3A_3498] {strides = array<i32>} : memref<1664xf32, #tpu.memory_space<vmem>>, vector<16xf32>,
    %add3A_3500 = arith.addf %add3A_3497, %get3A_3499 : vector<16xf32>
    %swap3A_3501 = arith.constant 0 : index
    %swap3A_3502 = tpu.vector_load %arg12[%swap3A_3501] {strides = array<i32>} : memref<128xf32, #tpu.memory_space<vmem>>, vector<16xf32>,
    tpu.vector_store %arg12[%swap3A_3501], %add3A_3500 {strides = array<i32>} : memref<128xf32, #tpu.memory_space<vmem>>, vector<16xf32>,
    %get3A_3503 = arith.constant 16 : index
    %get3A_3504 = tpu.vector_load %arg12[%get3A_3503] {strides = array<i32>} : memref<128xf32, #tpu.memory_space<vmem>>, vector<16xf32>,
    %get3A_3505 = arith.constant 16 : index
    %get3A_3506 = tpu.vector_load %arg11[%get3A_3505] {strides = array<i32>} : memref<1664xf32, #tpu.memory_space<vmem>>, vector<16xf32>,
    %add3A_3507 = arith.addf %get3A_3504, %get3A_3506 : vector<16xf32>
    %get3A_3508 = arith.constant 144 : index
    %get3A_3509 = tpu.vector_load %arg11[%get3A_3508] {strides = array<i32>} : memref<1664xf32, #tpu.memory_space<vmem>>, vector<16xf32>,
    %add3A_3510 = arith.addf %add3A_3507, %get3A_3509 : vector<16xf32>
    %get3A_3511 = arith.constant 272 : index
    %get3A_3512 = tpu.vector_load %arg11[%get3A_3511] {strides = array<i32>} : memref<1664xf32, #tpu.memory_space<vmem>>, vector<16xf32>,
    %add3A_3513 = arith.addf %add3A_3510, %get3A_3512 : vector<16xf32>
    %get3A_3514 = arith.constant 400 : index
    %get3A_3515 = tpu.vector_load %arg11[%get3A_3514] {strides = array<i32>} : memref<1664xf32, #tpu.memory_space<vmem>>, vector<16xf32>,
    %add3A_3516 = arith.addf %add3A_3513, %get3A_3515 : vector<16xf32>
    %get3A_3517 = arith.constant 528 : index
    %get3A_3518 = tpu.vector_load %arg11[%get3A_3517] {strides = array<i32>} : memref<1664xf32, #tpu.memory_space<vmem>>, vector<16xf32>,
    %add3A_3519 = arith.addf %add3A_3516, %get3A_3518 : vector<16xf32>
    %get3A_3520 = arith.constant 656 : index
    %get3A_3521 = tpu.vector_load %arg11[%get3A_3520] {strides = array<i32>} : memref<1664xf32, #tpu.memory_space<vmem>>, vector<16xf32>,
    %add3A_3522 = arith.addf %add3A_3519, %get3A_3521 : vector<16xf32>
    %get3A_3523 = arith.constant 784 : index
    %get3A_3524 = tpu.vector_load %arg11[%get3A_3523] {strides = array<i32>} : memref<1664xf32, #tpu.memory_space<vmem>>, vector<16xf32>,
    %add3A_3525 = arith.addf %add3A_3522, %get3A_3524 : vector<16xf32>
    %get3A_3526 = arith.constant 912 : index
    %get3A_3527 = tpu.vector_load %arg11[%get3A_3526] {strides = array<i32>} : memref<1664xf32, #tpu.memory_space<vmem>>, vector<16xf32>,
    %add3A_3528 = arith.addf %add3A_3525, %get3A_3527 : vector<16xf32>
    %get3A_3529 = arith.constant 1040 : index
    %get3A_3530 = tpu.vector_load %arg11[%get3A_3529] {strides = array<i32>} : memref<1664xf32, #tpu.memory_space<vmem>>, vector<16xf32>,
    %add3A_3531 = arith.addf %add3A_3528, %get3A_3530 : vector<16xf32>
    %get3A_3532 = arith.constant 1168 : index
    %get3A_3533 = tpu.vector_load %arg11[%get3A_3532] {strides = array<i32>} : memref<1664xf32, #tpu.memory_space<vmem>>, vector<16xf32>,
    %add3A_3534 = arith.addf %add3A_3531, %get3A_3533 : vector<16xf32>
    %get3A_3535 = arith.constant 1296 : index
    %get3A_3536 = tpu.vector_load %arg11[%get3A_3535] {strides = array<i32>} : memref<1664xf32, #tpu.memory_space<vmem>>, vector<16xf32>,
    %add3A_3537 = arith.addf %add3A_3534, %get3A_3536 : vector<16xf32>
    %get3A_3538 = arith.constant 1424 : index
    %get3A_3539 = tpu.vector_load %arg11[%get3A_3538] {strides = array<i32>} : memref<1664xf32, #tpu.memory_space<vmem>>, vector<16xf32>,
    %add3A_3540 = arith.addf %add3A_3537, %get3A_3539 : vector<16xf32>
    %get3A_3541 = arith.constant 1552 : index
    %get3A_3542 = tpu.vector_load %arg11[%get3A_3541] {strides = array<i32>} : memref<1664xf32, #tpu.memory_space<vmem>>, vector<16xf32>,
    %add3A_3543 = arith.addf %add3A_3540, %get3A_3542 : vector<16xf32>
    %swap3A_3544 = arith.constant 16 : index
    %swap3A_3545 = tpu.vector_load %arg12[%swap3A_3544] {strides = array<i32>} : memref<128xf32, #tpu.memory_space<vmem>>, vector<16xf32>,
    tpu.vector_store %arg12[%swap3A_3544], %add3A_3543 {strides = array<i32>} : memref<128xf32, #tpu.memory_space<vmem>>, vector<16xf32>,
    %get3A_3546 = arith.constant 32 : index
    %get3A_3547 = tpu.vector_load %arg12[%get3A_3546] {strides = array<i32>} : memref<128xf32, #tpu.memory_space<vmem>>, vector<16xf32>,
    %get3A_3548 = arith.constant 32 : index
    %get3A_3549 = tpu.vector_load %arg11[%get3A_3548] {strides = array<i32>} : memref<1664xf32, #tpu.memory_space<vmem>>, vector<16xf32>,
    %add3A_3550 = arith.addf %get3A_3547, %get3A_3549 : vector<16xf32>
    %get3A_3551 = arith.constant 160 : index
    %get3A_3552 = tpu.vector_load %arg11[%get3A_3551] {strides = array<i32>} : memref<1664xf32, #tpu.memory_space<vmem>>, vector<16xf32>,
    %add3A_3553 = arith.addf %add3A_3550, %get3A_3552 : vector<16xf32>
    %get3A_3554 = arith.constant 288 : index
    %get3A_3555 = tpu.vector_load %arg11[%get3A_3554] {strides = array<i32>} : memref<1664xf32, #tpu.memory_space<vmem>>, vector<16xf32>,
    %add3A_3556 = arith.addf %add3A_3553, %get3A_3555 : vector<16xf32>
    %get3A_3557 = arith.constant 416 : index
    %get3A_3558 = tpu.vector_load %arg11[%get3A_3557] {strides = array<i32>} : memref<1664xf32, #tpu.memory_space<vmem>>, vector<16xf32>,
    %add3A_3559 = arith.addf %add3A_3556, %get3A_3558 : vector<16xf32>
    %get3A_3560 = arith.constant 544 : index
    %get3A_3561 = tpu.vector_load %arg11[%get3A_3560] {strides = array<i32>} : memref<1664xf32, #tpu.memory_space<vmem>>, vector<16xf32>,
    %add3A_3562 = arith.addf %add3A_3559, %get3A_3561 : vector<16xf32>
    %get3A_3563 = arith.constant 672 : index
    %get3A_3564 = tpu.vector_load %arg11[%get3A_3563] {strides = array<i32>} : memref<1664xf32, #tpu.memory_space<vmem>>, vector<16xf32>,
    %add3A_3565 = arith.addf %add3A_3562, %get3A_3564 : vector<16xf32>
    %get3A_3566 = arith.constant 800 : index
    %get3A_3567 = tpu.vector_load %arg11[%get3A_3566] {strides = array<i32>} : memref<1664xf32, #tpu.memory_space<vmem>>, vector<16xf32>,
    %add3A_3568 = arith.addf %add3A_3565, %get3A_3567 : vector<16xf32>
    %get3A_3569 = arith.constant 928 : index
    %get3A_3570 = tpu.vector_load %arg11[%get3A_3569] {strides = array<i32>} : memref<1664xf32, #tpu.memory_space<vmem>>, vector<16xf32>,
    %add3A_3571 = arith.addf %add3A_3568, %get3A_3570 : vector<16xf32>
    %get3A_3572 = arith.constant 1056 : index
    %get3A_3573 = tpu.vector_load %arg11[%get3A_3572] {strides = array<i32>} : memref<1664xf32, #tpu.memory_space<vmem>>, vector<16xf32>,
    %add3A_3574 = arith.addf %add3A_3571, %get3A_3573 : vector<16xf32>
    %get3A_3575 = arith.constant 1184 : index
    %get3A_3576 = tpu.vector_load %arg11[%get3A_3575] {strides = array<i32>} : memref<1664xf32, #tpu.memory_space<vmem>>, vector<16xf32>,
    %add3A_3577 = arith.addf %add3A_3574, %get3A_3576 : vector<16xf32>
    %get3A_3578 = arith.constant 1312 : index
    %get3A_3579 = tpu.vector_load %arg11[%get3A_3578] {strides = array<i32>} : memref<1664xf32, #tpu.memory_space<vmem>>, vector<16xf32>,
    %add3A_3580 = arith.addf %add3A_3577, %get3A_3579 : vector<16xf32>
    %get3A_3581 = arith.constant 1440 : index
    %get3A_3582 = tpu.vector_load %arg11[%get3A_3581] {strides = array<i32>} : memref<1664xf32, #tpu.memory_space<vmem>>, vector<16xf32>,
    %add3A_3583 = arith.addf %add3A_3580, %get3A_3582 : vector<16xf32>
    %get3A_3584 = arith.constant 1568 : index
    %get3A_3585 = tpu.vector_load %arg11[%get3A_3584] {strides = array<i32>} : memref<1664xf32, #tpu.memory_space<vmem>>, vector<16xf32>,
    %add3A_3586 = arith.addf %add3A_3583, %get3A_3585 : vector<16xf32>
    %swap3A_3587 = arith.constant 32 : index
    %swap3A_3588 = tpu.vector_load %arg12[%swap3A_3587] {strides = array<i32>} : memref<128xf32, #tpu.memory_space<vmem>>, vector<16xf32>,
    tpu.vector_store %arg12[%swap3A_3587], %add3A_3586 {strides = array<i32>} : memref<128xf32, #tpu.memory_space<vmem>>, vector<16xf32>,
    %get3A_3589 = arith.constant 48 : index
    %get3A_3590 = tpu.vector_load %arg12[%get3A_3589] {strides = array<i32>} : memref<128xf32, #tpu.memory_space<vmem>>, vector<16xf32>,
    %get3A_3591 = arith.constant 48 : index
    %get3A_3592 = tpu.vector_load %arg11[%get3A_3591] {strides = array<i32>} : memref<1664xf32, #tpu.memory_space<vmem>>, vector<16xf32>,
    %add3A_3593 = arith.addf %get3A_3590, %get3A_3592 : vector<16xf32>
    %get3A_3594 = arith.constant 176 : index
    %get3A_3595 = tpu.vector_load %arg11[%get3A_3594] {strides = array<i32>} : memref<1664xf32, #tpu.memory_space<vmem>>, vector<16xf32>,
    %add3A_3596 = arith.addf %add3A_3593, %get3A_3595 : vector<16xf32>
    %get3A_3597 = arith.constant 304 : index
    %get3A_3598 = tpu.vector_load %arg11[%get3A_3597] {strides = array<i32>} : memref<1664xf32, #tpu.memory_space<vmem>>, vector<16xf32>,
    %add3A_3599 = arith.addf %add3A_3596, %get3A_3598 : vector<16xf32>
    %get3A_3600 = arith.constant 432 : index
    %get3A_3601 = tpu.vector_load %arg11[%get3A_3600] {strides = array<i32>} : memref<1664xf32, #tpu.memory_space<vmem>>, vector<16xf32>,
    %add3A_3602 = arith.addf %add3A_3599, %get3A_3601 : vector<16xf32>
    %get3A_3603 = arith.constant 560 : index
    %get3A_3604 = tpu.vector_load %arg11[%get3A_3603] {strides = array<i32>} : memref<1664xf32, #tpu.memory_space<vmem>>, vector<16xf32>,
    %add3A_3605 = arith.addf %add3A_3602, %get3A_3604 : vector<16xf32>
    %get3A_3606 = arith.constant 688 : index
    %get3A_3607 = tpu.vector_load %arg11[%get3A_3606] {strides = array<i32>} : memref<1664xf32, #tpu.memory_space<vmem>>, vector<16xf32>,
    %add3A_3608 = arith.addf %add3A_3605, %get3A_3607 : vector<16xf32>
    %get3A_3609 = arith.constant 816 : index
    %get3A_3610 = tpu.vector_load %arg11[%get3A_3609] {strides = array<i32>} : memref<1664xf32, #tpu.memory_space<vmem>>, vector<16xf32>,
    %add3A_3611 = arith.addf %add3A_3608, %get3A_3610 : vector<16xf32>
    %get3A_3612 = arith.constant 944 : index
    %get3A_3613 = tpu.vector_load %arg11[%get3A_3612] {strides = array<i32>} : memref<1664xf32, #tpu.memory_space<vmem>>, vector<16xf32>,
    %add3A_3614 = arith.addf %add3A_3611, %get3A_3613 : vector<16xf32>
    %get3A_3615 = arith.constant 1072 : index
    %get3A_3616 = tpu.vector_load %arg11[%get3A_3615] {strides = array<i32>} : memref<1664xf32, #tpu.memory_space<vmem>>, vector<16xf32>,
    %add3A_3617 = arith.addf %add3A_3614, %get3A_3616 : vector<16xf32>
    %get3A_3618 = arith.constant 1200 : index
    %get3A_3619 = tpu.vector_load %arg11[%get3A_3618] {strides = array<i32>} : memref<1664xf32, #tpu.memory_space<vmem>>, vector<16xf32>,
    %add3A_3620 = arith.addf %add3A_3617, %get3A_3619 : vector<16xf32>
    %get3A_3621 = arith.constant 1328 : index
    %get3A_3622 = tpu.vector_load %arg11[%get3A_3621] {strides = array<i32>} : memref<1664xf32, #tpu.memory_space<vmem>>, vector<16xf32>,
    %add3A_3623 = arith.addf %add3A_3620, %get3A_3622 : vector<16xf32>
    %get3A_3624 = arith.constant 1456 : index
    %get3A_3625 = tpu.vector_load %arg11[%get3A_3624] {strides = array<i32>} : memref<1664xf32, #tpu.memory_space<vmem>>, vector<16xf32>,
    %add3A_3626 = arith.addf %add3A_3623, %get3A_3625 : vector<16xf32>
    %get3A_3627 = arith.constant 1584 : index
    %get3A_3628 = tpu.vector_load %arg11[%get3A_3627] {strides = array<i32>} : memref<1664xf32, #tpu.memory_space<vmem>>, vector<16xf32>,
    %add3A_3629 = arith.addf %add3A_3626, %get3A_3628 : vector<16xf32>
    %swap3A_3630 = arith.constant 48 : index
    %swap3A_3631 = tpu.vector_load %arg12[%swap3A_3630] {strides = array<i32>} : memref<128xf32, #tpu.memory_space<vmem>>, vector<16xf32>,
    tpu.vector_store %arg12[%swap3A_3630], %add3A_3629 {strides = array<i32>} : memref<128xf32, #tpu.memory_space<vmem>>, vector<16xf32>,
    %get3A_3632 = arith.constant 64 : index
    %get3A_3633 = tpu.vector_load %arg12[%get3A_3632] {strides = array<i32>} : memref<128xf32, #tpu.memory_space<vmem>>, vector<16xf32>,
    %get3A_3634 = arith.constant 64 : index
    %get3A_3635 = tpu.vector_load %arg11[%get3A_3634] {strides = array<i32>} : memref<1664xf32, #tpu.memory_space<vmem>>, vector<16xf32>,
    %add3A_3636 = arith.addf %get3A_3633, %get3A_3635 : vector<16xf32>
    %get3A_3637 = arith.constant 192 : index
    %get3A_3638 = tpu.vector_load %arg11[%get3A_3637] {strides = array<i32>} : memref<1664xf32, #tpu.memory_space<vmem>>, vector<16xf32>,
    %add3A_3639 = arith.addf %add3A_3636, %get3A_3638 : vector<16xf32>
    %get3A_3640 = arith.constant 320 : index
    %get3A_3641 = tpu.vector_load %arg11[%get3A_3640] {strides = array<i32>} : memref<1664xf32, #tpu.memory_space<vmem>>, vector<16xf32>,
    %add3A_3642 = arith.addf %add3A_3639, %get3A_3641 : vector<16xf32>
    %get3A_3643 = arith.constant 448 : index
    %get3A_3644 = tpu.vector_load %arg11[%get3A_3643] {strides = array<i32>} : memref<1664xf32, #tpu.memory_space<vmem>>, vector<16xf32>,
    %add3A_3645 = arith.addf %add3A_3642, %get3A_3644 : vector<16xf32>
    %get3A_3646 = arith.constant 576 : index
    %get3A_3647 = tpu.vector_load %arg11[%get3A_3646] {strides = array<i32>} : memref<1664xf32, #tpu.memory_space<vmem>>, vector<16xf32>,
    %add3A_3648 = arith.addf %add3A_3645, %get3A_3647 : vector<16xf32>
    %get3A_3649 = arith.constant 704 : index
    %get3A_3650 = tpu.vector_load %arg11[%get3A_3649] {strides = array<i32>} : memref<1664xf32, #tpu.memory_space<vmem>>, vector<16xf32>,
    %add3A_3651 = arith.addf %add3A_3648, %get3A_3650 : vector<16xf32>
    %get3A_3652 = arith.constant 832 : index
    %get3A_3653 = tpu.vector_load %arg11[%get3A_3652] {strides = array<i32>} : memref<1664xf32, #tpu.memory_space<vmem>>, vector<16xf32>,
    %add3A_3654 = arith.addf %add3A_3651, %get3A_3653 : vector<16xf32>
    %get3A_3655 = arith.constant 960 : index
    %get3A_3656 = tpu.vector_load %arg11[%get3A_3655] {strides = array<i32>} : memref<1664xf32, #tpu.memory_space<vmem>>, vector<16xf32>,
    %add3A_3657 = arith.addf %add3A_3654, %get3A_3656 : vector<16xf32>
    %get3A_3658 = arith.constant 1088 : index
    %get3A_3659 = tpu.vector_load %arg11[%get3A_3658] {strides = array<i32>} : memref<1664xf32, #tpu.memory_space<vmem>>, vector<16xf32>,
    %add3A_3660 = arith.addf %add3A_3657, %get3A_3659 : vector<16xf32>
    %get3A_3661 = arith.constant 1216 : index
    %get3A_3662 = tpu.vector_load %arg11[%get3A_3661] {strides = array<i32>} : memref<1664xf32, #tpu.memory_space<vmem>>, vector<16xf32>,
    %add3A_3663 = arith.addf %add3A_3660, %get3A_3662 : vector<16xf32>
    %get3A_3664 = arith.constant 1344 : index
    %get3A_3665 = tpu.vector_load %arg11[%get3A_3664] {strides = array<i32>} : memref<1664xf32, #tpu.memory_space<vmem>>, vector<16xf32>,
    %add3A_3666 = arith.addf %add3A_3663, %get3A_3665 : vector<16xf32>
    %get3A_3667 = arith.constant 1472 : index
    %get3A_3668 = tpu.vector_load %arg11[%get3A_3667] {strides = array<i32>} : memref<1664xf32, #tpu.memory_space<vmem>>, vector<16xf32>,
    %add3A_3669 = arith.addf %add3A_3666, %get3A_3668 : vector<16xf32>
    %get3A_3670 = arith.constant 1600 : index
    %get3A_3671 = tpu.vector_load %arg11[%get3A_3670] {strides = array<i32>} : memref<1664xf32, #tpu.memory_space<vmem>>, vector<16xf32>,
    %add3A_3672 = arith.addf %add3A_3669, %get3A_3671 : vector<16xf32>
    %swap3A_3673 = arith.constant 64 : index
    %swap3A_3674 = tpu.vector_load %arg12[%swap3A_3673] {strides = array<i32>} : memref<128xf32, #tpu.memory_space<vmem>>, vector<16xf32>,
    tpu.vector_store %arg12[%swap3A_3673], %add3A_3672 {strides = array<i32>} : memref<128xf32, #tpu.memory_space<vmem>>, vector<16xf32>,
    %get3A_3675 = arith.constant 80 : index
    %get3A_3676 = tpu.vector_load %arg12[%get3A_3675] {strides = array<i32>} : memref<128xf32, #tpu.memory_space<vmem>>, vector<16xf32>,
    %get3A_3677 = arith.constant 80 : index
    %get3A_3678 = tpu.vector_load %arg11[%get3A_3677] {strides = array<i32>} : memref<1664xf32, #tpu.memory_space<vmem>>, vector<16xf32>,
    %add3A_3679 = arith.addf %get3A_3676, %get3A_3678 : vector<16xf32>
    %get3A_3680 = arith.constant 208 : index
    %get3A_3681 = tpu.vector_load %arg11[%get3A_3680] {strides = array<i32>} : memref<1664xf32, #tpu.memory_space<vmem>>, vector<16xf32>,
    %add3A_3682 = arith.addf %add3A_3679, %get3A_3681 : vector<16xf32>
    %get3A_3683 = arith.constant 336 : index
    %get3A_3684 = tpu.vector_load %arg11[%get3A_3683] {strides = array<i32>} : memref<1664xf32, #tpu.memory_space<vmem>>, vector<16xf32>,
    %add3A_3685 = arith.addf %add3A_3682, %get3A_3684 : vector<16xf32>
    %get3A_3686 = arith.constant 464 : index
    %get3A_3687 = tpu.vector_load %arg11[%get3A_3686] {strides = array<i32>} : memref<1664xf32, #tpu.memory_space<vmem>>, vector<16xf32>,
    %add3A_3688 = arith.addf %add3A_3685, %get3A_3687 : vector<16xf32>
    %get3A_3689 = arith.constant 592 : index
    %get3A_3690 = tpu.vector_load %arg11[%get3A_3689] {strides = array<i32>} : memref<1664xf32, #tpu.memory_space<vmem>>, vector<16xf32>,
    %add3A_3691 = arith.addf %add3A_3688, %get3A_3690 : vector<16xf32>
    %get3A_3692 = arith.constant 720 : index
    %get3A_3693 = tpu.vector_load %arg11[%get3A_3692] {strides = array<i32>} : memref<1664xf32, #tpu.memory_space<vmem>>, vector<16xf32>,
    %add3A_3694 = arith.addf %add3A_3691, %get3A_3693 : vector<16xf32>
    %get3A_3695 = arith.constant 848 : index
    %get3A_3696 = tpu.vector_load %arg11[%get3A_3695] {strides = array<i32>} : memref<1664xf32, #tpu.memory_space<vmem>>, vector<16xf32>,
    %add3A_3697 = arith.addf %add3A_3694, %get3A_3696 : vector<16xf32>
    %get3A_3698 = arith.constant 976 : index
    %get3A_3699 = tpu.vector_load %arg11[%get3A_3698] {strides = array<i32>} : memref<1664xf32, #tpu.memory_space<vmem>>, vector<16xf32>,
    %add3A_3700 = arith.addf %add3A_3697, %get3A_3699 : vector<16xf32>
    %get3A_3701 = arith.constant 1104 : index
    %get3A_3702 = tpu.vector_load %arg11[%get3A_3701] {strides = array<i32>} : memref<1664xf32, #tpu.memory_space<vmem>>, vector<16xf32>,
    %add3A_3703 = arith.addf %add3A_3700, %get3A_3702 : vector<16xf32>
    %get3A_3704 = arith.constant 1232 : index
    %get3A_3705 = tpu.vector_load %arg11[%get3A_3704] {strides = array<i32>} : memref<1664xf32, #tpu.memory_space<vmem>>, vector<16xf32>,
    %add3A_3706 = arith.addf %add3A_3703, %get3A_3705 : vector<16xf32>
    %get3A_3707 = arith.constant 1360 : index
    %get3A_3708 = tpu.vector_load %arg11[%get3A_3707] {strides = array<i32>} : memref<1664xf32, #tpu.memory_space<vmem>>, vector<16xf32>,
    %add3A_3709 = arith.addf %add3A_3706, %get3A_3708 : vector<16xf32>
    %get3A_3710 = arith.constant 1488 : index
    %get3A_3711 = tpu.vector_load %arg11[%get3A_3710] {strides = array<i32>} : memref<1664xf32, #tpu.memory_space<vmem>>, vector<16xf32>,
    %add3A_3712 = arith.addf %add3A_3709, %get3A_3711 : vector<16xf32>
    %get3A_3713 = arith.constant 1616 : index
    %get3A_3714 = tpu.vector_load %arg11[%get3A_3713] {strides = array<i32>} : memref<1664xf32, #tpu.memory_space<vmem>>, vector<16xf32>,
    %add3A_3715 = arith.addf %add3A_3712, %get3A_3714 : vector<16xf32>
    %swap3A_3716 = arith.constant 80 : index
    %swap3A_3717 = tpu.vector_load %arg12[%swap3A_3716] {strides = array<i32>} : memref<128xf32, #tpu.memory_space<vmem>>, vector<16xf32>,
    tpu.vector_store %arg12[%swap3A_3716], %add3A_3715 {strides = array<i32>} : memref<128xf32, #tpu.memory_space<vmem>>, vector<16xf32>,
    %get3A_3718 = arith.constant 96 : index
    %get3A_3719 = tpu.vector_load %arg12[%get3A_3718] {strides = array<i32>} : memref<128xf32, #tpu.memory_space<vmem>>, vector<16xf32>,
    %get3A_3720 = arith.constant 96 : index
    %get3A_3721 = tpu.vector_load %arg11[%get3A_3720] {strides = array<i32>} : memref<1664xf32, #tpu.memory_space<vmem>>, vector<16xf32>,
    %add3A_3722 = arith.addf %get3A_3719, %get3A_3721 : vector<16xf32>
    %get3A_3723 = arith.constant 224 : index
    %get3A_3724 = tpu.vector_load %arg11[%get3A_3723] {strides = array<i32>} : memref<1664xf32, #tpu.memory_space<vmem>>, vector<16xf32>,
    %add3A_3725 = arith.addf %add3A_3722, %get3A_3724 : vector<16xf32>
    %get3A_3726 = arith.constant 352 : index
    %get3A_3727 = tpu.vector_load %arg11[%get3A_3726] {strides = array<i32>} : memref<1664xf32, #tpu.memory_space<vmem>>, vector<16xf32>,
    %add3A_3728 = arith.addf %add3A_3725, %get3A_3727 : vector<16xf32>
    %get3A_3729 = arith.constant 480 : index
    %get3A_3730 = tpu.vector_load %arg11[%get3A_3729] {strides = array<i32>} : memref<1664xf32, #tpu.memory_space<vmem>>, vector<16xf32>,
    %add3A_3731 = arith.addf %add3A_3728, %get3A_3730 : vector<16xf32>
    %get3A_3732 = arith.constant 608 : index
    %get3A_3733 = tpu.vector_load %arg11[%get3A_3732] {strides = array<i32>} : memref<1664xf32, #tpu.memory_space<vmem>>, vector<16xf32>,
    %add3A_3734 = arith.addf %add3A_3731, %get3A_3733 : vector<16xf32>
    %get3A_3735 = arith.constant 736 : index
    %get3A_3736 = tpu.vector_load %arg11[%get3A_3735] {strides = array<i32>} : memref<1664xf32, #tpu.memory_space<vmem>>, vector<16xf32>,
    %add3A_3737 = arith.addf %add3A_3734, %get3A_3736 : vector<16xf32>
    %get3A_3738 = arith.constant 864 : index
    %get3A_3739 = tpu.vector_load %arg11[%get3A_3738] {strides = array<i32>} : memref<1664xf32, #tpu.memory_space<vmem>>, vector<16xf32>,
    %add3A_3740 = arith.addf %add3A_3737, %get3A_3739 : vector<16xf32>
    %get3A_3741 = arith.constant 992 : index
    %get3A_3742 = tpu.vector_load %arg11[%get3A_3741] {strides = array<i32>} : memref<1664xf32, #tpu.memory_space<vmem>>, vector<16xf32>,
    %add3A_3743 = arith.addf %add3A_3740, %get3A_3742 : vector<16xf32>
    %get3A_3744 = arith.constant 1120 : index
    %get3A_3745 = tpu.vector_load %arg11[%get3A_3744] {strides = array<i32>} : memref<1664xf32, #tpu.memory_space<vmem>>, vector<16xf32>,
    %add3A_3746 = arith.addf %add3A_3743, %get3A_3745 : vector<16xf32>
    %get3A_3747 = arith.constant 1248 : index
    %get3A_3748 = tpu.vector_load %arg11[%get3A_3747] {strides = array<i32>} : memref<1664xf32, #tpu.memory_space<vmem>>, vector<16xf32>,
    %add3A_3749 = arith.addf %add3A_3746, %get3A_3748 : vector<16xf32>
    %get3A_3750 = arith.constant 1376 : index
    %get3A_3751 = tpu.vector_load %arg11[%get3A_3750] {strides = array<i32>} : memref<1664xf32, #tpu.memory_space<vmem>>, vector<16xf32>,
    %add3A_3752 = arith.addf %add3A_3749, %get3A_3751 : vector<16xf32>
    %get3A_3753 = arith.constant 1504 : index
    %get3A_3754 = tpu.vector_load %arg11[%get3A_3753] {strides = array<i32>} : memref<1664xf32, #tpu.memory_space<vmem>>, vector<16xf32>,
    %add3A_3755 = arith.addf %add3A_3752, %get3A_3754 : vector<16xf32>
    %get3A_3756 = arith.constant 1632 : index
    %get3A_3757 = tpu.vector_load %arg11[%get3A_3756] {strides = array<i32>} : memref<1664xf32, #tpu.memory_space<vmem>>, vector<16xf32>,
    %add3A_3758 = arith.addf %add3A_3755, %get3A_3757 : vector<16xf32>
    %swap3A_3759 = arith.constant 96 : index
    %swap3A_3760 = tpu.vector_load %arg12[%swap3A_3759] {strides = array<i32>} : memref<128xf32, #tpu.memory_space<vmem>>, vector<16xf32>,
    tpu.vector_store %arg12[%swap3A_3759], %add3A_3758 {strides = array<i32>} : memref<128xf32, #tpu.memory_space<vmem>>, vector<16xf32>,
    %get3A_3761 = arith.constant 112 : index
    %get3A_3762 = tpu.vector_load %arg12[%get3A_3761] {strides = array<i32>} : memref<128xf32, #tpu.memory_space<vmem>>, vector<16xf32>,
    %get3A_3763 = arith.constant 112 : index
    %get3A_3764 = tpu.vector_load %arg11[%get3A_3763] {strides = array<i32>} : memref<1664xf32, #tpu.memory_space<vmem>>, vector<16xf32>,
    %add3A_3765 = arith.addf %get3A_3762, %get3A_3764 : vector<16xf32>
    %get3A_3766 = arith.constant 240 : index
    %get3A_3767 = tpu.vector_load %arg11[%get3A_3766] {strides = array<i32>} : memref<1664xf32, #tpu.memory_space<vmem>>, vector<16xf32>,
    %add3A_3768 = arith.addf %add3A_3765, %get3A_3767 : vector<16xf32>
    %get3A_3769 = arith.constant 368 : index
    %get3A_3770 = tpu.vector_load %arg11[%get3A_3769] {strides = array<i32>} : memref<1664xf32, #tpu.memory_space<vmem>>, vector<16xf32>,
    %add3A_3771 = arith.addf %add3A_3768, %get3A_3770 : vector<16xf32>
    %get3A_3772 = arith.constant 496 : index
    %get3A_3773 = tpu.vector_load %arg11[%get3A_3772] {strides = array<i32>} : memref<1664xf32, #tpu.memory_space<vmem>>, vector<16xf32>,
    %add3A_3774 = arith.addf %add3A_3771, %get3A_3773 : vector<16xf32>
    %get3A_3775 = arith.constant 624 : index
    %get3A_3776 = tpu.vector_load %arg11[%get3A_3775] {strides = array<i32>} : memref<1664xf32, #tpu.memory_space<vmem>>, vector<16xf32>,
    %add3A_3777 = arith.addf %add3A_3774, %get3A_3776 : vector<16xf32>
    %get3A_3778 = arith.constant 752 : index
    %get3A_3779 = tpu.vector_load %arg11[%get3A_3778] {strides = array<i32>} : memref<1664xf32, #tpu.memory_space<vmem>>, vector<16xf32>,
    %add3A_3780 = arith.addf %add3A_3777, %get3A_3779 : vector<16xf32>
    %get3A_3781 = arith.constant 880 : index
    %get3A_3782 = tpu.vector_load %arg11[%get3A_3781] {strides = array<i32>} : memref<1664xf32, #tpu.memory_space<vmem>>, vector<16xf32>,
    %add3A_3783 = arith.addf %add3A_3780, %get3A_3782 : vector<16xf32>
    %get3A_3784 = arith.constant 1008 : index
    %get3A_3785 = tpu.vector_load %arg11[%get3A_3784] {strides = array<i32>} : memref<1664xf32, #tpu.memory_space<vmem>>, vector<16xf32>,
    %add3A_3786 = arith.addf %add3A_3783, %get3A_3785 : vector<16xf32>
    %get3A_3787 = arith.constant 1136 : index
    %get3A_3788 = tpu.vector_load %arg11[%get3A_3787] {strides = array<i32>} : memref<1664xf32, #tpu.memory_space<vmem>>, vector<16xf32>,
    %add3A_3789 = arith.addf %add3A_3786, %get3A_3788 : vector<16xf32>
    %get3A_3790 = arith.constant 1264 : index
    %get3A_3791 = tpu.vector_load %arg11[%get3A_3790] {strides = array<i32>} : memref<1664xf32, #tpu.memory_space<vmem>>, vector<16xf32>,
    %add3A_3792 = arith.addf %add3A_3789, %get3A_3791 : vector<16xf32>
    %get3A_3793 = arith.constant 1392 : index
    %get3A_3794 = tpu.vector_load %arg11[%get3A_3793] {strides = array<i32>} : memref<1664xf32, #tpu.memory_space<vmem>>, vector<16xf32>,
    %add3A_3795 = arith.addf %add3A_3792, %get3A_3794 : vector<16xf32>
    %get3A_3796 = arith.constant 1520 : index
    %get3A_3797 = tpu.vector_load %arg11[%get3A_3796] {strides = array<i32>} : memref<1664xf32, #tpu.memory_space<vmem>>, vector<16xf32>,
    %add3A_3798 = arith.addf %add3A_3795, %get3A_3797 : vector<16xf32>
    %get3A_3799 = arith.constant 1648 : index
    %get3A_3800 = tpu.vector_load %arg11[%get3A_3799] {strides = array<i32>} : memref<1664xf32, #tpu.memory_space<vmem>>, vector<16xf32>,
    %add3A_3801 = arith.addf %add3A_3798, %get3A_3800 : vector<16xf32>
    %swap3A_3802 = arith.constant 112 : index
    %swap3A_3803 = tpu.vector_load %arg12[%swap3A_3802] {strides = array<i32>} : memref<128xf32, #tpu.memory_space<vmem>>, vector<16xf32>,
    tpu.vector_store %arg12[%swap3A_3802], %add3A_3801 {strides = array<i32>} : memref<128xf32, #tpu.memory_space<vmem>>, vector<16xf32>,
    "tpu.region"() ({
      %run_scoped3A = tpu.sem_alloc : memref<!tpu.dma_semaphore, #tpu.memory_space<semaphore_mem>>
      %dma_start3A_3804 = tpu.memref_slice %arg6[%mul3A_2] : memref<4096xf32, #tpu.memory_space<hbm>> -> memref<128xf32, #tpu.memory_space<hbm>>
      %dma_start3A_3805 = tpu.memref_slice %arg6[%mul3A_2] : memref<4096xf32, #tpu.memory_space<hbm>> -> memref<128xf32, #tpu.memory_space<hbm>>
      tpu.enqueue_dma source(%arg12 : memref<128xf32, #tpu.memory_space<vmem>>) target(%dma_start3A_3805 : memref<128xf32, #tpu.memory_space<hbm>>) target_semaphore(%run_scoped3A : memref<!tpu.dma_semaphore, #tpu.memory_space<semaphore_mem>>)
      %dma_wait3A_3806 = tpu.memref_slice %arg6[%mul3A_2] : memref<4096xf32, #tpu.memory_space<hbm>> -> memref<128xf32, #tpu.memory_space<hbm>>
      %dma_wait3A_3807 = tpu.memref_slice %arg6[%mul3A_2] : memref<4096xf32, #tpu.memory_space<hbm>> -> memref<128xf32, #tpu.memory_space<hbm>>
      tpu.wait_dma2 semaphore(%run_scoped3A : memref<!tpu.dma_semaphore, #tpu.memory_space<semaphore_mem>>) src(%arg12 : memref<128xf32, #tpu.memory_space<vmem>>) dst(%dma_wait3A_3807 : memref<128xf32, #tpu.memory_space<hbm>>)
      tpu.yield
    }) : () -> ()
    return
  }
}

</mosaic_0001>

<sc_bundles>
// kernel: kernel.3.cloned.1.call-start
scs
__scs_entry_jumppad:
0x0: {  	(pc) =	sbr.rel $0x88, $3  }
0x1: {  	(tag) =	ssettag $0x0;
	lr =	simm.s32 $0x1  }
0x2: {  	[smem:$0x3F9D] =	sst lr;
	_ =	strace $0xD0000000  }
0x3: {  	_ = 	snop  }
0x4: {  	_ = 	snop  }
0x5: {  	_ = 	snop  }
0x6: {  	_ = 	snop  }
0x7: {  	_ = 	snop  }
__scs_overlays_trampoline_lowered:
0x8: {  	[smem:$0x3FAC] =	sst s0  }
0x9: {  	[smem:$0x3FAD] =	sst s1  }
0xa: {  	[smem:$0x3FAE] =	sst s2  }
0xb: {  	[smem:$0x3FAF] =	sst s3  }
0xc: {  	[smem:$0x3FB0] =	sst s4  }
0xd: {  	[smem:$0x3FB1] =	sst s5  }
0xe: {  	[smem:$0x3FB2] =	sst s6  }
0xf: {  	[smem:$0x3FB3] =	sst s7  }
0x10: {  	[smem:$0x3FB4] =	sst s8  }
0x11: {  	[smem:$0x3FB5] =	sst s9;
	s0 =	simm.s32 @!p0 $0x0  }
0x12: {  	s1 =	sld [smem:$0x3F9B];
	s0 =	simm.s32 @p0 $0x1  }
0x13: {  	[smem:$0x3FB6] =	sst s0;
	s0 =	simm.s32 @!p1 $0x0  }
0x14: {  	s2 =	sld [smem:$0x3F9A];
	s0 =	simm.s32 @p1 $0x1  }
0x15: {  	[smem:$0x3FB7] =	sst s0;
	s0 =	simm.s32 @!p2 $0x0  }
0x16: {  	s3 =	sld [smem:$0x3FDB];
	s0 =	simm.s32 @p2 $0x1  }
0x17: {  	s4 =	simm.s32 $0x1BF5;
	[smem:$0x3FB9] =	sst s0  }
0x18: {  	s0 =	sld [smem:$0x3F9C];
	_ =	swait.ge [sflag:s4], $0x0  }
0x19: {  	s7 =	sld [smem:$0x3F9D]  }
0x1a: {  	s8 =	sadd.s32 $0xFFFFE003, lr  }
0x1b: {  	s9 =	sadd.s32 $0xFFFFFEF7, lr;
	s5 =	simm.s32 $0xFFFFFFFF;
	p2 =	slt.u32 s8, $0xFFFFF086  }
0x1c: {  	p1 =	slt.u32 s9, $0xF7A;
	s5 =	simm.s32 @!p2 $0x0  }
0x1d: {  	s5 =	simm.s32 @p1 $0x1;
	p0 =	seq.s32 s7, s2  }
0x1e: {  	s7 =	smul.u32 @!p0 $0xF7A, s2;
	p2 =	seq.s32 @!p0 s5, $0x0  }
0x1f: {  	s9 =	smul.u32 $0xF7A, s1;
	s8 =	simm.s32 @!p0 $0x1BF5;
	p2 =	por !p2, p0  }
0x20: {  	[sflag:s8] =	ssyncset.s32 @!p0 $0xFFFFF086;
	s6 =	sadd.s32 @!p0 s3, s7;
	s7 =	simm.s32 @!p0 $0x108  }
0x21: {  	s3 =	sadd.s32 s3, s9;
	s6 =	sadd.s32 @!p0 $0x88, s6;
	s7 =	simm.s32 @p2 $0x1082  }
0x22: {  	[simem:s7], [sflag:s8] =	dma.local @!p0 [hbm:s6], $0xF7A  }
0x23: {  	s9 =	sor.u32 $0xD0000000, s2;
	s6 =	simm.s32 $0x108;
	_ =	swait.ge @!p0 [sflag:s8], $0x0  }
0x24: {  	s3 =	sadd.s32 $0x88, s3;
	s6 =	simm.s32 @!p1 $0x1082;
	[sflag:s4] =	ssyncset.s32 $0xFFFFF086  }
0x25: {  	[simem:s6], [sflag:s4] =	dma.local [hbm:s3], $0xF7A  }
0x26: {  	[smem:$0x3F9D] =	sst s1;
	(tag) =	ssettag s2;
	_ =	strace s9  }
0x27: {  	s1 =	sld [smem:$0x3FAD]  }
0x28: {  	s2 =	sld [smem:$0x3FAE]  }
0x29: {  	s4 =	sld [smem:$0x3FB0]  }
0x2a: {  	p0 =	seq.s32 s5, $0x0;
	s5 =	sld [smem:$0x3FB1]  }
0x2b: {  	s6 =	sld [smem:$0x3FB2]  }
0x2c: {  	s7 =	sld [smem:$0x3FB3]  }
0x2d: {  	s3 =	simm.s32 $0x108;
	s8 =	sld [smem:$0x3FB4]  }
0x2e: {  	s3 =	simm.s32 @!p0 $0x1082;
	s9 =	sld [smem:$0x3FB5]  }
0x2f: {  	lr =	sadd.s32 s0, s3;
	s0 =	sld [smem:$0x3FAC]  }
0x30: {  	s3 =	sld [smem:$0x3FAF]  }
0x31: {  	[smem:$0x3FB8] =	sst s10  }
0x32: {  	s10 =	sld [smem:$0x3FB6];
	_ =	sdelay $0x3  }
0x33: {  	p0 =	seq.s32 s10, $0x1;
	s10 =	sld [smem:$0x3FB8];
	_ =	sdelay $0x3  }
0x34: {  	[smem:$0x3FB8] =	sst s10  }
0x35: {  	s10 =	sld [smem:$0x3FB7];
	_ =	sdelay $0x3  }
0x36: {  	p1 =	seq.s32 s10, $0x1;
	s10 =	sld [smem:$0x3FB8];
	_ =	sdelay $0x3  }
0x37: {  	[smem:$0x3FB8] =	sst s10  }
0x38: {  	s10 =	sld [smem:$0x3FB9]  }
0x39: {  	_ = 	snop;
	(pc) =	sbr.ind lr, $3  }
0x3a: {  	_ = 	snop  }
0x3b: {  	_ = 	snop  }
0x3c: {  	p2 =	seq.s32 s10, $0x1;
	s10 =	sld [smem:$0x3FB8]  }
0x3d: {  	_ =	shalt  }
0x3e: {  	_ =	shalt  }
0x3f: {  	_ =	shalt  }
0x40: {  	_ =	shalt  }
0x41: {  	_ =	shalt  }
0x42: {  	_ =	shalt  }
0x43: {  	_ =	shalt  }
0x44: {  	_ =	shalt  }
0x45: {  	_ =	shalt  }
0x46: {  	_ =	shalt  }
0x47: {  	_ =	shalt  }
0x48: {  	_ =	shalt  }
0x49: {  	_ =	shalt  }
0x4a: {  	_ =	shalt  }
0x4b: {  	_ =	shalt  }
0x4c: {  	_ =	shalt  }
0x4d: {  	_ =	shalt  }
0x4e: {  	_ =	shalt  }
0x4f: {  	_ =	shalt  }
0x50: {  	_ =	shalt  }
0x51: {  	_ =	shalt  }
0x52: {  	_ =	shalt  }
0x53: {  	_ =	shalt  }
0x54: {  	_ =	shalt  }
0x55: {  	_ =	shalt  }
0x56: {  	_ =	shalt  }
0x57: {  	_ =	shalt  }
0x58: {  	_ =	shalt  }
0x59: {  	_ =	shalt  }
0x5a: {  	_ =	shalt  }
0x5b: {  	_ =	shalt  }
0x5c: {  	_ =	shalt  }
0x5d: {  	_ =	shalt  }
0x5e: {  	_ =	shalt  }
0x5f: {  	_ =	shalt  }
0x60: {  	_ =	shalt  }
0x61: {  	_ =	shalt  }
0x62: {  	_ =	shalt  }
0x63: {  	_ =	shalt  }
0x64: {  	_ =	shalt  }
0x65: {  	_ =	shalt  }
0x66: {  	_ =	shalt  }
0x67: {  	_ =	shalt  }
0x68: {  	_ =	shalt  }
0x69: {  	_ =	shalt  }
0x6a: {  	_ =	shalt  }
0x6b: {  	_ =	shalt  }
0x6c: {  	_ =	shalt  }
0x6d: {  	_ =	shalt  }
0x6e: {  	_ =	shalt  }
0x6f: {  	_ =	shalt  }
0x70: {  	_ =	shalt  }
0x71: {  	_ =	shalt  }
0x72: {  	_ =	shalt  }
0x73: {  	_ =	shalt  }
0x74: {  	_ =	shalt  }
0x75: {  	_ =	shalt  }
0x76: {  	_ =	shalt  }
0x77: {  	_ =	shalt  }
0x78: {  	_ =	shalt  }
0x79: {  	_ =	shalt  }
0x7a: {  	_ =	shalt  }
0x7b: {  	_ =	shalt  }
0x7c: {  	_ =	shalt  }
0x7d: {  	_ =	shalt  }
0x7e: {  	_ =	shalt  }
0x7f: {  	_ =	shalt  }
0x80: {  	_ =	shalt  }
0x81: {  	_ =	shalt  }
0x82: {  	_ =	shalt  }
0x83: {  	_ =	shalt  }
0x84: {  	_ =	shalt  }
0x85: {  	_ =	shalt  }
0x86: {  	_ =	shalt  }
0x87: {  	_ =	shalt  }
.Lfunc_end0:
.L_simem_size_0:
called_computation_lowered:
.L_overlay_start_0:
0x88: {  	s2 =	sld [smem:$0x3FD9]  }
0x89: {  	s3 =	sld [smem:$0x3FFE];
	_ =	sdelay $0x1  }
0x8a: {  	s1 =	srdreg.scid  }
0x8b: {  	s0 =	sand.u32 $0x1, s1  }
0x8c: {  	s18 =	sshll.u32 s0, $0xA;
	s2 =	sadd.s32 s3, s2  }
0x8d: {  	s2 =	sadd.s32 s2, s18  }
0x8e: {  	[smem:$0x3FC4] =	sst s2  }
0x8f: {  	_ = 	snop  }
0x90: {  	s2 =	sld [smem:$0x3FC9]  }
0x91: {  	s19 =	sld [smem:$0x3FC8]  }
0x92: {  	s4 =	sld [smem:$0x3FC7]  }
0x93: {  	s5 =	sld [smem:$0x3FC6]  }
0x94: {  	s6 =	sld [smem:$0x3FD0];
	(tm) =	ssettm $0x1  }
0x95: {  	s7 =	sld [smem:$0x3FFB];
	_ =	sdelay $0x3  }
0x96: {  	_ =	strace s7  }
0x97: {  	s7 =	sld [smem:$0x3FFC];
	_ =	sdelay $0x3  }
0x98: {  	_ =	strace s7  }
0x99: {  	s7 =	sld [smem:$0x3FFD];
	_ =	sdelay $0x3  }
0x9a: {  	_ =	strace s7  }
0x9b: {  	_ =	strace $0x8FFFFFFF  }
0x9c: {  	s20 =	sld [smem:$0x3FDB];
	_ =	sdelay $0x1  }
0x9d: {  	s8 =	simm.s32 $_scs_section_size  }
0x9e: {  	s9 =	simm.s32 $_size__tile_overlayer_lowered;
	s10 =	simm.s32 $_tile_overlayer_lowered  }
0x9f: {  	s23 =	simm.s32 $0x1BFF;
	s22 =	sshll.u32 s10, $0x1;
	s7 =	sadd.s32 s8, s20  }
0xa0: {  	s11 =	simm.s32 $0x0;
	s21 =	sshll.u32 s9, $0x1;
	s9 =	sadd.s32 s22, s7  }
0xa1: {  	[timem:s11], [sflag:s23] =	dma.local [hbm:s9], s21  }
0xa2: {  	_ =	swait.ge [sflag:s23], s21  }
0xa3: {  	s8 =	ssub.s32 $0x0, s21;
	[sflag:s23] =	ssyncset.done $0x0  }
0xa4: {  	[sflag:s23] =	ssyncadd.s32 s8;
	_ =	sdelay $0x1  }
0xa5: {  	s24 =	simm.s32 $0x1B8B  }
0xa6: {  	_ =	swait.ge [sflag:s24], $0x1  }
0xa7: {  	[sflag:s24] =	ssyncset.done $0x0  }
0xa8: {  	s25 =	simm.s32 $0x1B8E;
	[sflag:s24] =	ssyncadd.s32 $0xFFFFFFFF  }
0xa9: {  	s26 =	simm.s32 $execute0_lowered;
	[smem:$0x3FD2] =	sst s25  }
0xaa: {  	s8 =	sshll.u32 s26, $0x1;
	_ =	strace $0x80000046;
	[dreg:$0x1] =	wrdreg $0xFFFFFFFF  }
0xab: {  	s28 =	simm.s32 $_size_execute0_lowered;
	s7 =	sadd.s32 s7, s8;
	[dreg:$0x0] =	wrdreg $0x0  }
0xac: {  	s8 =	sshll.u32 s28, $0x1;
	[dreg:$0x2] =	wrdreg s7  }
0xad: {  	[dreg:$0x3] =	wrdreg s8  }
0xae: {  	[dreg:$0x4] =	wrdreg $0xC0  }
0xaf: {  	_ =	task [dreg:s11], $0x5FFFF  }
0xb0: {  	[dreg:$0x1] =	wrdreg $0xFFFFFFFF  }
0xb1: {  	[dreg:$0x0] =	wrdreg $0x60  }
0xb2: {  	[dreg:$0x2] =	wrdreg s2  }
0xb3: {  	[dreg:$0x3] =	wrdreg s19  }
0xb4: {  	[dreg:$0x4] =	wrdreg s4  }
0xb5: {  	[dreg:$0x5] =	wrdreg s5  }
0xb6: {  	[dreg:$0x6] =	wrdreg s6  }
0xb7: {  	[dreg:$0x7] =	wrdreg $0x9  }
0xb8: {  	_ =	task.clear_ibuf [dreg:s11], $0x8FFFF;
	_ =	strace $0x90000046  }
0xb9: {  	s29 =	simm.s32 $0x9;
	_ =	strace $0x80000048  }
0xba: {  	_ =	swait.ge [sflag:s29], $0x1  }
0xbb: {  	[sflag:s29] =	ssyncadd.s32 $0xFFFFFFFF  }
0xbc: {  	_ =	strace $0x90000048  }
0xbd: {  	_ =	sfence  }
0xbe: {  	s30 =	sld [smem:$0x0];
	_ =	sdelay $0x2  }
0xbf: {  	s31 =	sshll.u32 s1, $0xD;
	s1 =	sshrl.u32 s1, $0x2  }
0xc0: {  	s3 =	sand.u32 $0x4000, s31;
	s1 =	sadd.s32 s1, s30  }
0xc1: {  	s0 =	sor.u32 s3, s0;
	s1 =	sshll.u32 s1, $0x11  }
0xc2: {  	s0 =	sor.u32 s1, s0  }
0xc3: {  	s0 =	sadd.s32 $0x8F2B, s0  }
0xc4: {  	[sflag:s0] =	ssyncadd.remote.s32 $0x1  }
0xc5: {  	_ =	sfence.sel $0xFFFF  }
0xc6: {  	[dreg:$0x0] =	wrdreg $0xFFFFFFFF;
	(pc) =	sbr.abs _section_cstart, $3  }
0xc7: {  	[dreg:$0x1] =	wrdreg $0xFFFFFFFF  }
0xc8: {  	_ =	task.clear_ibuf [dreg:s11], $0x2FFFF;
	_ =	strace $0x9FFFFFFF  }
0xc9: {  	(tm) =	ssettm $0x7FFFFFFF  }
tec
execute0_lowered:
.L_overlay_start_1:
0x0: {  	(tag) =	ssettag $0x1  }
0x1: {  	s6 =	rddreg [dreg:$0x0]  }
0x2: {  	s1 =	rddreg [dreg:$0x1]  }
0x3: {  	s2 =	rddreg [dreg:$0x2]  }
0x4: {  	s4 =	rddreg [dreg:$0x3]  }
0x5: {  	s3 =	srdreg.scid;
	s0 =	stileid.u32  }
0x6: {  	s9 =	rddreg [dreg:$0x4];
	s5 =	simm.s32 $0x0;
	s12 =	simm.s32 $0x8000  }
0x7: {  	s13 =	simm.s32 $0x800;
	s14 =	simm.s32 $0x1000;
	s15 =	simm.s32 $0x2E80  }
0x8: {  	v0 =	vimm.s32 $0x76543210;
	s16 =	simm.s32 $0x2F00;
	s17 =	simm.s32 $0x1;
	s18 =	simm.s32 $0x680  }
0x9: {  	s19 =	simm.s32 $0x1400;
	s20 =	simm.s32 $0x2100;
	s21 =	simm.s32 $0x2;
	v0 =	vunpack.c.l.s4.s8 v0  }
0xa: {  	s22 =	simm.s32 $0x1A80;
	s23 =	simm.s32 $0x2780;
	s24 =	simm.s32 $0x2E00  }
0xb: {  	s7 =	sand.u32 $0x1, s3;
	s8 =	sshll.u32 s0, $0x1;
	s3 =	rddreg [dreg:$0x5];
	v0 =	vunpack.c.0.s8.s32 v0  }
0xc: {  	v1 =	vimm.s32 $0xB0A0908;
	s25 =	simm.s32 $0x3;
	[smem:$0x7FF] =	sst s5;
	s8 =	sor.u32 s7, s8  }
0xd: {  	vm0 =	vcmask $0x1F00;
	v1 =	vunpack.c.0.s8.s32 v1;
	s7 =	ssub.s32 $0x2, s7;
	_ =	strace $0x80000047;
	s10 =	sshll.u32 s8, $0x7;
	v0 =	vand.u32 $0xF, v0  }
0xe: {  	vm15 =	vcmask $0x2F20;
	s11 =	sshrl.u32 s7, $0x1;
	s31 =	sshll.u32 s8, $0x4;
	s6 =	sadd.s32 s6, s10;
	v0 =	vnsel vm0, $0xC, v0  }
0xf: {  	s30 =	ssub.s32 s7, s11;
	s9 =	sadd.s32 s9, s31;
	s11 =	simm.s32 $0x400;
	v0 =	vsel vm15, v1, v0  }
0x10: {  	s7 =	sadd.s32 $0x2000, s6;
	s8 =	sadd.s32 $0x4000, s6;
	s10 =	smax.u32 s30, $0x1;
	[tilespmem:$0x1FFF0] =	vst v0  }
.LBB2_1:
0x11: {  	[tilespmem:s5], [sflag:$0x1] =	stream.strided.gather [hbm4b:s6+s11], $0x800, s12, s11, $0x38;
	[tilespmem:$0x2F80] =	vst v63  }
0x12: {  	_ = 	snop  }
0x13: {  	[tilespmem:s13], [sflag:$0x2] =	stream.strided.gather [hbm4b:s7+s11], $0x800, s12, s11, $0x38;
	[tilespmem:$0x2F80] =	vst v63  }
0x14: {  	_ = 	snop  }
0x15: {  	[tilespmem:s14], [sflag:$0x2] =	stream.strided.gather [hbm4b:s8+s11], $0x0, s12, s11, $0x38;
	[tilespmem:$0x2F80] =	vst v63  }
0x16: {  	_ = 	snop  }
0x17: {  	[tilespmem:s14], [sflag:$0x2] =	stream.linear.gather [hbm4b:s8+s5], $0x380, $0x38;
	[tilespmem:$0x2F80] =	vst v63  }
0x18: {  	_ = 	snop  }
0x19: {  	[tilespmem:s15], [sflag:$0x2] =	stream.linear.gather [hbm4b:s2+s5], $0x80, $0x38;
	[tilespmem:$0x2F80] =	vst v63  }
0x1a: {  	_ = 	snop  }
0x1b: {  	[tilespmem:s16], [sflag:$0x2] =	stream.linear.gather [hbm4b:s4+s5], $0x80, $0x38;
	[tilespmem:$0x2F80] =	vst v63  }
0x1c: {  	_ =	swait.ge [sflag:s17], $0x800  }
0x1d: {  	[sflag:s17] =	ssyncset.done $0x0  }
0x1e: {  	[sflag:s17] =	ssyncadd.s32 $0xFFFFF800  }
0x1f: {  	v1 =	vld [tilespmem:$0x0]  }
0x20: {  	v2 =	vld [tilespmem:$0x10]  }
0x21: {  	v3 =	vld [tilespmem:$0x20]  }
0x22: {  	v4 =	vld [tilespmem:$0x30]  }
0x23: {  	v5 =	vld [tilespmem:$0x40]  }
0x24: {  	v6 =	vld [tilespmem:$0x50]  }
0x25: {  	v7 =	vld [tilespmem:$0x60]  }
0x26: {  	v8 =	vld [tilespmem:$0x70];
	v1 =	vtrunc.f32 v1;
	v2 =	vtrunc.f32 v2  }
0x27: {  	v9 =	vld [tilespmem:$0x80];
	v3 =	vtrunc.f32 v3;
	v4 =	vtrunc.f32 v4  }
0x28: {  	v59 =	vld [tilespmem:$0x90];
	v58 =	vtrunc.f32 v5;
	v1 =	vcvt.f32.s32 v1  }
0x29: {  	v62 =	vld [tilespmem:$0xA0];
	v61 =	vtrunc.f32 v6;
	v2 =	vcvt.f32.s32 v2  }
0x2a: {  	v11 =	vtrunc.f32 v7;
	v3 =	vcvt.f32.s32 v3;
	[tilespmem:$0x1400] =	vst v1  }
0x2b: {  	v12 =	vld [tilespmem:$0xB0];
	v14 =	vtrunc.f32 v8;
	v57 =	vcvt.f32.s32 v4;
	[tilespmem:$0x1410] =	vst v2  }
0x2c: {  	v15 =	vld [tilespmem:$0xC0];
	v17 =	vtrunc.f32 v9;
	v60 =	vcvt.f32.s32 v58;
	[tilespmem:$0x1420] =	vst v3  }
0x2d: {  	v18 =	vld [tilespmem:$0xD0];
	v20 =	vtrunc.f32 v59;
	v63 =	vcvt.f32.s32 v61;
	[tilespmem:$0x1430] =	vst v57  }
0x2e: {  	v21 =	vld [tilespmem:$0xE0];
	v23 =	vtrunc.f32 v62;
	v13 =	vcvt.f32.s32 v11;
	[tilespmem:$0x1440] =	vst v60  }
0x2f: {  	v24 =	vld [tilespmem:$0xF0];
	v16 =	vcvt.f32.s32 v14;
	v19 =	vcvt.f32.s32 v17;
	[tilespmem:$0x1450] =	vst v63  }
0x30: {  	v28 =	vld [tilespmem:$0x100];
	v27 =	vtrunc.f32 v12;
	v22 =	vcvt.f32.s32 v20;
	[tilespmem:$0x1460] =	vst v13  }
0x31: {  	v31 =	vld [tilespmem:$0x110];
	v30 =	vtrunc.f32 v15;
	v26 =	vcvt.f32.s32 v23;
	[tilespmem:$0x1470] =	vst v16;
	v25 =	vadd.s32 $0x186A0, v19  }
0x32: {  	v35 =	vld [tilespmem:$0x120];
	v34 =	vtrunc.f32 v18;
	v29 =	vcvt.f32.s32 v27;
	v1 =	vadd.s32 $0x186A0, v22;
	[tilespmem:$0x1480] =	vst v25  }
0x33: {  	v51 =	vld [tilespmem:$0x160];
	v38 =	vtrunc.f32 v21;
	v33 =	vcvt.f32.s32 v30;
	v32 =	vadd.s32 $0x186A0, v26;
	[tilespmem:$0x1490] =	vst v1  }
0x34: {  	v39 =	vld [tilespmem:$0x130];
	v42 =	vtrunc.f32 v24;
	v37 =	vcvt.f32.s32 v34;
	v36 =	vadd.s32 $0x186A0, v29;
	[tilespmem:$0x14A0] =	vst v32  }
0x35: {  	v47 =	vld [tilespmem:$0x150];
	v46 =	vtrunc.f32 v28;
	v41 =	vcvt.f32.s32 v38;
	v40 =	vadd.s32 $0x186A0, v33;
	[tilespmem:$0x14B0] =	vst v36  }
0x36: {  	v43 =	vld [tilespmem:$0x140];
	v50 =	vtrunc.f32 v31;
	v45 =	vcvt.f32.s32 v42;
	v44 =	vadd.s32 $0x186A0, v37;
	[tilespmem:$0x14C0] =	vst v40  }
0x37: {  	v55 =	vld [tilespmem:$0x170];
	v54 =	vtrunc.f32 v35;
	v49 =	vcvt.f32.s32 v46;
	v48 =	vadd.s32 $0x186A0, v41;
	[tilespmem:$0x14D0] =	vst v44  }
0x38: {  	v59 =	vld [tilespmem:$0x180];
	v18 =	vtrunc.f32 v51;
	v53 =	vcvt.f32.s32 v50;
	v52 =	vadd.s32 $0x186A0, v45;
	[tilespmem:$0x14E0] =	vst v48  }
0x39: {  	v15 =	vld [tilespmem:$0x1A0];
	v58 =	vtrunc.f32 v39;
	v21 =	vcvt.f32.s32 v18;
	v56 =	vadd.s32 $0x30D40, v49;
	[tilespmem:$0x14F0] =	vst v52  }
0x3a: {  	v31 =	vld [tilespmem:$0x1E0];
	v14 =	vtrunc.f32 v47;
	v61 =	vcvt.f32.s32 v58;
	v60 =	vadd.s32 $0x30D40, v53;
	[tilespmem:$0x1500] =	vst v56  }
0x3b: {  	v62 =	vtrunc.f32 v43;
	v35 =	vld [tilespmem:$0x1F0];
	v17 =	vcvt.f32.s32 v14;
	v28 =	vadd.s32 $0x30D40, v21;
	[tilespmem:$0x1510] =	vst v60  }
0x3c: {  	v43 =	vld [tilespmem:$0x210];
	v57 =	vcvt.f32.s32 v54;
	v22 =	vtrunc.f32 v55;
	v16 =	vadd.s32 $0x30D40, v61;
	[tilespmem:$0x1560] =	vst v28  }
0x3d: {  	v51 =	vld [tilespmem:$0x230];
	v13 =	vcvt.f32.s32 v62;
	v24 =	vadd.s32 $0x30D40, v17;
	v25 =	vcvt.f32.s32 v22;
	[tilespmem:$0x1530] =	vst v16  }
0x3e: {  	v23 =	vld [tilespmem:$0x1C0];
	v12 =	vadd.s32 $0x30D40, v57;
	v26 =	vtrunc.f32 v59;
	[tilespmem:$0x1550] =	vst v24;
	v34 =	vtrunc.f32 v15  }
0x3f: {  	v27 =	vld [tilespmem:$0x1D0];
	v20 =	vadd.s32 $0x30D40, v13;
	v50 =	vtrunc.f32 v31;
	[tilespmem:$0x1520] =	vst v12;
	v29 =	vcvt.f32.s32 v26  }
0x40: {  	v39 =	vld [tilespmem:$0x200];
	v54 =	vtrunc.f32 v35;
	[tilespmem:$0x1540] =	vst v20;
	v32 =	vadd.s32 $0x30D40, v25;
	v37 =	vcvt.f32.s32 v34  }
0x41: {  	v47 =	vld [tilespmem:$0x220];
	v62 =	vtrunc.f32 v43;
	v53 =	vcvt.f32.s32 v50;
	[tilespmem:$0x1570] =	vst v32;
	v36 =	vadd.s32 $0x493E0, v29  }
0x42: {  	v63 =	vld [tilespmem:$0x190];
	v18 =	vtrunc.f32 v51;
	v57 =	vcvt.f32.s32 v54;
	v44 =	vadd.s32 $0x493E0, v37;
	[tilespmem:$0x1580] =	vst v36  }
0x43: {  	v19 =	vld [tilespmem:$0x1B0];
	v42 =	vtrunc.f32 v23;
	v13 =	vcvt.f32.s32 v62;
	v60 =	vadd.s32 $0x493E0, v53;
	[tilespmem:$0x15A0] =	vst v44  }
0x44: {  	v55 =	vld [tilespmem:$0x240];
	v46 =	vtrunc.f32 v27;
	v21 =	vcvt.f32.s32 v18;
	v12 =	vadd.s32 $0x493E0, v57;
	[tilespmem:$0x15E0] =	vst v60  }
0x45: {  	v59 =	vld [tilespmem:$0x250];
	v58 =	vtrunc.f32 v39;
	v45 =	vcvt.f32.s32 v42;
	v20 =	vadd.s32 $0x61A80, v13;
	[tilespmem:$0x15F0] =	vst v12  }
0x46: {  	v15 =	vld [tilespmem:$0x270];
	v14 =	vtrunc.f32 v47;
	v49 =	vcvt.f32.s32 v46;
	v28 =	vadd.s32 $0x61A80, v21;
	[tilespmem:$0x1610] =	vst v20  }
0x47: {  	v31 =	vld [tilespmem:$0x2B0];
	v61 =	vcvt.f32.s32 v58;
	v17 =	vcvt.f32.s32 v14;
	v52 =	vadd.s32 $0x493E0, v45;
	[tilespmem:$0x1630] =	vst v28  }
0x48: {  	v35 =	vld [tilespmem:$0x2C0];
	v30 =	vtrunc.f32 v63;
	v38 =	vtrunc.f32 v19;
	v56 =	vadd.s32 $0x493E0, v49;
	[tilespmem:$0x15C0] =	vst v52  }
0x49: {  	v43 =	vld [tilespmem:$0x2E0];
	v22 =	vtrunc.f32 v55;
	v33 =	vcvt.f32.s32 v30;
	v16 =	vadd.s32 $0x61A80, v61;
	[tilespmem:$0x15D0] =	vst v56  }
0x4a: {  	v51 =	vld [tilespmem:$0x300];
	v41 =	vcvt.f32.s32 v38;
	v24 =	vadd.s32 $0x61A80, v17;
	v25 =	vcvt.f32.s32 v22;
	[tilespmem:$0x1600] =	vst v16  }
0x4b: {  	v23 =	vld [tilespmem:$0x290];
	v26 =	vtrunc.f32 v59;
	[tilespmem:$0x1620] =	vst v24;
	v34 =	vtrunc.f32 v15;
	v40 =	vadd.s32 $0x493E0, v33  }
0x4c: {  	v27 =	vld [tilespmem:$0x2A0];
	v50 =	vtrunc.f32 v31;
	v48 =	vadd.s32 $0x493E0, v41;
	v29 =	vcvt.f32.s32 v26;
	[tilespmem:$0x1590] =	vst v40  }
0x4d: {  	v39 =	vld [tilespmem:$0x2D0];
	v54 =	vtrunc.f32 v35;
	v32 =	vadd.s32 $0x61A80, v25;
	v37 =	vcvt.f32.s32 v34;
	[tilespmem:$0x15B0] =	vst v48  }
0x4e: {  	v47 =	vld [tilespmem:$0x2F0];
	v62 =	vtrunc.f32 v43;
	v53 =	vcvt.f32.s32 v50;
	[tilespmem:$0x1640] =	vst v32;
	v36 =	vadd.s32 $0x61A80, v29  }
0x4f: {  	v63 =	vld [tilespmem:$0x260];
	v18 =	vtrunc.f32 v51;
	v57 =	vcvt.f32.s32 v54;
	v44 =	vadd.s32 $0x61A80, v37;
	[tilespmem:$0x1650] =	vst v36  }
0x50: {  	v19 =	vld [tilespmem:$0x280];
	v42 =	vtrunc.f32 v23;
	v13 =	vcvt.f32.s32 v62;
	v60 =	vadd.s32 $0x7A120, v53;
	[tilespmem:$0x1670] =	vst v44  }
0x51: {  	v55 =	vld [tilespmem:$0x310];
	v46 =	vtrunc.f32 v27;
	v21 =	vcvt.f32.s32 v18;
	v12 =	vadd.s32 $0x7A120, v57;
	[tilespmem:$0x16B0] =	vst v60  }
0x52: {  	v59 =	vld [tilespmem:$0x320];
	v58 =	vtrunc.f32 v39;
	v45 =	vcvt.f32.s32 v42;
	v20 =	vadd.s32 $0x7A120, v13;
	[tilespmem:$0x16C0] =	vst v12  }
0x53: {  	v15 =	vld [tilespmem:$0x340];
	v14 =	vtrunc.f32 v47;
	v49 =	vcvt.f32.s32 v46;
	v28 =	vadd.s32 $0x927C0, v21;
	[tilespmem:$0x16E0] =	vst v20  }
0x54: {  	v31 =	vld [tilespmem:$0x380];
	v61 =	vcvt.f32.s32 v58;
	v17 =	vcvt.f32.s32 v14;
	v52 =	vadd.s32 $0x7A120, v45;
	[tilespmem:$0x1700] =	vst v28  }
0x55: {  	v35 =	vld [tilespmem:$0x390];
	v30 =	vtrunc.f32 v63;
	v38 =	vtrunc.f32 v19;
	v56 =	vadd.s32 $0x7A120, v49;
	[tilespmem:$0x1690] =	vst v52  }
0x56: {  	v43 =	vld [tilespmem:$0x3B0];
	v22 =	vtrunc.f32 v55;
	v33 =	vcvt.f32.s32 v30;
	v16 =	vadd.s32 $0x7A120, v61;
	[tilespmem:$0x16A0] =	vst v56  }
0x57: {  	v51 =	vld [tilespmem:$0x3D0];
	v41 =	vcvt.f32.s32 v38;
	v24 =	vadd.s32 $0x7A120, v17;
	v25 =	vcvt.f32.s32 v22;
	[tilespmem:$0x16D0] =	vst v16  }
0x58: {  	v23 =	vld [tilespmem:$0x360];
	v26 =	vtrunc.f32 v59;
	[tilespmem:$0x16F0] =	vst v24;
	v34 =	vtrunc.f32 v15;
	v40 =	vadd.s32 $0x61A80, v33  }
0x59: {  	v27 =	vld [tilespmem:$0x370];
	v50 =	vtrunc.f32 v31;
	v48 =	vadd.s32 $0x7A120, v41;
	v29 =	vcvt.f32.s32 v26;
	[tilespmem:$0x1660] =	vst v40  }
0x5a: {  	v39 =	vld [tilespmem:$0x3A0];
	v54 =	vtrunc.f32 v35;
	v32 =	vadd.s32 $0x927C0, v25;
	v37 =	vcvt.f32.s32 v34;
	[tilespmem:$0x1680] =	vst v48  }
0x5b: {  	v47 =	vld [tilespmem:$0x3C0];
	v62 =	vtrunc.f32 v43;
	v53 =	vcvt.f32.s32 v50;
	[tilespmem:$0x1710] =	vst v32;
	v36 =	vadd.s32 $0x927C0, v29  }
0x5c: {  	v63 =	vld [tilespmem:$0x330];
	v16 =	vtrunc.f32 v51;
	v57 =	vcvt.f32.s32 v54;
	v44 =	vadd.s32 $0x927C0, v37;
	[tilespmem:$0x1720] =	vst v36  }
0x5d: {  	v19 =	vld [tilespmem:$0x350];
	v42 =	vtrunc.f32 v23;
	v11 =	vcvt.f32.s32 v62;
	v60 =	vadd.s32 $0xAAE60, v53;
	[tilespmem:$0x1740] =	vst v44  }
0x5e: {  	v46 =	vtrunc.f32 v27;
	v45 =	vcvt.f32.s32 v42;
	v10 =	vadd.s32 $0xAAE60, v57;
	[tilespmem:$0x1780] =	vst v60  }
0x5f: {  	v55 =	vld [tilespmem:$0x3E0];
	v58 =	vtrunc.f32 v39;
	v49 =	vcvt.f32.s32 v46;
	v18 =	vadd.s32 $0xAAE60, v11;
	[tilespmem:$0x1790] =	vst v10  }
0x60: {  	v13 =	vld [tilespmem:$0x410];
	v12 =	vtrunc.f32 v47;
	v61 =	vcvt.f32.s32 v58;
	v52 =	vadd.s32 $0x927C0, v45;
	[tilespmem:$0x17B0] =	vst v18  }
0x61: {  	v17 =	vld [tilespmem:$0x420];
	v15 =	vcvt.f32.s32 v12;
	v30 =	vtrunc.f32 v63;
	v56 =	vadd.s32 $0x927C0, v49;
	[tilespmem:$0x1760] =	vst v52  }
0x62: {  	v59 =	vld [tilespmem:$0x3F0];
	v38 =	vtrunc.f32 v19;
	v19 =	vcvt.f32.s32 v16;
	v14 =	vadd.s32 $0xAAE60, v61;
	[tilespmem:$0x1770] =	vst v56  }
0x63: {  	v25 =	vld [tilespmem:$0x440];
	v33 =	vcvt.f32.s32 v30;
	v22 =	vadd.s32 $0xAAE60, v15;
	[tilespmem:$0x17A0] =	vst v14  }
0x64: {  	v21 =	vld [tilespmem:$0x430];
	v20 =	vtrunc.f32 v55;
	v41 =	vcvt.f32.s32 v38;
	[tilespmem:$0x17C0] =	vst v22;
	v26 =	vadd.s32 $0xAAE60, v19  }
0x65: {  	v63 =	vld [tilespmem:$0x400];
	v32 =	vtrunc.f32 v13;
	v23 =	vcvt.f32.s32 v20;
	v40 =	vadd.s32 $0x927C0, v33;
	[tilespmem:$0x17D0] =	vst v26  }
0x66: {  	v29 =	vld [tilespmem:$0x450];
	v35 =	vcvt.f32.s32 v32;
	v36 =	vtrunc.f32 v17;
	v48 =	vadd.s32 $0x927C0, v41;
	[tilespmem:$0x1730] =	vst v40  }
0x67: {  	v37 =	vld [tilespmem:$0x470];
	v24 =	vtrunc.f32 v59;
	v39 =	vcvt.f32.s32 v36;
	v30 =	vadd.s32 $0xAAE60, v23;
	[tilespmem:$0x1750] =	vst v48  }
0x68: {  	v53 =	vld [tilespmem:$0x4B0];
	v27 =	vcvt.f32.s32 v24;
	v42 =	vadd.s32 $0xC3500, v35;
	v44 =	vtrunc.f32 v25;
	[tilespmem:$0x17E0] =	vst v30  }
0x69: {  	v57 =	vld [tilespmem:$0x4C0];
	v40 =	vtrunc.f32 v21;
	[tilespmem:$0x1810] =	vst v42;
	v46 =	vadd.s32 $0xC3500, v39;
	v47 =	vcvt.f32.s32 v44  }
0x6a: {  	v13 =	vld [tilespmem:$0x4E0];
	v28 =	vtrunc.f32 v63;
	v34 =	vadd.s32 $0xAAE60, v27;
	v43 =	vcvt.f32.s32 v40;
	[tilespmem:$0x1820] =	vst v46  }
0x6b: {  	v45 =	vld [tilespmem:$0x490];
	v48 =	vtrunc.f32 v29;
	v31 =	vcvt.f32.s32 v28;
	[tilespmem:$0x17F0] =	vst v34;
	v54 =	vadd.s32 $0xC3500, v47  }
0x6c: {  	v49 =	vld [tilespmem:$0x4A0];
	v56 =	vtrunc.f32 v37;
	v51 =	vcvt.f32.s32 v48;
	v50 =	vadd.s32 $0xC3500, v43;
	[tilespmem:$0x1840] =	vst v54  }
0x6d: {  	v17 =	vld [tilespmem:$0x4F0];
	v20 =	vtrunc.f32 v53;
	v59 =	vcvt.f32.s32 v56;
	v38 =	vadd.s32 $0xC3500, v31;
	[tilespmem:$0x1830] =	vst v50  }
0x6e: {  	v61 =	vld [tilespmem:$0x4D0];
	v24 =	vtrunc.f32 v57;
	v23 =	vcvt.f32.s32 v20;
	v58 =	vadd.s32 $0xC3500, v51;
	[tilespmem:$0x1800] =	vst v38  }
0x6f: {  	v33 =	vld [tilespmem:$0x460];
	v32 =	vtrunc.f32 v13;
	v27 =	vcvt.f32.s32 v24;
	v14 =	vadd.s32 $0xC3500, v59;
	[tilespmem:$0x1850] =	vst v58  }
0x70: {  	v41 =	vld [tilespmem:$0x480];
	v12 =	vtrunc.f32 v45;
	v35 =	vcvt.f32.s32 v32;
	v30 =	vadd.s32 $0xDBBA0, v23;
	[tilespmem:$0x1870] =	vst v14  }
0x71: {  	v25 =	vld [tilespmem:$0x510];
	v16 =	vtrunc.f32 v49;
	v15 =	vcvt.f32.s32 v12;
	v34 =	vadd.s32 $0xDBBA0, v27;
	[tilespmem:$0x18B0] =	vst v30  }
0x72: {  	v21 =	vld [tilespmem:$0x500];
	v36 =	vtrunc.f32 v17;
	v19 =	vcvt.f32.s32 v16;
	v42 =	vadd.s32 $0xDBBA0, v35;
	[tilespmem:$0x18C0] =	vst v34  }
0x73: {  	v29 =	vld [tilespmem:$0x520];
	v28 =	vtrunc.f32 v61;
	v39 =	vcvt.f32.s32 v36;
	v22 =	vadd.s32 $0xDBBA0, v15;
	[tilespmem:$0x18E0] =	vst v42  }
0x74: {  	v37 =	vld [tilespmem:$0x540];
	v52 =	vtrunc.f32 v33;
	v31 =	vcvt.f32.s32 v28;
	v26 =	vadd.s32 $0xDBBA0, v19;
	[tilespmem:$0x1890] =	vst v22  }
0x75: {  	v53 =	vld [tilespmem:$0x580];
	v60 =	vtrunc.f32 v41;
	v55 =	vcvt.f32.s32 v52;
	v46 =	vadd.s32 $0xDBBA0, v39;
	[tilespmem:$0x18A0] =	vst v26  }
0x76: {  	v57 =	vld [tilespmem:$0x590];
	v44 =	vtrunc.f32 v25;
	v63 =	vcvt.f32.s32 v60;
	v38 =	vadd.s32 $0xDBBA0, v31;
	[tilespmem:$0x18F0] =	vst v46  }
0x77: {  	v13 =	vld [tilespmem:$0x5B0];
	v40 =	vtrunc.f32 v21;
	v47 =	vcvt.f32.s32 v44;
	v62 =	vadd.s32 $0xC3500, v55;
	[tilespmem:$0x18D0] =	vst v38  }
0x78: {  	v45 =	vld [tilespmem:$0x560];
	v43 =	vcvt.f32.s32 v40;
	v48 =	vtrunc.f32 v29;
	v18 =	vadd.s32 $0xDBBA0, v63;
	[tilespmem:$0x1860] =	vst v62  }
0x79: {  	v49 =	vld [tilespmem:$0x570];
	v56 =	vtrunc.f32 v37;
	v51 =	vcvt.f32.s32 v48;
	v54 =	vadd.s32 $0xF4240, v47;
	[tilespmem:$0x1880] =	vst v18  }
0x7a: {  	v61 =	vld [tilespmem:$0x5A0];
	v20 =	vtrunc.f32 v53;
	v59 =	vcvt.f32.s32 v56;
	v50 =	vadd.s32 $0xF4240, v43;
	[tilespmem:$0x1910] =	vst v54  }
0x7b: {  	v17 =	vld [tilespmem:$0x5C0];
	v24 =	vtrunc.f32 v57;
	v23 =	vcvt.f32.s32 v20;
	[tilespmem:$0x1900] =	vst v50;
	v58 =	vadd.s32 $0xF4240, v51  }
0x7c: {  	v33 =	vld [tilespmem:$0x530];
	v32 =	vtrunc.f32 v13;
	v27 =	vcvt.f32.s32 v24;
	v14 =	vadd.s32 $0xF4240, v59;
	[tilespmem:$0x1920] =	vst v58  }
0x7d: {  	v41 =	vld [tilespmem:$0x550];
	v12 =	vtrunc.f32 v45;
	v35 =	vcvt.f32.s32 v32;
	v30 =	vadd.s32 $0x10C8E0, v23;
	[tilespmem:$0x1940] =	vst v14  }
0x7e: {  	v25 =	vld [tilespmem:$0x5E0];
	v16 =	vtrunc.f32 v49;
	v15 =	vcvt.f32.s32 v12;
	v34 =	vadd.s32 $0x10C8E0, v27;
	[tilespmem:$0x1980] =	vst v30  }
0x7f: {  	v21 =	vld [tilespmem:$0x5D0];
	v28 =	vtrunc.f32 v61;
	v19 =	vcvt.f32.s32 v16;
	v42 =	vadd.s32 $0x10C8E0, v35;
	[tilespmem:$0x1990] =	vst v34  }
0x80: {  	v29 =	vld [tilespmem:$0x5F0];
	v36 =	vtrunc.f32 v17;
	v31 =	vcvt.f32.s32 v28;
	v22 =	vadd.s32 $0xF4240, v15;
	[tilespmem:$0x19B0] =	vst v42  }
0x81: {  	v37 =	vld [tilespmem:$0x610];
	v39 =	vcvt.f32.s32 v36;
	v52 =	vtrunc.f32 v33;
	v26 =	vadd.s32 $0xF4240, v19;
	[tilespmem:$0x1960] =	vst v22  }
0x82: {  	v57 =	vld [tilespmem:$0x660];
	v60 =	vtrunc.f32 v41;
	v55 =	vcvt.f32.s32 v52;
	v38 =	vadd.s32 $0x10C8E0, v31;
	[tilespmem:$0x1970] =	vst v26  }
0x83: {  	v45 =	vld [tilespmem:$0x630];
	v44 =	vtrunc.f32 v25;
	v63 =	vcvt.f32.s32 v60;
	v46 =	vadd.s32 $0x10C8E0, v39;
	[tilespmem:$0x19A0] =	vst v38  }
0x84: {  	v49 =	vld [tilespmem:$0x640];
	v40 =	vtrunc.f32 v21;
	v47 =	vcvt.f32.s32 v44;
	[tilespmem:$0x19C0] =	vst v46;
	v62 =	vadd.s32 $0xF4240, v55  }
0x85: {  	v53 =	vld [tilespmem:$0x650];
	v43 =	vcvt.f32.s32 v40;
	v48 =	vtrunc.f32 v29;
	v18 =	vadd.s32 $0xF4240, v63;
	[tilespmem:$0x1930] =	vst v62  }
0x86: {  	v61 =	vld [tilespmem:$0x670];
	v56 =	vtrunc.f32 v37;
	v51 =	vcvt.f32.s32 v48;
	v54 =	vadd.s32 $0x10C8E0, v47;
	[tilespmem:$0x1950] =	vst v18  }
0x87: {  	v33 =	vld [tilespmem:$0x600];
	v19 =	vtrunc.f32 v57;
	v59 =	vcvt.f32.s32 v56;
	v50 =	vadd.s32 $0x10C8E0, v43;
	[tilespmem:$0x19E0] =	vst v54  }
0x88: {  	v41 =	vld [tilespmem:$0x620];
	v10 =	vtrunc.f32 v45;
	v21 =	vcvt.f32.s32 v19;
	[tilespmem:$0x19D0] =	vst v50;
	v58 =	vadd.s32 $0x10C8E0, v51  }
0x89: {  	v13 =	vtrunc.f32 v49;
	v12 =	vcvt.f32.s32 v10;
	v11 =	vadd.s32 $0x124F80, v59;
	[tilespmem:$0x19F0] =	vst v58  }
0x8a: {  	v16 =	vtrunc.f32 v53;
	v15 =	vcvt.f32.s32 v13;
	v25 =	vadd.s32 $0x124F80, v21;
	[tilespmem:$0x1A10] =	vst v11  }
0x8b: {  	v22 =	vtrunc.f32 v61;
	v18 =	vcvt.f32.s32 v16;
	v17 =	vadd.s32 $0x124F80, v12;
	[tilespmem:$0x1A60] =	vst v25  }
0x8c: {  	v24 =	vcvt.f32.s32 v22;
	v52 =	vtrunc.f32 v33;
	v20 =	vadd.s32 $0x124F80, v15;
	[tilespmem:$0x1A30] =	vst v17  }
0x8d: {  	v60 =	vtrunc.f32 v41;
	v55 =	vcvt.f32.s32 v52;
	v23 =	vadd.s32 $0x124F80, v18;
	[tilespmem:$0x1A40] =	vst v20  }
0x8e: {  	v63 =	vcvt.f32.s32 v60;
	v26 =	vadd.s32 $0x124F80, v24;
	[tilespmem:$0x1A50] =	vst v23  }
0x8f: {  	[tilespmem:$0x1A70] =	vst v26;
	v62 =	vadd.s32 $0x124F80, v55  }
0x90: {  	v14 =	vadd.s32 $0x124F80, v63;
	[tilespmem:$0x1A00] =	vst v62  }
0x91: {  	[tilespmem:$0x1A20] =	vst v14  }
0x92: {  	[tilespmem:s20], [sflag:$0x1] =	stream.indirect.gather [hbm4b:s1+s18], $0x1, s19, s18, $0xb8;
	[tilespmem:$0x2F80] =	vst v63  }
0x93: {  	_ =	swait.ge [sflag:s21], $0x800  }
0x94: {  	[sflag:s21] =	ssyncset.done $0x0  }
0x95: {  	[sflag:s21] =	ssyncadd.s32 $0xFFFFF800  }
0x96: {  	_ =	swait.ge [sflag:s21], $0x380  }
0x97: {  	[sflag:s21] =	ssyncset.done $0x0  }
0x98: {  	[sflag:s21] =	ssyncadd.s32 $0xFFFFFC80  }
0x99: {  	_ =	swait.ge [sflag:s21], $0x80  }
0x9a: {  	[sflag:s21] =	ssyncset.done $0x0  }
0x9b: {  	[sflag:s21] =	ssyncadd.s32 $0xFFFFFF80  }
0x9c: {  	_ =	swait.ge [sflag:s21], $0x80  }
0x9d: {  	[sflag:s21] =	ssyncset.done $0x0  }
0x9e: {  	[sflag:s21] =	ssyncadd.s32 $0xFFFFFF80  }
0x9f: {  	v27 =	vld [tilespmem:$0x680]  }
0xa0: {  	v28 =	vld [tilespmem:$0x690]  }
0xa1: {  	v29 =	vld [tilespmem:$0x6A0]  }
0xa2: {  	v30 =	vld [tilespmem:$0x6B0]  }
0xa3: {  	v31 =	vld [tilespmem:$0x6C0]  }
0xa4: {  	v32 =	vld [tilespmem:$0x6D0];
	v1 =	vtrunc.f32 v27  }
0xa5: {  	v33 =	vld [tilespmem:$0x6E0];
	v2 =	vtrunc.f32 v28;
	v1 =	vcvt.f32.s32 v1  }
0xa6: {  	v34 =	vld [tilespmem:$0x6F0];
	v3 =	vtrunc.f32 v29;
	v2 =	vcvt.f32.s32 v2  }
0xa7: {  	v35 =	vld [tilespmem:$0x700];
	v4 =	vtrunc.f32 v30;
	v3 =	vcvt.f32.s32 v3;
	v1 =	vadd.s32 $0x13D620, v1  }
0xa8: {  	v39 =	vld [tilespmem:$0x710];
	v38 =	vtrunc.f32 v31;
	v37 =	vcvt.f32.s32 v4;
	v36 =	vadd.s32 $0x13D620, v2;
	[tilespmem:$0x1A80] =	vst v1  }
0xa9: {  	v43 =	vld [tilespmem:$0x720];
	v42 =	vtrunc.f32 v32;
	v41 =	vcvt.f32.s32 v38;
	v40 =	vadd.s32 $0x13D620, v3;
	[tilespmem:$0x1A90] =	vst v36  }
0xaa: {  	v47 =	vld [tilespmem:$0x730];
	v46 =	vtrunc.f32 v33;
	v45 =	vcvt.f32.s32 v42;
	v44 =	vadd.s32 $0x13D620, v37;
	[tilespmem:$0x1AA0] =	vst v40  }
0xab: {  	v51 =	vld [tilespmem:$0x740];
	v50 =	vtrunc.f32 v34;
	v49 =	vcvt.f32.s32 v46;
	v48 =	vadd.s32 $0x13D620, v41;
	[tilespmem:$0x1AB0] =	vst v44  }
0xac: {  	v55 =	vld [tilespmem:$0x750];
	v54 =	vtrunc.f32 v35;
	v53 =	vcvt.f32.s32 v50;
	v52 =	vadd.s32 $0x13D620, v45;
	[tilespmem:$0x1AC0] =	vst v48  }
0xad: {  	v59 =	vld [tilespmem:$0x760];
	v58 =	vtrunc.f32 v39;
	v57 =	vcvt.f32.s32 v54;
	v56 =	vadd.s32 $0x13D620, v49;
	[tilespmem:$0x1AD0] =	vst v52  }
0xae: {  	v63 =	vld [tilespmem:$0x770];
	v62 =	vtrunc.f32 v43;
	v61 =	vcvt.f32.s32 v58;
	v60 =	vadd.s32 $0x13D620, v53;
	[tilespmem:$0x1AE0] =	vst v56  }
0xaf: {  	v15 =	vld [tilespmem:$0x780];
	v14 =	vtrunc.f32 v47;
	v13 =	vcvt.f32.s32 v62;
	v12 =	vadd.s32 $0x155CC0, v57;
	[tilespmem:$0x1AF0] =	vst v60  }
0xb0: {  	v19 =	vld [tilespmem:$0x790];
	v18 =	vtrunc.f32 v51;
	v17 =	vcvt.f32.s32 v14;
	v16 =	vadd.s32 $0x155CC0, v61;
	[tilespmem:$0x1B00] =	vst v12  }
0xb1: {  	v23 =	vld [tilespmem:$0x7A0];
	v22 =	vtrunc.f32 v55;
	v21 =	vcvt.f32.s32 v18;
	v20 =	vadd.s32 $0x155CC0, v13;
	[tilespmem:$0x1B10] =	vst v16  }
0xb2: {  	v26 =	vtrunc.f32 v59;
	v27 =	vld [tilespmem:$0x7B0];
	v25 =	vcvt.f32.s32 v22;
	v24 =	vadd.s32 $0x155CC0, v17;
	[tilespmem:$0x1B20] =	vst v20  }
0xb3: {  	v30 =	vtrunc.f32 v63;
	v31 =	vld [tilespmem:$0x7C0];
	v29 =	vcvt.f32.s32 v26;
	v28 =	vadd.s32 $0x155CC0, v21;
	[tilespmem:$0x1B30] =	vst v24  }
0xb4: {  	v34 =	vtrunc.f32 v15;
	v35 =	vld [tilespmem:$0x7D0];
	v33 =	vcvt.f32.s32 v30;
	v32 =	vadd.s32 $0x155CC0, v25;
	[tilespmem:$0x1B40] =	vst v28  }
0xb5: {  	v39 =	vld [tilespmem:$0x7E0];
	v38 =	vtrunc.f32 v19;
	v37 =	vcvt.f32.s32 v34;
	[tilespmem:$0x1B50] =	vst v32;
	v36 =	vadd.s32 $0x155CC0, v29  }
0xb6: {  	v43 =	vld [tilespmem:$0x7F0];
	v42 =	vtrunc.f32 v23;
	v41 =	vcvt.f32.s32 v38;
	v40 =	vadd.s32 $0x155CC0, v33;
	[tilespmem:$0x1B60] =	vst v36  }
0xb7: {  	v47 =	vld [tilespmem:$0x800];
	v45 =	vcvt.f32.s32 v42;
	[tilespmem:$0x1B70] =	vst v40;
	v44 =	vadd.s32 $0x16E360, v37;
	v46 =	vtrunc.f32 v27  }
0xb8: {  	v51 =	vld [tilespmem:$0x810];
	v48 =	vadd.s32 $0x16E360, v41;
	v50 =	vtrunc.f32 v31;
	[tilespmem:$0x1B80] =	vst v44;
	v49 =	vcvt.f32.s32 v46  }
0xb9: {  	v55 =	vld [tilespmem:$0x820];
	v52 =	vadd.s32 $0x16E360, v45;
	v54 =	vtrunc.f32 v35;
	[tilespmem:$0x1B90] =	vst v48;
	v53 =	vcvt.f32.s32 v50  }
0xba: {  	v58 =	vtrunc.f32 v39;
	[tilespmem:$0x1BA0] =	vst v52;
	v57 =	vcvt.f32.s32 v54;
	v56 =	vadd.s32 $0x16E360, v49  }
0xbb: {  	v61 =	vtrunc.f32 v43;
	v60 =	vcvt.f32.s32 v58;
	v59 =	vadd.s32 $0x16E360, v53;
	[tilespmem:$0x1BB0] =	vst v56  }
0xbc: {  	v8 =	vtrunc.f32 v47;
	v63 =	vcvt.f32.s32 v61;
	v62 =	vadd.s32 $0x16E360, v57;
	[tilespmem:$0x1BC0] =	vst v59  }
0xbd: {  	v11 =	vtrunc.f32 v51;
	v10 =	vcvt.f32.s32 v8;
	v9 =	vadd.s32 $0x16E360, v60;
	[tilespmem:$0x1BD0] =	vst v62  }
0xbe: {  	v14 =	vtrunc.f32 v55;
	v13 =	vcvt.f32.s32 v11;
	v12 =	vadd.s32 $0x16E360, v63;
	[tilespmem:$0x1BE0] =	vst v9  }
0xbf: {  	v16 =	vcvt.f32.s32 v14;
	v15 =	vadd.s32 $0x186A00, v10;
	[tilespmem:$0x1BF0] =	vst v12  }
0xc0: {  	v17 =	vadd.s32 $0x186A00, v13;
	[tilespmem:$0x1C00] =	vst v15  }
0xc1: {  	v18 =	vadd.s32 $0x186A00, v16;
	[tilespmem:$0x1C10] =	vst v17  }
0xc2: {  	v19 =	vld [tilespmem:$0x830];
	[tilespmem:$0x1C20] =	vst v18  }
0xc3: {  	v20 =	vld [tilespmem:$0x840]  }
0xc4: {  	v21 =	vld [tilespmem:$0x850]  }
0xc5: {  	v22 =	vld [tilespmem:$0x860]  }
0xc6: {  	v23 =	vld [tilespmem:$0x870]  }
0xc7: {  	v1 =	vtrunc.f32 v19;
	v24 =	vld [tilespmem:$0x880]  }
0xc8: {  	v1 =	vcvt.f32.s32 v1;
	v25 =	vld [tilespmem:$0x890];
	v2 =	vtrunc.f32 v20  }
0xc9: {  	v26 =	vld [tilespmem:$0x8A0];
	v3 =	vtrunc.f32 v21;
	v2 =	vcvt.f32.s32 v2  }
0xca: {  	v1 =	vadd.s32 $0x186A00, v1;
	v27 =	vld [tilespmem:$0x8B0];
	v4 =	vtrunc.f32 v22;
	v3 =	vcvt.f32.s32 v3  }
0xcb: {  	[tilespmem:$0x1C30] =	vst v1;
	v31 =	vld [tilespmem:$0x8C0];
	v30 =	vtrunc.f32 v23;
	v29 =	vcvt.f32.s32 v4;
	v28 =	vadd.s32 $0x186A00, v2  }
0xcc: {  	v35 =	vld [tilespmem:$0x8D0];
	v34 =	vtrunc.f32 v24;
	v33 =	vcvt.f32.s32 v30;
	v32 =	vadd.s32 $0x186A00, v3;
	[tilespmem:$0x1C40] =	vst v28  }
0xcd: {  	v39 =	vld [tilespmem:$0x8E0];
	v38 =	vtrunc.f32 v25;
	v37 =	vcvt.f32.s32 v34;
	v36 =	vadd.s32 $0x186A00, v29;
	[tilespmem:$0x1C50] =	vst v32  }
0xce: {  	v43 =	vld [tilespmem:$0x8F0];
	v42 =	vtrunc.f32 v26;
	v41 =	vcvt.f32.s32 v38;
	v40 =	vadd.s32 $0x186A00, v33;
	[tilespmem:$0x1C60] =	vst v36  }
0xcf: {  	v47 =	vld [tilespmem:$0x900];
	v46 =	vtrunc.f32 v27;
	v45 =	vcvt.f32.s32 v42;
	v44 =	vadd.s32 $0x19F0A0, v37;
	[tilespmem:$0x1C70] =	vst v40  }
0xd0: {  	v51 =	vld [tilespmem:$0x910];
	v50 =	vtrunc.f32 v31;
	v49 =	vcvt.f32.s32 v46;
	v48 =	vadd.s32 $0x19F0A0, v41;
	[tilespmem:$0x1C80] =	vst v44  }
0xd1: {  	v55 =	vld [tilespmem:$0x920];
	v54 =	vtrunc.f32 v35;
	v53 =	vcvt.f32.s32 v50;
	v52 =	vadd.s32 $0x19F0A0, v45;
	[tilespmem:$0x1C90] =	vst v48  }
0xd2: {  	v59 =	vld [tilespmem:$0x930];
	v58 =	vtrunc.f32 v39;
	v57 =	vcvt.f32.s32 v54;
	v56 =	vadd.s32 $0x19F0A0, v49;
	[tilespmem:$0x1CA0] =	vst v52  }
0xd3: {  	v63 =	vld [tilespmem:$0x940];
	v62 =	vtrunc.f32 v43;
	v61 =	vcvt.f32.s32 v58;
	v60 =	vadd.s32 $0x19F0A0, v53;
	[tilespmem:$0x1CB0] =	vst v56  }
0xd4: {  	v15 =	vld [tilespmem:$0x950];
	v14 =	vtrunc.f32 v47;
	v13 =	vcvt.f32.s32 v62;
	v12 =	vadd.s32 $0x19F0A0, v57;
	[tilespmem:$0x1CC0] =	vst v60  }
0xd5: {  	v19 =	vld [tilespmem:$0x960];
	v18 =	vtrunc.f32 v51;
	v17 =	vcvt.f32.s32 v14;
	v16 =	vadd.s32 $0x19F0A0, v61;
	[tilespmem:$0x1CD0] =	vst v12  }
0xd6: {  	v22 =	vtrunc.f32 v55;
	v23 =	vld [tilespmem:$0x970];
	v21 =	vcvt.f32.s32 v18;
	v20 =	vadd.s32 $0x19F0A0, v13;
	[tilespmem:$0x1CE0] =	vst v16  }
0xd7: {  	v26 =	vtrunc.f32 v59;
	v27 =	vld [tilespmem:$0x980];
	v25 =	vcvt.f32.s32 v22;
	v24 =	vadd.s32 $0x1B7740, v17;
	[tilespmem:$0x1CF0] =	vst v20  }
0xd8: {  	v31 =	vld [tilespmem:$0x990];
	v30 =	vtrunc.f32 v63;
	v29 =	vcvt.f32.s32 v26;
	[tilespmem:$0x1D00] =	vst v24;
	v28 =	vadd.s32 $0x1B7740, v21  }
0xd9: {  	v35 =	vld [tilespmem:$0x9A0];
	v34 =	vtrunc.f32 v15;
	v33 =	vcvt.f32.s32 v30;
	v32 =	vadd.s32 $0x1B7740, v25;
	[tilespmem:$0x1D10] =	vst v28  }
0xda: {  	v39 =	vld [tilespmem:$0x9B0];
	v38 =	vtrunc.f32 v19;
	v37 =	vcvt.f32.s32 v34;
	[tilespmem:$0x1D20] =	vst v32;
	v36 =	vadd.s32 $0x1B7740, v29  }
0xdb: {  	v43 =	vld [tilespmem:$0x9C0];
	v41 =	vcvt.f32.s32 v38;
	v40 =	vadd.s32 $0x1B7740, v33;
	v42 =	vtrunc.f32 v23;
	[tilespmem:$0x1D30] =	vst v36  }
0xdc: {  	v47 =	vld [tilespmem:$0x9D0];
	v44 =	vadd.s32 $0x1B7740, v37;
	v46 =	vtrunc.f32 v27;
	[tilespmem:$0x1D40] =	vst v40;
	v45 =	vcvt.f32.s32 v42  }
0xdd: {  	v51 =	vld [tilespmem:$0x9E0];
	v48 =	vadd.s32 $0x1B7740, v41;
	v50 =	vtrunc.f32 v31;
	[tilespmem:$0x1D50] =	vst v44;
	v49 =	vcvt.f32.s32 v46  }
0xde: {  	v55 =	vld [tilespmem:$0x9F0];
	v54 =	vtrunc.f32 v35;
	[tilespmem:$0x1D60] =	vst v48;
	v53 =	vcvt.f32.s32 v50;
	v52 =	vadd.s32 $0x1B7740, v45  }
0xdf: {  	v59 =	vld [tilespmem:$0xA00];
	v58 =	vtrunc.f32 v39;
	v57 =	vcvt.f32.s32 v54;
	v56 =	vadd.s32 $0x1CFDE0, v49;
	[tilespmem:$0x1D70] =	vst v52  }
0xe0: {  	v63 =	vld [tilespmem:$0xA10];
	v62 =	vtrunc.f32 v43;
	v61 =	vcvt.f32.s32 v58;
	v60 =	vadd.s32 $0x1CFDE0, v53;
	[tilespmem:$0x1D80] =	vst v56  }
0xe1: {  	v15 =	vld [tilespmem:$0xA20];
	v14 =	vtrunc.f32 v47;
	v13 =	vcvt.f32.s32 v62;
	v12 =	vadd.s32 $0x1CFDE0, v57;
	[tilespmem:$0x1D90] =	vst v60  }
0xe2: {  	v19 =	vld [tilespmem:$0xA30];
	v18 =	vtrunc.f32 v51;
	v17 =	vcvt.f32.s32 v14;
	v16 =	vadd.s32 $0x1CFDE0, v61;
	[tilespmem:$0x1DA0] =	vst v12  }
0xe3: {  	v22 =	vtrunc.f32 v55;
	v23 =	vld [tilespmem:$0xA40];
	v21 =	vcvt.f32.s32 v18;
	v20 =	vadd.s32 $0x1CFDE0, v13;
	[tilespmem:$0x1DB0] =	vst v16  }
0xe4: {  	v26 =	vtrunc.f32 v59;
	v27 =	vld [tilespmem:$0xA50];
	v25 =	vcvt.f32.s32 v22;
	v24 =	vadd.s32 $0x1CFDE0, v17;
	[tilespmem:$0x1DC0] =	vst v20  }
0xe5: {  	v31 =	vld [tilespmem:$0xA60];
	v29 =	vcvt.f32.s32 v26;
	v30 =	vtrunc.f32 v63;
	v28 =	vadd.s32 $0x1CFDE0, v21;
	[tilespmem:$0x1DD0] =	vst v24  }
0xe6: {  	v35 =	vld [tilespmem:$0xA70];
	v34 =	vtrunc.f32 v15;
	v33 =	vcvt.f32.s32 v30;
	v32 =	vadd.s32 $0x1CFDE0, v25;
	[tilespmem:$0x1DE0] =	vst v28  }
0xe7: {  	v39 =	vld [tilespmem:$0xA80];
	v38 =	vtrunc.f32 v19;
	v37 =	vcvt.f32.s32 v34;
	v36 =	vadd.s32 $0x1E8480, v29;
	[tilespmem:$0x1DF0] =	vst v32  }
0xe8: {  	v43 =	vld [tilespmem:$0xA90];
	v41 =	vcvt.f32.s32 v38;
	[tilespmem:$0x1E00] =	vst v36;
	v40 =	vadd.s32 $0x1E8480, v33;
	v42 =	vtrunc.f32 v23  }
0xe9: {  	v47 =	vld [tilespmem:$0xAA0];
	v44 =	vadd.s32 $0x1E8480, v37;
	[tilespmem:$0x1E10] =	vst v40;
	v46 =	vtrunc.f32 v27;
	v45 =	vcvt.f32.s32 v42  }
0xea: {  	v51 =	vld [tilespmem:$0xAB0];
	v48 =	vadd.s32 $0x1E8480, v41;
	[tilespmem:$0x1E20] =	vst v44;
	v50 =	vtrunc.f32 v31;
	v49 =	vcvt.f32.s32 v46  }
0xeb: {  	v55 =	vld [tilespmem:$0xAC0];
	[tilespmem:$0x1E30] =	vst v48;
	v54 =	vtrunc.f32 v35;
	v53 =	vcvt.f32.s32 v50;
	v52 =	vadd.s32 $0x1E8480, v45  }
0xec: {  	v59 =	vld [tilespmem:$0xAD0];
	v58 =	vtrunc.f32 v39;
	v57 =	vcvt.f32.s32 v54;
	v56 =	vadd.s32 $0x1E8480, v49;
	[tilespmem:$0x1E40] =	vst v52  }
0xed: {  	v63 =	vld [tilespmem:$0xAE0];
	v62 =	vtrunc.f32 v43;
	v61 =	vcvt.f32.s32 v58;
	v60 =	vadd.s32 $0x1E8480, v53;
	[tilespmem:$0x1E50] =	vst v56  }
0xee: {  	v15 =	vld [tilespmem:$0xAF0];
	v14 =	vtrunc.f32 v47;
	v13 =	vcvt.f32.s32 v62;
	v12 =	vadd.s32 $0x1E8480, v57;
	[tilespmem:$0x1E60] =	vst v60  }
0xef: {  	v19 =	vld [tilespmem:$0xB00];
	v18 =	vtrunc.f32 v51;
	v17 =	vcvt.f32.s32 v14;
	v16 =	vadd.s32 $0x200B20, v61;
	[tilespmem:$0x1E70] =	vst v12  }
0xf0: {  	v22 =	vtrunc.f32 v55;
	v23 =	vld [tilespmem:$0xB10];
	v21 =	vcvt.f32.s32 v18;
	v20 =	vadd.s32 $0x200B20, v13;
	[tilespmem:$0x1E80] =	vst v16  }
0xf1: {  	v26 =	vtrunc.f32 v59;
	v27 =	vld [tilespmem:$0xB20];
	v25 =	vcvt.f32.s32 v22;
	v24 =	vadd.s32 $0x200B20, v17;
	[tilespmem:$0x1E90] =	vst v20  }
0xf2: {  	v31 =	vld [tilespmem:$0xB30];
	v29 =	vcvt.f32.s32 v26;
	v30 =	vtrunc.f32 v63;
	v28 =	vadd.s32 $0x200B20, v21;
	[tilespmem:$0x1EA0] =	vst v24  }
0xf3: {  	v35 =	vld [tilespmem:$0xB40];
	v34 =	vtrunc.f32 v15;
	v33 =	vcvt.f32.s32 v30;
	v32 =	vadd.s32 $0x200B20, v25;
	[tilespmem:$0x1EB0] =	vst v28  }
0xf4: {  	v39 =	vld [tilespmem:$0xB50];
	v38 =	vtrunc.f32 v19;
	v37 =	vcvt.f32.s32 v34;
	v36 =	vadd.s32 $0x200B20, v29;
	[tilespmem:$0x1EC0] =	vst v32  }
0xf5: {  	v43 =	vld [tilespmem:$0xB60];
	v41 =	vcvt.f32.s32 v38;
	[tilespmem:$0x1ED0] =	vst v36;
	v40 =	vadd.s32 $0x200B20, v33;
	v42 =	vtrunc.f32 v23  }
0xf6: {  	v47 =	vld [tilespmem:$0xB70];
	v44 =	vadd.s32 $0x200B20, v37;
	[tilespmem:$0x1EE0] =	vst v40;
	v46 =	vtrunc.f32 v27;
	v45 =	vcvt.f32.s32 v42  }
0xf7: {  	v51 =	vld [tilespmem:$0xB80];
	v48 =	vadd.s32 $0x2191C0, v41;
	[tilespmem:$0x1EF0] =	vst v44;
	v50 =	vtrunc.f32 v31;
	v49 =	vcvt.f32.s32 v46  }
0xf8: {  	v55 =	vld [tilespmem:$0xB90];
	[tilespmem:$0x1F00] =	vst v48;
	v54 =	vtrunc.f32 v35;
	v53 =	vcvt.f32.s32 v50;
	v52 =	vadd.s32 $0x2191C0, v45  }
0xf9: {  	v59 =	vld [tilespmem:$0xBA0];
	v58 =	vtrunc.f32 v39;
	v57 =	vcvt.f32.s32 v54;
	v56 =	vadd.s32 $0x2191C0, v49;
	[tilespmem:$0x1F10] =	vst v52  }
0xfa: {  	v63 =	vld [tilespmem:$0xBB0];
	v62 =	vtrunc.f32 v43;
	v61 =	vcvt.f32.s32 v58;
	v60 =	vadd.s32 $0x2191C0, v53;
	[tilespmem:$0x1F20] =	vst v56  }
0xfb: {  	v15 =	vld [tilespmem:$0xBC0];
	v14 =	vtrunc.f32 v47;
	v13 =	vcvt.f32.s32 v62;
	v12 =	vadd.s32 $0x2191C0, v57;
	[tilespmem:$0x1F30] =	vst v60  }
0xfc: {  	v19 =	vld [tilespmem:$0xBD0];
	v18 =	vtrunc.f32 v51;
	v17 =	vcvt.f32.s32 v14;
	v16 =	vadd.s32 $0x2191C0, v61;
	[tilespmem:$0x1F40] =	vst v12  }
0xfd: {  	v22 =	vtrunc.f32 v55;
	v23 =	vld [tilespmem:$0xBE0];
	v21 =	vcvt.f32.s32 v18;
	v20 =	vadd.s32 $0x2191C0, v13;
	[tilespmem:$0x1F50] =	vst v16  }
0xfe: {  	v26 =	vtrunc.f32 v59;
	v27 =	vld [tilespmem:$0xBF0];
	v25 =	vcvt.f32.s32 v22;
	v24 =	vadd.s32 $0x2191C0, v17;
	[tilespmem:$0x1F60] =	vst v20  }
0xff: {  	v31 =	vld [tilespmem:$0xC00];
	v29 =	vcvt.f32.s32 v26;
	v30 =	vtrunc.f32 v63;
	v28 =	vadd.s32 $0x231860, v21;
	[tilespmem:$0x1F70] =	vst v24  }
0x100: {  	v35 =	vld [tilespmem:$0xC10];
	v34 =	vtrunc.f32 v15;
	v33 =	vcvt.f32.s32 v30;
	v32 =	vadd.s32 $0x231860, v25;
	[tilespmem:$0x1F80] =	vst v28  }
0x101: {  	v39 =	vld [tilespmem:$0xC20];
	v38 =	vtrunc.f32 v19;
	v37 =	vcvt.f32.s32 v34;
	v36 =	vadd.s32 $0x231860, v29;
	[tilespmem:$0x1F90] =	vst v32  }
0x102: {  	v43 =	vld [tilespmem:$0xC30];
	v41 =	vcvt.f32.s32 v38;
	[tilespmem:$0x1FA0] =	vst v36;
	v40 =	vadd.s32 $0x231860, v33;
	v42 =	vtrunc.f32 v23  }
0x103: {  	v47 =	vld [tilespmem:$0xC40];
	v44 =	vadd.s32 $0x231860, v37;
	[tilespmem:$0x1FB0] =	vst v40;
	v46 =	vtrunc.f32 v27;
	v45 =	vcvt.f32.s32 v42  }
0x104: {  	v51 =	vld [tilespmem:$0xC50];
	v48 =	vadd.s32 $0x231860, v41;
	[tilespmem:$0x1FC0] =	vst v44;
	v50 =	vtrunc.f32 v31;
	v49 =	vcvt.f32.s32 v46  }
0x105: {  	v55 =	vld [tilespmem:$0xC60];
	[tilespmem:$0x1FD0] =	vst v48;
	v54 =	vtrunc.f32 v35;
	v53 =	vcvt.f32.s32 v50;
	v52 =	vadd.s32 $0x231860, v45  }
0x106: {  	v59 =	vld [tilespmem:$0xC70];
	v58 =	vtrunc.f32 v39;
	v57 =	vcvt.f32.s32 v54;
	v56 =	vadd.s32 $0x231860, v49;
	[tilespmem:$0x1FE0] =	vst v52  }
0x107: {  	v63 =	vld [tilespmem:$0xC80];
	v62 =	vtrunc.f32 v43;
	v61 =	vcvt.f32.s32 v58;
	v60 =	vadd.s32 $0x249F00, v53;
	[tilespmem:$0x1FF0] =	vst v56  }
0x108: {  	v14 =	vld [tilespmem:$0xC90];
	v13 =	vtrunc.f32 v47;
	v12 =	vcvt.f32.s32 v62;
	v11 =	vadd.s32 $0x249F00, v57;
	[tilespmem:$0x2000] =	vst v60  }
0x109: {  	v18 =	vld [tilespmem:$0xCA0];
	v17 =	vtrunc.f32 v51;
	v16 =	vcvt.f32.s32 v13;
	v15 =	vadd.s32 $0x249F00, v61;
	[tilespmem:$0x2010] =	vst v11  }
0x10a: {  	v22 =	vld [tilespmem:$0xCB0];
	v21 =	vtrunc.f32 v55;
	v20 =	vcvt.f32.s32 v17;
	v19 =	vadd.s32 $0x249F00, v12;
	[tilespmem:$0x2020] =	vst v15  }
0x10b: {  	v26 =	vld [tilespmem:$0xCC0];
	v25 =	vtrunc.f32 v59;
	v24 =	vcvt.f32.s32 v21;
	v23 =	vadd.s32 $0x249F00, v16;
	[tilespmem:$0x2030] =	vst v19  }
0x10c: {  	v30 =	vld [tilespmem:$0xCD0];
	v28 =	vcvt.f32.s32 v25;
	v29 =	vtrunc.f32 v63;
	v27 =	vadd.s32 $0x249F00, v20;
	[tilespmem:$0x2040] =	vst v23  }
0x10d: {  	v34 =	vld [tilespmem:$0xCE0];
	v33 =	vtrunc.f32 v14;
	v32 =	vcvt.f32.s32 v29;
	v31 =	vadd.s32 $0x249F00, v24;
	[tilespmem:$0x2050] =	vst v27  }
0x10e: {  	v38 =	vld [tilespmem:$0xCF0];
	v37 =	vtrunc.f32 v18;
	v36 =	vcvt.f32.s32 v33;
	v35 =	vadd.s32 $0x249F00, v28;
	[tilespmem:$0x2060] =	vst v31  }
0x10f: {  	v41 =	vtrunc.f32 v22;
	v40 =	vcvt.f32.s32 v37;
	[tilespmem:$0x2070] =	vst v35;
	v39 =	vadd.s32 $0x2625A0, v32  }
0x110: {  	v44 =	vtrunc.f32 v26;
	v43 =	vcvt.f32.s32 v41;
	v42 =	vadd.s32 $0x2625A0, v36;
	[tilespmem:$0x2080] =	vst v39  }
0x111: {  	v0 =	vld [tilespmem:$0x1FFF0];
	v46 =	vcvt.f32.s32 v44;
	v47 =	vtrunc.f32 v30;
	v45 =	vadd.s32 $0x2625A0, v40;
	[tilespmem:$0x2090] =	vst v42  }
0x112: {  	v50 =	vtrunc.f32 v34;
	v49 =	vcvt.f32.s32 v47;
	v48 =	vadd.s32 $0x2625A0, v43;
	[tilespmem:$0x20A0] =	vst v45  }
0x113: {  	v53 =	vtrunc.f32 v38;
	v51 =	vadd.s32 $0x2625A0, v46;
	v52 =	vcvt.f32.s32 v50;
	[tilespmem:$0x20B0] =	vst v48  }
0x114: {  	v55 =	vcvt.f32.s32 v53;
	[tilespmem:$0x20C0] =	vst v51;
	v54 =	vadd.s32 $0x2625A0, v49  }
0x115: {  	[tilespmem:$0x20D0] =	vst v54;
	v56 =	vadd.s32 $0x2625A0, v52  }
0x116: {  	v57 =	vadd.s32 $0x2625A0, v55;
	[tilespmem:$0x20E0] =	vst v56  }
0x117: {  	[tilespmem:$0x20F0] =	vst v57  }
0x118: {  	[tilespmem:s23], [sflag:$0x2] =	stream.indirect.gather [hbm4b:s1+s18], $0x1, s22, s18, $0xb8;
	[tilespmem:$0x2F80] =	vst v63  }
0x119: {  	v2 =	vld.idx.msk [tilespmem:v0+s15+$0x0], $0xffff  }
0x11a: {  	v1 =	vld.msk [tilespmem:s16+$0x0], $0xffff  }
0x11b: {  	v58 =	vld [tilespmem:$0xD00]  }
0x11c: {  	v59 =	vld [tilespmem:$0xD80]  }
0x11d: {  	v60 =	vld [tilespmem:$0xE00]  }
0x11e: {  	v61 =	vld [tilespmem:$0xE80]  }
0x11f: {  	v62 =	vld [tilespmem:$0xF00]  }
0x120: {  	v63 =	vld [tilespmem:$0xF80]  }
0x121: {  	v16 =	vld [tilespmem:$0x1000]  }
0x122: {  	v19 =	vld [tilespmem:$0x1080]  }
0x123: {  	v20 =	vld [tilespmem:$0x1100]  }
0x124: {  	v22 =	vld [tilespmem:$0x1180]  }
0x125: {  	v23 =	vld [tilespmem:$0x1200]  }
0x126: {  	v24 =	vld [tilespmem:$0x1280]  }
0x127: {  	v25 =	vld [tilespmem:$0x1300]  }
0x128: {  	v17 =	vld [tilespmem:$0xD10]  }
0x129: {  	v26 =	vld [tilespmem:$0xD90]  }
0x12a: {  	v27 =	vld [tilespmem:$0xE10]  }
0x12b: {  	v28 =	vld [tilespmem:$0xE90]  }
0x12c: {  	v29 =	vld [tilespmem:$0xF10]  }
0x12d: {  	v30 =	vld [tilespmem:$0xF90]  }
0x12e: {  	v31 =	vld [tilespmem:$0x1010]  }
0x12f: {  	v32 =	vld [tilespmem:$0x1090]  }
0x130: {  	v33 =	vld [tilespmem:$0x1110]  }
0x131: {  	v34 =	vld [tilespmem:$0x1190]  }
0x132: {  	v35 =	vld [tilespmem:$0x1210]  }
0x133: {  	v36 =	vld [tilespmem:$0x1290]  }
0x134: {  	v11 =	vld [tilespmem:$0x1310]  }
0x135: {  	v37 =	vld [tilespmem:$0xD20]  }
0x136: {  	v38 =	vld [tilespmem:$0xDA0]  }
0x137: {  	v39 =	vld [tilespmem:$0xE20]  }
0x138: {  	v40 =	vld [tilespmem:$0xEA0]  }
0x139: {  	v41 =	vld [tilespmem:$0xF20]  }
0x13a: {  	v42 =	vld [tilespmem:$0xFA0];
	v15 =	vbroadcast v2, $0x0;
	v14 =	vbroadcast v2, $0x1  }
0x13b: {  	v43 =	vld [tilespmem:$0x1020];
	v13 =	vbroadcast v2, $0x2;
	v12 =	vbroadcast v2, $0x3  }
0x13c: {  	v44 =	vld [tilespmem:$0x10A0];
	v10 =	vbroadcast v2, $0x4;
	v8 =	vbroadcast v2, $0x5  }
0x13d: {  	v45 =	vld [tilespmem:$0x1120];
	v6 =	vbroadcast v2, $0x6;
	v5 =	vbroadcast v2, $0x7  }
0x13e: {  	v46 =	vld [tilespmem:$0x11A0];
	v3 =	vmul.f32 v58, v15;
	v4 =	vmul.f32 v59, v14  }
0x13f: {  	v18 =	vld [tilespmem:$0x12A0];
	v21 =	vmul.f32 v60, v13;
	v48 =	vmul.f32 v61, v12  }
0x140: {  	v47 =	vld [tilespmem:$0xD30];
	v49 =	vmul.f32 v62, v10;
	v50 =	vmul.f32 v17, v15  }
0x141: {  	v17 =	vld [tilespmem:$0x1320];
	v51 =	vmul.f32 v63, v8;
	v53 =	vmul.f32 v26, v14  }
0x142: {  	v26 =	vld [tilespmem:$0xDB0];
	v54 =	vmul.f32 v16, v6;
	v55 =	vmul.f32 v27, v13  }
0x143: {  	v16 =	vld [tilespmem:$0xE30];
	v19 =	vmul.f32 v19, v5;
	v37 =	vmul.f32 v37, v15  }
0x144: {  	v27 =	vld [tilespmem:$0xEB0];
	v56 =	vmul.f32 v28, v12;
	v3 =	vadd.f32 v3, v1;
	v52 =	vadd.f32 v50, v1  }
0x145: {  	v28 =	vld [tilespmem:$0xFB0];
	v57 =	vmul.f32 v29, v10;
	v38 =	vmul.f32 v38, v14;
	v37 =	vadd.f32 v37, v1  }
0x146: {  	v62 =	vmul.f32 v32, v5;
	v32 =	vld [tilespmem:$0xD40];
	v3 =	vadd.f32 v4, v3;
	v7 =	vadd.f32 v53, v52  }
0x147: {  	v59 =	vmul.f32 v30, v8;
	v61 =	vmul.f32 v31, v6;
	v63 =	vadd.f32 v38, v37;
	v38 =	vld [tilespmem:$0xDC0]  }
0x148: {  	v29 =	vld [tilespmem:$0x10B0];
	v0 =	vmul.f32 v39, v13;
	v3 =	vadd.f32 v21, v3;
	v7 =	vadd.f32 v55, v7  }
0x149: {  	v30 =	vld [tilespmem:$0x11B0];
	v53 =	vmul.f32 v47, v15;
	v47 =	vmul.f32 v44, v5  }
0x14a: {  	v28 =	vmul.f32 v28, v8;
	v21 =	vld [tilespmem:$0x1220];
	v3 =	vadd.f32 v48, v3;
	v7 =	vadd.f32 v56, v7  }
0x14b: {  	v31 =	vld [tilespmem:$0x12B0];
	v55 =	vadd.f32 v53, v1;
	v53 =	vmul.f32 v32, v15;
	v56 =	vmul.f32 v26, v14  }
0x14c: {  	v39 =	vld [tilespmem:$0xE40];
	v38 =	vmul.f32 v38, v14;
	v3 =	vadd.f32 v49, v3;
	v9 =	vadd.f32 v57, v7  }
0x14d: {  	v50 =	vld [tilespmem:$0x1130];
	v7 =	vbroadcast v2, $0xA;
	v57 =	vmul.f32 v41, v10  }
0x14e: {  	v52 =	vld [tilespmem:$0x1330];
	v3 =	vadd.f32 v51, v3;
	v60 =	vadd.f32 v59, v9;
	v9 =	vbroadcast v2, $0xB  }
0x14f: {  	v37 =	vld [tilespmem:$0xFC0];
	v23 =	vmul.f32 v23, v7;
	v21 =	vmul.f32 v21, v7  }
0x150: {  	v51 =	vld [tilespmem:$0x1230];
	v4 =	vadd.f32 v54, v3;
	v3 =	vbroadcast v2, $0x8;
	v24 =	vmul.f32 v24, v9  }
0x151: {  	v32 =	vld [tilespmem:$0x11D0];
	v54 =	vmul.f32 v40, v12;
	v36 =	vmul.f32 v36, v9  }
0x152: {  	v48 =	vld [tilespmem:$0xF30];
	v19 =	vadd.f32 v19, v4;
	v20 =	vmul.f32 v20, v3;
	v4 =	vbroadcast v2, $0x9  }
0x153: {  	v26 =	vld [tilespmem:$0xF40];
	v18 =	vmul.f32 v18, v9;
	v31 =	vmul.f32 v31, v9  }
0x154: {  	v49 =	vld [tilespmem:$0x1030];
	v33 =	vmul.f32 v33, v3;
	v19 =	vadd.f32 v20, v19;
	v58 =	vmul.f32 v22, v4  }
0x155: {  	v41 =	vld [tilespmem:$0x1040];
	v51 =	vmul.f32 v51, v7;
	v20 =	vadd.f32 v61, v60;
	v34 =	vmul.f32 v34, v4  }
0x156: {  	v40 =	vld [tilespmem:$0xEC0];
	v60 =	vmul.f32 v42, v8;
	v61 =	vmul.f32 v27, v12;
	v19 =	vadd.f32 v58, v19  }
0x157: {  	v27 =	vld [tilespmem:$0x1140];
	v30 =	vmul.f32 v30, v4;
	v20 =	vadd.f32 v62, v20;
	v58 =	vmul.f32 v16, v13  }
0x158: {  	v42 =	vld [tilespmem:$0x1240];
	v16 =	vbroadcast v2, $0xC;
	v62 =	vmul.f32 v35, v7;
	v19 =	vadd.f32 v23, v19  }
0x159: {  	v35 =	vld [tilespmem:$0x11C0];
	v23 =	vadd.f32 v0, v63;
	v20 =	vadd.f32 v33, v20;
	v63 =	vmul.f32 v43, v6  }
0x15a: {  	v33 =	vld [tilespmem:$0x10C0];
	v25 =	vmul.f32 v25, v16;
	v24 =	vadd.f32 v24, v19;
	v19 =	vadd.f32 v56, v55  }
0x15b: {  	v0 =	vmul.f32 v48, v10;
	v23 =	vadd.f32 v54, v23;
	v20 =	vadd.f32 v34, v20;
	v54 =	vld [tilespmem:$0xD50]  }
0x15c: {  	v11 =	vmul.f32 v11, v16;
	v17 =	vmul.f32 v17, v16;
	v56 =	vld [tilespmem:$0xDD0];
	v19 =	vadd.f32 v58, v19  }
0x15d: {  	v27 =	vmul.f32 v27, v3;
	v59 =	vadd.f32 v57, v23;
	v34 =	vadd.f32 v62, v20;
	v20 =	vld [tilespmem:$0x12C0]  }
0x15e: {  	v55 =	vmul.f32 v49, v6;
	v35 =	vmul.f32 v35, v4;
	v58 =	vld [tilespmem:$0xE50];
	v19 =	vadd.f32 v61, v19  }
0x15f: {  	v57 =	vmul.f32 v45, v3;
	v62 =	vmul.f32 v46, v4;
	v45 =	vld [tilespmem:$0xEF0];
	v2 =	vadd.f32 v60, v59  }
0x160: {  	v59 =	vmul.f32 v29, v5;
	v60 =	vld [tilespmem:$0xED0];
	v61 =	vmul.f32 v39, v13;
	v22 =	vadd.f32 v0, v19  }
0x161: {  	v48 =	vadd.f32 v36, v34;
	v36 =	vld [tilespmem:$0x1050];
	v49 =	vmul.f32 v54, v15;
	v34 =	vmul.f32 v56, v14  }
0x162: {  	v39 =	vld [tilespmem:$0x12D0];
	v54 =	vmul.f32 v41, v6;
	v23 =	vadd.f32 v63, v2;
	v22 =	vadd.f32 v28, v22  }
0x163: {  	v56 =	vld [tilespmem:$0xD60];
	v2 =	vadd.f32 v25, v24;
	v25 =	vadd.f32 v53, v1;
	v63 =	vmul.f32 v50, v3  }
0x164: {  	v41 =	vld [tilespmem:$0xEE0];
	v11 =	vadd.f32 v11, v48;
	v48 =	vmul.f32 v26, v10;
	v22 =	vadd.f32 v55, v22  }
0x165: {  	v0 =	vld [tilespmem:$0xFD0];
	v50 =	vmul.f32 v37, v8;
	v23 =	vadd.f32 v47, v23;
	v25 =	vadd.f32 v38, v25  }
0x166: {  	v19 =	vld [tilespmem:$0x1340];
	v20 =	vmul.f32 v20, v9;
	v47 =	vmul.f32 v40, v12;
	v22 =	vadd.f32 v59, v22  }
0x167: {  	v38 =	vld [tilespmem:$0xF50];
	v29 =	vmul.f32 v60, v12;
	v23 =	vadd.f32 v57, v23;
	v46 =	vadd.f32 v61, v25  }
0x168: {  	v60 =	vmul.f32 v52, v16;
	v55 =	vmul.f32 v58, v13;
	v58 =	vld [tilespmem:$0xD70];
	v22 =	vadd.f32 v63, v22  }
0x169: {  	v26 =	vld [tilespmem:$0x1150];
	v57 =	vmul.f32 v33, v5;
	v23 =	vadd.f32 v62, v23;
	v24 =	vadd.f32 v47, v46  }
0x16a: {  	v61 =	vld [tilespmem:$0xDF0];
	v37 =	vmul.f32 v56, v15;
	v43 =	vmul.f32 v0, v8;
	v22 =	vadd.f32 v30, v22  }
0x16b: {  	v19 =	vmul.f32 v19, v16;
	v59 =	vld [tilespmem:$0xDE0];
	v21 =	vadd.f32 v21, v23;
	v24 =	vadd.f32 v48, v24  }
0x16c: {  	v46 =	vld [tilespmem:$0xF60];
	v62 =	vmul.f32 v38, v10;
	v23 =	vadd.f32 v49, v1;
	v22 =	vadd.f32 v51, v22  }
0x16d: {  	v63 =	vld [tilespmem:$0xE60];
	v15 =	vmul.f32 v58, v15;
	v18 =	vadd.f32 v18, v21;
	v53 =	vadd.f32 v50, v24  }
0x16e: {  	v40 =	vld [tilespmem:$0xE70];
	v23 =	vadd.f32 v34, v23;
	v50 =	vmul.f32 v36, v6;
	v22 =	vadd.f32 v31, v22  }
0x16f: {  	v28 =	vld [tilespmem:$0x10D0];
	v36 =	vmul.f32 v26, v3;
	v21 =	vadd.f32 v54, v53;
	v18 =	vadd.f32 v17, v18  }
0x170: {  	v56 =	vld [tilespmem:$0x1060];
	v44 =	vmul.f32 v59, v14;
	v17 =	vadd.f32 v60, v22;
	v22 =	vadd.f32 v37, v1  }
0x171: {  	v49 =	vld [tilespmem:$0xF70];
	v14 =	vmul.f32 v61, v14;
	v58 =	vmul.f32 v46, v10;
	v1 =	vadd.f32 v15, v1  }
0x172: {  	v30 =	vld [tilespmem:$0x1250];
	v48 =	vmul.f32 v63, v13;
	v21 =	vadd.f32 v57, v21;
	v22 =	vadd.f32 v44, v22  }
0x173: {  	v23 =	vadd.f32 v55, v23;
	v51 =	vld [tilespmem:$0xFE0];
	v13 =	vmul.f32 v40, v13;
	v1 =	vadd.f32 v14, v1  }
0x174: {  	v54 =	vmul.f32 v41, v12;
	v55 =	vld [tilespmem:$0xFF0];
	v21 =	vadd.f32 v27, v21;
	v53 =	vadd.f32 v48, v22  }
0x175: {  	v59 =	vld [tilespmem:$0x1070];
	v12 =	vmul.f32 v45, v12;
	v23 =	vadd.f32 v29, v23;
	v1 =	vadd.f32 v13, v1  }
0x176: {  	v46 =	vld [tilespmem:$0x1260];
	v10 =	vmul.f32 v49, v10;
	v52 =	vadd.f32 v35, v21;
	v21 =	vadd.f32 v54, v53  }
0x177: {  	v61 =	vld [tilespmem:$0x10E0];
	v40 =	vmul.f32 v56, v6;
	v23 =	vadd.f32 v62, v23;
	v1 =	vadd.f32 v12, v1  }
0x178: {  	v57 =	vmul.f32 v28, v5;
	v34 =	vmul.f32 v51, v8;
	v35 =	vld [tilespmem:$0x10F0];
	v63 =	vadd.f32 v58, v21  }
0x179: {  	v37 =	vld [tilespmem:$0x1160];
	v8 =	vmul.f32 v55, v8;
	v47 =	vadd.f32 v43, v23;
	v1 =	vadd.f32 v10, v1  }
0x17a: {  	v41 =	vld [tilespmem:$0x1170];
	v60 =	vmul.f32 v42, v7;
	v6 =	vmul.f32 v59, v6;
	v13 =	vadd.f32 v34, v63  }
0x17b: {  	v42 =	vld [tilespmem:$0x11E0];
	v59 =	vmul.f32 v46, v7;
	v15 =	vadd.f32 v50, v47;
	v1 =	vadd.f32 v8, v1  }
0x17c: {  	v45 =	vld [tilespmem:$0x11F0];
	v43 =	vmul.f32 v32, v4;
	v44 =	vmul.f32 v61, v5;
	v13 =	vadd.f32 v40, v13  }
0x17d: {  	v55 =	vld [tilespmem:$0x12F0];
	v62 =	vadd.f32 v57, v15;
	v5 =	vmul.f32 v35, v5;
	v1 =	vadd.f32 v6, v1  }
0x17e: {  	v38 =	vadd.f32 v60, v52;
	v50 =	vld [tilespmem:$0x1270];
	v49 =	vmul.f32 v37, v3;
	v48 =	vadd.f32 v44, v13  }
0x17f: {  	v52 =	vld [tilespmem:$0x12E0];
	v3 =	vmul.f32 v41, v3;
	v12 =	vadd.f32 v36, v62;
	v1 =	vadd.f32 v5, v1  }
0x180: {  	v25 =	vld [tilespmem:$0x1350];
	v51 =	vmul.f32 v30, v7;
	v54 =	vmul.f32 v42, v4;
	v8 =	vadd.f32 v49, v48  }
0x181: {  	v56 =	vld [tilespmem:$0x1360];
	v57 =	vmul.f32 v45, v4;
	v47 =	vadd.f32 v43, v12;
	v1 =	vadd.f32 v3, v1  }
0x182: {  	v60 =	vld [tilespmem:$0x1370];
	v53 =	vadd.f32 v20, v38;
	v58 =	vmul.f32 v39, v9;
	v8 =	vadd.f32 v54, v8  }
0x183: {  	v61 =	vmul.f32 v50, v7;
	v6 =	vadd.f32 v51, v47;
	v1 =	vadd.f32 v57, v1  }
0x184: {  	[tilespmem:$0x2E00] =	vst v2;
	v63 =	vmul.f32 v52, v9;
	v9 =	vmul.f32 v55, v9;
	v62 =	vadd.f32 v59, v8  }
0x185: {  	[tilespmem:$0x2E10] =	vst v11;
	v4 =	vadd.f32 v58, v6;
	v13 =	vmul.f32 v25, v16;
	v1 =	vadd.f32 v61, v1  }
0x186: {  	[tilespmem:$0x2E20] =	vst v18;
	v20 =	vmul.f32 v56, v16;
	v3 =	vadd.f32 v19, v53;
	v19 =	vadd.f32 v63, v62  }
0x187: {  	[tilespmem:$0x2E30] =	vst v17;
	v21 =	vmul.f32 v60, v16;
	v6 =	vadd.f32 v13, v4;
	v1 =	vadd.f32 v9, v1  }
0x188: {  	[tilespmem:$0x2E40] =	vst v3;
	v7 =	vadd.f32 v20, v19  }
0x189: {  	[tilespmem:$0x2E50] =	vst v6;
	v4 =	vadd.f32 v21, v1  }
0x18a: {  	[tilespmem:$0x2E60] =	vst v7  }
0x18b: {  	[tilespmem:$0x2E70] =	vst v4  }
0x18c: {  	_ =	swait.ge [sflag:s17], $0x680  }
0x18d: {  	[sflag:s17] =	ssyncset.done $0x0  }
0x18e: {  	[sflag:s17] =	ssyncadd.s32 $0xFFFFF980  }
0x18f: {  	v1 =	vld [tilespmem:$0x2100]  }
0x190: {  	v5 =	vld [tilespmem:$0x2180]  }
0x191: {  	v8 =	vld [tilespmem:$0x2200]  }
0x192: {  	v9 =	vld [tilespmem:$0x2280]  }
0x193: {  	v10 =	vld [tilespmem:$0x2300]  }
0x194: {  	v12 =	vld [tilespmem:$0x2380]  }
0x195: {  	v13 =	vld [tilespmem:$0x2400]  }
0x196: {  	v14 =	vld [tilespmem:$0x2480]  }
0x197: {  	v15 =	vld [tilespmem:$0x2500]  }
0x198: {  	v16 =	vld [tilespmem:$0x2580]  }
0x199: {  	v19 =	vld [tilespmem:$0x2600]  }
0x19a: {  	v20 =	vld [tilespmem:$0x2680]  }
0x19b: {  	v21 =	vld [tilespmem:$0x2700]  }
0x19c: {  	v22 =	vld [tilespmem:$0x2110]  }
0x19d: {  	v23 =	vld [tilespmem:$0x2190]  }
0x19e: {  	v24 =	vld [tilespmem:$0x2210]  }
0x19f: {  	v25 =	vld [tilespmem:$0x2290]  }
0x1a0: {  	v26 =	vld [tilespmem:$0x2310]  }
0x1a1: {  	v27 =	vld [tilespmem:$0x2390]  }
0x1a2: {  	v28 =	vld [tilespmem:$0x2410]  }
0x1a3: {  	v29 =	vld [tilespmem:$0x2490]  }
0x1a4: {  	v30 =	vld [tilespmem:$0x2510]  }
0x1a5: {  	v31 =	vld [tilespmem:$0x2590]  }
0x1a6: {  	v32 =	vld [tilespmem:$0x2610]  }
0x1a7: {  	v33 =	vld [tilespmem:$0x2690]  }
0x1a8: {  	v34 =	vld [tilespmem:$0x2710]  }
0x1a9: {  	v35 =	vld [tilespmem:$0x2120]  }
0x1aa: {  	v36 =	vld [tilespmem:$0x21A0]  }
0x1ab: {  	v37 =	vld [tilespmem:$0x2220]  }
0x1ac: {  	v38 =	vld [tilespmem:$0x22A0]  }
0x1ad: {  	v39 =	vld [tilespmem:$0x2320]  }
0x1ae: {  	v40 =	vld [tilespmem:$0x23A0]  }
0x1af: {  	v41 =	vld [tilespmem:$0x2420]  }
0x1b0: {  	v42 =	vld [tilespmem:$0x24A0]  }
0x1b1: {  	v43 =	vld [tilespmem:$0x2520]  }
0x1b2: {  	v44 =	vld [tilespmem:$0x25A0]  }
0x1b3: {  	v45 =	vld [tilespmem:$0x2620]  }
0x1b4: {  	v46 =	vld [tilespmem:$0x26A0]  }
0x1b5: {  	v47 =	vld [tilespmem:$0x2720]  }
0x1b6: {  	v48 =	vld [tilespmem:$0x2130]  }
0x1b7: {  	v49 =	vld [tilespmem:$0x21B0]  }
0x1b8: {  	v50 =	vld [tilespmem:$0x2230]  }
0x1b9: {  	v51 =	vld [tilespmem:$0x22B0]  }
0x1ba: {  	v52 =	vld [tilespmem:$0x2330]  }
0x1bb: {  	v53 =	vld [tilespmem:$0x23B0]  }
0x1bc: {  	v54 =	vld [tilespmem:$0x2430]  }
0x1bd: {  	v55 =	vld [tilespmem:$0x24B0]  }
0x1be: {  	v56 =	vld [tilespmem:$0x2530]  }
0x1bf: {  	v57 =	vld [tilespmem:$0x25B0]  }
0x1c0: {  	v58 =	vld [tilespmem:$0x2630]  }
0x1c1: {  	v59 =	vld [tilespmem:$0x26B0]  }
0x1c2: {  	v60 =	vld [tilespmem:$0x2730]  }
0x1c3: {  	v61 =	vld [tilespmem:$0x2140]  }
0x1c4: {  	v62 =	vld [tilespmem:$0x21C0]  }
0x1c5: {  	v63 =	vld [tilespmem:$0x2240]  }
0x1c6: {  	v0 =	vld [tilespmem:$0x22C0]  }
0x1c7: {  	v1 =	vadd.f32 v1, v2;
	v22 =	vadd.f32 v22, v11;
	v11 =	vld [tilespmem:$0x2340]  }
0x1c8: {  	v35 =	vadd.f32 v35, v18;
	v18 =	vld [tilespmem:$0x23C0];
	v17 =	vadd.f32 v48, v17  }
0x1c9: {  	v48 =	vld [tilespmem:$0x21E0];
	v1 =	vadd.f32 v5, v1;
	v2 =	vadd.f32 v23, v22  }
0x1ca: {  	v22 =	vld [tilespmem:$0x2440];
	v5 =	vadd.f32 v36, v35;
	v17 =	vadd.f32 v49, v17  }
0x1cb: {  	v23 =	vld [tilespmem:$0x2540];
	v49 =	vadd.f32 v61, v3;
	v1 =	vadd.f32 v8, v1  }
0x1cc: {  	v36 =	vld [tilespmem:$0x2350];
	v2 =	vadd.f32 v24, v2;
	v5 =	vadd.f32 v37, v5  }
0x1cd: {  	v61 =	vld [tilespmem:$0x2470];
	v17 =	vadd.f32 v50, v17;
	v1 =	vadd.f32 v9, v1  }
0x1ce: {  	v8 =	vld [tilespmem:$0x24C0];
	v2 =	vadd.f32 v25, v2;
	v5 =	vadd.f32 v38, v5  }
0x1cf: {  	v17 =	vadd.f32 v51, v17;
	v51 =	vld [tilespmem:$0x2150];
	v1 =	vadd.f32 v10, v1  }
0x1d0: {  	v24 =	vld [tilespmem:$0x2640];
	v2 =	vadd.f32 v26, v2;
	v5 =	vadd.f32 v39, v5  }
0x1d1: {  	v37 =	vld [tilespmem:$0x23D0];
	v17 =	vadd.f32 v52, v17;
	v52 =	vadd.f32 v62, v49  }
0x1d2: {  	v26 =	vld [tilespmem:$0x21D0];
	v1 =	vadd.f32 v12, v1;
	v5 =	vadd.f32 v40, v5  }
0x1d3: {  	v50 =	vld [tilespmem:$0x21F0];
	v2 =	vadd.f32 v27, v2;
	v17 =	vadd.f32 v53, v17  }
0x1d4: {  	v9 =	vld [tilespmem:$0x25C0];
	v6 =	vadd.f32 v51, v6;
	v5 =	vadd.f32 v41, v5  }
0x1d5: {  	v25 =	vld [tilespmem:$0x2740];
	v1 =	vadd.f32 v13, v1;
	v2 =	vadd.f32 v28, v2  }
0x1d6: {  	v13 =	vld [tilespmem:$0x2250];
	v17 =	vadd.f32 v54, v17;
	v5 =	vadd.f32 v42, v5  }
0x1d7: {  	v38 =	vld [tilespmem:$0x2450];
	v6 =	vadd.f32 v26, v6;
	v1 =	vadd.f32 v14, v1  }
0x1d8: {  	v10 =	vld [tilespmem:$0x26C0];
	v2 =	vadd.f32 v29, v2;
	v5 =	vadd.f32 v43, v5  }
0x1d9: {  	v27 =	vld [tilespmem:$0x22D0];
	v17 =	vadd.f32 v55, v17;
	v1 =	vadd.f32 v15, v1  }
0x1da: {  	v39 =	vld [tilespmem:$0x24D0];
	v2 =	vadd.f32 v30, v2;
	v5 =	vadd.f32 v44, v5  }
0x1db: {  	v62 =	vld [tilespmem:$0x24E0];
	v17 =	vadd.f32 v56, v17;
	v6 =	vadd.f32 v13, v6  }
0x1dc: {  	v40 =	vld [tilespmem:$0x2550];
	v1 =	vadd.f32 v16, v1;
	v5 =	vadd.f32 v45, v5  }
0x1dd: {  	v2 =	vadd.f32 v31, v2;
	v17 =	vadd.f32 v57, v17;
	v45 =	vld [tilespmem:$0x2160]  }
0x1de: {  	v6 =	vadd.f32 v27, v6;
	v5 =	vadd.f32 v46, v5;
	v46 =	vld [tilespmem:$0x2170]  }
0x1df: {  	v53 =	vld [tilespmem:$0x2270];
	v1 =	vadd.f32 v19, v1;
	v17 =	vadd.f32 v58, v17  }
0x1e0: {  	v51 =	vld [tilespmem:$0x2260];
	v2 =	vadd.f32 v32, v2;
	v6 =	vadd.f32 v36, v6  }
0x1e1: {  	v41 =	vld [tilespmem:$0x25D0];
	v1 =	vadd.f32 v20, v1;
	v17 =	vadd.f32 v59, v17  }
0x1e2: {  	v54 =	vld [tilespmem:$0x22E0];
	v2 =	vadd.f32 v33, v2;
	v7 =	vadd.f32 v45, v7  }
0x1e3: {  	v28 =	vld [tilespmem:$0x2660];
	v3 =	vadd.f32 v60, v17;
	v4 =	vadd.f32 v46, v4  }
0x1e4: {  	v55 =	vld [tilespmem:$0x22F0];
	v17 =	vadd.f32 v63, v52;
	v7 =	vadd.f32 v48, v7  }
0x1e5: {  	v56 =	vld [tilespmem:$0x2360];
	v6 =	vadd.f32 v37, v6;
	v4 =	vadd.f32 v50, v4  }
0x1e6: {  	v57 =	vld [tilespmem:$0x2370];
	v0 =	vadd.f32 v0, v17;
	v7 =	vadd.f32 v51, v7  }
0x1e7: {  	v58 =	vld [tilespmem:$0x23E0];
	v1 =	vadd.f32 v21, v1;
	v4 =	vadd.f32 v53, v4  }
0x1e8: {  	v59 =	vld [tilespmem:$0x23F0];
	v0 =	vadd.f32 v11, v0;
	v7 =	vadd.f32 v54, v7  }
0x1e9: {  	v2 =	vadd.f32 v34, v2;
	v60 =	vld [tilespmem:$0x2460];
	v4 =	vadd.f32 v55, v4  }
0x1ea: {  	v26 =	vld [tilespmem:$0x25E0];
	v0 =	vadd.f32 v18, v0;
	v7 =	vadd.f32 v56, v7  }
0x1eb: {  	v42 =	vld [tilespmem:$0x2650];
	v5 =	vadd.f32 v47, v5;
	v4 =	vadd.f32 v57, v4  }
0x1ec: {  	v63 =	vld [tilespmem:$0x24F0];
	v0 =	vadd.f32 v22, v0;
	v7 =	vadd.f32 v58, v7  }
0x1ed: {  	v21 =	vld [tilespmem:$0x2560];
	v6 =	vadd.f32 v38, v6;
	v4 =	vadd.f32 v59, v4  }
0x1ee: {  	v22 =	vld [tilespmem:$0x2570];
	v0 =	vadd.f32 v8, v0;
	v7 =	vadd.f32 v60, v7  }
0x1ef: {  	v29 =	vld [tilespmem:$0x2670];
	v6 =	vadd.f32 v39, v6;
	v4 =	vadd.f32 v61, v4  }
0x1f0: {  	v27 =	vld [tilespmem:$0x25F0];
	v0 =	vadd.f32 v23, v0;
	v7 =	vadd.f32 v62, v7  }
0x1f1: {  	v43 =	vld [tilespmem:$0x26D0];
	v6 =	vadd.f32 v40, v6;
	v4 =	vadd.f32 v63, v4  }
0x1f2: {  	v44 =	vld [tilespmem:$0x2750];
	v0 =	vadd.f32 v9, v0;
	v7 =	vadd.f32 v21, v7  }
0x1f3: {  	v32 =	vld [tilespmem:$0x26E0];
	v6 =	vadd.f32 v41, v6;
	v4 =	vadd.f32 v22, v4  }
0x1f4: {  	v33 =	vld [tilespmem:$0x26F0];
	v0 =	vadd.f32 v24, v0;
	v7 =	vadd.f32 v26, v7  }
0x1f5: {  	v34 =	vld [tilespmem:$0x2760];
	v6 =	vadd.f32 v42, v6;
	v4 =	vadd.f32 v27, v4  }
0x1f6: {  	v35 =	vld [tilespmem:$0x2770];
	[tilespmem:$0x2E00] =	vst v1;
	v0 =	vadd.f32 v10, v0;
	v7 =	vadd.f32 v28, v7  }
0x1f7: {  	[tilespmem:$0x2E10] =	vst v2;
	v36 =	vadd.f32 v43, v6;
	v4 =	vadd.f32 v29, v4  }
0x1f8: {  	[tilespmem:$0x2E20] =	vst v5;
	v6 =	vadd.f32 v25, v0;
	v37 =	vadd.f32 v32, v7  }
0x1f9: {  	[tilespmem:$0x2E30] =	vst v3;
	v7 =	vadd.f32 v44, v36;
	v4 =	vadd.f32 v33, v4  }
0x1fa: {  	[tilespmem:$0x2E40] =	vst v6;
	v8 =	vadd.f32 v34, v37  }
0x1fb: {  	[tilespmem:$0x2E50] =	vst v7;
	v4 =	vadd.f32 v35, v4  }
0x1fc: {  	[tilespmem:$0x2E60] =	vst v8  }
0x1fd: {  	[tilespmem:$0x2E70] =	vst v4  }
0x1fe: {  	_ =	swait.ge [sflag:s21], $0x680  }
0x1ff: {  	[sflag:s21] =	ssyncset.done $0x0  }
0x200: {  	[sflag:s21] =	ssyncadd.s32 $0xFFFFF980  }
0x201: {  	v0 =	vld [tilespmem:$0x2780]  }
0x202: {  	v9 =	vld [tilespmem:$0x2800]  }
0x203: {  	v10 =	vld [tilespmem:$0x2880]  }
0x204: {  	v11 =	vld [tilespmem:$0x2900]  }
0x205: {  	v12 =	vld [tilespmem:$0x2980]  }
0x206: {  	v13 =	vld [tilespmem:$0x2A00]  }
0x207: {  	v14 =	vld [tilespmem:$0x2A80]  }
0x208: {  	v15 =	vld [tilespmem:$0x2B00]  }
0x209: {  	v16 =	vld [tilespmem:$0x2B80]  }
0x20a: {  	v17 =	vld [tilespmem:$0x2C00]  }
0x20b: {  	v18 =	vld [tilespmem:$0x2C80]  }
0x20c: {  	v19 =	vld [tilespmem:$0x2D00]  }
0x20d: {  	v20 =	vld [tilespmem:$0x2D80]  }
0x20e: {  	v21 =	vld [tilespmem:$0x2790]  }
0x20f: {  	v22 =	vld [tilespmem:$0x2810]  }
0x210: {  	v23 =	vld [tilespmem:$0x2890]  }
0x211: {  	v24 =	vld [tilespmem:$0x2910]  }
0x212: {  	v25 =	vld [tilespmem:$0x2990]  }
0x213: {  	v26 =	vld [tilespmem:$0x2A10]  }
0x214: {  	v27 =	vld [tilespmem:$0x2A90]  }
0x215: {  	v28 =	vld [tilespmem:$0x2B10]  }
0x216: {  	v29 =	vld [tilespmem:$0x2B90]  }
0x217: {  	v30 =	vld [tilespmem:$0x2C10]  }
0x218: {  	v31 =	vld [tilespmem:$0x2C90]  }
0x219: {  	v32 =	vld [tilespmem:$0x2D10]  }
0x21a: {  	v33 =	vld [tilespmem:$0x2D90]  }
0x21b: {  	v34 =	vld [tilespmem:$0x27A0]  }
0x21c: {  	v35 =	vld [tilespmem:$0x2820]  }
0x21d: {  	v36 =	vld [tilespmem:$0x28A0]  }
0x21e: {  	v37 =	vld [tilespmem:$0x2920]  }
0x21f: {  	v38 =	vld [tilespmem:$0x29A0]  }
0x220: {  	v39 =	vld [tilespmem:$0x2A20]  }
0x221: {  	v40 =	vld [tilespmem:$0x2AA0]  }
0x222: {  	v41 =	vld [tilespmem:$0x2B20]  }
0x223: {  	v42 =	vld [tilespmem:$0x2BA0]  }
0x224: {  	v43 =	vld [tilespmem:$0x2C20]  }
0x225: {  	v44 =	vld [tilespmem:$0x2CA0]  }
0x226: {  	v45 =	vld [tilespmem:$0x2D20]  }
0x227: {  	v46 =	vld [tilespmem:$0x2DA0]  }
0x228: {  	v47 =	vld [tilespmem:$0x27B0]  }
0x229: {  	v48 =	vld [tilespmem:$0x2830]  }
0x22a: {  	v49 =	vld [tilespmem:$0x28B0]  }
0x22b: {  	v50 =	vld [tilespmem:$0x2930]  }
0x22c: {  	v51 =	vld [tilespmem:$0x29B0]  }
0x22d: {  	v52 =	vld [tilespmem:$0x2A30]  }
0x22e: {  	v53 =	vld [tilespmem:$0x2AB0]  }
0x22f: {  	v54 =	vld [tilespmem:$0x2B30]  }
0x230: {  	v55 =	vld [tilespmem:$0x2BB0]  }
0x231: {  	v56 =	vld [tilespmem:$0x2C30]  }
0x232: {  	v57 =	vld [tilespmem:$0x2CB0]  }
0x233: {  	v58 =	vld [tilespmem:$0x2D30]  }
0x234: {  	v59 =	vld [tilespmem:$0x2DB0]  }
0x235: {  	v60 =	vld [tilespmem:$0x27C0]  }
0x236: {  	v61 =	vld [tilespmem:$0x2840]  }
0x237: {  	v62 =	vld [tilespmem:$0x28C0]  }
0x238: {  	v63 =	vld [tilespmem:$0x28E0]  }
0x239: {  	v0 =	vadd.f32 v0, v1;
	v1 =	vld [tilespmem:$0x2940];
	v2 =	vadd.f32 v21, v2  }
0x23a: {  	v21 =	vld [tilespmem:$0x29C0];
	v5 =	vadd.f32 v34, v5;
	v3 =	vadd.f32 v47, v3  }
0x23b: {  	v47 =	vld [tilespmem:$0x2850];
	v6 =	vadd.f32 v60, v6;
	v0 =	vadd.f32 v9, v0  }
0x23c: {  	v60 =	vld [tilespmem:$0x2870];
	v2 =	vadd.f32 v22, v2;
	v5 =	vadd.f32 v35, v5  }
0x23d: {  	v9 =	vld [tilespmem:$0x2A40];
	v3 =	vadd.f32 v48, v3;
	v6 =	vadd.f32 v61, v6  }
0x23e: {  	v22 =	vld [tilespmem:$0x2AC0];
	v0 =	vadd.f32 v10, v0;
	v2 =	vadd.f32 v23, v2  }
0x23f: {  	v48 =	vld [tilespmem:$0x28D0];
	v5 =	vadd.f32 v36, v5;
	v3 =	vadd.f32 v49, v3  }
0x240: {  	v10 =	vld [tilespmem:$0x2B40];
	v6 =	vadd.f32 v62, v6;
	v0 =	vadd.f32 v11, v0  }
0x241: {  	v23 =	vld [tilespmem:$0x2BC0];
	v2 =	vadd.f32 v24, v2;
	v3 =	vadd.f32 v50, v3  }
0x242: {  	v49 =	vld [tilespmem:$0x2950];
	v5 =	vadd.f32 v37, v5;
	v1 =	vadd.f32 v1, v6  }
0x243: {  	v36 =	vld [tilespmem:$0x28F0];
	v0 =	vadd.f32 v12, v0;
	v3 =	vadd.f32 v51, v3  }
0x244: {  	v11 =	vld [tilespmem:$0x2C40];
	v2 =	vadd.f32 v25, v2;
	v5 =	vadd.f32 v38, v5  }
0x245: {  	v24 =	vld [tilespmem:$0x2CC0];
	v1 =	vadd.f32 v21, v1;
	v3 =	vadd.f32 v52, v3  }
0x246: {  	v38 =	vld [tilespmem:$0x27D0];
	v0 =	vadd.f32 v13, v0;
	v2 =	vadd.f32 v26, v2  }
0x247: {  	v50 =	vld [tilespmem:$0x29D0];
	v5 =	vadd.f32 v39, v5;
	v3 =	vadd.f32 v53, v3  }
0x248: {  	v37 =	vld [tilespmem:$0x2960];
	v1 =	vadd.f32 v9, v1;
	v0 =	vadd.f32 v14, v0  }
0x249: {  	v12 =	vld [tilespmem:$0x2D40];
	v2 =	vadd.f32 v27, v2;
	v3 =	vadd.f32 v54, v3  }
0x24a: {  	v25 =	vld [tilespmem:$0x2DC0];
	v5 =	vadd.f32 v40, v5;
	v1 =	vadd.f32 v22, v1  }
0x24b: {  	v51 =	vld [tilespmem:$0x2A50];
	v7 =	vadd.f32 v38, v7;
	v3 =	vadd.f32 v55, v3  }
0x24c: {  	v52 =	vld [tilespmem:$0x2AD0];
	v0 =	vadd.f32 v15, v0;
	v2 =	vadd.f32 v28, v2  }
0x24d: {  	v39 =	vld [tilespmem:$0x29E0];
	v5 =	vadd.f32 v41, v5;
	v3 =	vadd.f32 v56, v3  }
0x24e: {  	v53 =	vld [tilespmem:$0x2B50];
	v1 =	vadd.f32 v10, v1;
	v7 =	vadd.f32 v47, v7  }
0x24f: {  	v0 =	vadd.f32 v16, v0;
	v56 =	vld [tilespmem:$0x27E0];
	v3 =	vadd.f32 v57, v3  }
0x250: {  	v2 =	vadd.f32 v29, v2;
	v5 =	vadd.f32 v42, v5;
	v57 =	vld [tilespmem:$0x27F0]  }
0x251: {  	v1 =	vadd.f32 v23, v1;
	v3 =	vadd.f32 v58, v3;
	v58 =	vld [tilespmem:$0x2860]  }
0x252: {  	v38 =	vld [tilespmem:$0x2970];
	v7 =	vadd.f32 v48, v7;
	v0 =	vadd.f32 v17, v0  }
0x253: {  	v54 =	vld [tilespmem:$0x2BD0];
	v2 =	vadd.f32 v30, v2;
	v5 =	vadd.f32 v43, v5  }
0x254: {  	v41 =	vld [tilespmem:$0x29F0];
	v1 =	vadd.f32 v11, v1;
	v8 =	vadd.f32 v56, v8  }
0x255: {  	v47 =	vld [tilespmem:$0x2B70];
	v7 =	vadd.f32 v49, v7;
	v4 =	vadd.f32 v57, v4  }
0x256: {  	v55 =	vld [tilespmem:$0x2C50];
	v0 =	vadd.f32 v18, v0;
	v8 =	vadd.f32 v58, v8  }
0x257: {  	v42 =	vld [tilespmem:$0x2A60];
	v2 =	vadd.f32 v31, v2;
	v4 =	vadd.f32 v60, v4  }
0x258: {  	v48 =	vld [tilespmem:$0x2BE0];
	v5 =	vadd.f32 v44, v5;
	v40 =	vadd.f32 v63, v8  }
0x259: {  	v43 =	vld [tilespmem:$0x2A70];
	v1 =	vadd.f32 v24, v1;
	v4 =	vadd.f32 v36, v4  }
0x25a: {  	v49 =	vld [tilespmem:$0x2BF0];
	v7 =	vadd.f32 v50, v7;
	v6 =	vadd.f32 v37, v40  }
0x25b: {  	v44 =	vld [tilespmem:$0x2AE0];
	v5 =	vadd.f32 v45, v5;
	v4 =	vadd.f32 v38, v4  }
0x25c: {  	v45 =	vld [tilespmem:$0x2AF0];
	v7 =	vadd.f32 v51, v7;
	v6 =	vadd.f32 v39, v6  }
0x25d: {  	v5 =	vadd.f32 v46, v5;
	v46 =	vld [tilespmem:$0x2B60];
	v4 =	vadd.f32 v41, v4  }
0x25e: {  	v18 =	vld [tilespmem:$0x2CD0];
	v0 =	vadd.f32 v19, v0;
	v6 =	vadd.f32 v42, v6  }
0x25f: {  	v31 =	vld [tilespmem:$0x2D50];
	v7 =	vadd.f32 v52, v7;
	v4 =	vadd.f32 v43, v4  }
0x260: {  	v50 =	vld [tilespmem:$0x2C60];
	v2 =	vadd.f32 v32, v2;
	v6 =	vadd.f32 v44, v6  }
0x261: {  	v19 =	vld [tilespmem:$0x2DD0];
	v7 =	vadd.f32 v53, v7;
	v4 =	vadd.f32 v45, v4  }
0x262: {  	v51 =	vld [tilespmem:$0x2C70];
	v0 =	vadd.f32 v20, v0;
	v6 =	vadd.f32 v46, v6  }
0x263: {  	v52 =	vld [tilespmem:$0x2CE0];
	v7 =	vadd.f32 v54, v7;
	v4 =	vadd.f32 v47, v4  }
0x264: {  	v2 =	vadd.f32 v33, v2;
	v53 =	vld [tilespmem:$0x2CF0];
	v6 =	vadd.f32 v48, v6  }
0x265: {  	v54 =	vld [tilespmem:$0x2D60];
	v7 =	vadd.f32 v55, v7;
	v4 =	vadd.f32 v49, v4  }
0x266: {  	v3 =	vadd.f32 v59, v3;
	v55 =	vld [tilespmem:$0x2D70];
	v6 =	vadd.f32 v50, v6  }
0x267: {  	v56 =	vld [tilespmem:$0x2DE0];
	v7 =	vadd.f32 v18, v7;
	v4 =	vadd.f32 v51, v4  }
0x268: {  	v59 =	vld [tilespmem:$0x2DF0];
	v57 =	vadd.f32 v12, v1;
	[tilespmem:$0x2E00] =	vst v0;
	v58 =	vadd.f32 v52, v6  }
0x269: {  	[tilespmem:$0x2E10] =	vst v2;
	v60 =	vadd.f32 v31, v7;
	v4 =	vadd.f32 v53, v4  }
0x26a: {  	[tilespmem:$0x2E20] =	vst v5;
	v0 =	vadd.f32 v25, v57;
	v1 =	vadd.f32 v54, v58  }
0x26b: {  	[tilespmem:$0x2E30] =	vst v3;
	v2 =	vadd.f32 v19, v60;
	v61 =	vadd.f32 v55, v4  }
0x26c: {  	[tilespmem:$0x2E40] =	vst v0;
	v62 =	vadd.f32 v56, v1  }
0x26d: {  	[tilespmem:$0x2E50] =	vst v2;
	v63 =	vadd.f32 v59, v61  }
0x26e: {  	p0 =	sne.s32 s10, $0x1;
	[tilespmem:$0x2E60] =	vst v62  }
.Ltmp0:
0x26f: {  	[tilespmem:$0x2E70] =	vst v63;
	(pc) =	sbr.rel @p0 .LBB2_1-.Ltmp0, $4  }
0x270: {  	[hbm4b:s9+s5] =	stream.linear.scatter [tilespmem:s24], [sflag:$0x3], $0x80, $0x38;
	[tilespmem:$0x2F80] =	vst v63  }
0x271: {  	_ =	swait.ge [sflag:s25], $0x80  }
0x272: {  	[sflag:s25] =	ssyncset.done $0x0  }
0x273: {  	s10 =	sadd.s32 $0xFFFFFFFF, s10;
	[sflag:s25] =	ssyncadd.s32 $0xFFFFFF80  }
0x274: {  	_ =	sfence.sel $0x180000  }
0x275: {  	[bflag:$0x0] =	sbarrier.arrive $0xFFFF  }
0x276: {  	p0 =	sne.s32 s0, $0x0;
	_ =	strace $0x90000047  }
0x277: {  	s0 =	sadd.s32 @!p0 $0x100000, s3;
	[bflag:$0x2] =	sbarrier.arrive $0xFFFF  }
0x278: {  	[sflag:s0] =	ssyncadd.tile.s32 @!p0 $0x1;
	_ =	shalt  }
.Lfunc_end2:
_tile_overlayer_lowered:
.L_overlay_start_2:
0x279: {  	(tag) =	ssettag $0x2  }
0x27a: {  	s0 =	rddreg [dreg:$0x0];
	s2 =	stileid.u32  }
0x27b: {  	s1 =	rddreg [dreg:$0x1];
	p0 =	sne.s32 s2, $0x0  }
0x27c: {  	s3 =	rddreg [dreg:$0x2];
	[bflag:$0x3] =	sbarrier.arrive $0xFFFF;
	s2 =	simm.s32 @!p0 $0x1C03  }
0x27d: {  	[timem:s3], [sflag:s2] =	dma.local @!p0 [hbm:s0], s1  }
0x27e: {  	s0 =	simm.s32 @!p0 $0x3  }
0x27f: {  	_ =	swait.ge @!p0 [sflag:s0], s1  }
0x280: {  	s1 =	ssub.s32 @!p0 $0x0, s1;
	[sflag:s0] =	ssyncset.done @!p0 $0x0  }
0x281: {  	[sflag:s0] =	ssyncadd.s32 @!p0 s1  }
0x282: {  	[bflag:$0x3] =	sbarrier.arrive $0xFFFF  }
0x283: {  	_ =	shalt  }

</sc_bundles>
